<compile_context>
chip_gen: v7x
topology: tpu7x:2x2x1
jax: 0.10.2.dev20260603
libtpu: 0.0.44.dev20260713+nightly
codegen_flags: <defaults>
</compile_context>

<pallas_src>
import jax
import jax.numpy as jnp
from jax import lax
from jax.experimental import pallas as pl
from jax.experimental.pallas import tpu as pltpu
from jax.experimental.pallas import tpu_sc as plsc

NUM_FIELDS = 26
VOCAB = 100000
DIM = 16
BATCH = 4096

NC = 2
NS = 16
L = 16
NW = NC * NS

R = NUM_FIELDS * DIM
TR = R // 8
R_W = R // NW
MAIN = 99968
TAIL = VOCAB - MAIN
GROUPS = BATCH // L


def _row_body(idx_hbm, tab_hbm, tail_hbm, out_hbm,
              idx_v, row_v, out_v, semr, semo):
    wid = lax.axis_index("s") * NC + lax.axis_index("c")
    lo_row = wid * R_W
    f0 = lo_row // DIM
    f1 = jnp.minimum(f0 + 1, NUM_FIELDS - 1)
    pltpu.sync_copy(idx_hbm.at[f0, :], idx_v.at[pl.ds(0, BATCH)])
    pltpu.sync_copy(idx_hbm.at[f1, :], idx_v.at[pl.ds(BATCH, BATCH)])

    def extract(ibase, obase):
        def do_group(g, carry2):
            iv = idx_v[pl.ds(ibase + g * L, L)]
            out_v[pl.ds(obase + g * L, L)] = plsc.load_gather(row_v, [iv])
            return carry2

        lax.fori_loop(0, GROUPS, do_group, 0, unroll=8)

    seq0 = 0
    for d in range(8):
        t_lo = (lo_row + 7 - d) // 8
        t_hi = (lo_row + R_W + 7 - d) // 8

        def do_row(t, seq, d=d):
            r = t * 8 + d
            cpr = pltpu.make_async_copy(
                tab_hbm.at[t, d, pl.ds(0, MAIN)], row_v.at[pl.ds(0, MAIN)],
                semr)
            cpr.start()
            pltpu.sync_copy(tail_hbm.at[pl.ds(r * TAIL, TAIL)],
                            row_v.at[pl.ds(MAIN, TAIL)])
            half = lax.rem(seq, 2) * BATCH
            ibase = (r // DIM - f0) * BATCH
            cpr.wait()
            @pl.when(seq > 0)
            def _():
                pltpu.make_async_copy(
                    out_v.at[pl.ds(0, BATCH)],
                    out_hbm.at[t, d, :], semo).wait()

            extract(ibase, half)
            pltpu.make_async_copy(
                out_v.at[pl.ds(half, BATCH)], out_hbm.at[t, d, :], semo
            ).start()
            return seq + 1

        seq0 = lax.fori_loop(t_lo, t_hi, do_row, seq0)
    pltpu.make_async_copy(
        out_v.at[pl.ds(0, BATCH)], out_hbm.at[0, 0, :], semo).wait()


@jax.jit
def _embed_t(idx_t, tab3, tail1):
    mesh = plsc.VectorSubcoreMesh(
        core_axis_name="c", subcore_axis_name="s", num_cores=NC, num_subcores=NS
    )
    return pl.kernel(
        _row_body,
        out_type=jax.ShapeDtypeStruct((TR, 8, BATCH), jnp.float32),
        mesh=mesh,
        scratch_types=[
            pltpu.VMEM((2 * BATCH,), jnp.int32),
            pltpu.VMEM((VOCAB,), jnp.float32),
            pltpu.VMEM((2 * BATCH,), jnp.float32),
            pltpu.SemaphoreType.DMA,
            pltpu.SemaphoreType.DMA,
        ],
        compiler_params=pltpu.CompilerParams(
            use_tc_tiling_on_sc=True, needs_layout_passes=False
        ),
    )(idx_t, tab3, tail1)


def kernel(indices, tables):
    idx_t = indices.T
    tab3 = jnp.transpose(tables, (0, 2, 1)).reshape(TR, 8, VOCAB)
    tail1 = jnp.transpose(tables[:, MAIN:, :], (0, 2, 1)).reshape(R * TAIL)
    out_t = _embed_t(idx_t, tab3, tail1)
    return out_t.reshape(R, BATCH).T

# --- scband reference (transcript-rebuilt; emitter-appended) ---
"""Pipeline reference for scband-base-model-19980187861640 (READ-ONLY COPY).

The authoritative reference and input builder live on the scoring server;
editing this copy changes nothing except your own understanding.
"""

import jax, jax.numpy as jnp
import numpy as np

NUM_FIELDS = 26
VOCAB = 100000
DIM = 16
BATCH = 4096
INIT_STD = 0.0001


def setup_inputs(seed: int = 0) -> dict:
    key = jax.random.key(seed)
    k_idx, k_tab = jax.random.split(key)
    indices = jax.random.randint(k_idx, (BATCH, NUM_FIELDS), 0, VOCAB, dtype=jnp.int32)
    # one embedding table per sparse field, stacked: [NUM_FIELDS, VOCAB, DIM]
    tables = jax.random.normal(k_tab, (NUM_FIELDS, VOCAB, DIM), dtype=jnp.float32) * INIT_STD
    return {"indices": indices, "tables": tables}


def reference(indices, tables):
    # Per-field embedding lookup (the core op of BaseModel's embedding_dict):
    # for each field f: emb_f = tables[f][indices[:, f]] -> [BATCH, DIM]
    # gather via vmap over the field axis, then concatenate field embeddings.
    gathered = jax.vmap(lambda t, idx: jnp.take(t, idx, axis=0), in_axes=(0, 1), out_axes=1)(tables, indices)
    # gathered: [BATCH, NUM_FIELDS, DIM] -> concat along feature axis
    out = gathered.reshape(gathered.shape[0], -1)
    return out

if __name__ == "__main__":
    import jax
    _d = setup_inputs()
    print(jax.jit(kernel)(*tuple(_d.values())))

</pallas_src>

<mosaic_0001>
#map = affine_map<(d0, d1) -> (0, 0)>
#map1 = affine_map<(d0, d1) -> (0, 0, 0)>
#map2 = affine_map<(d0, d1) -> (0)>
module attributes {stable_mosaic.version = 14 : i64} {
  func.func @_row_body(%arg0: i32, %arg1: i32, %arg2: memref<26x4096xi32, #tpu.memory_space<hbm>>, %arg3: memref<52x8x100000xf32, #tpu.memory_space<hbm>>, %arg4: memref<13312xf32, #tpu.memory_space<hbm>>, %arg5: memref<52x8x4096xf32, #tpu.memory_space<hbm>>, %arg6: memref<8192xi32, #tpu.memory_space<vmem>>, %arg7: memref<100000xf32, #tpu.memory_space<vmem>>, %arg8: memref<8192xf32, #tpu.memory_space<vmem>>, %arg9: memref<!tpu.dma_semaphore, #tpu.memory_space<semaphore_mem>>, %arg10: memref<!tpu.dma_semaphore, #tpu.memory_space<semaphore_mem>>) attributes {dimension_semantics = [#tpu.dimension_semantics<core_parallel>, #tpu.dimension_semantics<subcore_parallel>], iteration_bounds = array<i64: 2, 16>, scalar_prefetch = 0 : i64, scratch_operands = 5 : i64, tpu.core_type = #tpu.core_type<sc_vector_subcore>, window_params = [{transform_indices = #map}, {transform_indices = #map1}, {transform_indices = #map2}, {transform_indices = #map1}]} {
    %mul3A = arith.constant 2 : i32
    %mul3A_0 = arith.muli %arg1, %mul3A : i32
    %add3A = arith.addi %mul3A_0, %arg0 : i32
    %mul3A_1 = arith.constant 13 : i32
    %mul3A_2 = arith.muli %add3A, %mul3A_1 : i32
    %jit3A = arith.constant 16 : i32
    %div3A = arith.divsi %mul3A_2, %jit3A : i32
    %sign3A = arith.constant 0 : i32
    %sign3A_3 = arith.cmpi sgt, %mul3A_2, %sign3A : i32
    %sign3A_4 = arith.extui %sign3A_3 : i1 to i32
    %sign3A_5 = arith.constant 0 : i32
    %sign3A_6 = arith.cmpi slt, %mul3A_2, %sign3A_5 : i32
    %sign3A_7 = arith.extui %sign3A_6 : i1 to i32
    %sign3A_8 = arith.subi %sign3A_4, %sign3A_7 : i32
    %sign3A_9 = arith.constant 0 : i32
    %sign3A_10 = arith.cmpi sgt, %jit3A, %sign3A_9 : i32
    %sign3A_11 = arith.extui %sign3A_10 : i1 to i32
    %sign3A_12 = arith.constant 0 : i32
    %sign3A_13 = arith.cmpi slt, %jit3A, %sign3A_12 : i32
    %sign3A_14 = arith.extui %sign3A_13 : i1 to i32
    %sign3A_15 = arith.subi %sign3A_11, %sign3A_14 : i32
    %ne3A = arith.cmpi ne, %sign3A_8, %sign3A_15 : i32
    %rem3A = arith.remsi %mul3A_2, %jit3A : i32
    %ne3A_16 = arith.constant 0 : i32
    %ne3A_17 = arith.cmpi ne, %rem3A, %ne3A_16 : i32
    %and3A = arith.andi %ne3A, %ne3A_17 : i1
    %sub3A = arith.constant 1 : i32
    %sub3A_18 = arith.subi %div3A, %sub3A : i32
    %select_n3A = arith.select %and3A, %sub3A_18, %div3A : i32
    %add3A_19 = arith.constant 1 : i32
    %add3A_20 = arith.addi %select_n3A, %add3A_19 : i32
    %min3A = arith.constant 25 : i32
    %min3A_21 = arith.minsi %add3A_20, %min3A : i32
    "tpu.region"() ({
      %run_scoped3A = tpu.sem_alloc : memref<!tpu.dma_semaphore, #tpu.memory_space<semaphore_mem>>
      %dma_start3A = arith.constant 0 : i32
      %dma_start3A_577 = tpu.memref_slice %arg6[%dma_start3A] : memref<8192xi32, #tpu.memory_space<vmem>> -> memref<4096xi32, #tpu.memory_space<vmem>>
      %dma_start3A_578 = arith.constant 0 : i32
      %dma_start3A_579 = tpu.memref_slice %arg2[%select_n3A, %dma_start3A_578] : memref<26x4096xi32, #tpu.memory_space<hbm>> -> memref<1x4096xi32, #tpu.memory_space<hbm>>
      %dma_start3A_580 = tpu.memref_squeeze %dma_start3A_579 : memref<1x4096xi32, #tpu.memory_space<hbm>> -> memref<4096xi32, #tpu.memory_space<hbm>>
      %dma_start3A_581 = arith.constant 0 : i32
      %dma_start3A_582 = tpu.memref_slice %arg6[%dma_start3A_581] : memref<8192xi32, #tpu.memory_space<vmem>> -> memref<4096xi32, #tpu.memory_space<vmem>>
      %dma_start3A_583 = arith.constant 0 : i32
      %dma_start3A_584 = tpu.memref_slice %arg2[%select_n3A, %dma_start3A_583] : memref<26x4096xi32, #tpu.memory_space<hbm>> -> memref<1x4096xi32, #tpu.memory_space<hbm>>
      %dma_start3A_585 = tpu.memref_squeeze %dma_start3A_584 : memref<1x4096xi32, #tpu.memory_space<hbm>> -> memref<4096xi32, #tpu.memory_space<hbm>>
      tpu.enqueue_dma source(%dma_start3A_585 : memref<4096xi32, #tpu.memory_space<hbm>>) target(%dma_start3A_582 : memref<4096xi32, #tpu.memory_space<vmem>>) target_semaphore(%run_scoped3A : memref<!tpu.dma_semaphore, #tpu.memory_space<semaphore_mem>>)
      %dma_wait3A_586 = arith.constant 0 : i32
      %dma_wait3A_587 = tpu.memref_slice %arg6[%dma_wait3A_586] : memref<8192xi32, #tpu.memory_space<vmem>> -> memref<4096xi32, #tpu.memory_space<vmem>>
      %dma_wait3A_588 = arith.constant 0 : i32
      %dma_wait3A_589 = tpu.memref_slice %arg2[%select_n3A, %dma_wait3A_588] : memref<26x4096xi32, #tpu.memory_space<hbm>> -> memref<1x4096xi32, #tpu.memory_space<hbm>>
      %dma_wait3A_590 = tpu.memref_squeeze %dma_wait3A_589 : memref<1x4096xi32, #tpu.memory_space<hbm>> -> memref<4096xi32, #tpu.memory_space<hbm>>
      %dma_wait3A_591 = arith.constant 0 : i32
      %dma_wait3A_592 = tpu.memref_slice %arg6[%dma_wait3A_591] : memref<8192xi32, #tpu.memory_space<vmem>> -> memref<4096xi32, #tpu.memory_space<vmem>>
      %dma_wait3A_593 = arith.constant 0 : i32
      %dma_wait3A_594 = tpu.memref_slice %arg2[%select_n3A, %dma_wait3A_593] : memref<26x4096xi32, #tpu.memory_space<hbm>> -> memref<1x4096xi32, #tpu.memory_space<hbm>>
      %dma_wait3A_595 = tpu.memref_squeeze %dma_wait3A_594 : memref<1x4096xi32, #tpu.memory_space<hbm>> -> memref<4096xi32, #tpu.memory_space<hbm>>
      tpu.wait_dma2 semaphore(%run_scoped3A : memref<!tpu.dma_semaphore, #tpu.memory_space<semaphore_mem>>) src(%dma_wait3A_595 : memref<4096xi32, #tpu.memory_space<hbm>>) dst(%dma_wait3A_592 : memref<4096xi32, #tpu.memory_space<vmem>>)
      tpu.yield
    }) : () -> ()
    "tpu.region"() ({
      %run_scoped3A = tpu.sem_alloc : memref<!tpu.dma_semaphore, #tpu.memory_space<semaphore_mem>>
      %dma_start3A = arith.constant 4096 : i32
      %dma_start3A_577 = tpu.memref_slice %arg6[%dma_start3A] : memref<8192xi32, #tpu.memory_space<vmem>> -> memref<4096xi32, #tpu.memory_space<vmem>>
      %dma_start3A_578 = arith.constant 0 : i32
      %dma_start3A_579 = tpu.memref_slice %arg2[%min3A_21, %dma_start3A_578] : memref<26x4096xi32, #tpu.memory_space<hbm>> -> memref<1x4096xi32, #tpu.memory_space<hbm>>
      %dma_start3A_580 = tpu.memref_squeeze %dma_start3A_579 : memref<1x4096xi32, #tpu.memory_space<hbm>> -> memref<4096xi32, #tpu.memory_space<hbm>>
      %dma_start3A_581 = arith.constant 4096 : i32
      %dma_start3A_582 = tpu.memref_slice %arg6[%dma_start3A_581] : memref<8192xi32, #tpu.memory_space<vmem>> -> memref<4096xi32, #tpu.memory_space<vmem>>
      %dma_start3A_583 = arith.constant 0 : i32
      %dma_start3A_584 = tpu.memref_slice %arg2[%min3A_21, %dma_start3A_583] : memref<26x4096xi32, #tpu.memory_space<hbm>> -> memref<1x4096xi32, #tpu.memory_space<hbm>>
      %dma_start3A_585 = tpu.memref_squeeze %dma_start3A_584 : memref<1x4096xi32, #tpu.memory_space<hbm>> -> memref<4096xi32, #tpu.memory_space<hbm>>
      tpu.enqueue_dma source(%dma_start3A_585 : memref<4096xi32, #tpu.memory_space<hbm>>) target(%dma_start3A_582 : memref<4096xi32, #tpu.memory_space<vmem>>) target_semaphore(%run_scoped3A : memref<!tpu.dma_semaphore, #tpu.memory_space<semaphore_mem>>)
      %dma_wait3A_586 = arith.constant 4096 : i32
      %dma_wait3A_587 = tpu.memref_slice %arg6[%dma_wait3A_586] : memref<8192xi32, #tpu.memory_space<vmem>> -> memref<4096xi32, #tpu.memory_space<vmem>>
      %dma_wait3A_588 = arith.constant 0 : i32
      %dma_wait3A_589 = tpu.memref_slice %arg2[%min3A_21, %dma_wait3A_588] : memref<26x4096xi32, #tpu.memory_space<hbm>> -> memref<1x4096xi32, #tpu.memory_space<hbm>>
      %dma_wait3A_590 = tpu.memref_squeeze %dma_wait3A_589 : memref<1x4096xi32, #tpu.memory_space<hbm>> -> memref<4096xi32, #tpu.memory_space<hbm>>
      %dma_wait3A_591 = arith.constant 4096 : i32
      %dma_wait3A_592 = tpu.memref_slice %arg6[%dma_wait3A_591] : memref<8192xi32, #tpu.memory_space<vmem>> -> memref<4096xi32, #tpu.memory_space<vmem>>
      %dma_wait3A_593 = arith.constant 0 : i32
      %dma_wait3A_594 = tpu.memref_slice %arg2[%min3A_21, %dma_wait3A_593] : memref<26x4096xi32, #tpu.memory_space<hbm>> -> memref<1x4096xi32, #tpu.memory_space<hbm>>
      %dma_wait3A_595 = tpu.memref_squeeze %dma_wait3A_594 : memref<1x4096xi32, #tpu.memory_space<hbm>> -> memref<4096xi32, #tpu.memory_space<hbm>>
      tpu.wait_dma2 semaphore(%run_scoped3A : memref<!tpu.dma_semaphore, #tpu.memory_space<semaphore_mem>>) src(%dma_wait3A_595 : memref<4096xi32, #tpu.memory_space<hbm>>) dst(%dma_wait3A_592 : memref<4096xi32, #tpu.memory_space<vmem>>)
      tpu.yield
    }) : () -> ()
    %add3A_22 = arith.constant 7 : i32
    %add3A_23 = arith.addi %mul3A_2, %add3A_22 : i32
    %sub3A_24 = arith.constant 0 : i32
    %sub3A_25 = arith.subi %add3A_23, %sub3A_24 : i32
    %jit3A_26 = arith.constant 8 : i32
    %div3A_27 = arith.divsi %sub3A_25, %jit3A_26 : i32
    %sign3A_28 = arith.constant 0 : i32
    %sign3A_29 = arith.cmpi sgt, %sub3A_25, %sign3A_28 : i32
    %sign3A_30 = arith.extui %sign3A_29 : i1 to i32
    %sign3A_31 = arith.constant 0 : i32
    %sign3A_32 = arith.cmpi slt, %sub3A_25, %sign3A_31 : i32
    %sign3A_33 = arith.extui %sign3A_32 : i1 to i32
    %sign3A_34 = arith.subi %sign3A_30, %sign3A_33 : i32
    %sign3A_35 = arith.constant 0 : i32
    %sign3A_36 = arith.cmpi sgt, %jit3A_26, %sign3A_35 : i32
    %sign3A_37 = arith.extui %sign3A_36 : i1 to i32
    %sign3A_38 = arith.constant 0 : i32
    %sign3A_39 = arith.cmpi slt, %jit3A_26, %sign3A_38 : i32
    %sign3A_40 = arith.extui %sign3A_39 : i1 to i32
    %sign3A_41 = arith.subi %sign3A_37, %sign3A_40 : i32
    %ne3A_42 = arith.cmpi ne, %sign3A_34, %sign3A_41 : i32
    %rem3A_43 = arith.remsi %sub3A_25, %jit3A_26 : i32
    %ne3A_44 = arith.constant 0 : i32
    %ne3A_45 = arith.cmpi ne, %rem3A_43, %ne3A_44 : i32
    %and3A_46 = arith.andi %ne3A_42, %ne3A_45 : i1
    %sub3A_47 = arith.constant 1 : i32
    %sub3A_48 = arith.subi %div3A_27, %sub3A_47 : i32
    %select_n3A_49 = arith.select %and3A_46, %sub3A_48, %div3A_27 : i32
    %add3A_50 = arith.constant 13 : i32
    %add3A_51 = arith.addi %mul3A_2, %add3A_50 : i32
    %add3A_52 = arith.constant 7 : i32
    %add3A_53 = arith.addi %add3A_51, %add3A_52 : i32
    %sub3A_54 = arith.constant 0 : i32
    %sub3A_55 = arith.subi %add3A_53, %sub3A_54 : i32
    %jit3A_56 = arith.constant 8 : i32
    %div3A_57 = arith.divsi %sub3A_55, %jit3A_56 : i32
    %sign3A_58 = arith.constant 0 : i32
    %sign3A_59 = arith.cmpi sgt, %sub3A_55, %sign3A_58 : i32
    %sign3A_60 = arith.extui %sign3A_59 : i1 to i32
    %sign3A_61 = arith.constant 0 : i32
    %sign3A_62 = arith.cmpi slt, %sub3A_55, %sign3A_61 : i32
    %sign3A_63 = arith.extui %sign3A_62 : i1 to i32
    %sign3A_64 = arith.subi %sign3A_60, %sign3A_63 : i32
    %sign3A_65 = arith.constant 0 : i32
    %sign3A_66 = arith.cmpi sgt, %jit3A_56, %sign3A_65 : i32
    %sign3A_67 = arith.extui %sign3A_66 : i1 to i32
    %sign3A_68 = arith.constant 0 : i32
    %sign3A_69 = arith.cmpi slt, %jit3A_56, %sign3A_68 : i32
    %sign3A_70 = arith.extui %sign3A_69 : i1 to i32
    %sign3A_71 = arith.subi %sign3A_67, %sign3A_70 : i32
    %ne3A_72 = arith.cmpi ne, %sign3A_64, %sign3A_71 : i32
    %rem3A_73 = arith.remsi %sub3A_55, %jit3A_56 : i32
    %ne3A_74 = arith.constant 0 : i32
    %ne3A_75 = arith.cmpi ne, %rem3A_73, %ne3A_74 : i32
    %and3A_76 = arith.andi %ne3A_72, %ne3A_75 : i1
    %sub3A_77 = arith.constant 1 : i32
    %sub3A_78 = arith.subi %div3A_57, %sub3A_77 : i32
    %select_n3A_79 = arith.select %and3A_76, %sub3A_78, %div3A_57 : i32
    %while3A = arith.constant 0 : i32
    %while3A_80 = arith.subi %select_n3A_79, %select_n3A_49 : i32
    %while3A_81 = arith.addi %select_n3A_49, %while3A_80 : i32
    %while3A_82 = arith.constant 1 : i32
    %while3A_83 = arith.divsi %while3A_80, %while3A_82 : i32
    %while3A_84 = arith.muli %while3A_83, %while3A_82 : i32
    %while3A_85 = arith.addi %select_n3A_49, %while3A_84 : i32
    %while3A_86 = arith.constant 1 : i32
    %while3A_87 = scf.for %while3A_577 = %select_n3A_49 to %while3A_85 step %while3A_86 iter_args(%while3A_578 = %while3A) -> (i32)  : i32 {
      %mul3A_579 = arith.constant 8 : i32
      %mul3A_580 = arith.muli %while3A_577, %mul3A_579 : i32
      %add3A_581 = arith.constant 0 : i32
      %add3A_582 = arith.addi %mul3A_580, %add3A_581 : i32
      %dma_start3A = arith.constant 0 : i32
      %dma_start3A_583 = arith.constant 0 : i32
      %dma_start3A_584 = tpu.memref_slice %arg7[%dma_start3A_583] : memref<100000xf32, #tpu.memory_space<vmem>> -> memref<99968xf32, #tpu.memory_space<vmem>>
      %dma_start3A_585 = arith.constant 0 : i32
      %dma_start3A_586 = tpu.memref_slice %arg3[%while3A_577, %dma_start3A, %dma_start3A_585] : memref<52x8x100000xf32, #tpu.memory_space<hbm>> -> memref<1x1x99968xf32, #tpu.memory_space<hbm>>
      %dma_start3A_587 = tpu.memref_squeeze %dma_start3A_586 : memref<1x1x99968xf32, #tpu.memory_space<hbm>> -> memref<99968xf32, #tpu.memory_space<hbm>>
      %dma_start3A_588 = arith.constant 0 : i32
      %dma_start3A_589 = tpu.memref_slice %arg7[%dma_start3A_588] : memref<100000xf32, #tpu.memory_space<vmem>> -> memref<99968xf32, #tpu.memory_space<vmem>>
      %dma_start3A_590 = arith.constant 0 : i32
      %dma_start3A_591 = tpu.memref_slice %arg3[%while3A_577, %dma_start3A, %dma_start3A_590] : memref<52x8x100000xf32, #tpu.memory_space<hbm>> -> memref<1x1x99968xf32, #tpu.memory_space<hbm>>
      %dma_start3A_592 = tpu.memref_squeeze %dma_start3A_591 : memref<1x1x99968xf32, #tpu.memory_space<hbm>> -> memref<99968xf32, #tpu.memory_space<hbm>>
      tpu.enqueue_dma source(%dma_start3A_592 : memref<99968xf32, #tpu.memory_space<hbm>>) target(%dma_start3A_589 : memref<99968xf32, #tpu.memory_space<vmem>>) target_semaphore(%arg9 : memref<!tpu.dma_semaphore, #tpu.memory_space<semaphore_mem>>)
      %mul3A_593 = arith.constant 32 : i32
      %mul3A_594 = arith.muli %add3A_582, %mul3A_593 : i32
      "tpu.region"() ({
        %run_scoped3A = tpu.sem_alloc : memref<!tpu.dma_semaphore, #tpu.memory_space<semaphore_mem>>
        %dma_start3A_655 = arith.constant 99968 : i32
        %dma_start3A_656 = tpu.memref_slice %arg7[%dma_start3A_655] : memref<100000xf32, #tpu.memory_space<vmem>> -> memref<32xf32, #tpu.memory_space<vmem>>
        %dma_start3A_657 = tpu.memref_slice %arg4[%mul3A_594] : memref<13312xf32, #tpu.memory_space<hbm>> -> memref<32xf32, #tpu.memory_space<hbm>>
        %dma_start3A_658 = arith.constant 99968 : i32
        %dma_start3A_659 = tpu.memref_slice %arg7[%dma_start3A_658] : memref<100000xf32, #tpu.memory_space<vmem>> -> memref<32xf32, #tpu.memory_space<vmem>>
        %dma_start3A_660 = tpu.memref_slice %arg4[%mul3A_594] : memref<13312xf32, #tpu.memory_space<hbm>> -> memref<32xf32, #tpu.memory_space<hbm>>
        tpu.enqueue_dma source(%dma_start3A_660 : memref<32xf32, #tpu.memory_space<hbm>>) target(%dma_start3A_659 : memref<32xf32, #tpu.memory_space<vmem>>) target_semaphore(%run_scoped3A : memref<!tpu.dma_semaphore, #tpu.memory_space<semaphore_mem>>)
        %dma_wait3A_661 = arith.constant 99968 : i32
        %dma_wait3A_662 = tpu.memref_slice %arg7[%dma_wait3A_661] : memref<100000xf32, #tpu.memory_space<vmem>> -> memref<32xf32, #tpu.memory_space<vmem>>
        %dma_wait3A_663 = tpu.memref_slice %arg4[%mul3A_594] : memref<13312xf32, #tpu.memory_space<hbm>> -> memref<32xf32, #tpu.memory_space<hbm>>
        %dma_wait3A_664 = arith.constant 99968 : i32
        %dma_wait3A_665 = tpu.memref_slice %arg7[%dma_wait3A_664] : memref<100000xf32, #tpu.memory_space<vmem>> -> memref<32xf32, #tpu.memory_space<vmem>>
        %dma_wait3A_666 = tpu.memref_slice %arg4[%mul3A_594] : memref<13312xf32, #tpu.memory_space<hbm>> -> memref<32xf32, #tpu.memory_space<hbm>>
        tpu.wait_dma2 semaphore(%run_scoped3A : memref<!tpu.dma_semaphore, #tpu.memory_space<semaphore_mem>>) src(%dma_wait3A_666 : memref<32xf32, #tpu.memory_space<hbm>>) dst(%dma_wait3A_665 : memref<32xf32, #tpu.memory_space<vmem>>)
        tpu.yield
      }) : () -> ()
      %rem3A_595 = arith.constant 2 : i32
      %rem3A_596 = arith.remsi %while3A_578, %rem3A_595 : i32
      %mul3A_597 = arith.constant 4096 : i32
      %mul3A_598 = arith.muli %rem3A_596, %mul3A_597 : i32
      %jit3A_599 = arith.constant 16 : i32
      %div3A_600 = arith.divsi %add3A_582, %jit3A_599 : i32
      %sign3A_601 = arith.constant 0 : i32
      %sign3A_602 = arith.cmpi sgt, %add3A_582, %sign3A_601 : i32
      %sign3A_603 = arith.extui %sign3A_602 : i1 to i32
      %sign3A_604 = arith.constant 0 : i32
      %sign3A_605 = arith.cmpi slt, %add3A_582, %sign3A_604 : i32
      %sign3A_606 = arith.extui %sign3A_605 : i1 to i32
      %sign3A_607 = arith.subi %sign3A_603, %sign3A_606 : i32
      %sign3A_608 = arith.constant 0 : i32
      %sign3A_609 = arith.cmpi sgt, %jit3A_599, %sign3A_608 : i32
      %sign3A_610 = arith.extui %sign3A_609 : i1 to i32
      %sign3A_611 = arith.constant 0 : i32
      %sign3A_612 = arith.cmpi slt, %jit3A_599, %sign3A_611 : i32
      %sign3A_613 = arith.extui %sign3A_612 : i1 to i32
      %sign3A_614 = arith.subi %sign3A_610, %sign3A_613 : i32
      %ne3A_615 = arith.cmpi ne, %sign3A_607, %sign3A_614 : i32
      %rem3A_616 = arith.remsi %add3A_582, %jit3A_599 : i32
      %ne3A_617 = arith.constant 0 : i32
      %ne3A_618 = arith.cmpi ne, %rem3A_616, %ne3A_617 : i32
      %and3A_619 = arith.andi %ne3A_615, %ne3A_618 : i1
      %sub3A_620 = arith.constant 1 : i32
      %sub3A_621 = arith.subi %div3A_600, %sub3A_620 : i32
      %select_n3A_622 = arith.select %and3A_619, %sub3A_621, %div3A_600 : i32
      %sub3A_623 = arith.subi %select_n3A_622, %select_n3A : i32
      %mul3A_624 = arith.constant 4096 : i32
      %mul3A_625 = arith.muli %sub3A_623, %mul3A_624 : i32
      %dma_wait3A_626 = arith.constant 0 : i32
      %dma_wait3A_627 = arith.constant 0 : i32
      %dma_wait3A_628 = tpu.memref_slice %arg7[%dma_wait3A_627] : memref<100000xf32, #tpu.memory_space<vmem>> -> memref<99968xf32, #tpu.memory_space<vmem>>
      %dma_wait3A_629 = arith.constant 0 : i32
      %dma_wait3A_630 = tpu.memref_slice %arg3[%while3A_577, %dma_wait3A_626, %dma_wait3A_629] : memref<52x8x100000xf32, #tpu.memory_space<hbm>> -> memref<1x1x99968xf32, #tpu.memory_space<hbm>>
      %dma_wait3A_631 = tpu.memref_squeeze %dma_wait3A_630 : memref<1x1x99968xf32, #tpu.memory_space<hbm>> -> memref<99968xf32, #tpu.memory_space<hbm>>
      %dma_wait3A_632 = arith.constant 0 : i32
      %dma_wait3A_633 = tpu.memref_slice %arg7[%dma_wait3A_632] : memref<100000xf32, #tpu.memory_space<vmem>> -> memref<99968xf32, #tpu.memory_space<vmem>>
      %dma_wait3A_634 = arith.constant 0 : i32
      %dma_wait3A_635 = tpu.memref_slice %arg3[%while3A_577, %dma_wait3A_626, %dma_wait3A_634] : memref<52x8x100000xf32, #tpu.memory_space<hbm>> -> memref<1x1x99968xf32, #tpu.memory_space<hbm>>
      %dma_wait3A_636 = tpu.memref_squeeze %dma_wait3A_635 : memref<1x1x99968xf32, #tpu.memory_space<hbm>> -> memref<99968xf32, #tpu.memory_space<hbm>>
      tpu.wait_dma2 semaphore(%arg9 : memref<!tpu.dma_semaphore, #tpu.memory_space<semaphore_mem>>) src(%dma_wait3A_636 : memref<99968xf32, #tpu.memory_space<hbm>>) dst(%dma_wait3A_633 : memref<99968xf32, #tpu.memory_space<vmem>>)
      %gt3A = arith.constant 0 : i32
      %gt3A_637 = arith.cmpi sgt, %while3A_578, %gt3A : i32
      %convert_element_type3A = arith.extui %gt3A_637 : i1 to i32
      %cond3A = arith.constant 0 : i32
      %cond3A_638 = arith.cmpi ne, %convert_element_type3A, %cond3A : i32
      scf.if %cond3A_638 {
        %dma_wait3A_655 = arith.constant 0 : i32
        %dma_wait3A_656 = arith.constant 0 : i32
        %dma_wait3A_657 = tpu.memref_slice %arg8[%dma_wait3A_656] : memref<8192xf32, #tpu.memory_space<vmem>> -> memref<4096xf32, #tpu.memory_space<vmem>>
        %dma_wait3A_658 = arith.constant 0 : i32
        %dma_wait3A_659 = tpu.memref_slice %arg5[%while3A_577, %dma_wait3A_655, %dma_wait3A_658] : memref<52x8x4096xf32, #tpu.memory_space<hbm>> -> memref<1x1x4096xf32, #tpu.memory_space<hbm>>
        %dma_wait3A_660 = tpu.memref_squeeze %dma_wait3A_659 : memref<1x1x4096xf32, #tpu.memory_space<hbm>> -> memref<4096xf32, #tpu.memory_space<hbm>>
        %dma_wait3A_661 = arith.constant 0 : i32
        %dma_wait3A_662 = tpu.memref_slice %arg5[%while3A_577, %dma_wait3A_655, %dma_wait3A_661] : memref<52x8x4096xf32, #tpu.memory_space<hbm>> -> memref<1x1x4096xf32, #tpu.memory_space<hbm>>
        %dma_wait3A_663 = tpu.memref_squeeze %dma_wait3A_662 : memref<1x1x4096xf32, #tpu.memory_space<hbm>> -> memref<4096xf32, #tpu.memory_space<hbm>>
        %dma_wait3A_664 = arith.constant 0 : i32
        %dma_wait3A_665 = tpu.memref_slice %arg8[%dma_wait3A_664] : memref<8192xf32, #tpu.memory_space<vmem>> -> memref<4096xf32, #tpu.memory_space<vmem>>
        tpu.wait_dma2 semaphore(%arg10 : memref<!tpu.dma_semaphore, #tpu.memory_space<semaphore_mem>>) src(%dma_wait3A_665 : memref<4096xf32, #tpu.memory_space<vmem>>) dst(%dma_wait3A_663 : memref<4096xf32, #tpu.memory_space<hbm>>)
      } else {
      }
      %scan3A = arith.constant 0 : i32
      %scan3A_639 = arith.constant 0 : i32
      %scan3A_640 = arith.constant 256 : i32
      %scan3A_641 = arith.addi %scan3A_639, %scan3A_640 : i32
      %scan3A_642 = arith.constant 8 : i32
      scf.for %scan3A_655 = %scan3A_639 to %scan3A_641 step %scan3A_642  : i32 {
        %mul3A_656 = arith.constant 16 : i32
        %mul3A_657 = arith.muli %scan3A_655, %mul3A_656 : i32
        %add3A_658 = arith.addi %mul3A_625, %mul3A_657 : i32
        %get3A = arith.index_cast %add3A_658 : i32 to index
        %get3A_659 = tpu.vector_load %arg6[%get3A] {strides = array<i32>} : memref<8192xi32, #tpu.memory_space<vmem>>, vector<16xi32>,
        %gather3A = tpu.vector_load_idx %arg7[%get3A_659] : memref<100000xf32, #tpu.memory_space<vmem>>[vector<16xi32>], vector<16xf32>,
        %mul3A_660 = arith.constant 16 : i32
        %mul3A_661 = arith.muli %scan3A_655, %mul3A_660 : i32
        %add3A_662 = arith.addi %mul3A_598, %mul3A_661 : i32
        %swap3A = arith.index_cast %add3A_662 : i32 to index
        %swap3A_663 = tpu.vector_load %arg8[%swap3A] {strides = array<i32>} : memref<8192xf32, #tpu.memory_space<vmem>>, vector<16xf32>,
        tpu.vector_store %arg8[%swap3A], %gather3A {strides = array<i32>} : memref<8192xf32, #tpu.memory_space<vmem>>, vector<16xf32>,
        %scan3A_664 = arith.constant 1 : i32
        %scan3A_665 = arith.addi %scan3A_655, %scan3A_664 : i32
        %mul3A_666 = arith.constant 16 : i32
        %mul3A_667 = arith.muli %scan3A_665, %mul3A_666 : i32
        %add3A_668 = arith.addi %mul3A_625, %mul3A_667 : i32
        %get3A_669 = arith.index_cast %add3A_668 : i32 to index
        %get3A_670 = tpu.vector_load %arg6[%get3A_669] {strides = array<i32>} : memref<8192xi32, #tpu.memory_space<vmem>>, vector<16xi32>,
        %gather3A_671 = tpu.vector_load_idx %arg7[%get3A_670] : memref<100000xf32, #tpu.memory_space<vmem>>[vector<16xi32>], vector<16xf32>,
        %mul3A_672 = arith.constant 16 : i32
        %mul3A_673 = arith.muli %scan3A_665, %mul3A_672 : i32
        %add3A_674 = arith.addi %mul3A_598, %mul3A_673 : i32
        %swap3A_675 = arith.index_cast %add3A_674 : i32 to index
        %swap3A_676 = tpu.vector_load %arg8[%swap3A_675] {strides = array<i32>} : memref<8192xf32, #tpu.memory_space<vmem>>, vector<16xf32>,
        tpu.vector_store %arg8[%swap3A_675], %gather3A_671 {strides = array<i32>} : memref<8192xf32, #tpu.memory_space<vmem>>, vector<16xf32>,
        %scan3A_677 = arith.constant 2 : i32
        %scan3A_678 = arith.addi %scan3A_655, %scan3A_677 : i32
        %mul3A_679 = arith.constant 16 : i32
        %mul3A_680 = arith.muli %scan3A_678, %mul3A_679 : i32
        %add3A_681 = arith.addi %mul3A_625, %mul3A_680 : i32
        %get3A_682 = arith.index_cast %add3A_681 : i32 to index
        %get3A_683 = tpu.vector_load %arg6[%get3A_682] {strides = array<i32>} : memref<8192xi32, #tpu.memory_space<vmem>>, vector<16xi32>,
        %gather3A_684 = tpu.vector_load_idx %arg7[%get3A_683] : memref<100000xf32, #tpu.memory_space<vmem>>[vector<16xi32>], vector<16xf32>,
        %mul3A_685 = arith.constant 16 : i32
        %mul3A_686 = arith.muli %scan3A_678, %mul3A_685 : i32
        %add3A_687 = arith.addi %mul3A_598, %mul3A_686 : i32
        %swap3A_688 = arith.index_cast %add3A_687 : i32 to index
        %swap3A_689 = tpu.vector_load %arg8[%swap3A_688] {strides = array<i32>} : memref<8192xf32, #tpu.memory_space<vmem>>, vector<16xf32>,
        tpu.vector_store %arg8[%swap3A_688], %gather3A_684 {strides = array<i32>} : memref<8192xf32, #tpu.memory_space<vmem>>, vector<16xf32>,
        %scan3A_690 = arith.constant 3 : i32
        %scan3A_691 = arith.addi %scan3A_655, %scan3A_690 : i32
        %mul3A_692 = arith.constant 16 : i32
        %mul3A_693 = arith.muli %scan3A_691, %mul3A_692 : i32
        %add3A_694 = arith.addi %mul3A_625, %mul3A_693 : i32
        %get3A_695 = arith.index_cast %add3A_694 : i32 to index
        %get3A_696 = tpu.vector_load %arg6[%get3A_695] {strides = array<i32>} : memref<8192xi32, #tpu.memory_space<vmem>>, vector<16xi32>,
        %gather3A_697 = tpu.vector_load_idx %arg7[%get3A_696] : memref<100000xf32, #tpu.memory_space<vmem>>[vector<16xi32>], vector<16xf32>,
        %mul3A_698 = arith.constant 16 : i32
        %mul3A_699 = arith.muli %scan3A_691, %mul3A_698 : i32
        %add3A_700 = arith.addi %mul3A_598, %mul3A_699 : i32
        %swap3A_701 = arith.index_cast %add3A_700 : i32 to index
        %swap3A_702 = tpu.vector_load %arg8[%swap3A_701] {strides = array<i32>} : memref<8192xf32, #tpu.memory_space<vmem>>, vector<16xf32>,
        tpu.vector_store %arg8[%swap3A_701], %gather3A_697 {strides = array<i32>} : memref<8192xf32, #tpu.memory_space<vmem>>, vector<16xf32>,
        %scan3A_703 = arith.constant 4 : i32
        %scan3A_704 = arith.addi %scan3A_655, %scan3A_703 : i32
        %mul3A_705 = arith.constant 16 : i32
        %mul3A_706 = arith.muli %scan3A_704, %mul3A_705 : i32
        %add3A_707 = arith.addi %mul3A_625, %mul3A_706 : i32
        %get3A_708 = arith.index_cast %add3A_707 : i32 to index
        %get3A_709 = tpu.vector_load %arg6[%get3A_708] {strides = array<i32>} : memref<8192xi32, #tpu.memory_space<vmem>>, vector<16xi32>,
        %gather3A_710 = tpu.vector_load_idx %arg7[%get3A_709] : memref<100000xf32, #tpu.memory_space<vmem>>[vector<16xi32>], vector<16xf32>,
        %mul3A_711 = arith.constant 16 : i32
        %mul3A_712 = arith.muli %scan3A_704, %mul3A_711 : i32
        %add3A_713 = arith.addi %mul3A_598, %mul3A_712 : i32
        %swap3A_714 = arith.index_cast %add3A_713 : i32 to index
        %swap3A_715 = tpu.vector_load %arg8[%swap3A_714] {strides = array<i32>} : memref<8192xf32, #tpu.memory_space<vmem>>, vector<16xf32>,
        tpu.vector_store %arg8[%swap3A_714], %gather3A_710 {strides = array<i32>} : memref<8192xf32, #tpu.memory_space<vmem>>, vector<16xf32>,
        %scan3A_716 = arith.constant 5 : i32
        %scan3A_717 = arith.addi %scan3A_655, %scan3A_716 : i32
        %mul3A_718 = arith.constant 16 : i32
        %mul3A_719 = arith.muli %scan3A_717, %mul3A_718 : i32
        %add3A_720 = arith.addi %mul3A_625, %mul3A_719 : i32
        %get3A_721 = arith.index_cast %add3A_720 : i32 to index
        %get3A_722 = tpu.vector_load %arg6[%get3A_721] {strides = array<i32>} : memref<8192xi32, #tpu.memory_space<vmem>>, vector<16xi32>,
        %gather3A_723 = tpu.vector_load_idx %arg7[%get3A_722] : memref<100000xf32, #tpu.memory_space<vmem>>[vector<16xi32>], vector<16xf32>,
        %mul3A_724 = arith.constant 16 : i32
        %mul3A_725 = arith.muli %scan3A_717, %mul3A_724 : i32
        %add3A_726 = arith.addi %mul3A_598, %mul3A_725 : i32
        %swap3A_727 = arith.index_cast %add3A_726 : i32 to index
        %swap3A_728 = tpu.vector_load %arg8[%swap3A_727] {strides = array<i32>} : memref<8192xf32, #tpu.memory_space<vmem>>, vector<16xf32>,
        tpu.vector_store %arg8[%swap3A_727], %gather3A_723 {strides = array<i32>} : memref<8192xf32, #tpu.memory_space<vmem>>, vector<16xf32>,
        %scan3A_729 = arith.constant 6 : i32
        %scan3A_730 = arith.addi %scan3A_655, %scan3A_729 : i32
        %mul3A_731 = arith.constant 16 : i32
        %mul3A_732 = arith.muli %scan3A_730, %mul3A_731 : i32
        %add3A_733 = arith.addi %mul3A_625, %mul3A_732 : i32
        %get3A_734 = arith.index_cast %add3A_733 : i32 to index
        %get3A_735 = tpu.vector_load %arg6[%get3A_734] {strides = array<i32>} : memref<8192xi32, #tpu.memory_space<vmem>>, vector<16xi32>,
        %gather3A_736 = tpu.vector_load_idx %arg7[%get3A_735] : memref<100000xf32, #tpu.memory_space<vmem>>[vector<16xi32>], vector<16xf32>,
        %mul3A_737 = arith.constant 16 : i32
        %mul3A_738 = arith.muli %scan3A_730, %mul3A_737 : i32
        %add3A_739 = arith.addi %mul3A_598, %mul3A_738 : i32
        %swap3A_740 = arith.index_cast %add3A_739 : i32 to index
        %swap3A_741 = tpu.vector_load %arg8[%swap3A_740] {strides = array<i32>} : memref<8192xf32, #tpu.memory_space<vmem>>, vector<16xf32>,
        tpu.vector_store %arg8[%swap3A_740], %gather3A_736 {strides = array<i32>} : memref<8192xf32, #tpu.memory_space<vmem>>, vector<16xf32>,
        %scan3A_742 = arith.constant 7 : i32
        %scan3A_743 = arith.addi %scan3A_655, %scan3A_742 : i32
        %mul3A_744 = arith.constant 16 : i32
        %mul3A_745 = arith.muli %scan3A_743, %mul3A_744 : i32
        %add3A_746 = arith.addi %mul3A_625, %mul3A_745 : i32
        %get3A_747 = arith.index_cast %add3A_746 : i32 to index
        %get3A_748 = tpu.vector_load %arg6[%get3A_747] {strides = array<i32>} : memref<8192xi32, #tpu.memory_space<vmem>>, vector<16xi32>,
        %gather3A_749 = tpu.vector_load_idx %arg7[%get3A_748] : memref<100000xf32, #tpu.memory_space<vmem>>[vector<16xi32>], vector<16xf32>,
        %mul3A_750 = arith.constant 16 : i32
        %mul3A_751 = arith.muli %scan3A_743, %mul3A_750 : i32
        %add3A_752 = arith.addi %mul3A_598, %mul3A_751 : i32
        %swap3A_753 = arith.index_cast %add3A_752 : i32 to index
        %swap3A_754 = tpu.vector_load %arg8[%swap3A_753] {strides = array<i32>} : memref<8192xf32, #tpu.memory_space<vmem>>, vector<16xf32>,
        tpu.vector_store %arg8[%swap3A_753], %gather3A_749 {strides = array<i32>} : memref<8192xf32, #tpu.memory_space<vmem>>, vector<16xf32>,
      }
      %scan3A_643 = arith.constant 256 : i32
      %dma_start3A_644 = arith.constant 0 : i32
      %dma_start3A_645 = tpu.memref_slice %arg8[%mul3A_598] : memref<8192xf32, #tpu.memory_space<vmem>> -> memref<4096xf32, #tpu.memory_space<vmem>>
      %dma_start3A_646 = arith.constant 0 : i32
      %dma_start3A_647 = tpu.memref_slice %arg5[%while3A_577, %dma_start3A_644, %dma_start3A_646] : memref<52x8x4096xf32, #tpu.memory_space<hbm>> -> memref<1x1x4096xf32, #tpu.memory_space<hbm>>
      %dma_start3A_648 = tpu.memref_squeeze %dma_start3A_647 : memref<1x1x4096xf32, #tpu.memory_space<hbm>> -> memref<4096xf32, #tpu.memory_space<hbm>>
      %dma_start3A_649 = arith.constant 0 : i32
      %dma_start3A_650 = tpu.memref_slice %arg5[%while3A_577, %dma_start3A_644, %dma_start3A_649] : memref<52x8x4096xf32, #tpu.memory_space<hbm>> -> memref<1x1x4096xf32, #tpu.memory_space<hbm>>
      %dma_start3A_651 = tpu.memref_squeeze %dma_start3A_650 : memref<1x1x4096xf32, #tpu.memory_space<hbm>> -> memref<4096xf32, #tpu.memory_space<hbm>>
      %dma_start3A_652 = tpu.memref_slice %arg8[%mul3A_598] : memref<8192xf32, #tpu.memory_space<vmem>> -> memref<4096xf32, #tpu.memory_space<vmem>>
      tpu.enqueue_dma source(%dma_start3A_652 : memref<4096xf32, #tpu.memory_space<vmem>>) target(%dma_start3A_651 : memref<4096xf32, #tpu.memory_space<hbm>>) target_semaphore(%arg10 : memref<!tpu.dma_semaphore, #tpu.memory_space<semaphore_mem>>)
      %add3A_653 = arith.constant 1 : i32
      %add3A_654 = arith.addi %while3A_578, %add3A_653 : i32
      scf.yield %add3A_654 : i32
    }
    %while3A_88 = arith.constant 1 : i32
    %while3A_89 = scf.for %while3A_577 = %while3A_85 to %while3A_81 step %while3A_88 iter_args(%while3A_578 = %while3A_87) -> (i32)  : i32 {
      %mul3A_579 = arith.constant 8 : i32
      %mul3A_580 = arith.muli %while3A_577, %mul3A_579 : i32
      %add3A_581 = arith.constant 0 : i32
      %add3A_582 = arith.addi %mul3A_580, %add3A_581 : i32
      %dma_start3A = arith.constant 0 : i32
      %dma_start3A_583 = arith.constant 0 : i32
      %dma_start3A_584 = tpu.memref_slice %arg7[%dma_start3A_583] : memref<100000xf32, #tpu.memory_space<vmem>> -> memref<99968xf32, #tpu.memory_space<vmem>>
      %dma_start3A_585 = arith.constant 0 : i32
      %dma_start3A_586 = tpu.memref_slice %arg3[%while3A_577, %dma_start3A, %dma_start3A_585] : memref<52x8x100000xf32, #tpu.memory_space<hbm>> -> memref<1x1x99968xf32, #tpu.memory_space<hbm>>
      %dma_start3A_587 = tpu.memref_squeeze %dma_start3A_586 : memref<1x1x99968xf32, #tpu.memory_space<hbm>> -> memref<99968xf32, #tpu.memory_space<hbm>>
      %dma_start3A_588 = arith.constant 0 : i32
      %dma_start3A_589 = tpu.memref_slice %arg7[%dma_start3A_588] : memref<100000xf32, #tpu.memory_space<vmem>> -> memref<99968xf32, #tpu.memory_space<vmem>>
      %dma_start3A_590 = arith.constant 0 : i32
      %dma_start3A_591 = tpu.memref_slice %arg3[%while3A_577, %dma_start3A, %dma_start3A_590] : memref<52x8x100000xf32, #tpu.memory_space<hbm>> -> memref<1x1x99968xf32, #tpu.memory_space<hbm>>
      %dma_start3A_592 = tpu.memref_squeeze %dma_start3A_591 : memref<1x1x99968xf32, #tpu.memory_space<hbm>> -> memref<99968xf32, #tpu.memory_space<hbm>>
      tpu.enqueue_dma source(%dma_start3A_592 : memref<99968xf32, #tpu.memory_space<hbm>>) target(%dma_start3A_589 : memref<99968xf32, #tpu.memory_space<vmem>>) target_semaphore(%arg9 : memref<!tpu.dma_semaphore, #tpu.memory_space<semaphore_mem>>)
      %mul3A_593 = arith.constant 32 : i32
      %mul3A_594 = arith.muli %add3A_582, %mul3A_593 : i32
      "tpu.region"() ({
        %run_scoped3A = tpu.sem_alloc : memref<!tpu.dma_semaphore, #tpu.memory_space<semaphore_mem>>
        %dma_start3A_655 = arith.constant 99968 : i32
        %dma_start3A_656 = tpu.memref_slice %arg7[%dma_start3A_655] : memref<100000xf32, #tpu.memory_space<vmem>> -> memref<32xf32, #tpu.memory_space<vmem>>
        %dma_start3A_657 = tpu.memref_slice %arg4[%mul3A_594] : memref<13312xf32, #tpu.memory_space<hbm>> -> memref<32xf32, #tpu.memory_space<hbm>>
        %dma_start3A_658 = arith.constant 99968 : i32
        %dma_start3A_659 = tpu.memref_slice %arg7[%dma_start3A_658] : memref<100000xf32, #tpu.memory_space<vmem>> -> memref<32xf32, #tpu.memory_space<vmem>>
        %dma_start3A_660 = tpu.memref_slice %arg4[%mul3A_594] : memref<13312xf32, #tpu.memory_space<hbm>> -> memref<32xf32, #tpu.memory_space<hbm>>
        tpu.enqueue_dma source(%dma_start3A_660 : memref<32xf32, #tpu.memory_space<hbm>>) target(%dma_start3A_659 : memref<32xf32, #tpu.memory_space<vmem>>) target_semaphore(%run_scoped3A : memref<!tpu.dma_semaphore, #tpu.memory_space<semaphore_mem>>)
        %dma_wait3A_661 = arith.constant 99968 : i32
        %dma_wait3A_662 = tpu.memref_slice %arg7[%dma_wait3A_661] : memref<100000xf32, #tpu.memory_space<vmem>> -> memref<32xf32, #tpu.memory_space<vmem>>
        %dma_wait3A_663 = tpu.memref_slice %arg4[%mul3A_594] : memref<13312xf32, #tpu.memory_space<hbm>> -> memref<32xf32, #tpu.memory_space<hbm>>
        %dma_wait3A_664 = arith.constant 99968 : i32
        %dma_wait3A_665 = tpu.memref_slice %arg7[%dma_wait3A_664] : memref<100000xf32, #tpu.memory_space<vmem>> -> memref<32xf32, #tpu.memory_space<vmem>>
        %dma_wait3A_666 = tpu.memref_slice %arg4[%mul3A_594] : memref<13312xf32, #tpu.memory_space<hbm>> -> memref<32xf32, #tpu.memory_space<hbm>>
        tpu.wait_dma2 semaphore(%run_scoped3A : memref<!tpu.dma_semaphore, #tpu.memory_space<semaphore_mem>>) src(%dma_wait3A_666 : memref<32xf32, #tpu.memory_space<hbm>>) dst(%dma_wait3A_665 : memref<32xf32, #tpu.memory_space<vmem>>)
        tpu.yield
      }) : () -> ()
      %rem3A_595 = arith.constant 2 : i32
      %rem3A_596 = arith.remsi %while3A_578, %rem3A_595 : i32
      %mul3A_597 = arith.constant 4096 : i32
      %mul3A_598 = arith.muli %rem3A_596, %mul3A_597 : i32
      %jit3A_599 = arith.constant 16 : i32
      %div3A_600 = arith.divsi %add3A_582, %jit3A_599 : i32
      %sign3A_601 = arith.constant 0 : i32
      %sign3A_602 = arith.cmpi sgt, %add3A_582, %sign3A_601 : i32
      %sign3A_603 = arith.extui %sign3A_602 : i1 to i32
      %sign3A_604 = arith.constant 0 : i32
      %sign3A_605 = arith.cmpi slt, %add3A_582, %sign3A_604 : i32
      %sign3A_606 = arith.extui %sign3A_605 : i1 to i32
      %sign3A_607 = arith.subi %sign3A_603, %sign3A_606 : i32
      %sign3A_608 = arith.constant 0 : i32
      %sign3A_609 = arith.cmpi sgt, %jit3A_599, %sign3A_608 : i32
      %sign3A_610 = arith.extui %sign3A_609 : i1 to i32
      %sign3A_611 = arith.constant 0 : i32
      %sign3A_612 = arith.cmpi slt, %jit3A_599, %sign3A_611 : i32
      %sign3A_613 = arith.extui %sign3A_612 : i1 to i32
      %sign3A_614 = arith.subi %sign3A_610, %sign3A_613 : i32
      %ne3A_615 = arith.cmpi ne, %sign3A_607, %sign3A_614 : i32
      %rem3A_616 = arith.remsi %add3A_582, %jit3A_599 : i32
      %ne3A_617 = arith.constant 0 : i32
      %ne3A_618 = arith.cmpi ne, %rem3A_616, %ne3A_617 : i32
      %and3A_619 = arith.andi %ne3A_615, %ne3A_618 : i1
      %sub3A_620 = arith.constant 1 : i32
      %sub3A_621 = arith.subi %div3A_600, %sub3A_620 : i32
      %select_n3A_622 = arith.select %and3A_619, %sub3A_621, %div3A_600 : i32
      %sub3A_623 = arith.subi %select_n3A_622, %select_n3A : i32
      %mul3A_624 = arith.constant 4096 : i32
      %mul3A_625 = arith.muli %sub3A_623, %mul3A_624 : i32
      %dma_wait3A_626 = arith.constant 0 : i32
      %dma_wait3A_627 = arith.constant 0 : i32
      %dma_wait3A_628 = tpu.memref_slice %arg7[%dma_wait3A_627] : memref<100000xf32, #tpu.memory_space<vmem>> -> memref<99968xf32, #tpu.memory_space<vmem>>
      %dma_wait3A_629 = arith.constant 0 : i32
      %dma_wait3A_630 = tpu.memref_slice %arg3[%while3A_577, %dma_wait3A_626, %dma_wait3A_629] : memref<52x8x100000xf32, #tpu.memory_space<hbm>> -> memref<1x1x99968xf32, #tpu.memory_space<hbm>>
      %dma_wait3A_631 = tpu.memref_squeeze %dma_wait3A_630 : memref<1x1x99968xf32, #tpu.memory_space<hbm>> -> memref<99968xf32, #tpu.memory_space<hbm>>
      %dma_wait3A_632 = arith.constant 0 : i32
      %dma_wait3A_633 = tpu.memref_slice %arg7[%dma_wait3A_632] : memref<100000xf32, #tpu.memory_space<vmem>> -> memref<99968xf32, #tpu.memory_space<vmem>>
      %dma_wait3A_634 = arith.constant 0 : i32
      %dma_wait3A_635 = tpu.memref_slice %arg3[%while3A_577, %dma_wait3A_626, %dma_wait3A_634] : memref<52x8x100000xf32, #tpu.memory_space<hbm>> -> memref<1x1x99968xf32, #tpu.memory_space<hbm>>
      %dma_wait3A_636 = tpu.memref_squeeze %dma_wait3A_635 : memref<1x1x99968xf32, #tpu.memory_space<hbm>> -> memref<99968xf32, #tpu.memory_space<hbm>>
      tpu.wait_dma2 semaphore(%arg9 : memref<!tpu.dma_semaphore, #tpu.memory_space<semaphore_mem>>) src(%dma_wait3A_636 : memref<99968xf32, #tpu.memory_space<hbm>>) dst(%dma_wait3A_633 : memref<99968xf32, #tpu.memory_space<vmem>>)
      %gt3A = arith.constant 0 : i32
      %gt3A_637 = arith.cmpi sgt, %while3A_578, %gt3A : i32
      %convert_element_type3A = arith.extui %gt3A_637 : i1 to i32
      %cond3A = arith.constant 0 : i32
      %cond3A_638 = arith.cmpi ne, %convert_element_type3A, %cond3A : i32
      scf.if %cond3A_638 {
        %dma_wait3A_655 = arith.constant 0 : i32
        %dma_wait3A_656 = arith.constant 0 : i32
        %dma_wait3A_657 = tpu.memref_slice %arg8[%dma_wait3A_656] : memref<8192xf32, #tpu.memory_space<vmem>> -> memref<4096xf32, #tpu.memory_space<vmem>>
        %dma_wait3A_658 = arith.constant 0 : i32
        %dma_wait3A_659 = tpu.memref_slice %arg5[%while3A_577, %dma_wait3A_655, %dma_wait3A_658] : memref<52x8x4096xf32, #tpu.memory_space<hbm>> -> memref<1x1x4096xf32, #tpu.memory_space<hbm>>
        %dma_wait3A_660 = tpu.memref_squeeze %dma_wait3A_659 : memref<1x1x4096xf32, #tpu.memory_space<hbm>> -> memref<4096xf32, #tpu.memory_space<hbm>>
        %dma_wait3A_661 = arith.constant 0 : i32
        %dma_wait3A_662 = tpu.memref_slice %arg5[%while3A_577, %dma_wait3A_655, %dma_wait3A_661] : memref<52x8x4096xf32, #tpu.memory_space<hbm>> -> memref<1x1x4096xf32, #tpu.memory_space<hbm>>
        %dma_wait3A_663 = tpu.memref_squeeze %dma_wait3A_662 : memref<1x1x4096xf32, #tpu.memory_space<hbm>> -> memref<4096xf32, #tpu.memory_space<hbm>>
        %dma_wait3A_664 = arith.constant 0 : i32
        %dma_wait3A_665 = tpu.memref_slice %arg8[%dma_wait3A_664] : memref<8192xf32, #tpu.memory_space<vmem>> -> memref<4096xf32, #tpu.memory_space<vmem>>
        tpu.wait_dma2 semaphore(%arg10 : memref<!tpu.dma_semaphore, #tpu.memory_space<semaphore_mem>>) src(%dma_wait3A_665 : memref<4096xf32, #tpu.memory_space<vmem>>) dst(%dma_wait3A_663 : memref<4096xf32, #tpu.memory_space<hbm>>)
      } else {
      }
      %scan3A = arith.constant 0 : i32
      %scan3A_639 = arith.constant 0 : i32
      %scan3A_640 = arith.constant 256 : i32
      %scan3A_641 = arith.addi %scan3A_639, %scan3A_640 : i32
      %scan3A_642 = arith.constant 8 : i32
      scf.for %scan3A_655 = %scan3A_639 to %scan3A_641 step %scan3A_642  : i32 {
        %mul3A_656 = arith.constant 16 : i32
        %mul3A_657 = arith.muli %scan3A_655, %mul3A_656 : i32
        %add3A_658 = arith.addi %mul3A_625, %mul3A_657 : i32
        %get3A = arith.index_cast %add3A_658 : i32 to index
        %get3A_659 = tpu.vector_load %arg6[%get3A] {strides = array<i32>} : memref<8192xi32, #tpu.memory_space<vmem>>, vector<16xi32>,
        %gather3A = tpu.vector_load_idx %arg7[%get3A_659] : memref<100000xf32, #tpu.memory_space<vmem>>[vector<16xi32>], vector<16xf32>,
        %mul3A_660 = arith.constant 16 : i32
        %mul3A_661 = arith.muli %scan3A_655, %mul3A_660 : i32
        %add3A_662 = arith.addi %mul3A_598, %mul3A_661 : i32
        %swap3A = arith.index_cast %add3A_662 : i32 to index
        %swap3A_663 = tpu.vector_load %arg8[%swap3A] {strides = array<i32>} : memref<8192xf32, #tpu.memory_space<vmem>>, vector<16xf32>,
        tpu.vector_store %arg8[%swap3A], %gather3A {strides = array<i32>} : memref<8192xf32, #tpu.memory_space<vmem>>, vector<16xf32>,
        %scan3A_664 = arith.constant 1 : i32
        %scan3A_665 = arith.addi %scan3A_655, %scan3A_664 : i32
        %mul3A_666 = arith.constant 16 : i32
        %mul3A_667 = arith.muli %scan3A_665, %mul3A_666 : i32
        %add3A_668 = arith.addi %mul3A_625, %mul3A_667 : i32
        %get3A_669 = arith.index_cast %add3A_668 : i32 to index
        %get3A_670 = tpu.vector_load %arg6[%get3A_669] {strides = array<i32>} : memref<8192xi32, #tpu.memory_space<vmem>>, vector<16xi32>,
        %gather3A_671 = tpu.vector_load_idx %arg7[%get3A_670] : memref<100000xf32, #tpu.memory_space<vmem>>[vector<16xi32>], vector<16xf32>,
        %mul3A_672 = arith.constant 16 : i32
        %mul3A_673 = arith.muli %scan3A_665, %mul3A_672 : i32
        %add3A_674 = arith.addi %mul3A_598, %mul3A_673 : i32
        %swap3A_675 = arith.index_cast %add3A_674 : i32 to index
        %swap3A_676 = tpu.vector_load %arg8[%swap3A_675] {strides = array<i32>} : memref<8192xf32, #tpu.memory_space<vmem>>, vector<16xf32>,
        tpu.vector_store %arg8[%swap3A_675], %gather3A_671 {strides = array<i32>} : memref<8192xf32, #tpu.memory_space<vmem>>, vector<16xf32>,
        %scan3A_677 = arith.constant 2 : i32
        %scan3A_678 = arith.addi %scan3A_655, %scan3A_677 : i32
        %mul3A_679 = arith.constant 16 : i32
        %mul3A_680 = arith.muli %scan3A_678, %mul3A_679 : i32
        %add3A_681 = arith.addi %mul3A_625, %mul3A_680 : i32
        %get3A_682 = arith.index_cast %add3A_681 : i32 to index
        %get3A_683 = tpu.vector_load %arg6[%get3A_682] {strides = array<i32>} : memref<8192xi32, #tpu.memory_space<vmem>>, vector<16xi32>,
        %gather3A_684 = tpu.vector_load_idx %arg7[%get3A_683] : memref<100000xf32, #tpu.memory_space<vmem>>[vector<16xi32>], vector<16xf32>,
        %mul3A_685 = arith.constant 16 : i32
        %mul3A_686 = arith.muli %scan3A_678, %mul3A_685 : i32
        %add3A_687 = arith.addi %mul3A_598, %mul3A_686 : i32
        %swap3A_688 = arith.index_cast %add3A_687 : i32 to index
        %swap3A_689 = tpu.vector_load %arg8[%swap3A_688] {strides = array<i32>} : memref<8192xf32, #tpu.memory_space<vmem>>, vector<16xf32>,
        tpu.vector_store %arg8[%swap3A_688], %gather3A_684 {strides = array<i32>} : memref<8192xf32, #tpu.memory_space<vmem>>, vector<16xf32>,
        %scan3A_690 = arith.constant 3 : i32
        %scan3A_691 = arith.addi %scan3A_655, %scan3A_690 : i32
        %mul3A_692 = arith.constant 16 : i32
        %mul3A_693 = arith.muli %scan3A_691, %mul3A_692 : i32
        %add3A_694 = arith.addi %mul3A_625, %mul3A_693 : i32
        %get3A_695 = arith.index_cast %add3A_694 : i32 to index
        %get3A_696 = tpu.vector_load %arg6[%get3A_695] {strides = array<i32>} : memref<8192xi32, #tpu.memory_space<vmem>>, vector<16xi32>,
        %gather3A_697 = tpu.vector_load_idx %arg7[%get3A_696] : memref<100000xf32, #tpu.memory_space<vmem>>[vector<16xi32>], vector<16xf32>,
        %mul3A_698 = arith.constant 16 : i32
        %mul3A_699 = arith.muli %scan3A_691, %mul3A_698 : i32
        %add3A_700 = arith.addi %mul3A_598, %mul3A_699 : i32
        %swap3A_701 = arith.index_cast %add3A_700 : i32 to index
        %swap3A_702 = tpu.vector_load %arg8[%swap3A_701] {strides = array<i32>} : memref<8192xf32, #tpu.memory_space<vmem>>, vector<16xf32>,
        tpu.vector_store %arg8[%swap3A_701], %gather3A_697 {strides = array<i32>} : memref<8192xf32, #tpu.memory_space<vmem>>, vector<16xf32>,
        %scan3A_703 = arith.constant 4 : i32
        %scan3A_704 = arith.addi %scan3A_655, %scan3A_703 : i32
        %mul3A_705 = arith.constant 16 : i32
        %mul3A_706 = arith.muli %scan3A_704, %mul3A_705 : i32
        %add3A_707 = arith.addi %mul3A_625, %mul3A_706 : i32
        %get3A_708 = arith.index_cast %add3A_707 : i32 to index
        %get3A_709 = tpu.vector_load %arg6[%get3A_708] {strides = array<i32>} : memref<8192xi32, #tpu.memory_space<vmem>>, vector<16xi32>,
        %gather3A_710 = tpu.vector_load_idx %arg7[%get3A_709] : memref<100000xf32, #tpu.memory_space<vmem>>[vector<16xi32>], vector<16xf32>,
        %mul3A_711 = arith.constant 16 : i32
        %mul3A_712 = arith.muli %scan3A_704, %mul3A_711 : i32
        %add3A_713 = arith.addi %mul3A_598, %mul3A_712 : i32
        %swap3A_714 = arith.index_cast %add3A_713 : i32 to index
        %swap3A_715 = tpu.vector_load %arg8[%swap3A_714] {strides = array<i32>} : memref<8192xf32, #tpu.memory_space<vmem>>, vector<16xf32>,
        tpu.vector_store %arg8[%swap3A_714], %gather3A_710 {strides = array<i32>} : memref<8192xf32, #tpu.memory_space<vmem>>, vector<16xf32>,
        %scan3A_716 = arith.constant 5 : i32
        %scan3A_717 = arith.addi %scan3A_655, %scan3A_716 : i32
        %mul3A_718 = arith.constant 16 : i32
        %mul3A_719 = arith.muli %scan3A_717, %mul3A_718 : i32
        %add3A_720 = arith.addi %mul3A_625, %mul3A_719 : i32
        %get3A_721 = arith.index_cast %add3A_720 : i32 to index
        %get3A_722 = tpu.vector_load %arg6[%get3A_721] {strides = array<i32>} : memref<8192xi32, #tpu.memory_space<vmem>>, vector<16xi32>,
        %gather3A_723 = tpu.vector_load_idx %arg7[%get3A_722] : memref<100000xf32, #tpu.memory_space<vmem>>[vector<16xi32>], vector<16xf32>,
        %mul3A_724 = arith.constant 16 : i32
        %mul3A_725 = arith.muli %scan3A_717, %mul3A_724 : i32
        %add3A_726 = arith.addi %mul3A_598, %mul3A_725 : i32
        %swap3A_727 = arith.index_cast %add3A_726 : i32 to index
        %swap3A_728 = tpu.vector_load %arg8[%swap3A_727] {strides = array<i32>} : memref<8192xf32, #tpu.memory_space<vmem>>, vector<16xf32>,
        tpu.vector_store %arg8[%swap3A_727], %gather3A_723 {strides = array<i32>} : memref<8192xf32, #tpu.memory_space<vmem>>, vector<16xf32>,
        %scan3A_729 = arith.constant 6 : i32
        %scan3A_730 = arith.addi %scan3A_655, %scan3A_729 : i32
        %mul3A_731 = arith.constant 16 : i32
        %mul3A_732 = arith.muli %scan3A_730, %mul3A_731 : i32
        %add3A_733 = arith.addi %mul3A_625, %mul3A_732 : i32
        %get3A_734 = arith.index_cast %add3A_733 : i32 to index
        %get3A_735 = tpu.vector_load %arg6[%get3A_734] {strides = array<i32>} : memref<8192xi32, #tpu.memory_space<vmem>>, vector<16xi32>,
        %gather3A_736 = tpu.vector_load_idx %arg7[%get3A_735] : memref<100000xf32, #tpu.memory_space<vmem>>[vector<16xi32>], vector<16xf32>,
        %mul3A_737 = arith.constant 16 : i32
        %mul3A_738 = arith.muli %scan3A_730, %mul3A_737 : i32
        %add3A_739 = arith.addi %mul3A_598, %mul3A_738 : i32
        %swap3A_740 = arith.index_cast %add3A_739 : i32 to index
        %swap3A_741 = tpu.vector_load %arg8[%swap3A_740] {strides = array<i32>} : memref<8192xf32, #tpu.memory_space<vmem>>, vector<16xf32>,
        tpu.vector_store %arg8[%swap3A_740], %gather3A_736 {strides = array<i32>} : memref<8192xf32, #tpu.memory_space<vmem>>, vector<16xf32>,
        %scan3A_742 = arith.constant 7 : i32
        %scan3A_743 = arith.addi %scan3A_655, %scan3A_742 : i32
        %mul3A_744 = arith.constant 16 : i32
        %mul3A_745 = arith.muli %scan3A_743, %mul3A_744 : i32
        %add3A_746 = arith.addi %mul3A_625, %mul3A_745 : i32
        %get3A_747 = arith.index_cast %add3A_746 : i32 to index
        %get3A_748 = tpu.vector_load %arg6[%get3A_747] {strides = array<i32>} : memref<8192xi32, #tpu.memory_space<vmem>>, vector<16xi32>,
        %gather3A_749 = tpu.vector_load_idx %arg7[%get3A_748] : memref<100000xf32, #tpu.memory_space<vmem>>[vector<16xi32>], vector<16xf32>,
        %mul3A_750 = arith.constant 16 : i32
        %mul3A_751 = arith.muli %scan3A_743, %mul3A_750 : i32
        %add3A_752 = arith.addi %mul3A_598, %mul3A_751 : i32
        %swap3A_753 = arith.index_cast %add3A_752 : i32 to index
        %swap3A_754 = tpu.vector_load %arg8[%swap3A_753] {strides = array<i32>} : memref<8192xf32, #tpu.memory_space<vmem>>, vector<16xf32>,
        tpu.vector_store %arg8[%swap3A_753], %gather3A_749 {strides = array<i32>} : memref<8192xf32, #tpu.memory_space<vmem>>, vector<16xf32>,
      }
      %scan3A_643 = arith.constant 256 : i32
      %dma_start3A_644 = arith.constant 0 : i32
      %dma_start3A_645 = tpu.memref_slice %arg8[%mul3A_598] : memref<8192xf32, #tpu.memory_space<vmem>> -> memref<4096xf32, #tpu.memory_space<vmem>>
      %dma_start3A_646 = arith.constant 0 : i32
      %dma_start3A_647 = tpu.memref_slice %arg5[%while3A_577, %dma_start3A_644, %dma_start3A_646] : memref<52x8x4096xf32, #tpu.memory_space<hbm>> -> memref<1x1x4096xf32, #tpu.memory_space<hbm>>
      %dma_start3A_648 = tpu.memref_squeeze %dma_start3A_647 : memref<1x1x4096xf32, #tpu.memory_space<hbm>> -> memref<4096xf32, #tpu.memory_space<hbm>>
      %dma_start3A_649 = arith.constant 0 : i32
      %dma_start3A_650 = tpu.memref_slice %arg5[%while3A_577, %dma_start3A_644, %dma_start3A_649] : memref<52x8x4096xf32, #tpu.memory_space<hbm>> -> memref<1x1x4096xf32, #tpu.memory_space<hbm>>
      %dma_start3A_651 = tpu.memref_squeeze %dma_start3A_650 : memref<1x1x4096xf32, #tpu.memory_space<hbm>> -> memref<4096xf32, #tpu.memory_space<hbm>>
      %dma_start3A_652 = tpu.memref_slice %arg8[%mul3A_598] : memref<8192xf32, #tpu.memory_space<vmem>> -> memref<4096xf32, #tpu.memory_space<vmem>>
      tpu.enqueue_dma source(%dma_start3A_652 : memref<4096xf32, #tpu.memory_space<vmem>>) target(%dma_start3A_651 : memref<4096xf32, #tpu.memory_space<hbm>>) target_semaphore(%arg10 : memref<!tpu.dma_semaphore, #tpu.memory_space<semaphore_mem>>)
      %add3A_653 = arith.constant 1 : i32
      %add3A_654 = arith.addi %while3A_578, %add3A_653 : i32
      scf.yield %add3A_654 : i32
    }
    %add3A_90 = arith.constant 7 : i32
    %add3A_91 = arith.addi %mul3A_2, %add3A_90 : i32
    %sub3A_92 = arith.constant 1 : i32
    %sub3A_93 = arith.subi %add3A_91, %sub3A_92 : i32
    %jit3A_94 = arith.constant 8 : i32
    %div3A_95 = arith.divsi %sub3A_93, %jit3A_94 : i32
    %sign3A_96 = arith.constant 0 : i32
    %sign3A_97 = arith.cmpi sgt, %sub3A_93, %sign3A_96 : i32
    %sign3A_98 = arith.extui %sign3A_97 : i1 to i32
    %sign3A_99 = arith.constant 0 : i32
    %sign3A_100 = arith.cmpi slt, %sub3A_93, %sign3A_99 : i32
    %sign3A_101 = arith.extui %sign3A_100 : i1 to i32
    %sign3A_102 = arith.subi %sign3A_98, %sign3A_101 : i32
    %sign3A_103 = arith.constant 0 : i32
    %sign3A_104 = arith.cmpi sgt, %jit3A_94, %sign3A_103 : i32
    %sign3A_105 = arith.extui %sign3A_104 : i1 to i32
    %sign3A_106 = arith.constant 0 : i32
    %sign3A_107 = arith.cmpi slt, %jit3A_94, %sign3A_106 : i32
    %sign3A_108 = arith.extui %sign3A_107 : i1 to i32
    %sign3A_109 = arith.subi %sign3A_105, %sign3A_108 : i32
    %ne3A_110 = arith.cmpi ne, %sign3A_102, %sign3A_109 : i32
    %rem3A_111 = arith.remsi %sub3A_93, %jit3A_94 : i32
    %ne3A_112 = arith.constant 0 : i32
    %ne3A_113 = arith.cmpi ne, %rem3A_111, %ne3A_112 : i32
    %and3A_114 = arith.andi %ne3A_110, %ne3A_113 : i1
    %sub3A_115 = arith.constant 1 : i32
    %sub3A_116 = arith.subi %div3A_95, %sub3A_115 : i32
    %select_n3A_117 = arith.select %and3A_114, %sub3A_116, %div3A_95 : i32
    %add3A_118 = arith.constant 13 : i32
    %add3A_119 = arith.addi %mul3A_2, %add3A_118 : i32
    %add3A_120 = arith.constant 7 : i32
    %add3A_121 = arith.addi %add3A_119, %add3A_120 : i32
    %sub3A_122 = arith.constant 1 : i32
    %sub3A_123 = arith.subi %add3A_121, %sub3A_122 : i32
    %jit3A_124 = arith.constant 8 : i32
    %div3A_125 = arith.divsi %sub3A_123, %jit3A_124 : i32
    %sign3A_126 = arith.constant 0 : i32
    %sign3A_127 = arith.cmpi sgt, %sub3A_123, %sign3A_126 : i32
    %sign3A_128 = arith.extui %sign3A_127 : i1 to i32
    %sign3A_129 = arith.constant 0 : i32
    %sign3A_130 = arith.cmpi slt, %sub3A_123, %sign3A_129 : i32
    %sign3A_131 = arith.extui %sign3A_130 : i1 to i32
    %sign3A_132 = arith.subi %sign3A_128, %sign3A_131 : i32
    %sign3A_133 = arith.constant 0 : i32
    %sign3A_134 = arith.cmpi sgt, %jit3A_124, %sign3A_133 : i32
    %sign3A_135 = arith.extui %sign3A_134 : i1 to i32
    %sign3A_136 = arith.constant 0 : i32
    %sign3A_137 = arith.cmpi slt, %jit3A_124, %sign3A_136 : i32
    %sign3A_138 = arith.extui %sign3A_137 : i1 to i32
    %sign3A_139 = arith.subi %sign3A_135, %sign3A_138 : i32
    %ne3A_140 = arith.cmpi ne, %sign3A_132, %sign3A_139 : i32
    %rem3A_141 = arith.remsi %sub3A_123, %jit3A_124 : i32
    %ne3A_142 = arith.constant 0 : i32
    %ne3A_143 = arith.cmpi ne, %rem3A_141, %ne3A_142 : i32
    %and3A_144 = arith.andi %ne3A_140, %ne3A_143 : i1
    %sub3A_145 = arith.constant 1 : i32
    %sub3A_146 = arith.subi %div3A_125, %sub3A_145 : i32
    %select_n3A_147 = arith.select %and3A_144, %sub3A_146, %div3A_125 : i32
    %while3A_148 = arith.subi %select_n3A_147, %select_n3A_117 : i32
    %while3A_149 = arith.addi %select_n3A_117, %while3A_148 : i32
    %while3A_150 = arith.constant 1 : i32
    %while3A_151 = arith.divsi %while3A_148, %while3A_150 : i32
    %while3A_152 = arith.muli %while3A_151, %while3A_150 : i32
    %while3A_153 = arith.addi %select_n3A_117, %while3A_152 : i32
    %while3A_154 = arith.constant 1 : i32
    %while3A_155 = scf.for %while3A_577 = %select_n3A_117 to %while3A_153 step %while3A_154 iter_args(%while3A_578 = %while3A_89) -> (i32)  : i32 {
      %mul3A_579 = arith.constant 8 : i32
      %mul3A_580 = arith.muli %while3A_577, %mul3A_579 : i32
      %add3A_581 = arith.constant 1 : i32
      %add3A_582 = arith.addi %mul3A_580, %add3A_581 : i32
      %dma_start3A = arith.constant 1 : i32
      %dma_start3A_583 = arith.constant 0 : i32
      %dma_start3A_584 = tpu.memref_slice %arg7[%dma_start3A_583] : memref<100000xf32, #tpu.memory_space<vmem>> -> memref<99968xf32, #tpu.memory_space<vmem>>
      %dma_start3A_585 = arith.constant 0 : i32
      %dma_start3A_586 = tpu.memref_slice %arg3[%while3A_577, %dma_start3A, %dma_start3A_585] : memref<52x8x100000xf32, #tpu.memory_space<hbm>> -> memref<1x1x99968xf32, #tpu.memory_space<hbm>>
      %dma_start3A_587 = tpu.memref_squeeze %dma_start3A_586 : memref<1x1x99968xf32, #tpu.memory_space<hbm>> -> memref<99968xf32, #tpu.memory_space<hbm>>
      %dma_start3A_588 = arith.constant 0 : i32
      %dma_start3A_589 = tpu.memref_slice %arg7[%dma_start3A_588] : memref<100000xf32, #tpu.memory_space<vmem>> -> memref<99968xf32, #tpu.memory_space<vmem>>
      %dma_start3A_590 = arith.constant 0 : i32
      %dma_start3A_591 = tpu.memref_slice %arg3[%while3A_577, %dma_start3A, %dma_start3A_590] : memref<52x8x100000xf32, #tpu.memory_space<hbm>> -> memref<1x1x99968xf32, #tpu.memory_space<hbm>>
      %dma_start3A_592 = tpu.memref_squeeze %dma_start3A_591 : memref<1x1x99968xf32, #tpu.memory_space<hbm>> -> memref<99968xf32, #tpu.memory_space<hbm>>
      tpu.enqueue_dma source(%dma_start3A_592 : memref<99968xf32, #tpu.memory_space<hbm>>) target(%dma_start3A_589 : memref<99968xf32, #tpu.memory_space<vmem>>) target_semaphore(%arg9 : memref<!tpu.dma_semaphore, #tpu.memory_space<semaphore_mem>>)
      %mul3A_593 = arith.constant 32 : i32
      %mul3A_594 = arith.muli %add3A_582, %mul3A_593 : i32
      "tpu.region"() ({
        %run_scoped3A = tpu.sem_alloc : memref<!tpu.dma_semaphore, #tpu.memory_space<semaphore_mem>>
        %dma_start3A_655 = arith.constant 99968 : i32
        %dma_start3A_656 = tpu.memref_slice %arg7[%dma_start3A_655] : memref<100000xf32, #tpu.memory_space<vmem>> -> memref<32xf32, #tpu.memory_space<vmem>>
        %dma_start3A_657 = tpu.memref_slice %arg4[%mul3A_594] : memref<13312xf32, #tpu.memory_space<hbm>> -> memref<32xf32, #tpu.memory_space<hbm>>
        %dma_start3A_658 = arith.constant 99968 : i32
        %dma_start3A_659 = tpu.memref_slice %arg7[%dma_start3A_658] : memref<100000xf32, #tpu.memory_space<vmem>> -> memref<32xf32, #tpu.memory_space<vmem>>
        %dma_start3A_660 = tpu.memref_slice %arg4[%mul3A_594] : memref<13312xf32, #tpu.memory_space<hbm>> -> memref<32xf32, #tpu.memory_space<hbm>>
        tpu.enqueue_dma source(%dma_start3A_660 : memref<32xf32, #tpu.memory_space<hbm>>) target(%dma_start3A_659 : memref<32xf32, #tpu.memory_space<vmem>>) target_semaphore(%run_scoped3A : memref<!tpu.dma_semaphore, #tpu.memory_space<semaphore_mem>>)
        %dma_wait3A_661 = arith.constant 99968 : i32
        %dma_wait3A_662 = tpu.memref_slice %arg7[%dma_wait3A_661] : memref<100000xf32, #tpu.memory_space<vmem>> -> memref<32xf32, #tpu.memory_space<vmem>>
        %dma_wait3A_663 = tpu.memref_slice %arg4[%mul3A_594] : memref<13312xf32, #tpu.memory_space<hbm>> -> memref<32xf32, #tpu.memory_space<hbm>>
        %dma_wait3A_664 = arith.constant 99968 : i32
        %dma_wait3A_665 = tpu.memref_slice %arg7[%dma_wait3A_664] : memref<100000xf32, #tpu.memory_space<vmem>> -> memref<32xf32, #tpu.memory_space<vmem>>
        %dma_wait3A_666 = tpu.memref_slice %arg4[%mul3A_594] : memref<13312xf32, #tpu.memory_space<hbm>> -> memref<32xf32, #tpu.memory_space<hbm>>
        tpu.wait_dma2 semaphore(%run_scoped3A : memref<!tpu.dma_semaphore, #tpu.memory_space<semaphore_mem>>) src(%dma_wait3A_666 : memref<32xf32, #tpu.memory_space<hbm>>) dst(%dma_wait3A_665 : memref<32xf32, #tpu.memory_space<vmem>>)
        tpu.yield
      }) : () -> ()
      %rem3A_595 = arith.constant 2 : i32
      %rem3A_596 = arith.remsi %while3A_578, %rem3A_595 : i32
      %mul3A_597 = arith.constant 4096 : i32
      %mul3A_598 = arith.muli %rem3A_596, %mul3A_597 : i32
      %jit3A_599 = arith.constant 16 : i32
      %div3A_600 = arith.divsi %add3A_582, %jit3A_599 : i32
      %sign3A_601 = arith.constant 0 : i32
      %sign3A_602 = arith.cmpi sgt, %add3A_582, %sign3A_601 : i32
      %sign3A_603 = arith.extui %sign3A_602 : i1 to i32
      %sign3A_604 = arith.constant 0 : i32
      %sign3A_605 = arith.cmpi slt, %add3A_582, %sign3A_604 : i32
      %sign3A_606 = arith.extui %sign3A_605 : i1 to i32
      %sign3A_607 = arith.subi %sign3A_603, %sign3A_606 : i32
      %sign3A_608 = arith.constant 0 : i32
      %sign3A_609 = arith.cmpi sgt, %jit3A_599, %sign3A_608 : i32
      %sign3A_610 = arith.extui %sign3A_609 : i1 to i32
      %sign3A_611 = arith.constant 0 : i32
      %sign3A_612 = arith.cmpi slt, %jit3A_599, %sign3A_611 : i32
      %sign3A_613 = arith.extui %sign3A_612 : i1 to i32
      %sign3A_614 = arith.subi %sign3A_610, %sign3A_613 : i32
      %ne3A_615 = arith.cmpi ne, %sign3A_607, %sign3A_614 : i32
      %rem3A_616 = arith.remsi %add3A_582, %jit3A_599 : i32
      %ne3A_617 = arith.constant 0 : i32
      %ne3A_618 = arith.cmpi ne, %rem3A_616, %ne3A_617 : i32
      %and3A_619 = arith.andi %ne3A_615, %ne3A_618 : i1
      %sub3A_620 = arith.constant 1 : i32
      %sub3A_621 = arith.subi %div3A_600, %sub3A_620 : i32
      %select_n3A_622 = arith.select %and3A_619, %sub3A_621, %div3A_600 : i32
      %sub3A_623 = arith.subi %select_n3A_622, %select_n3A : i32
      %mul3A_624 = arith.constant 4096 : i32
      %mul3A_625 = arith.muli %sub3A_623, %mul3A_624 : i32
      %dma_wait3A_626 = arith.constant 1 : i32
      %dma_wait3A_627 = arith.constant 0 : i32
      %dma_wait3A_628 = tpu.memref_slice %arg7[%dma_wait3A_627] : memref<100000xf32, #tpu.memory_space<vmem>> -> memref<99968xf32, #tpu.memory_space<vmem>>
      %dma_wait3A_629 = arith.constant 0 : i32
      %dma_wait3A_630 = tpu.memref_slice %arg3[%while3A_577, %dma_wait3A_626, %dma_wait3A_629] : memref<52x8x100000xf32, #tpu.memory_space<hbm>> -> memref<1x1x99968xf32, #tpu.memory_space<hbm>>
      %dma_wait3A_631 = tpu.memref_squeeze %dma_wait3A_630 : memref<1x1x99968xf32, #tpu.memory_space<hbm>> -> memref<99968xf32, #tpu.memory_space<hbm>>
      %dma_wait3A_632 = arith.constant 0 : i32
      %dma_wait3A_633 = tpu.memref_slice %arg7[%dma_wait3A_632] : memref<100000xf32, #tpu.memory_space<vmem>> -> memref<99968xf32, #tpu.memory_space<vmem>>
      %dma_wait3A_634 = arith.constant 0 : i32
      %dma_wait3A_635 = tpu.memref_slice %arg3[%while3A_577, %dma_wait3A_626, %dma_wait3A_634] : memref<52x8x100000xf32, #tpu.memory_space<hbm>> -> memref<1x1x99968xf32, #tpu.memory_space<hbm>>
      %dma_wait3A_636 = tpu.memref_squeeze %dma_wait3A_635 : memref<1x1x99968xf32, #tpu.memory_space<hbm>> -> memref<99968xf32, #tpu.memory_space<hbm>>
      tpu.wait_dma2 semaphore(%arg9 : memref<!tpu.dma_semaphore, #tpu.memory_space<semaphore_mem>>) src(%dma_wait3A_636 : memref<99968xf32, #tpu.memory_space<hbm>>) dst(%dma_wait3A_633 : memref<99968xf32, #tpu.memory_space<vmem>>)
      %gt3A = arith.constant 0 : i32
      %gt3A_637 = arith.cmpi sgt, %while3A_578, %gt3A : i32
      %convert_element_type3A = arith.extui %gt3A_637 : i1 to i32
      %cond3A = arith.constant 0 : i32
      %cond3A_638 = arith.cmpi ne, %convert_element_type3A, %cond3A : i32
      scf.if %cond3A_638 {
        %dma_wait3A_655 = arith.constant 1 : i32
        %dma_wait3A_656 = arith.constant 0 : i32
        %dma_wait3A_657 = tpu.memref_slice %arg8[%dma_wait3A_656] : memref<8192xf32, #tpu.memory_space<vmem>> -> memref<4096xf32, #tpu.memory_space<vmem>>
        %dma_wait3A_658 = arith.constant 0 : i32
        %dma_wait3A_659 = tpu.memref_slice %arg5[%while3A_577, %dma_wait3A_655, %dma_wait3A_658] : memref<52x8x4096xf32, #tpu.memory_space<hbm>> -> memref<1x1x4096xf32, #tpu.memory_space<hbm>>
        %dma_wait3A_660 = tpu.memref_squeeze %dma_wait3A_659 : memref<1x1x4096xf32, #tpu.memory_space<hbm>> -> memref<4096xf32, #tpu.memory_space<hbm>>
        %dma_wait3A_661 = arith.constant 0 : i32
        %dma_wait3A_662 = tpu.memref_slice %arg5[%while3A_577, %dma_wait3A_655, %dma_wait3A_661] : memref<52x8x4096xf32, #tpu.memory_space<hbm>> -> memref<1x1x4096xf32, #tpu.memory_space<hbm>>
        %dma_wait3A_663 = tpu.memref_squeeze %dma_wait3A_662 : memref<1x1x4096xf32, #tpu.memory_space<hbm>> -> memref<4096xf32, #tpu.memory_space<hbm>>
        %dma_wait3A_664 = arith.constant 0 : i32
        %dma_wait3A_665 = tpu.memref_slice %arg8[%dma_wait3A_664] : memref<8192xf32, #tpu.memory_space<vmem>> -> memref<4096xf32, #tpu.memory_space<vmem>>
        tpu.wait_dma2 semaphore(%arg10 : memref<!tpu.dma_semaphore, #tpu.memory_space<semaphore_mem>>) src(%dma_wait3A_665 : memref<4096xf32, #tpu.memory_space<vmem>>) dst(%dma_wait3A_663 : memref<4096xf32, #tpu.memory_space<hbm>>)
      } else {
      }
      %scan3A = arith.constant 0 : i32
      %scan3A_639 = arith.constant 0 : i32
      %scan3A_640 = arith.constant 256 : i32
      %scan3A_641 = arith.addi %scan3A_639, %scan3A_640 : i32
      %scan3A_642 = arith.constant 8 : i32
      scf.for %scan3A_655 = %scan3A_639 to %scan3A_641 step %scan3A_642  : i32 {
        %mul3A_656 = arith.constant 16 : i32
        %mul3A_657 = arith.muli %scan3A_655, %mul3A_656 : i32
        %add3A_658 = arith.addi %mul3A_625, %mul3A_657 : i32
        %get3A = arith.index_cast %add3A_658 : i32 to index
        %get3A_659 = tpu.vector_load %arg6[%get3A] {strides = array<i32>} : memref<8192xi32, #tpu.memory_space<vmem>>, vector<16xi32>,
        %gather3A = tpu.vector_load_idx %arg7[%get3A_659] : memref<100000xf32, #tpu.memory_space<vmem>>[vector<16xi32>], vector<16xf32>,
        %mul3A_660 = arith.constant 16 : i32
        %mul3A_661 = arith.muli %scan3A_655, %mul3A_660 : i32
        %add3A_662 = arith.addi %mul3A_598, %mul3A_661 : i32
        %swap3A = arith.index_cast %add3A_662 : i32 to index
        %swap3A_663 = tpu.vector_load %arg8[%swap3A] {strides = array<i32>} : memref<8192xf32, #tpu.memory_space<vmem>>, vector<16xf32>,
        tpu.vector_store %arg8[%swap3A], %gather3A {strides = array<i32>} : memref<8192xf32, #tpu.memory_space<vmem>>, vector<16xf32>,
        %scan3A_664 = arith.constant 1 : i32
        %scan3A_665 = arith.addi %scan3A_655, %scan3A_664 : i32
        %mul3A_666 = arith.constant 16 : i32
        %mul3A_667 = arith.muli %scan3A_665, %mul3A_666 : i32
        %add3A_668 = arith.addi %mul3A_625, %mul3A_667 : i32
        %get3A_669 = arith.index_cast %add3A_668 : i32 to index
        %get3A_670 = tpu.vector_load %arg6[%get3A_669] {strides = array<i32>} : memref<8192xi32, #tpu.memory_space<vmem>>, vector<16xi32>,
        %gather3A_671 = tpu.vector_load_idx %arg7[%get3A_670] : memref<100000xf32, #tpu.memory_space<vmem>>[vector<16xi32>], vector<16xf32>,
        %mul3A_672 = arith.constant 16 : i32
        %mul3A_673 = arith.muli %scan3A_665, %mul3A_672 : i32
        %add3A_674 = arith.addi %mul3A_598, %mul3A_673 : i32
        %swap3A_675 = arith.index_cast %add3A_674 : i32 to index
        %swap3A_676 = tpu.vector_load %arg8[%swap3A_675] {strides = array<i32>} : memref<8192xf32, #tpu.memory_space<vmem>>, vector<16xf32>,
        tpu.vector_store %arg8[%swap3A_675], %gather3A_671 {strides = array<i32>} : memref<8192xf32, #tpu.memory_space<vmem>>, vector<16xf32>,
        %scan3A_677 = arith.constant 2 : i32
        %scan3A_678 = arith.addi %scan3A_655, %scan3A_677 : i32
        %mul3A_679 = arith.constant 16 : i32
        %mul3A_680 = arith.muli %scan3A_678, %mul3A_679 : i32
        %add3A_681 = arith.addi %mul3A_625, %mul3A_680 : i32
        %get3A_682 = arith.index_cast %add3A_681 : i32 to index
        %get3A_683 = tpu.vector_load %arg6[%get3A_682] {strides = array<i32>} : memref<8192xi32, #tpu.memory_space<vmem>>, vector<16xi32>,
        %gather3A_684 = tpu.vector_load_idx %arg7[%get3A_683] : memref<100000xf32, #tpu.memory_space<vmem>>[vector<16xi32>], vector<16xf32>,
        %mul3A_685 = arith.constant 16 : i32
        %mul3A_686 = arith.muli %scan3A_678, %mul3A_685 : i32
        %add3A_687 = arith.addi %mul3A_598, %mul3A_686 : i32
        %swap3A_688 = arith.index_cast %add3A_687 : i32 to index
        %swap3A_689 = tpu.vector_load %arg8[%swap3A_688] {strides = array<i32>} : memref<8192xf32, #tpu.memory_space<vmem>>, vector<16xf32>,
        tpu.vector_store %arg8[%swap3A_688], %gather3A_684 {strides = array<i32>} : memref<8192xf32, #tpu.memory_space<vmem>>, vector<16xf32>,
        %scan3A_690 = arith.constant 3 : i32
        %scan3A_691 = arith.addi %scan3A_655, %scan3A_690 : i32
        %mul3A_692 = arith.constant 16 : i32
        %mul3A_693 = arith.muli %scan3A_691, %mul3A_692 : i32
        %add3A_694 = arith.addi %mul3A_625, %mul3A_693 : i32
        %get3A_695 = arith.index_cast %add3A_694 : i32 to index
        %get3A_696 = tpu.vector_load %arg6[%get3A_695] {strides = array<i32>} : memref<8192xi32, #tpu.memory_space<vmem>>, vector<16xi32>,
        %gather3A_697 = tpu.vector_load_idx %arg7[%get3A_696] : memref<100000xf32, #tpu.memory_space<vmem>>[vector<16xi32>], vector<16xf32>,
        %mul3A_698 = arith.constant 16 : i32
        %mul3A_699 = arith.muli %scan3A_691, %mul3A_698 : i32
        %add3A_700 = arith.addi %mul3A_598, %mul3A_699 : i32
        %swap3A_701 = arith.index_cast %add3A_700 : i32 to index
        %swap3A_702 = tpu.vector_load %arg8[%swap3A_701] {strides = array<i32>} : memref<8192xf32, #tpu.memory_space<vmem>>, vector<16xf32>,
        tpu.vector_store %arg8[%swap3A_701], %gather3A_697 {strides = array<i32>} : memref<8192xf32, #tpu.memory_space<vmem>>, vector<16xf32>,
        %scan3A_703 = arith.constant 4 : i32
        %scan3A_704 = arith.addi %scan3A_655, %scan3A_703 : i32
        %mul3A_705 = arith.constant 16 : i32
        %mul3A_706 = arith.muli %scan3A_704, %mul3A_705 : i32
        %add3A_707 = arith.addi %mul3A_625, %mul3A_706 : i32
        %get3A_708 = arith.index_cast %add3A_707 : i32 to index
        %get3A_709 = tpu.vector_load %arg6[%get3A_708] {strides = array<i32>} : memref<8192xi32, #tpu.memory_space<vmem>>, vector<16xi32>,
        %gather3A_710 = tpu.vector_load_idx %arg7[%get3A_709] : memref<100000xf32, #tpu.memory_space<vmem>>[vector<16xi32>], vector<16xf32>,
        %mul3A_711 = arith.constant 16 : i32
        %mul3A_712 = arith.muli %scan3A_704, %mul3A_711 : i32
        %add3A_713 = arith.addi %mul3A_598, %mul3A_712 : i32
        %swap3A_714 = arith.index_cast %add3A_713 : i32 to index
        %swap3A_715 = tpu.vector_load %arg8[%swap3A_714] {strides = array<i32>} : memref<8192xf32, #tpu.memory_space<vmem>>, vector<16xf32>,
        tpu.vector_store %arg8[%swap3A_714], %gather3A_710 {strides = array<i32>} : memref<8192xf32, #tpu.memory_space<vmem>>, vector<16xf32>,
        %scan3A_716 = arith.constant 5 : i32
        %scan3A_717 = arith.addi %scan3A_655, %scan3A_716 : i32
        %mul3A_718 = arith.constant 16 : i32
        %mul3A_719 = arith.muli %scan3A_717, %mul3A_718 : i32
        %add3A_720 = arith.addi %mul3A_625, %mul3A_719 : i32
        %get3A_721 = arith.index_cast %add3A_720 : i32 to index
        %get3A_722 = tpu.vector_load %arg6[%get3A_721] {strides = array<i32>} : memref<8192xi32, #tpu.memory_space<vmem>>, vector<16xi32>,
        %gather3A_723 = tpu.vector_load_idx %arg7[%get3A_722] : memref<100000xf32, #tpu.memory_space<vmem>>[vector<16xi32>], vector<16xf32>,
        %mul3A_724 = arith.constant 16 : i32
        %mul3A_725 = arith.muli %scan3A_717, %mul3A_724 : i32
        %add3A_726 = arith.addi %mul3A_598, %mul3A_725 : i32
        %swap3A_727 = arith.index_cast %add3A_726 : i32 to index
        %swap3A_728 = tpu.vector_load %arg8[%swap3A_727] {strides = array<i32>} : memref<8192xf32, #tpu.memory_space<vmem>>, vector<16xf32>,
        tpu.vector_store %arg8[%swap3A_727], %gather3A_723 {strides = array<i32>} : memref<8192xf32, #tpu.memory_space<vmem>>, vector<16xf32>,
        %scan3A_729 = arith.constant 6 : i32
        %scan3A_730 = arith.addi %scan3A_655, %scan3A_729 : i32
        %mul3A_731 = arith.constant 16 : i32
        %mul3A_732 = arith.muli %scan3A_730, %mul3A_731 : i32
        %add3A_733 = arith.addi %mul3A_625, %mul3A_732 : i32
        %get3A_734 = arith.index_cast %add3A_733 : i32 to index
        %get3A_735 = tpu.vector_load %arg6[%get3A_734] {strides = array<i32>} : memref<8192xi32, #tpu.memory_space<vmem>>, vector<16xi32>,
        %gather3A_736 = tpu.vector_load_idx %arg7[%get3A_735] : memref<100000xf32, #tpu.memory_space<vmem>>[vector<16xi32>], vector<16xf32>,
        %mul3A_737 = arith.constant 16 : i32
        %mul3A_738 = arith.muli %scan3A_730, %mul3A_737 : i32
        %add3A_739 = arith.addi %mul3A_598, %mul3A_738 : i32
        %swap3A_740 = arith.index_cast %add3A_739 : i32 to index
        %swap3A_741 = tpu.vector_load %arg8[%swap3A_740] {strides = array<i32>} : memref<8192xf32, #tpu.memory_space<vmem>>, vector<16xf32>,
        tpu.vector_store %arg8[%swap3A_740], %gather3A_736 {strides = array<i32>} : memref<8192xf32, #tpu.memory_space<vmem>>, vector<16xf32>,
        %scan3A_742 = arith.constant 7 : i32
        %scan3A_743 = arith.addi %scan3A_655, %scan3A_742 : i32
        %mul3A_744 = arith.constant 16 : i32
        %mul3A_745 = arith.muli %scan3A_743, %mul3A_744 : i32
        %add3A_746 = arith.addi %mul3A_625, %mul3A_745 : i32
        %get3A_747 = arith.index_cast %add3A_746 : i32 to index
        %get3A_748 = tpu.vector_load %arg6[%get3A_747] {strides = array<i32>} : memref<8192xi32, #tpu.memory_space<vmem>>, vector<16xi32>,
        %gather3A_749 = tpu.vector_load_idx %arg7[%get3A_748] : memref<100000xf32, #tpu.memory_space<vmem>>[vector<16xi32>], vector<16xf32>,
        %mul3A_750 = arith.constant 16 : i32
        %mul3A_751 = arith.muli %scan3A_743, %mul3A_750 : i32
        %add3A_752 = arith.addi %mul3A_598, %mul3A_751 : i32
        %swap3A_753 = arith.index_cast %add3A_752 : i32 to index
        %swap3A_754 = tpu.vector_load %arg8[%swap3A_753] {strides = array<i32>} : memref<8192xf32, #tpu.memory_space<vmem>>, vector<16xf32>,
        tpu.vector_store %arg8[%swap3A_753], %gather3A_749 {strides = array<i32>} : memref<8192xf32, #tpu.memory_space<vmem>>, vector<16xf32>,
      }
      %scan3A_643 = arith.constant 256 : i32
      %dma_start3A_644 = arith.constant 1 : i32
      %dma_start3A_645 = tpu.memref_slice %arg8[%mul3A_598] : memref<8192xf32, #tpu.memory_space<vmem>> -> memref<4096xf32, #tpu.memory_space<vmem>>
      %dma_start3A_646 = arith.constant 0 : i32
      %dma_start3A_647 = tpu.memref_slice %arg5[%while3A_577, %dma_start3A_644, %dma_start3A_646] : memref<52x8x4096xf32, #tpu.memory_space<hbm>> -> memref<1x1x4096xf32, #tpu.memory_space<hbm>>
      %dma_start3A_648 = tpu.memref_squeeze %dma_start3A_647 : memref<1x1x4096xf32, #tpu.memory_space<hbm>> -> memref<4096xf32, #tpu.memory_space<hbm>>
      %dma_start3A_649 = arith.constant 0 : i32
      %dma_start3A_650 = tpu.memref_slice %arg5[%while3A_577, %dma_start3A_644, %dma_start3A_649] : memref<52x8x4096xf32, #tpu.memory_space<hbm>> -> memref<1x1x4096xf32, #tpu.memory_space<hbm>>
      %dma_start3A_651 = tpu.memref_squeeze %dma_start3A_650 : memref<1x1x4096xf32, #tpu.memory_space<hbm>> -> memref<4096xf32, #tpu.memory_space<hbm>>
      %dma_start3A_652 = tpu.memref_slice %arg8[%mul3A_598] : memref<8192xf32, #tpu.memory_space<vmem>> -> memref<4096xf32, #tpu.memory_space<vmem>>
      tpu.enqueue_dma source(%dma_start3A_652 : memref<4096xf32, #tpu.memory_space<vmem>>) target(%dma_start3A_651 : memref<4096xf32, #tpu.memory_space<hbm>>) target_semaphore(%arg10 : memref<!tpu.dma_semaphore, #tpu.memory_space<semaphore_mem>>)
      %add3A_653 = arith.constant 1 : i32
      %add3A_654 = arith.addi %while3A_578, %add3A_653 : i32
      scf.yield %add3A_654 : i32
    }
    %while3A_156 = arith.constant 1 : i32
    %while3A_157 = scf.for %while3A_577 = %while3A_153 to %while3A_149 step %while3A_156 iter_args(%while3A_578 = %while3A_155) -> (i32)  : i32 {
      %mul3A_579 = arith.constant 8 : i32
      %mul3A_580 = arith.muli %while3A_577, %mul3A_579 : i32
      %add3A_581 = arith.constant 1 : i32
      %add3A_582 = arith.addi %mul3A_580, %add3A_581 : i32
      %dma_start3A = arith.constant 1 : i32
      %dma_start3A_583 = arith.constant 0 : i32
      %dma_start3A_584 = tpu.memref_slice %arg7[%dma_start3A_583] : memref<100000xf32, #tpu.memory_space<vmem>> -> memref<99968xf32, #tpu.memory_space<vmem>>
      %dma_start3A_585 = arith.constant 0 : i32
      %dma_start3A_586 = tpu.memref_slice %arg3[%while3A_577, %dma_start3A, %dma_start3A_585] : memref<52x8x100000xf32, #tpu.memory_space<hbm>> -> memref<1x1x99968xf32, #tpu.memory_space<hbm>>
      %dma_start3A_587 = tpu.memref_squeeze %dma_start3A_586 : memref<1x1x99968xf32, #tpu.memory_space<hbm>> -> memref<99968xf32, #tpu.memory_space<hbm>>
      %dma_start3A_588 = arith.constant 0 : i32
      %dma_start3A_589 = tpu.memref_slice %arg7[%dma_start3A_588] : memref<100000xf32, #tpu.memory_space<vmem>> -> memref<99968xf32, #tpu.memory_space<vmem>>
      %dma_start3A_590 = arith.constant 0 : i32
      %dma_start3A_591 = tpu.memref_slice %arg3[%while3A_577, %dma_start3A, %dma_start3A_590] : memref<52x8x100000xf32, #tpu.memory_space<hbm>> -> memref<1x1x99968xf32, #tpu.memory_space<hbm>>
      %dma_start3A_592 = tpu.memref_squeeze %dma_start3A_591 : memref<1x1x99968xf32, #tpu.memory_space<hbm>> -> memref<99968xf32, #tpu.memory_space<hbm>>
      tpu.enqueue_dma source(%dma_start3A_592 : memref<99968xf32, #tpu.memory_space<hbm>>) target(%dma_start3A_589 : memref<99968xf32, #tpu.memory_space<vmem>>) target_semaphore(%arg9 : memref<!tpu.dma_semaphore, #tpu.memory_space<semaphore_mem>>)
      %mul3A_593 = arith.constant 32 : i32
      %mul3A_594 = arith.muli %add3A_582, %mul3A_593 : i32
      "tpu.region"() ({
        %run_scoped3A = tpu.sem_alloc : memref<!tpu.dma_semaphore, #tpu.memory_space<semaphore_mem>>
        %dma_start3A_655 = arith.constant 99968 : i32
        %dma_start3A_656 = tpu.memref_slice %arg7[%dma_start3A_655] : memref<100000xf32, #tpu.memory_space<vmem>> -> memref<32xf32, #tpu.memory_space<vmem>>
        %dma_start3A_657 = tpu.memref_slice %arg4[%mul3A_594] : memref<13312xf32, #tpu.memory_space<hbm>> -> memref<32xf32, #tpu.memory_space<hbm>>
        %dma_start3A_658 = arith.constant 99968 : i32
        %dma_start3A_659 = tpu.memref_slice %arg7[%dma_start3A_658] : memref<100000xf32, #tpu.memory_space<vmem>> -> memref<32xf32, #tpu.memory_space<vmem>>
        %dma_start3A_660 = tpu.memref_slice %arg4[%mul3A_594] : memref<13312xf32, #tpu.memory_space<hbm>> -> memref<32xf32, #tpu.memory_space<hbm>>
        tpu.enqueue_dma source(%dma_start3A_660 : memref<32xf32, #tpu.memory_space<hbm>>) target(%dma_start3A_659 : memref<32xf32, #tpu.memory_space<vmem>>) target_semaphore(%run_scoped3A : memref<!tpu.dma_semaphore, #tpu.memory_space<semaphore_mem>>)
        %dma_wait3A_661 = arith.constant 99968 : i32
        %dma_wait3A_662 = tpu.memref_slice %arg7[%dma_wait3A_661] : memref<100000xf32, #tpu.memory_space<vmem>> -> memref<32xf32, #tpu.memory_space<vmem>>
        %dma_wait3A_663 = tpu.memref_slice %arg4[%mul3A_594] : memref<13312xf32, #tpu.memory_space<hbm>> -> memref<32xf32, #tpu.memory_space<hbm>>
        %dma_wait3A_664 = arith.constant 99968 : i32
        %dma_wait3A_665 = tpu.memref_slice %arg7[%dma_wait3A_664] : memref<100000xf32, #tpu.memory_space<vmem>> -> memref<32xf32, #tpu.memory_space<vmem>>
        %dma_wait3A_666 = tpu.memref_slice %arg4[%mul3A_594] : memref<13312xf32, #tpu.memory_space<hbm>> -> memref<32xf32, #tpu.memory_space<hbm>>
        tpu.wait_dma2 semaphore(%run_scoped3A : memref<!tpu.dma_semaphore, #tpu.memory_space<semaphore_mem>>) src(%dma_wait3A_666 : memref<32xf32, #tpu.memory_space<hbm>>) dst(%dma_wait3A_665 : memref<32xf32, #tpu.memory_space<vmem>>)
        tpu.yield
      }) : () -> ()
      %rem3A_595 = arith.constant 2 : i32
      %rem3A_596 = arith.remsi %while3A_578, %rem3A_595 : i32
      %mul3A_597 = arith.constant 4096 : i32
      %mul3A_598 = arith.muli %rem3A_596, %mul3A_597 : i32
      %jit3A_599 = arith.constant 16 : i32
      %div3A_600 = arith.divsi %add3A_582, %jit3A_599 : i32
      %sign3A_601 = arith.constant 0 : i32
      %sign3A_602 = arith.cmpi sgt, %add3A_582, %sign3A_601 : i32
      %sign3A_603 = arith.extui %sign3A_602 : i1 to i32
      %sign3A_604 = arith.constant 0 : i32
      %sign3A_605 = arith.cmpi slt, %add3A_582, %sign3A_604 : i32
      %sign3A_606 = arith.extui %sign3A_605 : i1 to i32
      %sign3A_607 = arith.subi %sign3A_603, %sign3A_606 : i32
      %sign3A_608 = arith.constant 0 : i32
      %sign3A_609 = arith.cmpi sgt, %jit3A_599, %sign3A_608 : i32
      %sign3A_610 = arith.extui %sign3A_609 : i1 to i32
      %sign3A_611 = arith.constant 0 : i32
      %sign3A_612 = arith.cmpi slt, %jit3A_599, %sign3A_611 : i32
      %sign3A_613 = arith.extui %sign3A_612 : i1 to i32
      %sign3A_614 = arith.subi %sign3A_610, %sign3A_613 : i32
      %ne3A_615 = arith.cmpi ne, %sign3A_607, %sign3A_614 : i32
      %rem3A_616 = arith.remsi %add3A_582, %jit3A_599 : i32
      %ne3A_617 = arith.constant 0 : i32
      %ne3A_618 = arith.cmpi ne, %rem3A_616, %ne3A_617 : i32
      %and3A_619 = arith.andi %ne3A_615, %ne3A_618 : i1
      %sub3A_620 = arith.constant 1 : i32
      %sub3A_621 = arith.subi %div3A_600, %sub3A_620 : i32
      %select_n3A_622 = arith.select %and3A_619, %sub3A_621, %div3A_600 : i32
      %sub3A_623 = arith.subi %select_n3A_622, %select_n3A : i32
      %mul3A_624 = arith.constant 4096 : i32
      %mul3A_625 = arith.muli %sub3A_623, %mul3A_624 : i32
      %dma_wait3A_626 = arith.constant 1 : i32
      %dma_wait3A_627 = arith.constant 0 : i32
      %dma_wait3A_628 = tpu.memref_slice %arg7[%dma_wait3A_627] : memref<100000xf32, #tpu.memory_space<vmem>> -> memref<99968xf32, #tpu.memory_space<vmem>>
      %dma_wait3A_629 = arith.constant 0 : i32
      %dma_wait3A_630 = tpu.memref_slice %arg3[%while3A_577, %dma_wait3A_626, %dma_wait3A_629] : memref<52x8x100000xf32, #tpu.memory_space<hbm>> -> memref<1x1x99968xf32, #tpu.memory_space<hbm>>
      %dma_wait3A_631 = tpu.memref_squeeze %dma_wait3A_630 : memref<1x1x99968xf32, #tpu.memory_space<hbm>> -> memref<99968xf32, #tpu.memory_space<hbm>>
      %dma_wait3A_632 = arith.constant 0 : i32
      %dma_wait3A_633 = tpu.memref_slice %arg7[%dma_wait3A_632] : memref<100000xf32, #tpu.memory_space<vmem>> -> memref<99968xf32, #tpu.memory_space<vmem>>
      %dma_wait3A_634 = arith.constant 0 : i32
      %dma_wait3A_635 = tpu.memref_slice %arg3[%while3A_577, %dma_wait3A_626, %dma_wait3A_634] : memref<52x8x100000xf32, #tpu.memory_space<hbm>> -> memref<1x1x99968xf32, #tpu.memory_space<hbm>>
      %dma_wait3A_636 = tpu.memref_squeeze %dma_wait3A_635 : memref<1x1x99968xf32, #tpu.memory_space<hbm>> -> memref<99968xf32, #tpu.memory_space<hbm>>
      tpu.wait_dma2 semaphore(%arg9 : memref<!tpu.dma_semaphore, #tpu.memory_space<semaphore_mem>>) src(%dma_wait3A_636 : memref<99968xf32, #tpu.memory_space<hbm>>) dst(%dma_wait3A_633 : memref<99968xf32, #tpu.memory_space<vmem>>)
      %gt3A = arith.constant 0 : i32
      %gt3A_637 = arith.cmpi sgt, %while3A_578, %gt3A : i32
      %convert_element_type3A = arith.extui %gt3A_637 : i1 to i32
      %cond3A = arith.constant 0 : i32
      %cond3A_638 = arith.cmpi ne, %convert_element_type3A, %cond3A : i32
      scf.if %cond3A_638 {
        %dma_wait3A_655 = arith.constant 1 : i32
        %dma_wait3A_656 = arith.constant 0 : i32
        %dma_wait3A_657 = tpu.memref_slice %arg8[%dma_wait3A_656] : memref<8192xf32, #tpu.memory_space<vmem>> -> memref<4096xf32, #tpu.memory_space<vmem>>
        %dma_wait3A_658 = arith.constant 0 : i32
        %dma_wait3A_659 = tpu.memref_slice %arg5[%while3A_577, %dma_wait3A_655, %dma_wait3A_658] : memref<52x8x4096xf32, #tpu.memory_space<hbm>> -> memref<1x1x4096xf32, #tpu.memory_space<hbm>>
        %dma_wait3A_660 = tpu.memref_squeeze %dma_wait3A_659 : memref<1x1x4096xf32, #tpu.memory_space<hbm>> -> memref<4096xf32, #tpu.memory_space<hbm>>
        %dma_wait3A_661 = arith.constant 0 : i32
        %dma_wait3A_662 = tpu.memref_slice %arg5[%while3A_577, %dma_wait3A_655, %dma_wait3A_661] : memref<52x8x4096xf32, #tpu.memory_space<hbm>> -> memref<1x1x4096xf32, #tpu.memory_space<hbm>>
        %dma_wait3A_663 = tpu.memref_squeeze %dma_wait3A_662 : memref<1x1x4096xf32, #tpu.memory_space<hbm>> -> memref<4096xf32, #tpu.memory_space<hbm>>
        %dma_wait3A_664 = arith.constant 0 : i32
        %dma_wait3A_665 = tpu.memref_slice %arg8[%dma_wait3A_664] : memref<8192xf32, #tpu.memory_space<vmem>> -> memref<4096xf32, #tpu.memory_space<vmem>>
        tpu.wait_dma2 semaphore(%arg10 : memref<!tpu.dma_semaphore, #tpu.memory_space<semaphore_mem>>) src(%dma_wait3A_665 : memref<4096xf32, #tpu.memory_space<vmem>>) dst(%dma_wait3A_663 : memref<4096xf32, #tpu.memory_space<hbm>>)
      } else {
      }
      %scan3A = arith.constant 0 : i32
      %scan3A_639 = arith.constant 0 : i32
      %scan3A_640 = arith.constant 256 : i32
      %scan3A_641 = arith.addi %scan3A_639, %scan3A_640 : i32
      %scan3A_642 = arith.constant 8 : i32
      scf.for %scan3A_655 = %scan3A_639 to %scan3A_641 step %scan3A_642  : i32 {
        %mul3A_656 = arith.constant 16 : i32
        %mul3A_657 = arith.muli %scan3A_655, %mul3A_656 : i32
        %add3A_658 = arith.addi %mul3A_625, %mul3A_657 : i32
        %get3A = arith.index_cast %add3A_658 : i32 to index
        %get3A_659 = tpu.vector_load %arg6[%get3A] {strides = array<i32>} : memref<8192xi32, #tpu.memory_space<vmem>>, vector<16xi32>,
        %gather3A = tpu.vector_load_idx %arg7[%get3A_659] : memref<100000xf32, #tpu.memory_space<vmem>>[vector<16xi32>], vector<16xf32>,
        %mul3A_660 = arith.constant 16 : i32
        %mul3A_661 = arith.muli %scan3A_655, %mul3A_660 : i32
        %add3A_662 = arith.addi %mul3A_598, %mul3A_661 : i32
        %swap3A = arith.index_cast %add3A_662 : i32 to index
        %swap3A_663 = tpu.vector_load %arg8[%swap3A] {strides = array<i32>} : memref<8192xf32, #tpu.memory_space<vmem>>, vector<16xf32>,
        tpu.vector_store %arg8[%swap3A], %gather3A {strides = array<i32>} : memref<8192xf32, #tpu.memory_space<vmem>>, vector<16xf32>,
        %scan3A_664 = arith.constant 1 : i32
        %scan3A_665 = arith.addi %scan3A_655, %scan3A_664 : i32
        %mul3A_666 = arith.constant 16 : i32
        %mul3A_667 = arith.muli %scan3A_665, %mul3A_666 : i32
        %add3A_668 = arith.addi %mul3A_625, %mul3A_667 : i32
        %get3A_669 = arith.index_cast %add3A_668 : i32 to index
        %get3A_670 = tpu.vector_load %arg6[%get3A_669] {strides = array<i32>} : memref<8192xi32, #tpu.memory_space<vmem>>, vector<16xi32>,
        %gather3A_671 = tpu.vector_load_idx %arg7[%get3A_670] : memref<100000xf32, #tpu.memory_space<vmem>>[vector<16xi32>], vector<16xf32>,
        %mul3A_672 = arith.constant 16 : i32
        %mul3A_673 = arith.muli %scan3A_665, %mul3A_672 : i32
        %add3A_674 = arith.addi %mul3A_598, %mul3A_673 : i32
        %swap3A_675 = arith.index_cast %add3A_674 : i32 to index
        %swap3A_676 = tpu.vector_load %arg8[%swap3A_675] {strides = array<i32>} : memref<8192xf32, #tpu.memory_space<vmem>>, vector<16xf32>,
        tpu.vector_store %arg8[%swap3A_675], %gather3A_671 {strides = array<i32>} : memref<8192xf32, #tpu.memory_space<vmem>>, vector<16xf32>,
        %scan3A_677 = arith.constant 2 : i32
        %scan3A_678 = arith.addi %scan3A_655, %scan3A_677 : i32
        %mul3A_679 = arith.constant 16 : i32
        %mul3A_680 = arith.muli %scan3A_678, %mul3A_679 : i32
        %add3A_681 = arith.addi %mul3A_625, %mul3A_680 : i32
        %get3A_682 = arith.index_cast %add3A_681 : i32 to index
        %get3A_683 = tpu.vector_load %arg6[%get3A_682] {strides = array<i32>} : memref<8192xi32, #tpu.memory_space<vmem>>, vector<16xi32>,
        %gather3A_684 = tpu.vector_load_idx %arg7[%get3A_683] : memref<100000xf32, #tpu.memory_space<vmem>>[vector<16xi32>], vector<16xf32>,
        %mul3A_685 = arith.constant 16 : i32
        %mul3A_686 = arith.muli %scan3A_678, %mul3A_685 : i32
        %add3A_687 = arith.addi %mul3A_598, %mul3A_686 : i32
        %swap3A_688 = arith.index_cast %add3A_687 : i32 to index
        %swap3A_689 = tpu.vector_load %arg8[%swap3A_688] {strides = array<i32>} : memref<8192xf32, #tpu.memory_space<vmem>>, vector<16xf32>,
        tpu.vector_store %arg8[%swap3A_688], %gather3A_684 {strides = array<i32>} : memref<8192xf32, #tpu.memory_space<vmem>>, vector<16xf32>,
        %scan3A_690 = arith.constant 3 : i32
        %scan3A_691 = arith.addi %scan3A_655, %scan3A_690 : i32
        %mul3A_692 = arith.constant 16 : i32
        %mul3A_693 = arith.muli %scan3A_691, %mul3A_692 : i32
        %add3A_694 = arith.addi %mul3A_625, %mul3A_693 : i32
        %get3A_695 = arith.index_cast %add3A_694 : i32 to index
        %get3A_696 = tpu.vector_load %arg6[%get3A_695] {strides = array<i32>} : memref<8192xi32, #tpu.memory_space<vmem>>, vector<16xi32>,
        %gather3A_697 = tpu.vector_load_idx %arg7[%get3A_696] : memref<100000xf32, #tpu.memory_space<vmem>>[vector<16xi32>], vector<16xf32>,
        %mul3A_698 = arith.constant 16 : i32
        %mul3A_699 = arith.muli %scan3A_691, %mul3A_698 : i32
        %add3A_700 = arith.addi %mul3A_598, %mul3A_699 : i32
        %swap3A_701 = arith.index_cast %add3A_700 : i32 to index
        %swap3A_702 = tpu.vector_load %arg8[%swap3A_701] {strides = array<i32>} : memref<8192xf32, #tpu.memory_space<vmem>>, vector<16xf32>,
        tpu.vector_store %arg8[%swap3A_701], %gather3A_697 {strides = array<i32>} : memref<8192xf32, #tpu.memory_space<vmem>>, vector<16xf32>,
        %scan3A_703 = arith.constant 4 : i32
        %scan3A_704 = arith.addi %scan3A_655, %scan3A_703 : i32
        %mul3A_705 = arith.constant 16 : i32
        %mul3A_706 = arith.muli %scan3A_704, %mul3A_705 : i32
        %add3A_707 = arith.addi %mul3A_625, %mul3A_706 : i32
        %get3A_708 = arith.index_cast %add3A_707 : i32 to index
        %get3A_709 = tpu.vector_load %arg6[%get3A_708] {strides = array<i32>} : memref<8192xi32, #tpu.memory_space<vmem>>, vector<16xi32>,
        %gather3A_710 = tpu.vector_load_idx %arg7[%get3A_709] : memref<100000xf32, #tpu.memory_space<vmem>>[vector<16xi32>], vector<16xf32>,
        %mul3A_711 = arith.constant 16 : i32
        %mul3A_712 = arith.muli %scan3A_704, %mul3A_711 : i32
        %add3A_713 = arith.addi %mul3A_598, %mul3A_712 : i32
        %swap3A_714 = arith.index_cast %add3A_713 : i32 to index
        %swap3A_715 = tpu.vector_load %arg8[%swap3A_714] {strides = array<i32>} : memref<8192xf32, #tpu.memory_space<vmem>>, vector<16xf32>,
        tpu.vector_store %arg8[%swap3A_714], %gather3A_710 {strides = array<i32>} : memref<8192xf32, #tpu.memory_space<vmem>>, vector<16xf32>,
        %scan3A_716 = arith.constant 5 : i32
        %scan3A_717 = arith.addi %scan3A_655, %scan3A_716 : i32
        %mul3A_718 = arith.constant 16 : i32
        %mul3A_719 = arith.muli %scan3A_717, %mul3A_718 : i32
        %add3A_720 = arith.addi %mul3A_625, %mul3A_719 : i32
        %get3A_721 = arith.index_cast %add3A_720 : i32 to index
        %get3A_722 = tpu.vector_load %arg6[%get3A_721] {strides = array<i32>} : memref<8192xi32, #tpu.memory_space<vmem>>, vector<16xi32>,
        %gather3A_723 = tpu.vector_load_idx %arg7[%get3A_722] : memref<100000xf32, #tpu.memory_space<vmem>>[vector<16xi32>], vector<16xf32>,
        %mul3A_724 = arith.constant 16 : i32
        %mul3A_725 = arith.muli %scan3A_717, %mul3A_724 : i32
        %add3A_726 = arith.addi %mul3A_598, %mul3A_725 : i32
        %swap3A_727 = arith.index_cast %add3A_726 : i32 to index
        %swap3A_728 = tpu.vector_load %arg8[%swap3A_727] {strides = array<i32>} : memref<8192xf32, #tpu.memory_space<vmem>>, vector<16xf32>,
        tpu.vector_store %arg8[%swap3A_727], %gather3A_723 {strides = array<i32>} : memref<8192xf32, #tpu.memory_space<vmem>>, vector<16xf32>,
        %scan3A_729 = arith.constant 6 : i32
        %scan3A_730 = arith.addi %scan3A_655, %scan3A_729 : i32
        %mul3A_731 = arith.constant 16 : i32
        %mul3A_732 = arith.muli %scan3A_730, %mul3A_731 : i32
        %add3A_733 = arith.addi %mul3A_625, %mul3A_732 : i32
        %get3A_734 = arith.index_cast %add3A_733 : i32 to index
        %get3A_735 = tpu.vector_load %arg6[%get3A_734] {strides = array<i32>} : memref<8192xi32, #tpu.memory_space<vmem>>, vector<16xi32>,
        %gather3A_736 = tpu.vector_load_idx %arg7[%get3A_735] : memref<100000xf32, #tpu.memory_space<vmem>>[vector<16xi32>], vector<16xf32>,
        %mul3A_737 = arith.constant 16 : i32
        %mul3A_738 = arith.muli %scan3A_730, %mul3A_737 : i32
        %add3A_739 = arith.addi %mul3A_598, %mul3A_738 : i32
        %swap3A_740 = arith.index_cast %add3A_739 : i32 to index
        %swap3A_741 = tpu.vector_load %arg8[%swap3A_740] {strides = array<i32>} : memref<8192xf32, #tpu.memory_space<vmem>>, vector<16xf32>,
        tpu.vector_store %arg8[%swap3A_740], %gather3A_736 {strides = array<i32>} : memref<8192xf32, #tpu.memory_space<vmem>>, vector<16xf32>,
        %scan3A_742 = arith.constant 7 : i32
        %scan3A_743 = arith.addi %scan3A_655, %scan3A_742 : i32
        %mul3A_744 = arith.constant 16 : i32
        %mul3A_745 = arith.muli %scan3A_743, %mul3A_744 : i32
        %add3A_746 = arith.addi %mul3A_625, %mul3A_745 : i32
        %get3A_747 = arith.index_cast %add3A_746 : i32 to index
        %get3A_748 = tpu.vector_load %arg6[%get3A_747] {strides = array<i32>} : memref<8192xi32, #tpu.memory_space<vmem>>, vector<16xi32>,
        %gather3A_749 = tpu.vector_load_idx %arg7[%get3A_748] : memref<100000xf32, #tpu.memory_space<vmem>>[vector<16xi32>], vector<16xf32>,
        %mul3A_750 = arith.constant 16 : i32
        %mul3A_751 = arith.muli %scan3A_743, %mul3A_750 : i32
        %add3A_752 = arith.addi %mul3A_598, %mul3A_751 : i32
        %swap3A_753 = arith.index_cast %add3A_752 : i32 to index
        %swap3A_754 = tpu.vector_load %arg8[%swap3A_753] {strides = array<i32>} : memref<8192xf32, #tpu.memory_space<vmem>>, vector<16xf32>,
        tpu.vector_store %arg8[%swap3A_753], %gather3A_749 {strides = array<i32>} : memref<8192xf32, #tpu.memory_space<vmem>>, vector<16xf32>,
      }
      %scan3A_643 = arith.constant 256 : i32
      %dma_start3A_644 = arith.constant 1 : i32
      %dma_start3A_645 = tpu.memref_slice %arg8[%mul3A_598] : memref<8192xf32, #tpu.memory_space<vmem>> -> memref<4096xf32, #tpu.memory_space<vmem>>
      %dma_start3A_646 = arith.constant 0 : i32
      %dma_start3A_647 = tpu.memref_slice %arg5[%while3A_577, %dma_start3A_644, %dma_start3A_646] : memref<52x8x4096xf32, #tpu.memory_space<hbm>> -> memref<1x1x4096xf32, #tpu.memory_space<hbm>>
      %dma_start3A_648 = tpu.memref_squeeze %dma_start3A_647 : memref<1x1x4096xf32, #tpu.memory_space<hbm>> -> memref<4096xf32, #tpu.memory_space<hbm>>
      %dma_start3A_649 = arith.constant 0 : i32
      %dma_start3A_650 = tpu.memref_slice %arg5[%while3A_577, %dma_start3A_644, %dma_start3A_649] : memref<52x8x4096xf32, #tpu.memory_space<hbm>> -> memref<1x1x4096xf32, #tpu.memory_space<hbm>>
      %dma_start3A_651 = tpu.memref_squeeze %dma_start3A_650 : memref<1x1x4096xf32, #tpu.memory_space<hbm>> -> memref<4096xf32, #tpu.memory_space<hbm>>
      %dma_start3A_652 = tpu.memref_slice %arg8[%mul3A_598] : memref<8192xf32, #tpu.memory_space<vmem>> -> memref<4096xf32, #tpu.memory_space<vmem>>
      tpu.enqueue_dma source(%dma_start3A_652 : memref<4096xf32, #tpu.memory_space<vmem>>) target(%dma_start3A_651 : memref<4096xf32, #tpu.memory_space<hbm>>) target_semaphore(%arg10 : memref<!tpu.dma_semaphore, #tpu.memory_space<semaphore_mem>>)
      %add3A_653 = arith.constant 1 : i32
      %add3A_654 = arith.addi %while3A_578, %add3A_653 : i32
      scf.yield %add3A_654 : i32
    }
    %add3A_158 = arith.constant 7 : i32
    %add3A_159 = arith.addi %mul3A_2, %add3A_158 : i32
    %sub3A_160 = arith.constant 2 : i32
    %sub3A_161 = arith.subi %add3A_159, %sub3A_160 : i32
    %jit3A_162 = arith.constant 8 : i32
    %div3A_163 = arith.divsi %sub3A_161, %jit3A_162 : i32
    %sign3A_164 = arith.constant 0 : i32
    %sign3A_165 = arith.cmpi sgt, %sub3A_161, %sign3A_164 : i32
    %sign3A_166 = arith.extui %sign3A_165 : i1 to i32
    %sign3A_167 = arith.constant 0 : i32
    %sign3A_168 = arith.cmpi slt, %sub3A_161, %sign3A_167 : i32
    %sign3A_169 = arith.extui %sign3A_168 : i1 to i32
    %sign3A_170 = arith.subi %sign3A_166, %sign3A_169 : i32
    %sign3A_171 = arith.constant 0 : i32
    %sign3A_172 = arith.cmpi sgt, %jit3A_162, %sign3A_171 : i32
    %sign3A_173 = arith.extui %sign3A_172 : i1 to i32
    %sign3A_174 = arith.constant 0 : i32
    %sign3A_175 = arith.cmpi slt, %jit3A_162, %sign3A_174 : i32
    %sign3A_176 = arith.extui %sign3A_175 : i1 to i32
    %sign3A_177 = arith.subi %sign3A_173, %sign3A_176 : i32
    %ne3A_178 = arith.cmpi ne, %sign3A_170, %sign3A_177 : i32
    %rem3A_179 = arith.remsi %sub3A_161, %jit3A_162 : i32
    %ne3A_180 = arith.constant 0 : i32
    %ne3A_181 = arith.cmpi ne, %rem3A_179, %ne3A_180 : i32
    %and3A_182 = arith.andi %ne3A_178, %ne3A_181 : i1
    %sub3A_183 = arith.constant 1 : i32
    %sub3A_184 = arith.subi %div3A_163, %sub3A_183 : i32
    %select_n3A_185 = arith.select %and3A_182, %sub3A_184, %div3A_163 : i32
    %add3A_186 = arith.constant 13 : i32
    %add3A_187 = arith.addi %mul3A_2, %add3A_186 : i32
    %add3A_188 = arith.constant 7 : i32
    %add3A_189 = arith.addi %add3A_187, %add3A_188 : i32
    %sub3A_190 = arith.constant 2 : i32
    %sub3A_191 = arith.subi %add3A_189, %sub3A_190 : i32
    %jit3A_192 = arith.constant 8 : i32
    %div3A_193 = arith.divsi %sub3A_191, %jit3A_192 : i32
    %sign3A_194 = arith.constant 0 : i32
    %sign3A_195 = arith.cmpi sgt, %sub3A_191, %sign3A_194 : i32
    %sign3A_196 = arith.extui %sign3A_195 : i1 to i32
    %sign3A_197 = arith.constant 0 : i32
    %sign3A_198 = arith.cmpi slt, %sub3A_191, %sign3A_197 : i32
    %sign3A_199 = arith.extui %sign3A_198 : i1 to i32
    %sign3A_200 = arith.subi %sign3A_196, %sign3A_199 : i32
    %sign3A_201 = arith.constant 0 : i32
    %sign3A_202 = arith.cmpi sgt, %jit3A_192, %sign3A_201 : i32
    %sign3A_203 = arith.extui %sign3A_202 : i1 to i32
    %sign3A_204 = arith.constant 0 : i32
    %sign3A_205 = arith.cmpi slt, %jit3A_192, %sign3A_204 : i32
    %sign3A_206 = arith.extui %sign3A_205 : i1 to i32
    %sign3A_207 = arith.subi %sign3A_203, %sign3A_206 : i32
    %ne3A_208 = arith.cmpi ne, %sign3A_200, %sign3A_207 : i32
    %rem3A_209 = arith.remsi %sub3A_191, %jit3A_192 : i32
    %ne3A_210 = arith.constant 0 : i32
    %ne3A_211 = arith.cmpi ne, %rem3A_209, %ne3A_210 : i32
    %and3A_212 = arith.andi %ne3A_208, %ne3A_211 : i1
    %sub3A_213 = arith.constant 1 : i32
    %sub3A_214 = arith.subi %div3A_193, %sub3A_213 : i32
    %select_n3A_215 = arith.select %and3A_212, %sub3A_214, %div3A_193 : i32
    %while3A_216 = arith.subi %select_n3A_215, %select_n3A_185 : i32
    %while3A_217 = arith.addi %select_n3A_185, %while3A_216 : i32
    %while3A_218 = arith.constant 1 : i32
    %while3A_219 = arith.divsi %while3A_216, %while3A_218 : i32
    %while3A_220 = arith.muli %while3A_219, %while3A_218 : i32
    %while3A_221 = arith.addi %select_n3A_185, %while3A_220 : i32
    %while3A_222 = arith.constant 1 : i32
    %while3A_223 = scf.for %while3A_577 = %select_n3A_185 to %while3A_221 step %while3A_222 iter_args(%while3A_578 = %while3A_157) -> (i32)  : i32 {
      %mul3A_579 = arith.constant 8 : i32
      %mul3A_580 = arith.muli %while3A_577, %mul3A_579 : i32
      %add3A_581 = arith.constant 2 : i32
      %add3A_582 = arith.addi %mul3A_580, %add3A_581 : i32
      %dma_start3A = arith.constant 2 : i32
      %dma_start3A_583 = arith.constant 0 : i32
      %dma_start3A_584 = tpu.memref_slice %arg7[%dma_start3A_583] : memref<100000xf32, #tpu.memory_space<vmem>> -> memref<99968xf32, #tpu.memory_space<vmem>>
      %dma_start3A_585 = arith.constant 0 : i32
      %dma_start3A_586 = tpu.memref_slice %arg3[%while3A_577, %dma_start3A, %dma_start3A_585] : memref<52x8x100000xf32, #tpu.memory_space<hbm>> -> memref<1x1x99968xf32, #tpu.memory_space<hbm>>
      %dma_start3A_587 = tpu.memref_squeeze %dma_start3A_586 : memref<1x1x99968xf32, #tpu.memory_space<hbm>> -> memref<99968xf32, #tpu.memory_space<hbm>>
      %dma_start3A_588 = arith.constant 0 : i32
      %dma_start3A_589 = tpu.memref_slice %arg7[%dma_start3A_588] : memref<100000xf32, #tpu.memory_space<vmem>> -> memref<99968xf32, #tpu.memory_space<vmem>>
      %dma_start3A_590 = arith.constant 0 : i32
      %dma_start3A_591 = tpu.memref_slice %arg3[%while3A_577, %dma_start3A, %dma_start3A_590] : memref<52x8x100000xf32, #tpu.memory_space<hbm>> -> memref<1x1x99968xf32, #tpu.memory_space<hbm>>
      %dma_start3A_592 = tpu.memref_squeeze %dma_start3A_591 : memref<1x1x99968xf32, #tpu.memory_space<hbm>> -> memref<99968xf32, #tpu.memory_space<hbm>>
      tpu.enqueue_dma source(%dma_start3A_592 : memref<99968xf32, #tpu.memory_space<hbm>>) target(%dma_start3A_589 : memref<99968xf32, #tpu.memory_space<vmem>>) target_semaphore(%arg9 : memref<!tpu.dma_semaphore, #tpu.memory_space<semaphore_mem>>)
      %mul3A_593 = arith.constant 32 : i32
      %mul3A_594 = arith.muli %add3A_582, %mul3A_593 : i32
      "tpu.region"() ({
        %run_scoped3A = tpu.sem_alloc : memref<!tpu.dma_semaphore, #tpu.memory_space<semaphore_mem>>
        %dma_start3A_655 = arith.constant 99968 : i32
        %dma_start3A_656 = tpu.memref_slice %arg7[%dma_start3A_655] : memref<100000xf32, #tpu.memory_space<vmem>> -> memref<32xf32, #tpu.memory_space<vmem>>
        %dma_start3A_657 = tpu.memref_slice %arg4[%mul3A_594] : memref<13312xf32, #tpu.memory_space<hbm>> -> memref<32xf32, #tpu.memory_space<hbm>>
        %dma_start3A_658 = arith.constant 99968 : i32
        %dma_start3A_659 = tpu.memref_slice %arg7[%dma_start3A_658] : memref<100000xf32, #tpu.memory_space<vmem>> -> memref<32xf32, #tpu.memory_space<vmem>>
        %dma_start3A_660 = tpu.memref_slice %arg4[%mul3A_594] : memref<13312xf32, #tpu.memory_space<hbm>> -> memref<32xf32, #tpu.memory_space<hbm>>
        tpu.enqueue_dma source(%dma_start3A_660 : memref<32xf32, #tpu.memory_space<hbm>>) target(%dma_start3A_659 : memref<32xf32, #tpu.memory_space<vmem>>) target_semaphore(%run_scoped3A : memref<!tpu.dma_semaphore, #tpu.memory_space<semaphore_mem>>)
        %dma_wait3A_661 = arith.constant 99968 : i32
        %dma_wait3A_662 = tpu.memref_slice %arg7[%dma_wait3A_661] : memref<100000xf32, #tpu.memory_space<vmem>> -> memref<32xf32, #tpu.memory_space<vmem>>
        %dma_wait3A_663 = tpu.memref_slice %arg4[%mul3A_594] : memref<13312xf32, #tpu.memory_space<hbm>> -> memref<32xf32, #tpu.memory_space<hbm>>
        %dma_wait3A_664 = arith.constant 99968 : i32
        %dma_wait3A_665 = tpu.memref_slice %arg7[%dma_wait3A_664] : memref<100000xf32, #tpu.memory_space<vmem>> -> memref<32xf32, #tpu.memory_space<vmem>>
        %dma_wait3A_666 = tpu.memref_slice %arg4[%mul3A_594] : memref<13312xf32, #tpu.memory_space<hbm>> -> memref<32xf32, #tpu.memory_space<hbm>>
        tpu.wait_dma2 semaphore(%run_scoped3A : memref<!tpu.dma_semaphore, #tpu.memory_space<semaphore_mem>>) src(%dma_wait3A_666 : memref<32xf32, #tpu.memory_space<hbm>>) dst(%dma_wait3A_665 : memref<32xf32, #tpu.memory_space<vmem>>)
        tpu.yield
      }) : () -> ()
      %rem3A_595 = arith.constant 2 : i32
      %rem3A_596 = arith.remsi %while3A_578, %rem3A_595 : i32
      %mul3A_597 = arith.constant 4096 : i32
      %mul3A_598 = arith.muli %rem3A_596, %mul3A_597 : i32
      %jit3A_599 = arith.constant 16 : i32
      %div3A_600 = arith.divsi %add3A_582, %jit3A_599 : i32
      %sign3A_601 = arith.constant 0 : i32
      %sign3A_602 = arith.cmpi sgt, %add3A_582, %sign3A_601 : i32
      %sign3A_603 = arith.extui %sign3A_602 : i1 to i32
      %sign3A_604 = arith.constant 0 : i32
      %sign3A_605 = arith.cmpi slt, %add3A_582, %sign3A_604 : i32
      %sign3A_606 = arith.extui %sign3A_605 : i1 to i32
      %sign3A_607 = arith.subi %sign3A_603, %sign3A_606 : i32
      %sign3A_608 = arith.constant 0 : i32
      %sign3A_609 = arith.cmpi sgt, %jit3A_599, %sign3A_608 : i32
      %sign3A_610 = arith.extui %sign3A_609 : i1 to i32
      %sign3A_611 = arith.constant 0 : i32
      %sign3A_612 = arith.cmpi slt, %jit3A_599, %sign3A_611 : i32
      %sign3A_613 = arith.extui %sign3A_612 : i1 to i32
      %sign3A_614 = arith.subi %sign3A_610, %sign3A_613 : i32
      %ne3A_615 = arith.cmpi ne, %sign3A_607, %sign3A_614 : i32
      %rem3A_616 = arith.remsi %add3A_582, %jit3A_599 : i32
      %ne3A_617 = arith.constant 0 : i32
      %ne3A_618 = arith.cmpi ne, %rem3A_616, %ne3A_617 : i32
      %and3A_619 = arith.andi %ne3A_615, %ne3A_618 : i1
      %sub3A_620 = arith.constant 1 : i32
      %sub3A_621 = arith.subi %div3A_600, %sub3A_620 : i32
      %select_n3A_622 = arith.select %and3A_619, %sub3A_621, %div3A_600 : i32
      %sub3A_623 = arith.subi %select_n3A_622, %select_n3A : i32
      %mul3A_624 = arith.constant 4096 : i32
      %mul3A_625 = arith.muli %sub3A_623, %mul3A_624 : i32
      %dma_wait3A_626 = arith.constant 2 : i32
      %dma_wait3A_627 = arith.constant 0 : i32
      %dma_wait3A_628 = tpu.memref_slice %arg7[%dma_wait3A_627] : memref<100000xf32, #tpu.memory_space<vmem>> -> memref<99968xf32, #tpu.memory_space<vmem>>
      %dma_wait3A_629 = arith.constant 0 : i32
      %dma_wait3A_630 = tpu.memref_slice %arg3[%while3A_577, %dma_wait3A_626, %dma_wait3A_629] : memref<52x8x100000xf32, #tpu.memory_space<hbm>> -> memref<1x1x99968xf32, #tpu.memory_space<hbm>>
      %dma_wait3A_631 = tpu.memref_squeeze %dma_wait3A_630 : memref<1x1x99968xf32, #tpu.memory_space<hbm>> -> memref<99968xf32, #tpu.memory_space<hbm>>
      %dma_wait3A_632 = arith.constant 0 : i32
      %dma_wait3A_633 = tpu.memref_slice %arg7[%dma_wait3A_632] : memref<100000xf32, #tpu.memory_space<vmem>> -> memref<99968xf32, #tpu.memory_space<vmem>>
      %dma_wait3A_634 = arith.constant 0 : i32
      %dma_wait3A_635 = tpu.memref_slice %arg3[%while3A_577, %dma_wait3A_626, %dma_wait3A_634] : memref<52x8x100000xf32, #tpu.memory_space<hbm>> -> memref<1x1x99968xf32, #tpu.memory_space<hbm>>
      %dma_wait3A_636 = tpu.memref_squeeze %dma_wait3A_635 : memref<1x1x99968xf32, #tpu.memory_space<hbm>> -> memref<99968xf32, #tpu.memory_space<hbm>>
      tpu.wait_dma2 semaphore(%arg9 : memref<!tpu.dma_semaphore, #tpu.memory_space<semaphore_mem>>) src(%dma_wait3A_636 : memref<99968xf32, #tpu.memory_space<hbm>>) dst(%dma_wait3A_633 : memref<99968xf32, #tpu.memory_space<vmem>>)
      %gt3A = arith.constant 0 : i32
      %gt3A_637 = arith.cmpi sgt, %while3A_578, %gt3A : i32
      %convert_element_type3A = arith.extui %gt3A_637 : i1 to i32
      %cond3A = arith.constant 0 : i32
      %cond3A_638 = arith.cmpi ne, %convert_element_type3A, %cond3A : i32
      scf.if %cond3A_638 {
        %dma_wait3A_655 = arith.constant 2 : i32
        %dma_wait3A_656 = arith.constant 0 : i32
        %dma_wait3A_657 = tpu.memref_slice %arg8[%dma_wait3A_656] : memref<8192xf32, #tpu.memory_space<vmem>> -> memref<4096xf32, #tpu.memory_space<vmem>>
        %dma_wait3A_658 = arith.constant 0 : i32
        %dma_wait3A_659 = tpu.memref_slice %arg5[%while3A_577, %dma_wait3A_655, %dma_wait3A_658] : memref<52x8x4096xf32, #tpu.memory_space<hbm>> -> memref<1x1x4096xf32, #tpu.memory_space<hbm>>
        %dma_wait3A_660 = tpu.memref_squeeze %dma_wait3A_659 : memref<1x1x4096xf32, #tpu.memory_space<hbm>> -> memref<4096xf32, #tpu.memory_space<hbm>>
        %dma_wait3A_661 = arith.constant 0 : i32
        %dma_wait3A_662 = tpu.memref_slice %arg5[%while3A_577, %dma_wait3A_655, %dma_wait3A_661] : memref<52x8x4096xf32, #tpu.memory_space<hbm>> -> memref<1x1x4096xf32, #tpu.memory_space<hbm>>
        %dma_wait3A_663 = tpu.memref_squeeze %dma_wait3A_662 : memref<1x1x4096xf32, #tpu.memory_space<hbm>> -> memref<4096xf32, #tpu.memory_space<hbm>>
        %dma_wait3A_664 = arith.constant 0 : i32
        %dma_wait3A_665 = tpu.memref_slice %arg8[%dma_wait3A_664] : memref<8192xf32, #tpu.memory_space<vmem>> -> memref<4096xf32, #tpu.memory_space<vmem>>
        tpu.wait_dma2 semaphore(%arg10 : memref<!tpu.dma_semaphore, #tpu.memory_space<semaphore_mem>>) src(%dma_wait3A_665 : memref<4096xf32, #tpu.memory_space<vmem>>) dst(%dma_wait3A_663 : memref<4096xf32, #tpu.memory_space<hbm>>)
      } else {
      }
      %scan3A = arith.constant 0 : i32
      %scan3A_639 = arith.constant 0 : i32
      %scan3A_640 = arith.constant 256 : i32
      %scan3A_641 = arith.addi %scan3A_639, %scan3A_640 : i32
      %scan3A_642 = arith.constant 8 : i32
      scf.for %scan3A_655 = %scan3A_639 to %scan3A_641 step %scan3A_642  : i32 {
        %mul3A_656 = arith.constant 16 : i32
        %mul3A_657 = arith.muli %scan3A_655, %mul3A_656 : i32
        %add3A_658 = arith.addi %mul3A_625, %mul3A_657 : i32
        %get3A = arith.index_cast %add3A_658 : i32 to index
        %get3A_659 = tpu.vector_load %arg6[%get3A] {strides = array<i32>} : memref<8192xi32, #tpu.memory_space<vmem>>, vector<16xi32>,
        %gather3A = tpu.vector_load_idx %arg7[%get3A_659] : memref<100000xf32, #tpu.memory_space<vmem>>[vector<16xi32>], vector<16xf32>,
        %mul3A_660 = arith.constant 16 : i32
        %mul3A_661 = arith.muli %scan3A_655, %mul3A_660 : i32
        %add3A_662 = arith.addi %mul3A_598, %mul3A_661 : i32
        %swap3A = arith.index_cast %add3A_662 : i32 to index
        %swap3A_663 = tpu.vector_load %arg8[%swap3A] {strides = array<i32>} : memref<8192xf32, #tpu.memory_space<vmem>>, vector<16xf32>,
        tpu.vector_store %arg8[%swap3A], %gather3A {strides = array<i32>} : memref<8192xf32, #tpu.memory_space<vmem>>, vector<16xf32>,
        %scan3A_664 = arith.constant 1 : i32
        %scan3A_665 = arith.addi %scan3A_655, %scan3A_664 : i32
        %mul3A_666 = arith.constant 16 : i32
        %mul3A_667 = arith.muli %scan3A_665, %mul3A_666 : i32
        %add3A_668 = arith.addi %mul3A_625, %mul3A_667 : i32
        %get3A_669 = arith.index_cast %add3A_668 : i32 to index
        %get3A_670 = tpu.vector_load %arg6[%get3A_669] {strides = array<i32>} : memref<8192xi32, #tpu.memory_space<vmem>>, vector<16xi32>,
        %gather3A_671 = tpu.vector_load_idx %arg7[%get3A_670] : memref<100000xf32, #tpu.memory_space<vmem>>[vector<16xi32>], vector<16xf32>,
        %mul3A_672 = arith.constant 16 : i32
        %mul3A_673 = arith.muli %scan3A_665, %mul3A_672 : i32
        %add3A_674 = arith.addi %mul3A_598, %mul3A_673 : i32
        %swap3A_675 = arith.index_cast %add3A_674 : i32 to index
        %swap3A_676 = tpu.vector_load %arg8[%swap3A_675] {strides = array<i32>} : memref<8192xf32, #tpu.memory_space<vmem>>, vector<16xf32>,
        tpu.vector_store %arg8[%swap3A_675], %gather3A_671 {strides = array<i32>} : memref<8192xf32, #tpu.memory_space<vmem>>, vector<16xf32>,
        %scan3A_677 = arith.constant 2 : i32
        %scan3A_678 = arith.addi %scan3A_655, %scan3A_677 : i32
        %mul3A_679 = arith.constant 16 : i32
        %mul3A_680 = arith.muli %scan3A_678, %mul3A_679 : i32
        %add3A_681 = arith.addi %mul3A_625, %mul3A_680 : i32
        %get3A_682 = arith.index_cast %add3A_681 : i32 to index
        %get3A_683 = tpu.vector_load %arg6[%get3A_682] {strides = array<i32>} : memref<8192xi32, #tpu.memory_space<vmem>>, vector<16xi32>,
        %gather3A_684 = tpu.vector_load_idx %arg7[%get3A_683] : memref<100000xf32, #tpu.memory_space<vmem>>[vector<16xi32>], vector<16xf32>,
        %mul3A_685 = arith.constant 16 : i32
        %mul3A_686 = arith.muli %scan3A_678, %mul3A_685 : i32
        %add3A_687 = arith.addi %mul3A_598, %mul3A_686 : i32
        %swap3A_688 = arith.index_cast %add3A_687 : i32 to index
        %swap3A_689 = tpu.vector_load %arg8[%swap3A_688] {strides = array<i32>} : memref<8192xf32, #tpu.memory_space<vmem>>, vector<16xf32>,
        tpu.vector_store %arg8[%swap3A_688], %gather3A_684 {strides = array<i32>} : memref<8192xf32, #tpu.memory_space<vmem>>, vector<16xf32>,
        %scan3A_690 = arith.constant 3 : i32
        %scan3A_691 = arith.addi %scan3A_655, %scan3A_690 : i32
        %mul3A_692 = arith.constant 16 : i32
        %mul3A_693 = arith.muli %scan3A_691, %mul3A_692 : i32
        %add3A_694 = arith.addi %mul3A_625, %mul3A_693 : i32
        %get3A_695 = arith.index_cast %add3A_694 : i32 to index
        %get3A_696 = tpu.vector_load %arg6[%get3A_695] {strides = array<i32>} : memref<8192xi32, #tpu.memory_space<vmem>>, vector<16xi32>,
        %gather3A_697 = tpu.vector_load_idx %arg7[%get3A_696] : memref<100000xf32, #tpu.memory_space<vmem>>[vector<16xi32>], vector<16xf32>,
        %mul3A_698 = arith.constant 16 : i32
        %mul3A_699 = arith.muli %scan3A_691, %mul3A_698 : i32
        %add3A_700 = arith.addi %mul3A_598, %mul3A_699 : i32
        %swap3A_701 = arith.index_cast %add3A_700 : i32 to index
        %swap3A_702 = tpu.vector_load %arg8[%swap3A_701] {strides = array<i32>} : memref<8192xf32, #tpu.memory_space<vmem>>, vector<16xf32>,
        tpu.vector_store %arg8[%swap3A_701], %gather3A_697 {strides = array<i32>} : memref<8192xf32, #tpu.memory_space<vmem>>, vector<16xf32>,
        %scan3A_703 = arith.constant 4 : i32
        %scan3A_704 = arith.addi %scan3A_655, %scan3A_703 : i32
        %mul3A_705 = arith.constant 16 : i32
        %mul3A_706 = arith.muli %scan3A_704, %mul3A_705 : i32
        %add3A_707 = arith.addi %mul3A_625, %mul3A_706 : i32
        %get3A_708 = arith.index_cast %add3A_707 : i32 to index
        %get3A_709 = tpu.vector_load %arg6[%get3A_708] {strides = array<i32>} : memref<8192xi32, #tpu.memory_space<vmem>>, vector<16xi32>,
        %gather3A_710 = tpu.vector_load_idx %arg7[%get3A_709] : memref<100000xf32, #tpu.memory_space<vmem>>[vector<16xi32>], vector<16xf32>,
        %mul3A_711 = arith.constant 16 : i32
        %mul3A_712 = arith.muli %scan3A_704, %mul3A_711 : i32
        %add3A_713 = arith.addi %mul3A_598, %mul3A_712 : i32
        %swap3A_714 = arith.index_cast %add3A_713 : i32 to index
        %swap3A_715 = tpu.vector_load %arg8[%swap3A_714] {strides = array<i32>} : memref<8192xf32, #tpu.memory_space<vmem>>, vector<16xf32>,
        tpu.vector_store %arg8[%swap3A_714], %gather3A_710 {strides = array<i32>} : memref<8192xf32, #tpu.memory_space<vmem>>, vector<16xf32>,
        %scan3A_716 = arith.constant 5 : i32
        %scan3A_717 = arith.addi %scan3A_655, %scan3A_716 : i32
        %mul3A_718 = arith.constant 16 : i32
        %mul3A_719 = arith.muli %scan3A_717, %mul3A_718 : i32
        %add3A_720 = arith.addi %mul3A_625, %mul3A_719 : i32
        %get3A_721 = arith.index_cast %add3A_720 : i32 to index
        %get3A_722 = tpu.vector_load %arg6[%get3A_721] {strides = array<i32>} : memref<8192xi32, #tpu.memory_space<vmem>>, vector<16xi32>,
        %gather3A_723 = tpu.vector_load_idx %arg7[%get3A_722] : memref<100000xf32, #tpu.memory_space<vmem>>[vector<16xi32>], vector<16xf32>,
        %mul3A_724 = arith.constant 16 : i32
        %mul3A_725 = arith.muli %scan3A_717, %mul3A_724 : i32
        %add3A_726 = arith.addi %mul3A_598, %mul3A_725 : i32
        %swap3A_727 = arith.index_cast %add3A_726 : i32 to index
        %swap3A_728 = tpu.vector_load %arg8[%swap3A_727] {strides = array<i32>} : memref<8192xf32, #tpu.memory_space<vmem>>, vector<16xf32>,
        tpu.vector_store %arg8[%swap3A_727], %gather3A_723 {strides = array<i32>} : memref<8192xf32, #tpu.memory_space<vmem>>, vector<16xf32>,
        %scan3A_729 = arith.constant 6 : i32
        %scan3A_730 = arith.addi %scan3A_655, %scan3A_729 : i32
        %mul3A_731 = arith.constant 16 : i32
        %mul3A_732 = arith.muli %scan3A_730, %mul3A_731 : i32
        %add3A_733 = arith.addi %mul3A_625, %mul3A_732 : i32
        %get3A_734 = arith.index_cast %add3A_733 : i32 to index
        %get3A_735 = tpu.vector_load %arg6[%get3A_734] {strides = array<i32>} : memref<8192xi32, #tpu.memory_space<vmem>>, vector<16xi32>,
        %gather3A_736 = tpu.vector_load_idx %arg7[%get3A_735] : memref<100000xf32, #tpu.memory_space<vmem>>[vector<16xi32>], vector<16xf32>,
        %mul3A_737 = arith.constant 16 : i32
        %mul3A_738 = arith.muli %scan3A_730, %mul3A_737 : i32
        %add3A_739 = arith.addi %mul3A_598, %mul3A_738 : i32
        %swap3A_740 = arith.index_cast %add3A_739 : i32 to index
        %swap3A_741 = tpu.vector_load %arg8[%swap3A_740] {strides = array<i32>} : memref<8192xf32, #tpu.memory_space<vmem>>, vector<16xf32>,
        tpu.vector_store %arg8[%swap3A_740], %gather3A_736 {strides = array<i32>} : memref<8192xf32, #tpu.memory_space<vmem>>, vector<16xf32>,
        %scan3A_742 = arith.constant 7 : i32
        %scan3A_743 = arith.addi %scan3A_655, %scan3A_742 : i32
        %mul3A_744 = arith.constant 16 : i32
        %mul3A_745 = arith.muli %scan3A_743, %mul3A_744 : i32
        %add3A_746 = arith.addi %mul3A_625, %mul3A_745 : i32
        %get3A_747 = arith.index_cast %add3A_746 : i32 to index
        %get3A_748 = tpu.vector_load %arg6[%get3A_747] {strides = array<i32>} : memref<8192xi32, #tpu.memory_space<vmem>>, vector<16xi32>,
        %gather3A_749 = tpu.vector_load_idx %arg7[%get3A_748] : memref<100000xf32, #tpu.memory_space<vmem>>[vector<16xi32>], vector<16xf32>,
        %mul3A_750 = arith.constant 16 : i32
        %mul3A_751 = arith.muli %scan3A_743, %mul3A_750 : i32
        %add3A_752 = arith.addi %mul3A_598, %mul3A_751 : i32
        %swap3A_753 = arith.index_cast %add3A_752 : i32 to index
        %swap3A_754 = tpu.vector_load %arg8[%swap3A_753] {strides = array<i32>} : memref<8192xf32, #tpu.memory_space<vmem>>, vector<16xf32>,
        tpu.vector_store %arg8[%swap3A_753], %gather3A_749 {strides = array<i32>} : memref<8192xf32, #tpu.memory_space<vmem>>, vector<16xf32>,
      }
      %scan3A_643 = arith.constant 256 : i32
      %dma_start3A_644 = arith.constant 2 : i32
      %dma_start3A_645 = tpu.memref_slice %arg8[%mul3A_598] : memref<8192xf32, #tpu.memory_space<vmem>> -> memref<4096xf32, #tpu.memory_space<vmem>>
      %dma_start3A_646 = arith.constant 0 : i32
      %dma_start3A_647 = tpu.memref_slice %arg5[%while3A_577, %dma_start3A_644, %dma_start3A_646] : memref<52x8x4096xf32, #tpu.memory_space<hbm>> -> memref<1x1x4096xf32, #tpu.memory_space<hbm>>
      %dma_start3A_648 = tpu.memref_squeeze %dma_start3A_647 : memref<1x1x4096xf32, #tpu.memory_space<hbm>> -> memref<4096xf32, #tpu.memory_space<hbm>>
      %dma_start3A_649 = arith.constant 0 : i32
      %dma_start3A_650 = tpu.memref_slice %arg5[%while3A_577, %dma_start3A_644, %dma_start3A_649] : memref<52x8x4096xf32, #tpu.memory_space<hbm>> -> memref<1x1x4096xf32, #tpu.memory_space<hbm>>
      %dma_start3A_651 = tpu.memref_squeeze %dma_start3A_650 : memref<1x1x4096xf32, #tpu.memory_space<hbm>> -> memref<4096xf32, #tpu.memory_space<hbm>>
      %dma_start3A_652 = tpu.memref_slice %arg8[%mul3A_598] : memref<8192xf32, #tpu.memory_space<vmem>> -> memref<4096xf32, #tpu.memory_space<vmem>>
      tpu.enqueue_dma source(%dma_start3A_652 : memref<4096xf32, #tpu.memory_space<vmem>>) target(%dma_start3A_651 : memref<4096xf32, #tpu.memory_space<hbm>>) target_semaphore(%arg10 : memref<!tpu.dma_semaphore, #tpu.memory_space<semaphore_mem>>)
      %add3A_653 = arith.constant 1 : i32
      %add3A_654 = arith.addi %while3A_578, %add3A_653 : i32
      scf.yield %add3A_654 : i32
    }
    %while3A_224 = arith.constant 1 : i32
    %while3A_225 = scf.for %while3A_577 = %while3A_221 to %while3A_217 step %while3A_224 iter_args(%while3A_578 = %while3A_223) -> (i32)  : i32 {
      %mul3A_579 = arith.constant 8 : i32
      %mul3A_580 = arith.muli %while3A_577, %mul3A_579 : i32
      %add3A_581 = arith.constant 2 : i32
      %add3A_582 = arith.addi %mul3A_580, %add3A_581 : i32
      %dma_start3A = arith.constant 2 : i32
      %dma_start3A_583 = arith.constant 0 : i32
      %dma_start3A_584 = tpu.memref_slice %arg7[%dma_start3A_583] : memref<100000xf32, #tpu.memory_space<vmem>> -> memref<99968xf32, #tpu.memory_space<vmem>>
      %dma_start3A_585 = arith.constant 0 : i32
      %dma_start3A_586 = tpu.memref_slice %arg3[%while3A_577, %dma_start3A, %dma_start3A_585] : memref<52x8x100000xf32, #tpu.memory_space<hbm>> -> memref<1x1x99968xf32, #tpu.memory_space<hbm>>
      %dma_start3A_587 = tpu.memref_squeeze %dma_start3A_586 : memref<1x1x99968xf32, #tpu.memory_space<hbm>> -> memref<99968xf32, #tpu.memory_space<hbm>>
      %dma_start3A_588 = arith.constant 0 : i32
      %dma_start3A_589 = tpu.memref_slice %arg7[%dma_start3A_588] : memref<100000xf32, #tpu.memory_space<vmem>> -> memref<99968xf32, #tpu.memory_space<vmem>>
      %dma_start3A_590 = arith.constant 0 : i32
      %dma_start3A_591 = tpu.memref_slice %arg3[%while3A_577, %dma_start3A, %dma_start3A_590] : memref<52x8x100000xf32, #tpu.memory_space<hbm>> -> memref<1x1x99968xf32, #tpu.memory_space<hbm>>
      %dma_start3A_592 = tpu.memref_squeeze %dma_start3A_591 : memref<1x1x99968xf32, #tpu.memory_space<hbm>> -> memref<99968xf32, #tpu.memory_space<hbm>>
      tpu.enqueue_dma source(%dma_start3A_592 : memref<99968xf32, #tpu.memory_space<hbm>>) target(%dma_start3A_589 : memref<99968xf32, #tpu.memory_space<vmem>>) target_semaphore(%arg9 : memref<!tpu.dma_semaphore, #tpu.memory_space<semaphore_mem>>)
      %mul3A_593 = arith.constant 32 : i32
      %mul3A_594 = arith.muli %add3A_582, %mul3A_593 : i32
      "tpu.region"() ({
        %run_scoped3A = tpu.sem_alloc : memref<!tpu.dma_semaphore, #tpu.memory_space<semaphore_mem>>
        %dma_start3A_655 = arith.constant 99968 : i32
        %dma_start3A_656 = tpu.memref_slice %arg7[%dma_start3A_655] : memref<100000xf32, #tpu.memory_space<vmem>> -> memref<32xf32, #tpu.memory_space<vmem>>
        %dma_start3A_657 = tpu.memref_slice %arg4[%mul3A_594] : memref<13312xf32, #tpu.memory_space<hbm>> -> memref<32xf32, #tpu.memory_space<hbm>>
        %dma_start3A_658 = arith.constant 99968 : i32
        %dma_start3A_659 = tpu.memref_slice %arg7[%dma_start3A_658] : memref<100000xf32, #tpu.memory_space<vmem>> -> memref<32xf32, #tpu.memory_space<vmem>>
        %dma_start3A_660 = tpu.memref_slice %arg4[%mul3A_594] : memref<13312xf32, #tpu.memory_space<hbm>> -> memref<32xf32, #tpu.memory_space<hbm>>
        tpu.enqueue_dma source(%dma_start3A_660 : memref<32xf32, #tpu.memory_space<hbm>>) target(%dma_start3A_659 : memref<32xf32, #tpu.memory_space<vmem>>) target_semaphore(%run_scoped3A : memref<!tpu.dma_semaphore, #tpu.memory_space<semaphore_mem>>)
        %dma_wait3A_661 = arith.constant 99968 : i32
        %dma_wait3A_662 = tpu.memref_slice %arg7[%dma_wait3A_661] : memref<100000xf32, #tpu.memory_space<vmem>> -> memref<32xf32, #tpu.memory_space<vmem>>
        %dma_wait3A_663 = tpu.memref_slice %arg4[%mul3A_594] : memref<13312xf32, #tpu.memory_space<hbm>> -> memref<32xf32, #tpu.memory_space<hbm>>
        %dma_wait3A_664 = arith.constant 99968 : i32
        %dma_wait3A_665 = tpu.memref_slice %arg7[%dma_wait3A_664] : memref<100000xf32, #tpu.memory_space<vmem>> -> memref<32xf32, #tpu.memory_space<vmem>>
        %dma_wait3A_666 = tpu.memref_slice %arg4[%mul3A_594] : memref<13312xf32, #tpu.memory_space<hbm>> -> memref<32xf32, #tpu.memory_space<hbm>>
        tpu.wait_dma2 semaphore(%run_scoped3A : memref<!tpu.dma_semaphore, #tpu.memory_space<semaphore_mem>>) src(%dma_wait3A_666 : memref<32xf32, #tpu.memory_space<hbm>>) dst(%dma_wait3A_665 : memref<32xf32, #tpu.memory_space<vmem>>)
        tpu.yield
      }) : () -> ()
      %rem3A_595 = arith.constant 2 : i32
      %rem3A_596 = arith.remsi %while3A_578, %rem3A_595 : i32
      %mul3A_597 = arith.constant 4096 : i32
      %mul3A_598 = arith.muli %rem3A_596, %mul3A_597 : i32
      %jit3A_599 = arith.constant 16 : i32
      %div3A_600 = arith.divsi %add3A_582, %jit3A_599 : i32
      %sign3A_601 = arith.constant 0 : i32
      %sign3A_602 = arith.cmpi sgt, %add3A_582, %sign3A_601 : i32
      %sign3A_603 = arith.extui %sign3A_602 : i1 to i32
      %sign3A_604 = arith.constant 0 : i32
      %sign3A_605 = arith.cmpi slt, %add3A_582, %sign3A_604 : i32
      %sign3A_606 = arith.extui %sign3A_605 : i1 to i32
      %sign3A_607 = arith.subi %sign3A_603, %sign3A_606 : i32
      %sign3A_608 = arith.constant 0 : i32
      %sign3A_609 = arith.cmpi sgt, %jit3A_599, %sign3A_608 : i32
      %sign3A_610 = arith.extui %sign3A_609 : i1 to i32
      %sign3A_611 = arith.constant 0 : i32
      %sign3A_612 = arith.cmpi slt, %jit3A_599, %sign3A_611 : i32
      %sign3A_613 = arith.extui %sign3A_612 : i1 to i32
      %sign3A_614 = arith.subi %sign3A_610, %sign3A_613 : i32
      %ne3A_615 = arith.cmpi ne, %sign3A_607, %sign3A_614 : i32
      %rem3A_616 = arith.remsi %add3A_582, %jit3A_599 : i32
      %ne3A_617 = arith.constant 0 : i32
      %ne3A_618 = arith.cmpi ne, %rem3A_616, %ne3A_617 : i32
      %and3A_619 = arith.andi %ne3A_615, %ne3A_618 : i1
      %sub3A_620 = arith.constant 1 : i32
      %sub3A_621 = arith.subi %div3A_600, %sub3A_620 : i32
      %select_n3A_622 = arith.select %and3A_619, %sub3A_621, %div3A_600 : i32
      %sub3A_623 = arith.subi %select_n3A_622, %select_n3A : i32
      %mul3A_624 = arith.constant 4096 : i32
      %mul3A_625 = arith.muli %sub3A_623, %mul3A_624 : i32
      %dma_wait3A_626 = arith.constant 2 : i32
      %dma_wait3A_627 = arith.constant 0 : i32
      %dma_wait3A_628 = tpu.memref_slice %arg7[%dma_wait3A_627] : memref<100000xf32, #tpu.memory_space<vmem>> -> memref<99968xf32, #tpu.memory_space<vmem>>
      %dma_wait3A_629 = arith.constant 0 : i32
      %dma_wait3A_630 = tpu.memref_slice %arg3[%while3A_577, %dma_wait3A_626, %dma_wait3A_629] : memref<52x8x100000xf32, #tpu.memory_space<hbm>> -> memref<1x1x99968xf32, #tpu.memory_space<hbm>>
      %dma_wait3A_631 = tpu.memref_squeeze %dma_wait3A_630 : memref<1x1x99968xf32, #tpu.memory_space<hbm>> -> memref<99968xf32, #tpu.memory_space<hbm>>
      %dma_wait3A_632 = arith.constant 0 : i32
      %dma_wait3A_633 = tpu.memref_slice %arg7[%dma_wait3A_632] : memref<100000xf32, #tpu.memory_space<vmem>> -> memref<99968xf32, #tpu.memory_space<vmem>>
      %dma_wait3A_634 = arith.constant 0 : i32
      %dma_wait3A_635 = tpu.memref_slice %arg3[%while3A_577, %dma_wait3A_626, %dma_wait3A_634] : memref<52x8x100000xf32, #tpu.memory_space<hbm>> -> memref<1x1x99968xf32, #tpu.memory_space<hbm>>
      %dma_wait3A_636 = tpu.memref_squeeze %dma_wait3A_635 : memref<1x1x99968xf32, #tpu.memory_space<hbm>> -> memref<99968xf32, #tpu.memory_space<hbm>>
      tpu.wait_dma2 semaphore(%arg9 : memref<!tpu.dma_semaphore, #tpu.memory_space<semaphore_mem>>) src(%dma_wait3A_636 : memref<99968xf32, #tpu.memory_space<hbm>>) dst(%dma_wait3A_633 : memref<99968xf32, #tpu.memory_space<vmem>>)
      %gt3A = arith.constant 0 : i32
      %gt3A_637 = arith.cmpi sgt, %while3A_578, %gt3A : i32
      %convert_element_type3A = arith.extui %gt3A_637 : i1 to i32
      %cond3A = arith.constant 0 : i32
      %cond3A_638 = arith.cmpi ne, %convert_element_type3A, %cond3A : i32
      scf.if %cond3A_638 {
        %dma_wait3A_655 = arith.constant 2 : i32
        %dma_wait3A_656 = arith.constant 0 : i32
        %dma_wait3A_657 = tpu.memref_slice %arg8[%dma_wait3A_656] : memref<8192xf32, #tpu.memory_space<vmem>> -> memref<4096xf32, #tpu.memory_space<vmem>>
        %dma_wait3A_658 = arith.constant 0 : i32
        %dma_wait3A_659 = tpu.memref_slice %arg5[%while3A_577, %dma_wait3A_655, %dma_wait3A_658] : memref<52x8x4096xf32, #tpu.memory_space<hbm>> -> memref<1x1x4096xf32, #tpu.memory_space<hbm>>
        %dma_wait3A_660 = tpu.memref_squeeze %dma_wait3A_659 : memref<1x1x4096xf32, #tpu.memory_space<hbm>> -> memref<4096xf32, #tpu.memory_space<hbm>>
        %dma_wait3A_661 = arith.constant 0 : i32
        %dma_wait3A_662 = tpu.memref_slice %arg5[%while3A_577, %dma_wait3A_655, %dma_wait3A_661] : memref<52x8x4096xf32, #tpu.memory_space<hbm>> -> memref<1x1x4096xf32, #tpu.memory_space<hbm>>
        %dma_wait3A_663 = tpu.memref_squeeze %dma_wait3A_662 : memref<1x1x4096xf32, #tpu.memory_space<hbm>> -> memref<4096xf32, #tpu.memory_space<hbm>>
        %dma_wait3A_664 = arith.constant 0 : i32
        %dma_wait3A_665 = tpu.memref_slice %arg8[%dma_wait3A_664] : memref<8192xf32, #tpu.memory_space<vmem>> -> memref<4096xf32, #tpu.memory_space<vmem>>
        tpu.wait_dma2 semaphore(%arg10 : memref<!tpu.dma_semaphore, #tpu.memory_space<semaphore_mem>>) src(%dma_wait3A_665 : memref<4096xf32, #tpu.memory_space<vmem>>) dst(%dma_wait3A_663 : memref<4096xf32, #tpu.memory_space<hbm>>)
      } else {
      }
      %scan3A = arith.constant 0 : i32
      %scan3A_639 = arith.constant 0 : i32
      %scan3A_640 = arith.constant 256 : i32
      %scan3A_641 = arith.addi %scan3A_639, %scan3A_640 : i32
      %scan3A_642 = arith.constant 8 : i32
      scf.for %scan3A_655 = %scan3A_639 to %scan3A_641 step %scan3A_642  : i32 {
        %mul3A_656 = arith.constant 16 : i32
        %mul3A_657 = arith.muli %scan3A_655, %mul3A_656 : i32
        %add3A_658 = arith.addi %mul3A_625, %mul3A_657 : i32
        %get3A = arith.index_cast %add3A_658 : i32 to index
        %get3A_659 = tpu.vector_load %arg6[%get3A] {strides = array<i32>} : memref<8192xi32, #tpu.memory_space<vmem>>, vector<16xi32>,
        %gather3A = tpu.vector_load_idx %arg7[%get3A_659] : memref<100000xf32, #tpu.memory_space<vmem>>[vector<16xi32>], vector<16xf32>,
        %mul3A_660 = arith.constant 16 : i32
        %mul3A_661 = arith.muli %scan3A_655, %mul3A_660 : i32
        %add3A_662 = arith.addi %mul3A_598, %mul3A_661 : i32
        %swap3A = arith.index_cast %add3A_662 : i32 to index
        %swap3A_663 = tpu.vector_load %arg8[%swap3A] {strides = array<i32>} : memref<8192xf32, #tpu.memory_space<vmem>>, vector<16xf32>,
        tpu.vector_store %arg8[%swap3A], %gather3A {strides = array<i32>} : memref<8192xf32, #tpu.memory_space<vmem>>, vector<16xf32>,
        %scan3A_664 = arith.constant 1 : i32
        %scan3A_665 = arith.addi %scan3A_655, %scan3A_664 : i32
        %mul3A_666 = arith.constant 16 : i32
        %mul3A_667 = arith.muli %scan3A_665, %mul3A_666 : i32
        %add3A_668 = arith.addi %mul3A_625, %mul3A_667 : i32
        %get3A_669 = arith.index_cast %add3A_668 : i32 to index
        %get3A_670 = tpu.vector_load %arg6[%get3A_669] {strides = array<i32>} : memref<8192xi32, #tpu.memory_space<vmem>>, vector<16xi32>,
        %gather3A_671 = tpu.vector_load_idx %arg7[%get3A_670] : memref<100000xf32, #tpu.memory_space<vmem>>[vector<16xi32>], vector<16xf32>,
        %mul3A_672 = arith.constant 16 : i32
        %mul3A_673 = arith.muli %scan3A_665, %mul3A_672 : i32
        %add3A_674 = arith.addi %mul3A_598, %mul3A_673 : i32
        %swap3A_675 = arith.index_cast %add3A_674 : i32 to index
        %swap3A_676 = tpu.vector_load %arg8[%swap3A_675] {strides = array<i32>} : memref<8192xf32, #tpu.memory_space<vmem>>, vector<16xf32>,
        tpu.vector_store %arg8[%swap3A_675], %gather3A_671 {strides = array<i32>} : memref<8192xf32, #tpu.memory_space<vmem>>, vector<16xf32>,
        %scan3A_677 = arith.constant 2 : i32
        %scan3A_678 = arith.addi %scan3A_655, %scan3A_677 : i32
        %mul3A_679 = arith.constant 16 : i32
        %mul3A_680 = arith.muli %scan3A_678, %mul3A_679 : i32
        %add3A_681 = arith.addi %mul3A_625, %mul3A_680 : i32
        %get3A_682 = arith.index_cast %add3A_681 : i32 to index
        %get3A_683 = tpu.vector_load %arg6[%get3A_682] {strides = array<i32>} : memref<8192xi32, #tpu.memory_space<vmem>>, vector<16xi32>,
        %gather3A_684 = tpu.vector_load_idx %arg7[%get3A_683] : memref<100000xf32, #tpu.memory_space<vmem>>[vector<16xi32>], vector<16xf32>,
        %mul3A_685 = arith.constant 16 : i32
        %mul3A_686 = arith.muli %scan3A_678, %mul3A_685 : i32
        %add3A_687 = arith.addi %mul3A_598, %mul3A_686 : i32
        %swap3A_688 = arith.index_cast %add3A_687 : i32 to index
        %swap3A_689 = tpu.vector_load %arg8[%swap3A_688] {strides = array<i32>} : memref<8192xf32, #tpu.memory_space<vmem>>, vector<16xf32>,
        tpu.vector_store %arg8[%swap3A_688], %gather3A_684 {strides = array<i32>} : memref<8192xf32, #tpu.memory_space<vmem>>, vector<16xf32>,
        %scan3A_690 = arith.constant 3 : i32
        %scan3A_691 = arith.addi %scan3A_655, %scan3A_690 : i32
        %mul3A_692 = arith.constant 16 : i32
        %mul3A_693 = arith.muli %scan3A_691, %mul3A_692 : i32
        %add3A_694 = arith.addi %mul3A_625, %mul3A_693 : i32
        %get3A_695 = arith.index_cast %add3A_694 : i32 to index
        %get3A_696 = tpu.vector_load %arg6[%get3A_695] {strides = array<i32>} : memref<8192xi32, #tpu.memory_space<vmem>>, vector<16xi32>,
        %gather3A_697 = tpu.vector_load_idx %arg7[%get3A_696] : memref<100000xf32, #tpu.memory_space<vmem>>[vector<16xi32>], vector<16xf32>,
        %mul3A_698 = arith.constant 16 : i32
        %mul3A_699 = arith.muli %scan3A_691, %mul3A_698 : i32
        %add3A_700 = arith.addi %mul3A_598, %mul3A_699 : i32
        %swap3A_701 = arith.index_cast %add3A_700 : i32 to index
        %swap3A_702 = tpu.vector_load %arg8[%swap3A_701] {strides = array<i32>} : memref<8192xf32, #tpu.memory_space<vmem>>, vector<16xf32>,
        tpu.vector_store %arg8[%swap3A_701], %gather3A_697 {strides = array<i32>} : memref<8192xf32, #tpu.memory_space<vmem>>, vector<16xf32>,
        %scan3A_703 = arith.constant 4 : i32
        %scan3A_704 = arith.addi %scan3A_655, %scan3A_703 : i32
        %mul3A_705 = arith.constant 16 : i32
        %mul3A_706 = arith.muli %scan3A_704, %mul3A_705 : i32
        %add3A_707 = arith.addi %mul3A_625, %mul3A_706 : i32
        %get3A_708 = arith.index_cast %add3A_707 : i32 to index
        %get3A_709 = tpu.vector_load %arg6[%get3A_708] {strides = array<i32>} : memref<8192xi32, #tpu.memory_space<vmem>>, vector<16xi32>,
        %gather3A_710 = tpu.vector_load_idx %arg7[%get3A_709] : memref<100000xf32, #tpu.memory_space<vmem>>[vector<16xi32>], vector<16xf32>,
        %mul3A_711 = arith.constant 16 : i32
        %mul3A_712 = arith.muli %scan3A_704, %mul3A_711 : i32
        %add3A_713 = arith.addi %mul3A_598, %mul3A_712 : i32
        %swap3A_714 = arith.index_cast %add3A_713 : i32 to index
        %swap3A_715 = tpu.vector_load %arg8[%swap3A_714] {strides = array<i32>} : memref<8192xf32, #tpu.memory_space<vmem>>, vector<16xf32>,
        tpu.vector_store %arg8[%swap3A_714], %gather3A_710 {strides = array<i32>} : memref<8192xf32, #tpu.memory_space<vmem>>, vector<16xf32>,
        %scan3A_716 = arith.constant 5 : i32
        %scan3A_717 = arith.addi %scan3A_655, %scan3A_716 : i32
        %mul3A_718 = arith.constant 16 : i32
        %mul3A_719 = arith.muli %scan3A_717, %mul3A_718 : i32
        %add3A_720 = arith.addi %mul3A_625, %mul3A_719 : i32
        %get3A_721 = arith.index_cast %add3A_720 : i32 to index
        %get3A_722 = tpu.vector_load %arg6[%get3A_721] {strides = array<i32>} : memref<8192xi32, #tpu.memory_space<vmem>>, vector<16xi32>,
        %gather3A_723 = tpu.vector_load_idx %arg7[%get3A_722] : memref<100000xf32, #tpu.memory_space<vmem>>[vector<16xi32>], vector<16xf32>,
        %mul3A_724 = arith.constant 16 : i32
        %mul3A_725 = arith.muli %scan3A_717, %mul3A_724 : i32
        %add3A_726 = arith.addi %mul3A_598, %mul3A_725 : i32
        %swap3A_727 = arith.index_cast %add3A_726 : i32 to index
        %swap3A_728 = tpu.vector_load %arg8[%swap3A_727] {strides = array<i32>} : memref<8192xf32, #tpu.memory_space<vmem>>, vector<16xf32>,
        tpu.vector_store %arg8[%swap3A_727], %gather3A_723 {strides = array<i32>} : memref<8192xf32, #tpu.memory_space<vmem>>, vector<16xf32>,
        %scan3A_729 = arith.constant 6 : i32
        %scan3A_730 = arith.addi %scan3A_655, %scan3A_729 : i32
        %mul3A_731 = arith.constant 16 : i32
        %mul3A_732 = arith.muli %scan3A_730, %mul3A_731 : i32
        %add3A_733 = arith.addi %mul3A_625, %mul3A_732 : i32
        %get3A_734 = arith.index_cast %add3A_733 : i32 to index
        %get3A_735 = tpu.vector_load %arg6[%get3A_734] {strides = array<i32>} : memref<8192xi32, #tpu.memory_space<vmem>>, vector<16xi32>,
        %gather3A_736 = tpu.vector_load_idx %arg7[%get3A_735] : memref<100000xf32, #tpu.memory_space<vmem>>[vector<16xi32>], vector<16xf32>,
        %mul3A_737 = arith.constant 16 : i32
        %mul3A_738 = arith.muli %scan3A_730, %mul3A_737 : i32
        %add3A_739 = arith.addi %mul3A_598, %mul3A_738 : i32
        %swap3A_740 = arith.index_cast %add3A_739 : i32 to index
        %swap3A_741 = tpu.vector_load %arg8[%swap3A_740] {strides = array<i32>} : memref<8192xf32, #tpu.memory_space<vmem>>, vector<16xf32>,
        tpu.vector_store %arg8[%swap3A_740], %gather3A_736 {strides = array<i32>} : memref<8192xf32, #tpu.memory_space<vmem>>, vector<16xf32>,
        %scan3A_742 = arith.constant 7 : i32
        %scan3A_743 = arith.addi %scan3A_655, %scan3A_742 : i32
        %mul3A_744 = arith.constant 16 : i32
        %mul3A_745 = arith.muli %scan3A_743, %mul3A_744 : i32
        %add3A_746 = arith.addi %mul3A_625, %mul3A_745 : i32
        %get3A_747 = arith.index_cast %add3A_746 : i32 to index
        %get3A_748 = tpu.vector_load %arg6[%get3A_747] {strides = array<i32>} : memref<8192xi32, #tpu.memory_space<vmem>>, vector<16xi32>,
        %gather3A_749 = tpu.vector_load_idx %arg7[%get3A_748] : memref<100000xf32, #tpu.memory_space<vmem>>[vector<16xi32>], vector<16xf32>,
        %mul3A_750 = arith.constant 16 : i32
        %mul3A_751 = arith.muli %scan3A_743, %mul3A_750 : i32
        %add3A_752 = arith.addi %mul3A_598, %mul3A_751 : i32
        %swap3A_753 = arith.index_cast %add3A_752 : i32 to index
        %swap3A_754 = tpu.vector_load %arg8[%swap3A_753] {strides = array<i32>} : memref<8192xf32, #tpu.memory_space<vmem>>, vector<16xf32>,
        tpu.vector_store %arg8[%swap3A_753], %gather3A_749 {strides = array<i32>} : memref<8192xf32, #tpu.memory_space<vmem>>, vector<16xf32>,
      }
      %scan3A_643 = arith.constant 256 : i32
      %dma_start3A_644 = arith.constant 2 : i32
      %dma_start3A_645 = tpu.memref_slice %arg8[%mul3A_598] : memref<8192xf32, #tpu.memory_space<vmem>> -> memref<4096xf32, #tpu.memory_space<vmem>>
      %dma_start3A_646 = arith.constant 0 : i32
      %dma_start3A_647 = tpu.memref_slice %arg5[%while3A_577, %dma_start3A_644, %dma_start3A_646] : memref<52x8x4096xf32, #tpu.memory_space<hbm>> -> memref<1x1x4096xf32, #tpu.memory_space<hbm>>
      %dma_start3A_648 = tpu.memref_squeeze %dma_start3A_647 : memref<1x1x4096xf32, #tpu.memory_space<hbm>> -> memref<4096xf32, #tpu.memory_space<hbm>>
      %dma_start3A_649 = arith.constant 0 : i32
      %dma_start3A_650 = tpu.memref_slice %arg5[%while3A_577, %dma_start3A_644, %dma_start3A_649] : memref<52x8x4096xf32, #tpu.memory_space<hbm>> -> memref<1x1x4096xf32, #tpu.memory_space<hbm>>
      %dma_start3A_651 = tpu.memref_squeeze %dma_start3A_650 : memref<1x1x4096xf32, #tpu.memory_space<hbm>> -> memref<4096xf32, #tpu.memory_space<hbm>>
      %dma_start3A_652 = tpu.memref_slice %arg8[%mul3A_598] : memref<8192xf32, #tpu.memory_space<vmem>> -> memref<4096xf32, #tpu.memory_space<vmem>>
      tpu.enqueue_dma source(%dma_start3A_652 : memref<4096xf32, #tpu.memory_space<vmem>>) target(%dma_start3A_651 : memref<4096xf32, #tpu.memory_space<hbm>>) target_semaphore(%arg10 : memref<!tpu.dma_semaphore, #tpu.memory_space<semaphore_mem>>)
      %add3A_653 = arith.constant 1 : i32
      %add3A_654 = arith.addi %while3A_578, %add3A_653 : i32
      scf.yield %add3A_654 : i32
    }
    %add3A_226 = arith.constant 7 : i32
    %add3A_227 = arith.addi %mul3A_2, %add3A_226 : i32
    %sub3A_228 = arith.constant 3 : i32
    %sub3A_229 = arith.subi %add3A_227, %sub3A_228 : i32
    %jit3A_230 = arith.constant 8 : i32
    %div3A_231 = arith.divsi %sub3A_229, %jit3A_230 : i32
    %sign3A_232 = arith.constant 0 : i32
    %sign3A_233 = arith.cmpi sgt, %sub3A_229, %sign3A_232 : i32
    %sign3A_234 = arith.extui %sign3A_233 : i1 to i32
    %sign3A_235 = arith.constant 0 : i32
    %sign3A_236 = arith.cmpi slt, %sub3A_229, %sign3A_235 : i32
    %sign3A_237 = arith.extui %sign3A_236 : i1 to i32
    %sign3A_238 = arith.subi %sign3A_234, %sign3A_237 : i32
    %sign3A_239 = arith.constant 0 : i32
    %sign3A_240 = arith.cmpi sgt, %jit3A_230, %sign3A_239 : i32
    %sign3A_241 = arith.extui %sign3A_240 : i1 to i32
    %sign3A_242 = arith.constant 0 : i32
    %sign3A_243 = arith.cmpi slt, %jit3A_230, %sign3A_242 : i32
    %sign3A_244 = arith.extui %sign3A_243 : i1 to i32
    %sign3A_245 = arith.subi %sign3A_241, %sign3A_244 : i32
    %ne3A_246 = arith.cmpi ne, %sign3A_238, %sign3A_245 : i32
    %rem3A_247 = arith.remsi %sub3A_229, %jit3A_230 : i32
    %ne3A_248 = arith.constant 0 : i32
    %ne3A_249 = arith.cmpi ne, %rem3A_247, %ne3A_248 : i32
    %and3A_250 = arith.andi %ne3A_246, %ne3A_249 : i1
    %sub3A_251 = arith.constant 1 : i32
    %sub3A_252 = arith.subi %div3A_231, %sub3A_251 : i32
    %select_n3A_253 = arith.select %and3A_250, %sub3A_252, %div3A_231 : i32
    %add3A_254 = arith.constant 13 : i32
    %add3A_255 = arith.addi %mul3A_2, %add3A_254 : i32
    %add3A_256 = arith.constant 7 : i32
    %add3A_257 = arith.addi %add3A_255, %add3A_256 : i32
    %sub3A_258 = arith.constant 3 : i32
    %sub3A_259 = arith.subi %add3A_257, %sub3A_258 : i32
    %jit3A_260 = arith.constant 8 : i32
    %div3A_261 = arith.divsi %sub3A_259, %jit3A_260 : i32
    %sign3A_262 = arith.constant 0 : i32
    %sign3A_263 = arith.cmpi sgt, %sub3A_259, %sign3A_262 : i32
    %sign3A_264 = arith.extui %sign3A_263 : i1 to i32
    %sign3A_265 = arith.constant 0 : i32
    %sign3A_266 = arith.cmpi slt, %sub3A_259, %sign3A_265 : i32
    %sign3A_267 = arith.extui %sign3A_266 : i1 to i32
    %sign3A_268 = arith.subi %sign3A_264, %sign3A_267 : i32
    %sign3A_269 = arith.constant 0 : i32
    %sign3A_270 = arith.cmpi sgt, %jit3A_260, %sign3A_269 : i32
    %sign3A_271 = arith.extui %sign3A_270 : i1 to i32
    %sign3A_272 = arith.constant 0 : i32
    %sign3A_273 = arith.cmpi slt, %jit3A_260, %sign3A_272 : i32
    %sign3A_274 = arith.extui %sign3A_273 : i1 to i32
    %sign3A_275 = arith.subi %sign3A_271, %sign3A_274 : i32
    %ne3A_276 = arith.cmpi ne, %sign3A_268, %sign3A_275 : i32
    %rem3A_277 = arith.remsi %sub3A_259, %jit3A_260 : i32
    %ne3A_278 = arith.constant 0 : i32
    %ne3A_279 = arith.cmpi ne, %rem3A_277, %ne3A_278 : i32
    %and3A_280 = arith.andi %ne3A_276, %ne3A_279 : i1
    %sub3A_281 = arith.constant 1 : i32
    %sub3A_282 = arith.subi %div3A_261, %sub3A_281 : i32
    %select_n3A_283 = arith.select %and3A_280, %sub3A_282, %div3A_261 : i32
    %while3A_284 = arith.subi %select_n3A_283, %select_n3A_253 : i32
    %while3A_285 = arith.addi %select_n3A_253, %while3A_284 : i32
    %while3A_286 = arith.constant 1 : i32
    %while3A_287 = arith.divsi %while3A_284, %while3A_286 : i32
    %while3A_288 = arith.muli %while3A_287, %while3A_286 : i32
    %while3A_289 = arith.addi %select_n3A_253, %while3A_288 : i32
    %while3A_290 = arith.constant 1 : i32
    %while3A_291 = scf.for %while3A_577 = %select_n3A_253 to %while3A_289 step %while3A_290 iter_args(%while3A_578 = %while3A_225) -> (i32)  : i32 {
      %mul3A_579 = arith.constant 8 : i32
      %mul3A_580 = arith.muli %while3A_577, %mul3A_579 : i32
      %add3A_581 = arith.constant 3 : i32
      %add3A_582 = arith.addi %mul3A_580, %add3A_581 : i32
      %dma_start3A = arith.constant 3 : i32
      %dma_start3A_583 = arith.constant 0 : i32
      %dma_start3A_584 = tpu.memref_slice %arg7[%dma_start3A_583] : memref<100000xf32, #tpu.memory_space<vmem>> -> memref<99968xf32, #tpu.memory_space<vmem>>
      %dma_start3A_585 = arith.constant 0 : i32
      %dma_start3A_586 = tpu.memref_slice %arg3[%while3A_577, %dma_start3A, %dma_start3A_585] : memref<52x8x100000xf32, #tpu.memory_space<hbm>> -> memref<1x1x99968xf32, #tpu.memory_space<hbm>>
      %dma_start3A_587 = tpu.memref_squeeze %dma_start3A_586 : memref<1x1x99968xf32, #tpu.memory_space<hbm>> -> memref<99968xf32, #tpu.memory_space<hbm>>
      %dma_start3A_588 = arith.constant 0 : i32
      %dma_start3A_589 = tpu.memref_slice %arg7[%dma_start3A_588] : memref<100000xf32, #tpu.memory_space<vmem>> -> memref<99968xf32, #tpu.memory_space<vmem>>
      %dma_start3A_590 = arith.constant 0 : i32
      %dma_start3A_591 = tpu.memref_slice %arg3[%while3A_577, %dma_start3A, %dma_start3A_590] : memref<52x8x100000xf32, #tpu.memory_space<hbm>> -> memref<1x1x99968xf32, #tpu.memory_space<hbm>>
      %dma_start3A_592 = tpu.memref_squeeze %dma_start3A_591 : memref<1x1x99968xf32, #tpu.memory_space<hbm>> -> memref<99968xf32, #tpu.memory_space<hbm>>
      tpu.enqueue_dma source(%dma_start3A_592 : memref<99968xf32, #tpu.memory_space<hbm>>) target(%dma_start3A_589 : memref<99968xf32, #tpu.memory_space<vmem>>) target_semaphore(%arg9 : memref<!tpu.dma_semaphore, #tpu.memory_space<semaphore_mem>>)
      %mul3A_593 = arith.constant 32 : i32
      %mul3A_594 = arith.muli %add3A_582, %mul3A_593 : i32
      "tpu.region"() ({
        %run_scoped3A = tpu.sem_alloc : memref<!tpu.dma_semaphore, #tpu.memory_space<semaphore_mem>>
        %dma_start3A_655 = arith.constant 99968 : i32
        %dma_start3A_656 = tpu.memref_slice %arg7[%dma_start3A_655] : memref<100000xf32, #tpu.memory_space<vmem>> -> memref<32xf32, #tpu.memory_space<vmem>>
        %dma_start3A_657 = tpu.memref_slice %arg4[%mul3A_594] : memref<13312xf32, #tpu.memory_space<hbm>> -> memref<32xf32, #tpu.memory_space<hbm>>
        %dma_start3A_658 = arith.constant 99968 : i32
        %dma_start3A_659 = tpu.memref_slice %arg7[%dma_start3A_658] : memref<100000xf32, #tpu.memory_space<vmem>> -> memref<32xf32, #tpu.memory_space<vmem>>
        %dma_start3A_660 = tpu.memref_slice %arg4[%mul3A_594] : memref<13312xf32, #tpu.memory_space<hbm>> -> memref<32xf32, #tpu.memory_space<hbm>>
        tpu.enqueue_dma source(%dma_start3A_660 : memref<32xf32, #tpu.memory_space<hbm>>) target(%dma_start3A_659 : memref<32xf32, #tpu.memory_space<vmem>>) target_semaphore(%run_scoped3A : memref<!tpu.dma_semaphore, #tpu.memory_space<semaphore_mem>>)
        %dma_wait3A_661 = arith.constant 99968 : i32
        %dma_wait3A_662 = tpu.memref_slice %arg7[%dma_wait3A_661] : memref<100000xf32, #tpu.memory_space<vmem>> -> memref<32xf32, #tpu.memory_space<vmem>>
        %dma_wait3A_663 = tpu.memref_slice %arg4[%mul3A_594] : memref<13312xf32, #tpu.memory_space<hbm>> -> memref<32xf32, #tpu.memory_space<hbm>>
        %dma_wait3A_664 = arith.constant 99968 : i32
        %dma_wait3A_665 = tpu.memref_slice %arg7[%dma_wait3A_664] : memref<100000xf32, #tpu.memory_space<vmem>> -> memref<32xf32, #tpu.memory_space<vmem>>
        %dma_wait3A_666 = tpu.memref_slice %arg4[%mul3A_594] : memref<13312xf32, #tpu.memory_space<hbm>> -> memref<32xf32, #tpu.memory_space<hbm>>
        tpu.wait_dma2 semaphore(%run_scoped3A : memref<!tpu.dma_semaphore, #tpu.memory_space<semaphore_mem>>) src(%dma_wait3A_666 : memref<32xf32, #tpu.memory_space<hbm>>) dst(%dma_wait3A_665 : memref<32xf32, #tpu.memory_space<vmem>>)
        tpu.yield
      }) : () -> ()
      %rem3A_595 = arith.constant 2 : i32
      %rem3A_596 = arith.remsi %while3A_578, %rem3A_595 : i32
      %mul3A_597 = arith.constant 4096 : i32
      %mul3A_598 = arith.muli %rem3A_596, %mul3A_597 : i32
      %jit3A_599 = arith.constant 16 : i32
      %div3A_600 = arith.divsi %add3A_582, %jit3A_599 : i32
      %sign3A_601 = arith.constant 0 : i32
      %sign3A_602 = arith.cmpi sgt, %add3A_582, %sign3A_601 : i32
      %sign3A_603 = arith.extui %sign3A_602 : i1 to i32
      %sign3A_604 = arith.constant 0 : i32
      %sign3A_605 = arith.cmpi slt, %add3A_582, %sign3A_604 : i32
      %sign3A_606 = arith.extui %sign3A_605 : i1 to i32
      %sign3A_607 = arith.subi %sign3A_603, %sign3A_606 : i32
      %sign3A_608 = arith.constant 0 : i32
      %sign3A_609 = arith.cmpi sgt, %jit3A_599, %sign3A_608 : i32
      %sign3A_610 = arith.extui %sign3A_609 : i1 to i32
      %sign3A_611 = arith.constant 0 : i32
      %sign3A_612 = arith.cmpi slt, %jit3A_599, %sign3A_611 : i32
      %sign3A_613 = arith.extui %sign3A_612 : i1 to i32
      %sign3A_614 = arith.subi %sign3A_610, %sign3A_613 : i32
      %ne3A_615 = arith.cmpi ne, %sign3A_607, %sign3A_614 : i32
      %rem3A_616 = arith.remsi %add3A_582, %jit3A_599 : i32
      %ne3A_617 = arith.constant 0 : i32
      %ne3A_618 = arith.cmpi ne, %rem3A_616, %ne3A_617 : i32
      %and3A_619 = arith.andi %ne3A_615, %ne3A_618 : i1
      %sub3A_620 = arith.constant 1 : i32
      %sub3A_621 = arith.subi %div3A_600, %sub3A_620 : i32
      %select_n3A_622 = arith.select %and3A_619, %sub3A_621, %div3A_600 : i32
      %sub3A_623 = arith.subi %select_n3A_622, %select_n3A : i32
      %mul3A_624 = arith.constant 4096 : i32
      %mul3A_625 = arith.muli %sub3A_623, %mul3A_624 : i32
      %dma_wait3A_626 = arith.constant 3 : i32
      %dma_wait3A_627 = arith.constant 0 : i32
      %dma_wait3A_628 = tpu.memref_slice %arg7[%dma_wait3A_627] : memref<100000xf32, #tpu.memory_space<vmem>> -> memref<99968xf32, #tpu.memory_space<vmem>>
      %dma_wait3A_629 = arith.constant 0 : i32
      %dma_wait3A_630 = tpu.memref_slice %arg3[%while3A_577, %dma_wait3A_626, %dma_wait3A_629] : memref<52x8x100000xf32, #tpu.memory_space<hbm>> -> memref<1x1x99968xf32, #tpu.memory_space<hbm>>
      %dma_wait3A_631 = tpu.memref_squeeze %dma_wait3A_630 : memref<1x1x99968xf32, #tpu.memory_space<hbm>> -> memref<99968xf32, #tpu.memory_space<hbm>>
      %dma_wait3A_632 = arith.constant 0 : i32
      %dma_wait3A_633 = tpu.memref_slice %arg7[%dma_wait3A_632] : memref<100000xf32, #tpu.memory_space<vmem>> -> memref<99968xf32, #tpu.memory_space<vmem>>
      %dma_wait3A_634 = arith.constant 0 : i32
      %dma_wait3A_635 = tpu.memref_slice %arg3[%while3A_577, %dma_wait3A_626, %dma_wait3A_634] : memref<52x8x100000xf32, #tpu.memory_space<hbm>> -> memref<1x1x99968xf32, #tpu.memory_space<hbm>>
      %dma_wait3A_636 = tpu.memref_squeeze %dma_wait3A_635 : memref<1x1x99968xf32, #tpu.memory_space<hbm>> -> memref<99968xf32, #tpu.memory_space<hbm>>
      tpu.wait_dma2 semaphore(%arg9 : memref<!tpu.dma_semaphore, #tpu.memory_space<semaphore_mem>>) src(%dma_wait3A_636 : memref<99968xf32, #tpu.memory_space<hbm>>) dst(%dma_wait3A_633 : memref<99968xf32, #tpu.memory_space<vmem>>)
      %gt3A = arith.constant 0 : i32
      %gt3A_637 = arith.cmpi sgt, %while3A_578, %gt3A : i32
      %convert_element_type3A = arith.extui %gt3A_637 : i1 to i32
      %cond3A = arith.constant 0 : i32
      %cond3A_638 = arith.cmpi ne, %convert_element_type3A, %cond3A : i32
      scf.if %cond3A_638 {
        %dma_wait3A_655 = arith.constant 3 : i32
        %dma_wait3A_656 = arith.constant 0 : i32
        %dma_wait3A_657 = tpu.memref_slice %arg8[%dma_wait3A_656] : memref<8192xf32, #tpu.memory_space<vmem>> -> memref<4096xf32, #tpu.memory_space<vmem>>
        %dma_wait3A_658 = arith.constant 0 : i32
        %dma_wait3A_659 = tpu.memref_slice %arg5[%while3A_577, %dma_wait3A_655, %dma_wait3A_658] : memref<52x8x4096xf32, #tpu.memory_space<hbm>> -> memref<1x1x4096xf32, #tpu.memory_space<hbm>>
        %dma_wait3A_660 = tpu.memref_squeeze %dma_wait3A_659 : memref<1x1x4096xf32, #tpu.memory_space<hbm>> -> memref<4096xf32, #tpu.memory_space<hbm>>
        %dma_wait3A_661 = arith.constant 0 : i32
        %dma_wait3A_662 = tpu.memref_slice %arg5[%while3A_577, %dma_wait3A_655, %dma_wait3A_661] : memref<52x8x4096xf32, #tpu.memory_space<hbm>> -> memref<1x1x4096xf32, #tpu.memory_space<hbm>>
        %dma_wait3A_663 = tpu.memref_squeeze %dma_wait3A_662 : memref<1x1x4096xf32, #tpu.memory_space<hbm>> -> memref<4096xf32, #tpu.memory_space<hbm>>
        %dma_wait3A_664 = arith.constant 0 : i32
        %dma_wait3A_665 = tpu.memref_slice %arg8[%dma_wait3A_664] : memref<8192xf32, #tpu.memory_space<vmem>> -> memref<4096xf32, #tpu.memory_space<vmem>>
        tpu.wait_dma2 semaphore(%arg10 : memref<!tpu.dma_semaphore, #tpu.memory_space<semaphore_mem>>) src(%dma_wait3A_665 : memref<4096xf32, #tpu.memory_space<vmem>>) dst(%dma_wait3A_663 : memref<4096xf32, #tpu.memory_space<hbm>>)
      } else {
      }
      %scan3A = arith.constant 0 : i32
      %scan3A_639 = arith.constant 0 : i32
      %scan3A_640 = arith.constant 256 : i32
      %scan3A_641 = arith.addi %scan3A_639, %scan3A_640 : i32
      %scan3A_642 = arith.constant 8 : i32
      scf.for %scan3A_655 = %scan3A_639 to %scan3A_641 step %scan3A_642  : i32 {
        %mul3A_656 = arith.constant 16 : i32
        %mul3A_657 = arith.muli %scan3A_655, %mul3A_656 : i32
        %add3A_658 = arith.addi %mul3A_625, %mul3A_657 : i32
        %get3A = arith.index_cast %add3A_658 : i32 to index
        %get3A_659 = tpu.vector_load %arg6[%get3A] {strides = array<i32>} : memref<8192xi32, #tpu.memory_space<vmem>>, vector<16xi32>,
        %gather3A = tpu.vector_load_idx %arg7[%get3A_659] : memref<100000xf32, #tpu.memory_space<vmem>>[vector<16xi32>], vector<16xf32>,
        %mul3A_660 = arith.constant 16 : i32
        %mul3A_661 = arith.muli %scan3A_655, %mul3A_660 : i32
        %add3A_662 = arith.addi %mul3A_598, %mul3A_661 : i32
        %swap3A = arith.index_cast %add3A_662 : i32 to index
        %swap3A_663 = tpu.vector_load %arg8[%swap3A] {strides = array<i32>} : memref<8192xf32, #tpu.memory_space<vmem>>, vector<16xf32>,
        tpu.vector_store %arg8[%swap3A], %gather3A {strides = array<i32>} : memref<8192xf32, #tpu.memory_space<vmem>>, vector<16xf32>,
        %scan3A_664 = arith.constant 1 : i32
        %scan3A_665 = arith.addi %scan3A_655, %scan3A_664 : i32
        %mul3A_666 = arith.constant 16 : i32
        %mul3A_667 = arith.muli %scan3A_665, %mul3A_666 : i32
        %add3A_668 = arith.addi %mul3A_625, %mul3A_667 : i32
        %get3A_669 = arith.index_cast %add3A_668 : i32 to index
        %get3A_670 = tpu.vector_load %arg6[%get3A_669] {strides = array<i32>} : memref<8192xi32, #tpu.memory_space<vmem>>, vector<16xi32>,
        %gather3A_671 = tpu.vector_load_idx %arg7[%get3A_670] : memref<100000xf32, #tpu.memory_space<vmem>>[vector<16xi32>], vector<16xf32>,
        %mul3A_672 = arith.constant 16 : i32
        %mul3A_673 = arith.muli %scan3A_665, %mul3A_672 : i32
        %add3A_674 = arith.addi %mul3A_598, %mul3A_673 : i32
        %swap3A_675 = arith.index_cast %add3A_674 : i32 to index
        %swap3A_676 = tpu.vector_load %arg8[%swap3A_675] {strides = array<i32>} : memref<8192xf32, #tpu.memory_space<vmem>>, vector<16xf32>,
        tpu.vector_store %arg8[%swap3A_675], %gather3A_671 {strides = array<i32>} : memref<8192xf32, #tpu.memory_space<vmem>>, vector<16xf32>,
        %scan3A_677 = arith.constant 2 : i32
        %scan3A_678 = arith.addi %scan3A_655, %scan3A_677 : i32
        %mul3A_679 = arith.constant 16 : i32
        %mul3A_680 = arith.muli %scan3A_678, %mul3A_679 : i32
        %add3A_681 = arith.addi %mul3A_625, %mul3A_680 : i32
        %get3A_682 = arith.index_cast %add3A_681 : i32 to index
        %get3A_683 = tpu.vector_load %arg6[%get3A_682] {strides = array<i32>} : memref<8192xi32, #tpu.memory_space<vmem>>, vector<16xi32>,
        %gather3A_684 = tpu.vector_load_idx %arg7[%get3A_683] : memref<100000xf32, #tpu.memory_space<vmem>>[vector<16xi32>], vector<16xf32>,
        %mul3A_685 = arith.constant 16 : i32
        %mul3A_686 = arith.muli %scan3A_678, %mul3A_685 : i32
        %add3A_687 = arith.addi %mul3A_598, %mul3A_686 : i32
        %swap3A_688 = arith.index_cast %add3A_687 : i32 to index
        %swap3A_689 = tpu.vector_load %arg8[%swap3A_688] {strides = array<i32>} : memref<8192xf32, #tpu.memory_space<vmem>>, vector<16xf32>,
        tpu.vector_store %arg8[%swap3A_688], %gather3A_684 {strides = array<i32>} : memref<8192xf32, #tpu.memory_space<vmem>>, vector<16xf32>,
        %scan3A_690 = arith.constant 3 : i32
        %scan3A_691 = arith.addi %scan3A_655, %scan3A_690 : i32
        %mul3A_692 = arith.constant 16 : i32
        %mul3A_693 = arith.muli %scan3A_691, %mul3A_692 : i32
        %add3A_694 = arith.addi %mul3A_625, %mul3A_693 : i32
        %get3A_695 = arith.index_cast %add3A_694 : i32 to index
        %get3A_696 = tpu.vector_load %arg6[%get3A_695] {strides = array<i32>} : memref<8192xi32, #tpu.memory_space<vmem>>, vector<16xi32>,
        %gather3A_697 = tpu.vector_load_idx %arg7[%get3A_696] : memref<100000xf32, #tpu.memory_space<vmem>>[vector<16xi32>], vector<16xf32>,
        %mul3A_698 = arith.constant 16 : i32
        %mul3A_699 = arith.muli %scan3A_691, %mul3A_698 : i32
        %add3A_700 = arith.addi %mul3A_598, %mul3A_699 : i32
        %swap3A_701 = arith.index_cast %add3A_700 : i32 to index
        %swap3A_702 = tpu.vector_load %arg8[%swap3A_701] {strides = array<i32>} : memref<8192xf32, #tpu.memory_space<vmem>>, vector<16xf32>,
        tpu.vector_store %arg8[%swap3A_701], %gather3A_697 {strides = array<i32>} : memref<8192xf32, #tpu.memory_space<vmem>>, vector<16xf32>,
        %scan3A_703 = arith.constant 4 : i32
        %scan3A_704 = arith.addi %scan3A_655, %scan3A_703 : i32
        %mul3A_705 = arith.constant 16 : i32
        %mul3A_706 = arith.muli %scan3A_704, %mul3A_705 : i32
        %add3A_707 = arith.addi %mul3A_625, %mul3A_706 : i32
        %get3A_708 = arith.index_cast %add3A_707 : i32 to index
        %get3A_709 = tpu.vector_load %arg6[%get3A_708] {strides = array<i32>} : memref<8192xi32, #tpu.memory_space<vmem>>, vector<16xi32>,
        %gather3A_710 = tpu.vector_load_idx %arg7[%get3A_709] : memref<100000xf32, #tpu.memory_space<vmem>>[vector<16xi32>], vector<16xf32>,
        %mul3A_711 = arith.constant 16 : i32
        %mul3A_712 = arith.muli %scan3A_704, %mul3A_711 : i32
        %add3A_713 = arith.addi %mul3A_598, %mul3A_712 : i32
        %swap3A_714 = arith.index_cast %add3A_713 : i32 to index
        %swap3A_715 = tpu.vector_load %arg8[%swap3A_714] {strides = array<i32>} : memref<8192xf32, #tpu.memory_space<vmem>>, vector<16xf32>,
        tpu.vector_store %arg8[%swap3A_714], %gather3A_710 {strides = array<i32>} : memref<8192xf32, #tpu.memory_space<vmem>>, vector<16xf32>,
        %scan3A_716 = arith.constant 5 : i32
        %scan3A_717 = arith.addi %scan3A_655, %scan3A_716 : i32
        %mul3A_718 = arith.constant 16 : i32
        %mul3A_719 = arith.muli %scan3A_717, %mul3A_718 : i32
        %add3A_720 = arith.addi %mul3A_625, %mul3A_719 : i32
        %get3A_721 = arith.index_cast %add3A_720 : i32 to index
        %get3A_722 = tpu.vector_load %arg6[%get3A_721] {strides = array<i32>} : memref<8192xi32, #tpu.memory_space<vmem>>, vector<16xi32>,
        %gather3A_723 = tpu.vector_load_idx %arg7[%get3A_722] : memref<100000xf32, #tpu.memory_space<vmem>>[vector<16xi32>], vector<16xf32>,
        %mul3A_724 = arith.constant 16 : i32
        %mul3A_725 = arith.muli %scan3A_717, %mul3A_724 : i32
        %add3A_726 = arith.addi %mul3A_598, %mul3A_725 : i32
        %swap3A_727 = arith.index_cast %add3A_726 : i32 to index
        %swap3A_728 = tpu.vector_load %arg8[%swap3A_727] {strides = array<i32>} : memref<8192xf32, #tpu.memory_space<vmem>>, vector<16xf32>,
        tpu.vector_store %arg8[%swap3A_727], %gather3A_723 {strides = array<i32>} : memref<8192xf32, #tpu.memory_space<vmem>>, vector<16xf32>,
        %scan3A_729 = arith.constant 6 : i32
        %scan3A_730 = arith.addi %scan3A_655, %scan3A_729 : i32
        %mul3A_731 = arith.constant 16 : i32
        %mul3A_732 = arith.muli %scan3A_730, %mul3A_731 : i32
        %add3A_733 = arith.addi %mul3A_625, %mul3A_732 : i32
        %get3A_734 = arith.index_cast %add3A_733 : i32 to index
        %get3A_735 = tpu.vector_load %arg6[%get3A_734] {strides = array<i32>} : memref<8192xi32, #tpu.memory_space<vmem>>, vector<16xi32>,
        %gather3A_736 = tpu.vector_load_idx %arg7[%get3A_735] : memref<100000xf32, #tpu.memory_space<vmem>>[vector<16xi32>], vector<16xf32>,
        %mul3A_737 = arith.constant 16 : i32
        %mul3A_738 = arith.muli %scan3A_730, %mul3A_737 : i32
        %add3A_739 = arith.addi %mul3A_598, %mul3A_738 : i32
        %swap3A_740 = arith.index_cast %add3A_739 : i32 to index
        %swap3A_741 = tpu.vector_load %arg8[%swap3A_740] {strides = array<i32>} : memref<8192xf32, #tpu.memory_space<vmem>>, vector<16xf32>,
        tpu.vector_store %arg8[%swap3A_740], %gather3A_736 {strides = array<i32>} : memref<8192xf32, #tpu.memory_space<vmem>>, vector<16xf32>,
        %scan3A_742 = arith.constant 7 : i32
        %scan3A_743 = arith.addi %scan3A_655, %scan3A_742 : i32
        %mul3A_744 = arith.constant 16 : i32
        %mul3A_745 = arith.muli %scan3A_743, %mul3A_744 : i32
        %add3A_746 = arith.addi %mul3A_625, %mul3A_745 : i32
        %get3A_747 = arith.index_cast %add3A_746 : i32 to index
        %get3A_748 = tpu.vector_load %arg6[%get3A_747] {strides = array<i32>} : memref<8192xi32, #tpu.memory_space<vmem>>, vector<16xi32>,
        %gather3A_749 = tpu.vector_load_idx %arg7[%get3A_748] : memref<100000xf32, #tpu.memory_space<vmem>>[vector<16xi32>], vector<16xf32>,
        %mul3A_750 = arith.constant 16 : i32
        %mul3A_751 = arith.muli %scan3A_743, %mul3A_750 : i32
        %add3A_752 = arith.addi %mul3A_598, %mul3A_751 : i32
        %swap3A_753 = arith.index_cast %add3A_752 : i32 to index
        %swap3A_754 = tpu.vector_load %arg8[%swap3A_753] {strides = array<i32>} : memref<8192xf32, #tpu.memory_space<vmem>>, vector<16xf32>,
        tpu.vector_store %arg8[%swap3A_753], %gather3A_749 {strides = array<i32>} : memref<8192xf32, #tpu.memory_space<vmem>>, vector<16xf32>,
      }
      %scan3A_643 = arith.constant 256 : i32
      %dma_start3A_644 = arith.constant 3 : i32
      %dma_start3A_645 = tpu.memref_slice %arg8[%mul3A_598] : memref<8192xf32, #tpu.memory_space<vmem>> -> memref<4096xf32, #tpu.memory_space<vmem>>
      %dma_start3A_646 = arith.constant 0 : i32
      %dma_start3A_647 = tpu.memref_slice %arg5[%while3A_577, %dma_start3A_644, %dma_start3A_646] : memref<52x8x4096xf32, #tpu.memory_space<hbm>> -> memref<1x1x4096xf32, #tpu.memory_space<hbm>>
      %dma_start3A_648 = tpu.memref_squeeze %dma_start3A_647 : memref<1x1x4096xf32, #tpu.memory_space<hbm>> -> memref<4096xf32, #tpu.memory_space<hbm>>
      %dma_start3A_649 = arith.constant 0 : i32
      %dma_start3A_650 = tpu.memref_slice %arg5[%while3A_577, %dma_start3A_644, %dma_start3A_649] : memref<52x8x4096xf32, #tpu.memory_space<hbm>> -> memref<1x1x4096xf32, #tpu.memory_space<hbm>>
      %dma_start3A_651 = tpu.memref_squeeze %dma_start3A_650 : memref<1x1x4096xf32, #tpu.memory_space<hbm>> -> memref<4096xf32, #tpu.memory_space<hbm>>
      %dma_start3A_652 = tpu.memref_slice %arg8[%mul3A_598] : memref<8192xf32, #tpu.memory_space<vmem>> -> memref<4096xf32, #tpu.memory_space<vmem>>
      tpu.enqueue_dma source(%dma_start3A_652 : memref<4096xf32, #tpu.memory_space<vmem>>) target(%dma_start3A_651 : memref<4096xf32, #tpu.memory_space<hbm>>) target_semaphore(%arg10 : memref<!tpu.dma_semaphore, #tpu.memory_space<semaphore_mem>>)
      %add3A_653 = arith.constant 1 : i32
      %add3A_654 = arith.addi %while3A_578, %add3A_653 : i32
      scf.yield %add3A_654 : i32
    }
    %while3A_292 = arith.constant 1 : i32
    %while3A_293 = scf.for %while3A_577 = %while3A_289 to %while3A_285 step %while3A_292 iter_args(%while3A_578 = %while3A_291) -> (i32)  : i32 {
      %mul3A_579 = arith.constant 8 : i32
      %mul3A_580 = arith.muli %while3A_577, %mul3A_579 : i32
      %add3A_581 = arith.constant 3 : i32
      %add3A_582 = arith.addi %mul3A_580, %add3A_581 : i32
      %dma_start3A = arith.constant 3 : i32
      %dma_start3A_583 = arith.constant 0 : i32
      %dma_start3A_584 = tpu.memref_slice %arg7[%dma_start3A_583] : memref<100000xf32, #tpu.memory_space<vmem>> -> memref<99968xf32, #tpu.memory_space<vmem>>
      %dma_start3A_585 = arith.constant 0 : i32
      %dma_start3A_586 = tpu.memref_slice %arg3[%while3A_577, %dma_start3A, %dma_start3A_585] : memref<52x8x100000xf32, #tpu.memory_space<hbm>> -> memref<1x1x99968xf32, #tpu.memory_space<hbm>>
      %dma_start3A_587 = tpu.memref_squeeze %dma_start3A_586 : memref<1x1x99968xf32, #tpu.memory_space<hbm>> -> memref<99968xf32, #tpu.memory_space<hbm>>
      %dma_start3A_588 = arith.constant 0 : i32
      %dma_start3A_589 = tpu.memref_slice %arg7[%dma_start3A_588] : memref<100000xf32, #tpu.memory_space<vmem>> -> memref<99968xf32, #tpu.memory_space<vmem>>
      %dma_start3A_590 = arith.constant 0 : i32
      %dma_start3A_591 = tpu.memref_slice %arg3[%while3A_577, %dma_start3A, %dma_start3A_590] : memref<52x8x100000xf32, #tpu.memory_space<hbm>> -> memref<1x1x99968xf32, #tpu.memory_space<hbm>>
      %dma_start3A_592 = tpu.memref_squeeze %dma_start3A_591 : memref<1x1x99968xf32, #tpu.memory_space<hbm>> -> memref<99968xf32, #tpu.memory_space<hbm>>
      tpu.enqueue_dma source(%dma_start3A_592 : memref<99968xf32, #tpu.memory_space<hbm>>) target(%dma_start3A_589 : memref<99968xf32, #tpu.memory_space<vmem>>) target_semaphore(%arg9 : memref<!tpu.dma_semaphore, #tpu.memory_space<semaphore_mem>>)
      %mul3A_593 = arith.constant 32 : i32
      %mul3A_594 = arith.muli %add3A_582, %mul3A_593 : i32
      "tpu.region"() ({
        %run_scoped3A = tpu.sem_alloc : memref<!tpu.dma_semaphore, #tpu.memory_space<semaphore_mem>>
        %dma_start3A_655 = arith.constant 99968 : i32
        %dma_start3A_656 = tpu.memref_slice %arg7[%dma_start3A_655] : memref<100000xf32, #tpu.memory_space<vmem>> -> memref<32xf32, #tpu.memory_space<vmem>>
        %dma_start3A_657 = tpu.memref_slice %arg4[%mul3A_594] : memref<13312xf32, #tpu.memory_space<hbm>> -> memref<32xf32, #tpu.memory_space<hbm>>
        %dma_start3A_658 = arith.constant 99968 : i32
        %dma_start3A_659 = tpu.memref_slice %arg7[%dma_start3A_658] : memref<100000xf32, #tpu.memory_space<vmem>> -> memref<32xf32, #tpu.memory_space<vmem>>
        %dma_start3A_660 = tpu.memref_slice %arg4[%mul3A_594] : memref<13312xf32, #tpu.memory_space<hbm>> -> memref<32xf32, #tpu.memory_space<hbm>>
        tpu.enqueue_dma source(%dma_start3A_660 : memref<32xf32, #tpu.memory_space<hbm>>) target(%dma_start3A_659 : memref<32xf32, #tpu.memory_space<vmem>>) target_semaphore(%run_scoped3A : memref<!tpu.dma_semaphore, #tpu.memory_space<semaphore_mem>>)
        %dma_wait3A_661 = arith.constant 99968 : i32
        %dma_wait3A_662 = tpu.memref_slice %arg7[%dma_wait3A_661] : memref<100000xf32, #tpu.memory_space<vmem>> -> memref<32xf32, #tpu.memory_space<vmem>>
        %dma_wait3A_663 = tpu.memref_slice %arg4[%mul3A_594] : memref<13312xf32, #tpu.memory_space<hbm>> -> memref<32xf32, #tpu.memory_space<hbm>>
        %dma_wait3A_664 = arith.constant 99968 : i32
        %dma_wait3A_665 = tpu.memref_slice %arg7[%dma_wait3A_664] : memref<100000xf32, #tpu.memory_space<vmem>> -> memref<32xf32, #tpu.memory_space<vmem>>
        %dma_wait3A_666 = tpu.memref_slice %arg4[%mul3A_594] : memref<13312xf32, #tpu.memory_space<hbm>> -> memref<32xf32, #tpu.memory_space<hbm>>
        tpu.wait_dma2 semaphore(%run_scoped3A : memref<!tpu.dma_semaphore, #tpu.memory_space<semaphore_mem>>) src(%dma_wait3A_666 : memref<32xf32, #tpu.memory_space<hbm>>) dst(%dma_wait3A_665 : memref<32xf32, #tpu.memory_space<vmem>>)
        tpu.yield
      }) : () -> ()
      %rem3A_595 = arith.constant 2 : i32
      %rem3A_596 = arith.remsi %while3A_578, %rem3A_595 : i32
      %mul3A_597 = arith.constant 4096 : i32
      %mul3A_598 = arith.muli %rem3A_596, %mul3A_597 : i32
      %jit3A_599 = arith.constant 16 : i32
      %div3A_600 = arith.divsi %add3A_582, %jit3A_599 : i32
      %sign3A_601 = arith.constant 0 : i32
      %sign3A_602 = arith.cmpi sgt, %add3A_582, %sign3A_601 : i32
      %sign3A_603 = arith.extui %sign3A_602 : i1 to i32
      %sign3A_604 = arith.constant 0 : i32
      %sign3A_605 = arith.cmpi slt, %add3A_582, %sign3A_604 : i32
      %sign3A_606 = arith.extui %sign3A_605 : i1 to i32
      %sign3A_607 = arith.subi %sign3A_603, %sign3A_606 : i32
      %sign3A_608 = arith.constant 0 : i32
      %sign3A_609 = arith.cmpi sgt, %jit3A_599, %sign3A_608 : i32
      %sign3A_610 = arith.extui %sign3A_609 : i1 to i32
      %sign3A_611 = arith.constant 0 : i32
      %sign3A_612 = arith.cmpi slt, %jit3A_599, %sign3A_611 : i32
      %sign3A_613 = arith.extui %sign3A_612 : i1 to i32
      %sign3A_614 = arith.subi %sign3A_610, %sign3A_613 : i32
      %ne3A_615 = arith.cmpi ne, %sign3A_607, %sign3A_614 : i32
      %rem3A_616 = arith.remsi %add3A_582, %jit3A_599 : i32
      %ne3A_617 = arith.constant 0 : i32
      %ne3A_618 = arith.cmpi ne, %rem3A_616, %ne3A_617 : i32
      %and3A_619 = arith.andi %ne3A_615, %ne3A_618 : i1
      %sub3A_620 = arith.constant 1 : i32
      %sub3A_621 = arith.subi %div3A_600, %sub3A_620 : i32
      %select_n3A_622 = arith.select %and3A_619, %sub3A_621, %div3A_600 : i32
      %sub3A_623 = arith.subi %select_n3A_622, %select_n3A : i32
      %mul3A_624 = arith.constant 4096 : i32
      %mul3A_625 = arith.muli %sub3A_623, %mul3A_624 : i32
      %dma_wait3A_626 = arith.constant 3 : i32
      %dma_wait3A_627 = arith.constant 0 : i32
      %dma_wait3A_628 = tpu.memref_slice %arg7[%dma_wait3A_627] : memref<100000xf32, #tpu.memory_space<vmem>> -> memref<99968xf32, #tpu.memory_space<vmem>>
      %dma_wait3A_629 = arith.constant 0 : i32
      %dma_wait3A_630 = tpu.memref_slice %arg3[%while3A_577, %dma_wait3A_626, %dma_wait3A_629] : memref<52x8x100000xf32, #tpu.memory_space<hbm>> -> memref<1x1x99968xf32, #tpu.memory_space<hbm>>
      %dma_wait3A_631 = tpu.memref_squeeze %dma_wait3A_630 : memref<1x1x99968xf32, #tpu.memory_space<hbm>> -> memref<99968xf32, #tpu.memory_space<hbm>>
      %dma_wait3A_632 = arith.constant 0 : i32
      %dma_wait3A_633 = tpu.memref_slice %arg7[%dma_wait3A_632] : memref<100000xf32, #tpu.memory_space<vmem>> -> memref<99968xf32, #tpu.memory_space<vmem>>
      %dma_wait3A_634 = arith.constant 0 : i32
      %dma_wait3A_635 = tpu.memref_slice %arg3[%while3A_577, %dma_wait3A_626, %dma_wait3A_634] : memref<52x8x100000xf32, #tpu.memory_space<hbm>> -> memref<1x1x99968xf32, #tpu.memory_space<hbm>>
      %dma_wait3A_636 = tpu.memref_squeeze %dma_wait3A_635 : memref<1x1x99968xf32, #tpu.memory_space<hbm>> -> memref<99968xf32, #tpu.memory_space<hbm>>
      tpu.wait_dma2 semaphore(%arg9 : memref<!tpu.dma_semaphore, #tpu.memory_space<semaphore_mem>>) src(%dma_wait3A_636 : memref<99968xf32, #tpu.memory_space<hbm>>) dst(%dma_wait3A_633 : memref<99968xf32, #tpu.memory_space<vmem>>)
      %gt3A = arith.constant 0 : i32
      %gt3A_637 = arith.cmpi sgt, %while3A_578, %gt3A : i32
      %convert_element_type3A = arith.extui %gt3A_637 : i1 to i32
      %cond3A = arith.constant 0 : i32
      %cond3A_638 = arith.cmpi ne, %convert_element_type3A, %cond3A : i32
      scf.if %cond3A_638 {
        %dma_wait3A_655 = arith.constant 3 : i32
        %dma_wait3A_656 = arith.constant 0 : i32
        %dma_wait3A_657 = tpu.memref_slice %arg8[%dma_wait3A_656] : memref<8192xf32, #tpu.memory_space<vmem>> -> memref<4096xf32, #tpu.memory_space<vmem>>
        %dma_wait3A_658 = arith.constant 0 : i32
        %dma_wait3A_659 = tpu.memref_slice %arg5[%while3A_577, %dma_wait3A_655, %dma_wait3A_658] : memref<52x8x4096xf32, #tpu.memory_space<hbm>> -> memref<1x1x4096xf32, #tpu.memory_space<hbm>>
        %dma_wait3A_660 = tpu.memref_squeeze %dma_wait3A_659 : memref<1x1x4096xf32, #tpu.memory_space<hbm>> -> memref<4096xf32, #tpu.memory_space<hbm>>
        %dma_wait3A_661 = arith.constant 0 : i32
        %dma_wait3A_662 = tpu.memref_slice %arg5[%while3A_577, %dma_wait3A_655, %dma_wait3A_661] : memref<52x8x4096xf32, #tpu.memory_space<hbm>> -> memref<1x1x4096xf32, #tpu.memory_space<hbm>>
        %dma_wait3A_663 = tpu.memref_squeeze %dma_wait3A_662 : memref<1x1x4096xf32, #tpu.memory_space<hbm>> -> memref<4096xf32, #tpu.memory_space<hbm>>
        %dma_wait3A_664 = arith.constant 0 : i32
        %dma_wait3A_665 = tpu.memref_slice %arg8[%dma_wait3A_664] : memref<8192xf32, #tpu.memory_space<vmem>> -> memref<4096xf32, #tpu.memory_space<vmem>>
        tpu.wait_dma2 semaphore(%arg10 : memref<!tpu.dma_semaphore, #tpu.memory_space<semaphore_mem>>) src(%dma_wait3A_665 : memref<4096xf32, #tpu.memory_space<vmem>>) dst(%dma_wait3A_663 : memref<4096xf32, #tpu.memory_space<hbm>>)
      } else {
      }
      %scan3A = arith.constant 0 : i32
      %scan3A_639 = arith.constant 0 : i32
      %scan3A_640 = arith.constant 256 : i32
      %scan3A_641 = arith.addi %scan3A_639, %scan3A_640 : i32
      %scan3A_642 = arith.constant 8 : i32
      scf.for %scan3A_655 = %scan3A_639 to %scan3A_641 step %scan3A_642  : i32 {
        %mul3A_656 = arith.constant 16 : i32
        %mul3A_657 = arith.muli %scan3A_655, %mul3A_656 : i32
        %add3A_658 = arith.addi %mul3A_625, %mul3A_657 : i32
        %get3A = arith.index_cast %add3A_658 : i32 to index
        %get3A_659 = tpu.vector_load %arg6[%get3A] {strides = array<i32>} : memref<8192xi32, #tpu.memory_space<vmem>>, vector<16xi32>,
        %gather3A = tpu.vector_load_idx %arg7[%get3A_659] : memref<100000xf32, #tpu.memory_space<vmem>>[vector<16xi32>], vector<16xf32>,
        %mul3A_660 = arith.constant 16 : i32
        %mul3A_661 = arith.muli %scan3A_655, %mul3A_660 : i32
        %add3A_662 = arith.addi %mul3A_598, %mul3A_661 : i32
        %swap3A = arith.index_cast %add3A_662 : i32 to index
        %swap3A_663 = tpu.vector_load %arg8[%swap3A] {strides = array<i32>} : memref<8192xf32, #tpu.memory_space<vmem>>, vector<16xf32>,
        tpu.vector_store %arg8[%swap3A], %gather3A {strides = array<i32>} : memref<8192xf32, #tpu.memory_space<vmem>>, vector<16xf32>,
        %scan3A_664 = arith.constant 1 : i32
        %scan3A_665 = arith.addi %scan3A_655, %scan3A_664 : i32
        %mul3A_666 = arith.constant 16 : i32
        %mul3A_667 = arith.muli %scan3A_665, %mul3A_666 : i32
        %add3A_668 = arith.addi %mul3A_625, %mul3A_667 : i32
        %get3A_669 = arith.index_cast %add3A_668 : i32 to index
        %get3A_670 = tpu.vector_load %arg6[%get3A_669] {strides = array<i32>} : memref<8192xi32, #tpu.memory_space<vmem>>, vector<16xi32>,
        %gather3A_671 = tpu.vector_load_idx %arg7[%get3A_670] : memref<100000xf32, #tpu.memory_space<vmem>>[vector<16xi32>], vector<16xf32>,
        %mul3A_672 = arith.constant 16 : i32
        %mul3A_673 = arith.muli %scan3A_665, %mul3A_672 : i32
        %add3A_674 = arith.addi %mul3A_598, %mul3A_673 : i32
        %swap3A_675 = arith.index_cast %add3A_674 : i32 to index
        %swap3A_676 = tpu.vector_load %arg8[%swap3A_675] {strides = array<i32>} : memref<8192xf32, #tpu.memory_space<vmem>>, vector<16xf32>,
        tpu.vector_store %arg8[%swap3A_675], %gather3A_671 {strides = array<i32>} : memref<8192xf32, #tpu.memory_space<vmem>>, vector<16xf32>,
        %scan3A_677 = arith.constant 2 : i32
        %scan3A_678 = arith.addi %scan3A_655, %scan3A_677 : i32
        %mul3A_679 = arith.constant 16 : i32
        %mul3A_680 = arith.muli %scan3A_678, %mul3A_679 : i32
        %add3A_681 = arith.addi %mul3A_625, %mul3A_680 : i32
        %get3A_682 = arith.index_cast %add3A_681 : i32 to index
        %get3A_683 = tpu.vector_load %arg6[%get3A_682] {strides = array<i32>} : memref<8192xi32, #tpu.memory_space<vmem>>, vector<16xi32>,
        %gather3A_684 = tpu.vector_load_idx %arg7[%get3A_683] : memref<100000xf32, #tpu.memory_space<vmem>>[vector<16xi32>], vector<16xf32>,
        %mul3A_685 = arith.constant 16 : i32
        %mul3A_686 = arith.muli %scan3A_678, %mul3A_685 : i32
        %add3A_687 = arith.addi %mul3A_598, %mul3A_686 : i32
        %swap3A_688 = arith.index_cast %add3A_687 : i32 to index
        %swap3A_689 = tpu.vector_load %arg8[%swap3A_688] {strides = array<i32>} : memref<8192xf32, #tpu.memory_space<vmem>>, vector<16xf32>,
        tpu.vector_store %arg8[%swap3A_688], %gather3A_684 {strides = array<i32>} : memref<8192xf32, #tpu.memory_space<vmem>>, vector<16xf32>,
        %scan3A_690 = arith.constant 3 : i32
        %scan3A_691 = arith.addi %scan3A_655, %scan3A_690 : i32
        %mul3A_692 = arith.constant 16 : i32
        %mul3A_693 = arith.muli %scan3A_691, %mul3A_692 : i32
        %add3A_694 = arith.addi %mul3A_625, %mul3A_693 : i32
        %get3A_695 = arith.index_cast %add3A_694 : i32 to index
        %get3A_696 = tpu.vector_load %arg6[%get3A_695] {strides = array<i32>} : memref<8192xi32, #tpu.memory_space<vmem>>, vector<16xi32>,
        %gather3A_697 = tpu.vector_load_idx %arg7[%get3A_696] : memref<100000xf32, #tpu.memory_space<vmem>>[vector<16xi32>], vector<16xf32>,
        %mul3A_698 = arith.constant 16 : i32
        %mul3A_699 = arith.muli %scan3A_691, %mul3A_698 : i32
        %add3A_700 = arith.addi %mul3A_598, %mul3A_699 : i32
        %swap3A_701 = arith.index_cast %add3A_700 : i32 to index
        %swap3A_702 = tpu.vector_load %arg8[%swap3A_701] {strides = array<i32>} : memref<8192xf32, #tpu.memory_space<vmem>>, vector<16xf32>,
        tpu.vector_store %arg8[%swap3A_701], %gather3A_697 {strides = array<i32>} : memref<8192xf32, #tpu.memory_space<vmem>>, vector<16xf32>,
        %scan3A_703 = arith.constant 4 : i32
        %scan3A_704 = arith.addi %scan3A_655, %scan3A_703 : i32
        %mul3A_705 = arith.constant 16 : i32
        %mul3A_706 = arith.muli %scan3A_704, %mul3A_705 : i32
        %add3A_707 = arith.addi %mul3A_625, %mul3A_706 : i32
        %get3A_708 = arith.index_cast %add3A_707 : i32 to index
        %get3A_709 = tpu.vector_load %arg6[%get3A_708] {strides = array<i32>} : memref<8192xi32, #tpu.memory_space<vmem>>, vector<16xi32>,
        %gather3A_710 = tpu.vector_load_idx %arg7[%get3A_709] : memref<100000xf32, #tpu.memory_space<vmem>>[vector<16xi32>], vector<16xf32>,
        %mul3A_711 = arith.constant 16 : i32
        %mul3A_712 = arith.muli %scan3A_704, %mul3A_711 : i32
        %add3A_713 = arith.addi %mul3A_598, %mul3A_712 : i32
        %swap3A_714 = arith.index_cast %add3A_713 : i32 to index
        %swap3A_715 = tpu.vector_load %arg8[%swap3A_714] {strides = array<i32>} : memref<8192xf32, #tpu.memory_space<vmem>>, vector<16xf32>,
        tpu.vector_store %arg8[%swap3A_714], %gather3A_710 {strides = array<i32>} : memref<8192xf32, #tpu.memory_space<vmem>>, vector<16xf32>,
        %scan3A_716 = arith.constant 5 : i32
        %scan3A_717 = arith.addi %scan3A_655, %scan3A_716 : i32
        %mul3A_718 = arith.constant 16 : i32
        %mul3A_719 = arith.muli %scan3A_717, %mul3A_718 : i32
        %add3A_720 = arith.addi %mul3A_625, %mul3A_719 : i32
        %get3A_721 = arith.index_cast %add3A_720 : i32 to index
        %get3A_722 = tpu.vector_load %arg6[%get3A_721] {strides = array<i32>} : memref<8192xi32, #tpu.memory_space<vmem>>, vector<16xi32>,
        %gather3A_723 = tpu.vector_load_idx %arg7[%get3A_722] : memref<100000xf32, #tpu.memory_space<vmem>>[vector<16xi32>], vector<16xf32>,
        %mul3A_724 = arith.constant 16 : i32
        %mul3A_725 = arith.muli %scan3A_717, %mul3A_724 : i32
        %add3A_726 = arith.addi %mul3A_598, %mul3A_725 : i32
        %swap3A_727 = arith.index_cast %add3A_726 : i32 to index
        %swap3A_728 = tpu.vector_load %arg8[%swap3A_727] {strides = array<i32>} : memref<8192xf32, #tpu.memory_space<vmem>>, vector<16xf32>,
        tpu.vector_store %arg8[%swap3A_727], %gather3A_723 {strides = array<i32>} : memref<8192xf32, #tpu.memory_space<vmem>>, vector<16xf32>,
        %scan3A_729 = arith.constant 6 : i32
        %scan3A_730 = arith.addi %scan3A_655, %scan3A_729 : i32
        %mul3A_731 = arith.constant 16 : i32
        %mul3A_732 = arith.muli %scan3A_730, %mul3A_731 : i32
        %add3A_733 = arith.addi %mul3A_625, %mul3A_732 : i32
        %get3A_734 = arith.index_cast %add3A_733 : i32 to index
        %get3A_735 = tpu.vector_load %arg6[%get3A_734] {strides = array<i32>} : memref<8192xi32, #tpu.memory_space<vmem>>, vector<16xi32>,
        %gather3A_736 = tpu.vector_load_idx %arg7[%get3A_735] : memref<100000xf32, #tpu.memory_space<vmem>>[vector<16xi32>], vector<16xf32>,
        %mul3A_737 = arith.constant 16 : i32
        %mul3A_738 = arith.muli %scan3A_730, %mul3A_737 : i32
        %add3A_739 = arith.addi %mul3A_598, %mul3A_738 : i32
        %swap3A_740 = arith.index_cast %add3A_739 : i32 to index
        %swap3A_741 = tpu.vector_load %arg8[%swap3A_740] {strides = array<i32>} : memref<8192xf32, #tpu.memory_space<vmem>>, vector<16xf32>,
        tpu.vector_store %arg8[%swap3A_740], %gather3A_736 {strides = array<i32>} : memref<8192xf32, #tpu.memory_space<vmem>>, vector<16xf32>,
        %scan3A_742 = arith.constant 7 : i32
        %scan3A_743 = arith.addi %scan3A_655, %scan3A_742 : i32
        %mul3A_744 = arith.constant 16 : i32
        %mul3A_745 = arith.muli %scan3A_743, %mul3A_744 : i32
        %add3A_746 = arith.addi %mul3A_625, %mul3A_745 : i32
        %get3A_747 = arith.index_cast %add3A_746 : i32 to index
        %get3A_748 = tpu.vector_load %arg6[%get3A_747] {strides = array<i32>} : memref<8192xi32, #tpu.memory_space<vmem>>, vector<16xi32>,
        %gather3A_749 = tpu.vector_load_idx %arg7[%get3A_748] : memref<100000xf32, #tpu.memory_space<vmem>>[vector<16xi32>], vector<16xf32>,
        %mul3A_750 = arith.constant 16 : i32
        %mul3A_751 = arith.muli %scan3A_743, %mul3A_750 : i32
        %add3A_752 = arith.addi %mul3A_598, %mul3A_751 : i32
        %swap3A_753 = arith.index_cast %add3A_752 : i32 to index
        %swap3A_754 = tpu.vector_load %arg8[%swap3A_753] {strides = array<i32>} : memref<8192xf32, #tpu.memory_space<vmem>>, vector<16xf32>,
        tpu.vector_store %arg8[%swap3A_753], %gather3A_749 {strides = array<i32>} : memref<8192xf32, #tpu.memory_space<vmem>>, vector<16xf32>,
      }
      %scan3A_643 = arith.constant 256 : i32
      %dma_start3A_644 = arith.constant 3 : i32
      %dma_start3A_645 = tpu.memref_slice %arg8[%mul3A_598] : memref<8192xf32, #tpu.memory_space<vmem>> -> memref<4096xf32, #tpu.memory_space<vmem>>
      %dma_start3A_646 = arith.constant 0 : i32
      %dma_start3A_647 = tpu.memref_slice %arg5[%while3A_577, %dma_start3A_644, %dma_start3A_646] : memref<52x8x4096xf32, #tpu.memory_space<hbm>> -> memref<1x1x4096xf32, #tpu.memory_space<hbm>>
      %dma_start3A_648 = tpu.memref_squeeze %dma_start3A_647 : memref<1x1x4096xf32, #tpu.memory_space<hbm>> -> memref<4096xf32, #tpu.memory_space<hbm>>
      %dma_start3A_649 = arith.constant 0 : i32
      %dma_start3A_650 = tpu.memref_slice %arg5[%while3A_577, %dma_start3A_644, %dma_start3A_649] : memref<52x8x4096xf32, #tpu.memory_space<hbm>> -> memref<1x1x4096xf32, #tpu.memory_space<hbm>>
      %dma_start3A_651 = tpu.memref_squeeze %dma_start3A_650 : memref<1x1x4096xf32, #tpu.memory_space<hbm>> -> memref<4096xf32, #tpu.memory_space<hbm>>
      %dma_start3A_652 = tpu.memref_slice %arg8[%mul3A_598] : memref<8192xf32, #tpu.memory_space<vmem>> -> memref<4096xf32, #tpu.memory_space<vmem>>
      tpu.enqueue_dma source(%dma_start3A_652 : memref<4096xf32, #tpu.memory_space<vmem>>) target(%dma_start3A_651 : memref<4096xf32, #tpu.memory_space<hbm>>) target_semaphore(%arg10 : memref<!tpu.dma_semaphore, #tpu.memory_space<semaphore_mem>>)
      %add3A_653 = arith.constant 1 : i32
      %add3A_654 = arith.addi %while3A_578, %add3A_653 : i32
      scf.yield %add3A_654 : i32
    }
    %add3A_294 = arith.constant 7 : i32
    %add3A_295 = arith.addi %mul3A_2, %add3A_294 : i32
    %sub3A_296 = arith.constant 4 : i32
    %sub3A_297 = arith.subi %add3A_295, %sub3A_296 : i32
    %jit3A_298 = arith.constant 8 : i32
    %div3A_299 = arith.divsi %sub3A_297, %jit3A_298 : i32
    %sign3A_300 = arith.constant 0 : i32
    %sign3A_301 = arith.cmpi sgt, %sub3A_297, %sign3A_300 : i32
    %sign3A_302 = arith.extui %sign3A_301 : i1 to i32
    %sign3A_303 = arith.constant 0 : i32
    %sign3A_304 = arith.cmpi slt, %sub3A_297, %sign3A_303 : i32
    %sign3A_305 = arith.extui %sign3A_304 : i1 to i32
    %sign3A_306 = arith.subi %sign3A_302, %sign3A_305 : i32
    %sign3A_307 = arith.constant 0 : i32
    %sign3A_308 = arith.cmpi sgt, %jit3A_298, %sign3A_307 : i32
    %sign3A_309 = arith.extui %sign3A_308 : i1 to i32
    %sign3A_310 = arith.constant 0 : i32
    %sign3A_311 = arith.cmpi slt, %jit3A_298, %sign3A_310 : i32
    %sign3A_312 = arith.extui %sign3A_311 : i1 to i32
    %sign3A_313 = arith.subi %sign3A_309, %sign3A_312 : i32
    %ne3A_314 = arith.cmpi ne, %sign3A_306, %sign3A_313 : i32
    %rem3A_315 = arith.remsi %sub3A_297, %jit3A_298 : i32
    %ne3A_316 = arith.constant 0 : i32
    %ne3A_317 = arith.cmpi ne, %rem3A_315, %ne3A_316 : i32
    %and3A_318 = arith.andi %ne3A_314, %ne3A_317 : i1
    %sub3A_319 = arith.constant 1 : i32
    %sub3A_320 = arith.subi %div3A_299, %sub3A_319 : i32
    %select_n3A_321 = arith.select %and3A_318, %sub3A_320, %div3A_299 : i32
    %add3A_322 = arith.constant 13 : i32
    %add3A_323 = arith.addi %mul3A_2, %add3A_322 : i32
    %add3A_324 = arith.constant 7 : i32
    %add3A_325 = arith.addi %add3A_323, %add3A_324 : i32
    %sub3A_326 = arith.constant 4 : i32
    %sub3A_327 = arith.subi %add3A_325, %sub3A_326 : i32
    %jit3A_328 = arith.constant 8 : i32
    %div3A_329 = arith.divsi %sub3A_327, %jit3A_328 : i32
    %sign3A_330 = arith.constant 0 : i32
    %sign3A_331 = arith.cmpi sgt, %sub3A_327, %sign3A_330 : i32
    %sign3A_332 = arith.extui %sign3A_331 : i1 to i32
    %sign3A_333 = arith.constant 0 : i32
    %sign3A_334 = arith.cmpi slt, %sub3A_327, %sign3A_333 : i32
    %sign3A_335 = arith.extui %sign3A_334 : i1 to i32
    %sign3A_336 = arith.subi %sign3A_332, %sign3A_335 : i32
    %sign3A_337 = arith.constant 0 : i32
    %sign3A_338 = arith.cmpi sgt, %jit3A_328, %sign3A_337 : i32
    %sign3A_339 = arith.extui %sign3A_338 : i1 to i32
    %sign3A_340 = arith.constant 0 : i32
    %sign3A_341 = arith.cmpi slt, %jit3A_328, %sign3A_340 : i32
    %sign3A_342 = arith.extui %sign3A_341 : i1 to i32
    %sign3A_343 = arith.subi %sign3A_339, %sign3A_342 : i32
    %ne3A_344 = arith.cmpi ne, %sign3A_336, %sign3A_343 : i32
    %rem3A_345 = arith.remsi %sub3A_327, %jit3A_328 : i32
    %ne3A_346 = arith.constant 0 : i32
    %ne3A_347 = arith.cmpi ne, %rem3A_345, %ne3A_346 : i32
    %and3A_348 = arith.andi %ne3A_344, %ne3A_347 : i1
    %sub3A_349 = arith.constant 1 : i32
    %sub3A_350 = arith.subi %div3A_329, %sub3A_349 : i32
    %select_n3A_351 = arith.select %and3A_348, %sub3A_350, %div3A_329 : i32
    %while3A_352 = arith.subi %select_n3A_351, %select_n3A_321 : i32
    %while3A_353 = arith.addi %select_n3A_321, %while3A_352 : i32
    %while3A_354 = arith.constant 1 : i32
    %while3A_355 = arith.divsi %while3A_352, %while3A_354 : i32
    %while3A_356 = arith.muli %while3A_355, %while3A_354 : i32
    %while3A_357 = arith.addi %select_n3A_321, %while3A_356 : i32
    %while3A_358 = arith.constant 1 : i32
    %while3A_359 = scf.for %while3A_577 = %select_n3A_321 to %while3A_357 step %while3A_358 iter_args(%while3A_578 = %while3A_293) -> (i32)  : i32 {
      %mul3A_579 = arith.constant 8 : i32
      %mul3A_580 = arith.muli %while3A_577, %mul3A_579 : i32
      %add3A_581 = arith.constant 4 : i32
      %add3A_582 = arith.addi %mul3A_580, %add3A_581 : i32
      %dma_start3A = arith.constant 4 : i32
      %dma_start3A_583 = arith.constant 0 : i32
      %dma_start3A_584 = tpu.memref_slice %arg7[%dma_start3A_583] : memref<100000xf32, #tpu.memory_space<vmem>> -> memref<99968xf32, #tpu.memory_space<vmem>>
      %dma_start3A_585 = arith.constant 0 : i32
      %dma_start3A_586 = tpu.memref_slice %arg3[%while3A_577, %dma_start3A, %dma_start3A_585] : memref<52x8x100000xf32, #tpu.memory_space<hbm>> -> memref<1x1x99968xf32, #tpu.memory_space<hbm>>
      %dma_start3A_587 = tpu.memref_squeeze %dma_start3A_586 : memref<1x1x99968xf32, #tpu.memory_space<hbm>> -> memref<99968xf32, #tpu.memory_space<hbm>>
      %dma_start3A_588 = arith.constant 0 : i32
      %dma_start3A_589 = tpu.memref_slice %arg7[%dma_start3A_588] : memref<100000xf32, #tpu.memory_space<vmem>> -> memref<99968xf32, #tpu.memory_space<vmem>>
      %dma_start3A_590 = arith.constant 0 : i32
      %dma_start3A_591 = tpu.memref_slice %arg3[%while3A_577, %dma_start3A, %dma_start3A_590] : memref<52x8x100000xf32, #tpu.memory_space<hbm>> -> memref<1x1x99968xf32, #tpu.memory_space<hbm>>
      %dma_start3A_592 = tpu.memref_squeeze %dma_start3A_591 : memref<1x1x99968xf32, #tpu.memory_space<hbm>> -> memref<99968xf32, #tpu.memory_space<hbm>>
      tpu.enqueue_dma source(%dma_start3A_592 : memref<99968xf32, #tpu.memory_space<hbm>>) target(%dma_start3A_589 : memref<99968xf32, #tpu.memory_space<vmem>>) target_semaphore(%arg9 : memref<!tpu.dma_semaphore, #tpu.memory_space<semaphore_mem>>)
      %mul3A_593 = arith.constant 32 : i32
      %mul3A_594 = arith.muli %add3A_582, %mul3A_593 : i32
      "tpu.region"() ({
        %run_scoped3A = tpu.sem_alloc : memref<!tpu.dma_semaphore, #tpu.memory_space<semaphore_mem>>
        %dma_start3A_655 = arith.constant 99968 : i32
        %dma_start3A_656 = tpu.memref_slice %arg7[%dma_start3A_655] : memref<100000xf32, #tpu.memory_space<vmem>> -> memref<32xf32, #tpu.memory_space<vmem>>
        %dma_start3A_657 = tpu.memref_slice %arg4[%mul3A_594] : memref<13312xf32, #tpu.memory_space<hbm>> -> memref<32xf32, #tpu.memory_space<hbm>>
        %dma_start3A_658 = arith.constant 99968 : i32
        %dma_start3A_659 = tpu.memref_slice %arg7[%dma_start3A_658] : memref<100000xf32, #tpu.memory_space<vmem>> -> memref<32xf32, #tpu.memory_space<vmem>>
        %dma_start3A_660 = tpu.memref_slice %arg4[%mul3A_594] : memref<13312xf32, #tpu.memory_space<hbm>> -> memref<32xf32, #tpu.memory_space<hbm>>
        tpu.enqueue_dma source(%dma_start3A_660 : memref<32xf32, #tpu.memory_space<hbm>>) target(%dma_start3A_659 : memref<32xf32, #tpu.memory_space<vmem>>) target_semaphore(%run_scoped3A : memref<!tpu.dma_semaphore, #tpu.memory_space<semaphore_mem>>)
        %dma_wait3A_661 = arith.constant 99968 : i32
        %dma_wait3A_662 = tpu.memref_slice %arg7[%dma_wait3A_661] : memref<100000xf32, #tpu.memory_space<vmem>> -> memref<32xf32, #tpu.memory_space<vmem>>
        %dma_wait3A_663 = tpu.memref_slice %arg4[%mul3A_594] : memref<13312xf32, #tpu.memory_space<hbm>> -> memref<32xf32, #tpu.memory_space<hbm>>
        %dma_wait3A_664 = arith.constant 99968 : i32
        %dma_wait3A_665 = tpu.memref_slice %arg7[%dma_wait3A_664] : memref<100000xf32, #tpu.memory_space<vmem>> -> memref<32xf32, #tpu.memory_space<vmem>>
        %dma_wait3A_666 = tpu.memref_slice %arg4[%mul3A_594] : memref<13312xf32, #tpu.memory_space<hbm>> -> memref<32xf32, #tpu.memory_space<hbm>>
        tpu.wait_dma2 semaphore(%run_scoped3A : memref<!tpu.dma_semaphore, #tpu.memory_space<semaphore_mem>>) src(%dma_wait3A_666 : memref<32xf32, #tpu.memory_space<hbm>>) dst(%dma_wait3A_665 : memref<32xf32, #tpu.memory_space<vmem>>)
        tpu.yield
      }) : () -> ()
      %rem3A_595 = arith.constant 2 : i32
      %rem3A_596 = arith.remsi %while3A_578, %rem3A_595 : i32
      %mul3A_597 = arith.constant 4096 : i32
      %mul3A_598 = arith.muli %rem3A_596, %mul3A_597 : i32
      %jit3A_599 = arith.constant 16 : i32
      %div3A_600 = arith.divsi %add3A_582, %jit3A_599 : i32
      %sign3A_601 = arith.constant 0 : i32
      %sign3A_602 = arith.cmpi sgt, %add3A_582, %sign3A_601 : i32
      %sign3A_603 = arith.extui %sign3A_602 : i1 to i32
      %sign3A_604 = arith.constant 0 : i32
      %sign3A_605 = arith.cmpi slt, %add3A_582, %sign3A_604 : i32
      %sign3A_606 = arith.extui %sign3A_605 : i1 to i32
      %sign3A_607 = arith.subi %sign3A_603, %sign3A_606 : i32
      %sign3A_608 = arith.constant 0 : i32
      %sign3A_609 = arith.cmpi sgt, %jit3A_599, %sign3A_608 : i32
      %sign3A_610 = arith.extui %sign3A_609 : i1 to i32
      %sign3A_611 = arith.constant 0 : i32
      %sign3A_612 = arith.cmpi slt, %jit3A_599, %sign3A_611 : i32
      %sign3A_613 = arith.extui %sign3A_612 : i1 to i32
      %sign3A_614 = arith.subi %sign3A_610, %sign3A_613 : i32
      %ne3A_615 = arith.cmpi ne, %sign3A_607, %sign3A_614 : i32
      %rem3A_616 = arith.remsi %add3A_582, %jit3A_599 : i32
      %ne3A_617 = arith.constant 0 : i32
      %ne3A_618 = arith.cmpi ne, %rem3A_616, %ne3A_617 : i32
      %and3A_619 = arith.andi %ne3A_615, %ne3A_618 : i1
      %sub3A_620 = arith.constant 1 : i32
      %sub3A_621 = arith.subi %div3A_600, %sub3A_620 : i32
      %select_n3A_622 = arith.select %and3A_619, %sub3A_621, %div3A_600 : i32
      %sub3A_623 = arith.subi %select_n3A_622, %select_n3A : i32
      %mul3A_624 = arith.constant 4096 : i32
      %mul3A_625 = arith.muli %sub3A_623, %mul3A_624 : i32
      %dma_wait3A_626 = arith.constant 4 : i32
      %dma_wait3A_627 = arith.constant 0 : i32
      %dma_wait3A_628 = tpu.memref_slice %arg7[%dma_wait3A_627] : memref<100000xf32, #tpu.memory_space<vmem>> -> memref<99968xf32, #tpu.memory_space<vmem>>
      %dma_wait3A_629 = arith.constant 0 : i32
      %dma_wait3A_630 = tpu.memref_slice %arg3[%while3A_577, %dma_wait3A_626, %dma_wait3A_629] : memref<52x8x100000xf32, #tpu.memory_space<hbm>> -> memref<1x1x99968xf32, #tpu.memory_space<hbm>>
      %dma_wait3A_631 = tpu.memref_squeeze %dma_wait3A_630 : memref<1x1x99968xf32, #tpu.memory_space<hbm>> -> memref<99968xf32, #tpu.memory_space<hbm>>
      %dma_wait3A_632 = arith.constant 0 : i32
      %dma_wait3A_633 = tpu.memref_slice %arg7[%dma_wait3A_632] : memref<100000xf32, #tpu.memory_space<vmem>> -> memref<99968xf32, #tpu.memory_space<vmem>>
      %dma_wait3A_634 = arith.constant 0 : i32
      %dma_wait3A_635 = tpu.memref_slice %arg3[%while3A_577, %dma_wait3A_626, %dma_wait3A_634] : memref<52x8x100000xf32, #tpu.memory_space<hbm>> -> memref<1x1x99968xf32, #tpu.memory_space<hbm>>
      %dma_wait3A_636 = tpu.memref_squeeze %dma_wait3A_635 : memref<1x1x99968xf32, #tpu.memory_space<hbm>> -> memref<99968xf32, #tpu.memory_space<hbm>>
      tpu.wait_dma2 semaphore(%arg9 : memref<!tpu.dma_semaphore, #tpu.memory_space<semaphore_mem>>) src(%dma_wait3A_636 : memref<99968xf32, #tpu.memory_space<hbm>>) dst(%dma_wait3A_633 : memref<99968xf32, #tpu.memory_space<vmem>>)
      %gt3A = arith.constant 0 : i32
      %gt3A_637 = arith.cmpi sgt, %while3A_578, %gt3A : i32
      %convert_element_type3A = arith.extui %gt3A_637 : i1 to i32
      %cond3A = arith.constant 0 : i32
      %cond3A_638 = arith.cmpi ne, %convert_element_type3A, %cond3A : i32
      scf.if %cond3A_638 {
        %dma_wait3A_655 = arith.constant 4 : i32
        %dma_wait3A_656 = arith.constant 0 : i32
        %dma_wait3A_657 = tpu.memref_slice %arg8[%dma_wait3A_656] : memref<8192xf32, #tpu.memory_space<vmem>> -> memref<4096xf32, #tpu.memory_space<vmem>>
        %dma_wait3A_658 = arith.constant 0 : i32
        %dma_wait3A_659 = tpu.memref_slice %arg5[%while3A_577, %dma_wait3A_655, %dma_wait3A_658] : memref<52x8x4096xf32, #tpu.memory_space<hbm>> -> memref<1x1x4096xf32, #tpu.memory_space<hbm>>
        %dma_wait3A_660 = tpu.memref_squeeze %dma_wait3A_659 : memref<1x1x4096xf32, #tpu.memory_space<hbm>> -> memref<4096xf32, #tpu.memory_space<hbm>>
        %dma_wait3A_661 = arith.constant 0 : i32
        %dma_wait3A_662 = tpu.memref_slice %arg5[%while3A_577, %dma_wait3A_655, %dma_wait3A_661] : memref<52x8x4096xf32, #tpu.memory_space<hbm>> -> memref<1x1x4096xf32, #tpu.memory_space<hbm>>
        %dma_wait3A_663 = tpu.memref_squeeze %dma_wait3A_662 : memref<1x1x4096xf32, #tpu.memory_space<hbm>> -> memref<4096xf32, #tpu.memory_space<hbm>>
        %dma_wait3A_664 = arith.constant 0 : i32
        %dma_wait3A_665 = tpu.memref_slice %arg8[%dma_wait3A_664] : memref<8192xf32, #tpu.memory_space<vmem>> -> memref<4096xf32, #tpu.memory_space<vmem>>
        tpu.wait_dma2 semaphore(%arg10 : memref<!tpu.dma_semaphore, #tpu.memory_space<semaphore_mem>>) src(%dma_wait3A_665 : memref<4096xf32, #tpu.memory_space<vmem>>) dst(%dma_wait3A_663 : memref<4096xf32, #tpu.memory_space<hbm>>)
      } else {
      }
      %scan3A = arith.constant 0 : i32
      %scan3A_639 = arith.constant 0 : i32
      %scan3A_640 = arith.constant 256 : i32
      %scan3A_641 = arith.addi %scan3A_639, %scan3A_640 : i32
      %scan3A_642 = arith.constant 8 : i32
      scf.for %scan3A_655 = %scan3A_639 to %scan3A_641 step %scan3A_642  : i32 {
        %mul3A_656 = arith.constant 16 : i32
        %mul3A_657 = arith.muli %scan3A_655, %mul3A_656 : i32
        %add3A_658 = arith.addi %mul3A_625, %mul3A_657 : i32
        %get3A = arith.index_cast %add3A_658 : i32 to index
        %get3A_659 = tpu.vector_load %arg6[%get3A] {strides = array<i32>} : memref<8192xi32, #tpu.memory_space<vmem>>, vector<16xi32>,
        %gather3A = tpu.vector_load_idx %arg7[%get3A_659] : memref<100000xf32, #tpu.memory_space<vmem>>[vector<16xi32>], vector<16xf32>,
        %mul3A_660 = arith.constant 16 : i32
        %mul3A_661 = arith.muli %scan3A_655, %mul3A_660 : i32
        %add3A_662 = arith.addi %mul3A_598, %mul3A_661 : i32
        %swap3A = arith.index_cast %add3A_662 : i32 to index
        %swap3A_663 = tpu.vector_load %arg8[%swap3A] {strides = array<i32>} : memref<8192xf32, #tpu.memory_space<vmem>>, vector<16xf32>,
        tpu.vector_store %arg8[%swap3A], %gather3A {strides = array<i32>} : memref<8192xf32, #tpu.memory_space<vmem>>, vector<16xf32>,
        %scan3A_664 = arith.constant 1 : i32
        %scan3A_665 = arith.addi %scan3A_655, %scan3A_664 : i32
        %mul3A_666 = arith.constant 16 : i32
        %mul3A_667 = arith.muli %scan3A_665, %mul3A_666 : i32
        %add3A_668 = arith.addi %mul3A_625, %mul3A_667 : i32
        %get3A_669 = arith.index_cast %add3A_668 : i32 to index
        %get3A_670 = tpu.vector_load %arg6[%get3A_669] {strides = array<i32>} : memref<8192xi32, #tpu.memory_space<vmem>>, vector<16xi32>,
        %gather3A_671 = tpu.vector_load_idx %arg7[%get3A_670] : memref<100000xf32, #tpu.memory_space<vmem>>[vector<16xi32>], vector<16xf32>,
        %mul3A_672 = arith.constant 16 : i32
        %mul3A_673 = arith.muli %scan3A_665, %mul3A_672 : i32
        %add3A_674 = arith.addi %mul3A_598, %mul3A_673 : i32
        %swap3A_675 = arith.index_cast %add3A_674 : i32 to index
        %swap3A_676 = tpu.vector_load %arg8[%swap3A_675] {strides = array<i32>} : memref<8192xf32, #tpu.memory_space<vmem>>, vector<16xf32>,
        tpu.vector_store %arg8[%swap3A_675], %gather3A_671 {strides = array<i32>} : memref<8192xf32, #tpu.memory_space<vmem>>, vector<16xf32>,
        %scan3A_677 = arith.constant 2 : i32
        %scan3A_678 = arith.addi %scan3A_655, %scan3A_677 : i32
        %mul3A_679 = arith.constant 16 : i32
        %mul3A_680 = arith.muli %scan3A_678, %mul3A_679 : i32
        %add3A_681 = arith.addi %mul3A_625, %mul3A_680 : i32
        %get3A_682 = arith.index_cast %add3A_681 : i32 to index
        %get3A_683 = tpu.vector_load %arg6[%get3A_682] {strides = array<i32>} : memref<8192xi32, #tpu.memory_space<vmem>>, vector<16xi32>,
        %gather3A_684 = tpu.vector_load_idx %arg7[%get3A_683] : memref<100000xf32, #tpu.memory_space<vmem>>[vector<16xi32>], vector<16xf32>,
        %mul3A_685 = arith.constant 16 : i32
        %mul3A_686 = arith.muli %scan3A_678, %mul3A_685 : i32
        %add3A_687 = arith.addi %mul3A_598, %mul3A_686 : i32
        %swap3A_688 = arith.index_cast %add3A_687 : i32 to index
        %swap3A_689 = tpu.vector_load %arg8[%swap3A_688] {strides = array<i32>} : memref<8192xf32, #tpu.memory_space<vmem>>, vector<16xf32>,
        tpu.vector_store %arg8[%swap3A_688], %gather3A_684 {strides = array<i32>} : memref<8192xf32, #tpu.memory_space<vmem>>, vector<16xf32>,
        %scan3A_690 = arith.constant 3 : i32
        %scan3A_691 = arith.addi %scan3A_655, %scan3A_690 : i32
        %mul3A_692 = arith.constant 16 : i32
        %mul3A_693 = arith.muli %scan3A_691, %mul3A_692 : i32
        %add3A_694 = arith.addi %mul3A_625, %mul3A_693 : i32
        %get3A_695 = arith.index_cast %add3A_694 : i32 to index
        %get3A_696 = tpu.vector_load %arg6[%get3A_695] {strides = array<i32>} : memref<8192xi32, #tpu.memory_space<vmem>>, vector<16xi32>,
        %gather3A_697 = tpu.vector_load_idx %arg7[%get3A_696] : memref<100000xf32, #tpu.memory_space<vmem>>[vector<16xi32>], vector<16xf32>,
        %mul3A_698 = arith.constant 16 : i32
        %mul3A_699 = arith.muli %scan3A_691, %mul3A_698 : i32
        %add3A_700 = arith.addi %mul3A_598, %mul3A_699 : i32
        %swap3A_701 = arith.index_cast %add3A_700 : i32 to index
        %swap3A_702 = tpu.vector_load %arg8[%swap3A_701] {strides = array<i32>} : memref<8192xf32, #tpu.memory_space<vmem>>, vector<16xf32>,
        tpu.vector_store %arg8[%swap3A_701], %gather3A_697 {strides = array<i32>} : memref<8192xf32, #tpu.memory_space<vmem>>, vector<16xf32>,
        %scan3A_703 = arith.constant 4 : i32
        %scan3A_704 = arith.addi %scan3A_655, %scan3A_703 : i32
        %mul3A_705 = arith.constant 16 : i32
        %mul3A_706 = arith.muli %scan3A_704, %mul3A_705 : i32
        %add3A_707 = arith.addi %mul3A_625, %mul3A_706 : i32
        %get3A_708 = arith.index_cast %add3A_707 : i32 to index
        %get3A_709 = tpu.vector_load %arg6[%get3A_708] {strides = array<i32>} : memref<8192xi32, #tpu.memory_space<vmem>>, vector<16xi32>,
        %gather3A_710 = tpu.vector_load_idx %arg7[%get3A_709] : memref<100000xf32, #tpu.memory_space<vmem>>[vector<16xi32>], vector<16xf32>,
        %mul3A_711 = arith.constant 16 : i32
        %mul3A_712 = arith.muli %scan3A_704, %mul3A_711 : i32
        %add3A_713 = arith.addi %mul3A_598, %mul3A_712 : i32
        %swap3A_714 = arith.index_cast %add3A_713 : i32 to index
        %swap3A_715 = tpu.vector_load %arg8[%swap3A_714] {strides = array<i32>} : memref<8192xf32, #tpu.memory_space<vmem>>, vector<16xf32>,
        tpu.vector_store %arg8[%swap3A_714], %gather3A_710 {strides = array<i32>} : memref<8192xf32, #tpu.memory_space<vmem>>, vector<16xf32>,
        %scan3A_716 = arith.constant 5 : i32
        %scan3A_717 = arith.addi %scan3A_655, %scan3A_716 : i32
        %mul3A_718 = arith.constant 16 : i32
        %mul3A_719 = arith.muli %scan3A_717, %mul3A_718 : i32
        %add3A_720 = arith.addi %mul3A_625, %mul3A_719 : i32
        %get3A_721 = arith.index_cast %add3A_720 : i32 to index
        %get3A_722 = tpu.vector_load %arg6[%get3A_721] {strides = array<i32>} : memref<8192xi32, #tpu.memory_space<vmem>>, vector<16xi32>,
        %gather3A_723 = tpu.vector_load_idx %arg7[%get3A_722] : memref<100000xf32, #tpu.memory_space<vmem>>[vector<16xi32>], vector<16xf32>,
        %mul3A_724 = arith.constant 16 : i32
        %mul3A_725 = arith.muli %scan3A_717, %mul3A_724 : i32
        %add3A_726 = arith.addi %mul3A_598, %mul3A_725 : i32
        %swap3A_727 = arith.index_cast %add3A_726 : i32 to index
        %swap3A_728 = tpu.vector_load %arg8[%swap3A_727] {strides = array<i32>} : memref<8192xf32, #tpu.memory_space<vmem>>, vector<16xf32>,
        tpu.vector_store %arg8[%swap3A_727], %gather3A_723 {strides = array<i32>} : memref<8192xf32, #tpu.memory_space<vmem>>, vector<16xf32>,
        %scan3A_729 = arith.constant 6 : i32
        %scan3A_730 = arith.addi %scan3A_655, %scan3A_729 : i32
        %mul3A_731 = arith.constant 16 : i32
        %mul3A_732 = arith.muli %scan3A_730, %mul3A_731 : i32
        %add3A_733 = arith.addi %mul3A_625, %mul3A_732 : i32
        %get3A_734 = arith.index_cast %add3A_733 : i32 to index
        %get3A_735 = tpu.vector_load %arg6[%get3A_734] {strides = array<i32>} : memref<8192xi32, #tpu.memory_space<vmem>>, vector<16xi32>,
        %gather3A_736 = tpu.vector_load_idx %arg7[%get3A_735] : memref<100000xf32, #tpu.memory_space<vmem>>[vector<16xi32>], vector<16xf32>,
        %mul3A_737 = arith.constant 16 : i32
        %mul3A_738 = arith.muli %scan3A_730, %mul3A_737 : i32
        %add3A_739 = arith.addi %mul3A_598, %mul3A_738 : i32
        %swap3A_740 = arith.index_cast %add3A_739 : i32 to index
        %swap3A_741 = tpu.vector_load %arg8[%swap3A_740] {strides = array<i32>} : memref<8192xf32, #tpu.memory_space<vmem>>, vector<16xf32>,
        tpu.vector_store %arg8[%swap3A_740], %gather3A_736 {strides = array<i32>} : memref<8192xf32, #tpu.memory_space<vmem>>, vector<16xf32>,
        %scan3A_742 = arith.constant 7 : i32
        %scan3A_743 = arith.addi %scan3A_655, %scan3A_742 : i32
        %mul3A_744 = arith.constant 16 : i32
        %mul3A_745 = arith.muli %scan3A_743, %mul3A_744 : i32
        %add3A_746 = arith.addi %mul3A_625, %mul3A_745 : i32
        %get3A_747 = arith.index_cast %add3A_746 : i32 to index
        %get3A_748 = tpu.vector_load %arg6[%get3A_747] {strides = array<i32>} : memref<8192xi32, #tpu.memory_space<vmem>>, vector<16xi32>,
        %gather3A_749 = tpu.vector_load_idx %arg7[%get3A_748] : memref<100000xf32, #tpu.memory_space<vmem>>[vector<16xi32>], vector<16xf32>,
        %mul3A_750 = arith.constant 16 : i32
        %mul3A_751 = arith.muli %scan3A_743, %mul3A_750 : i32
        %add3A_752 = arith.addi %mul3A_598, %mul3A_751 : i32
        %swap3A_753 = arith.index_cast %add3A_752 : i32 to index
        %swap3A_754 = tpu.vector_load %arg8[%swap3A_753] {strides = array<i32>} : memref<8192xf32, #tpu.memory_space<vmem>>, vector<16xf32>,
        tpu.vector_store %arg8[%swap3A_753], %gather3A_749 {strides = array<i32>} : memref<8192xf32, #tpu.memory_space<vmem>>, vector<16xf32>,
      }
      %scan3A_643 = arith.constant 256 : i32
      %dma_start3A_644 = arith.constant 4 : i32
      %dma_start3A_645 = tpu.memref_slice %arg8[%mul3A_598] : memref<8192xf32, #tpu.memory_space<vmem>> -> memref<4096xf32, #tpu.memory_space<vmem>>
      %dma_start3A_646 = arith.constant 0 : i32
      %dma_start3A_647 = tpu.memref_slice %arg5[%while3A_577, %dma_start3A_644, %dma_start3A_646] : memref<52x8x4096xf32, #tpu.memory_space<hbm>> -> memref<1x1x4096xf32, #tpu.memory_space<hbm>>
      %dma_start3A_648 = tpu.memref_squeeze %dma_start3A_647 : memref<1x1x4096xf32, #tpu.memory_space<hbm>> -> memref<4096xf32, #tpu.memory_space<hbm>>
      %dma_start3A_649 = arith.constant 0 : i32
      %dma_start3A_650 = tpu.memref_slice %arg5[%while3A_577, %dma_start3A_644, %dma_start3A_649] : memref<52x8x4096xf32, #tpu.memory_space<hbm>> -> memref<1x1x4096xf32, #tpu.memory_space<hbm>>
      %dma_start3A_651 = tpu.memref_squeeze %dma_start3A_650 : memref<1x1x4096xf32, #tpu.memory_space<hbm>> -> memref<4096xf32, #tpu.memory_space<hbm>>
      %dma_start3A_652 = tpu.memref_slice %arg8[%mul3A_598] : memref<8192xf32, #tpu.memory_space<vmem>> -> memref<4096xf32, #tpu.memory_space<vmem>>
      tpu.enqueue_dma source(%dma_start3A_652 : memref<4096xf32, #tpu.memory_space<vmem>>) target(%dma_start3A_651 : memref<4096xf32, #tpu.memory_space<hbm>>) target_semaphore(%arg10 : memref<!tpu.dma_semaphore, #tpu.memory_space<semaphore_mem>>)
      %add3A_653 = arith.constant 1 : i32
      %add3A_654 = arith.addi %while3A_578, %add3A_653 : i32
      scf.yield %add3A_654 : i32
    }
    %while3A_360 = arith.constant 1 : i32
    %while3A_361 = scf.for %while3A_577 = %while3A_357 to %while3A_353 step %while3A_360 iter_args(%while3A_578 = %while3A_359) -> (i32)  : i32 {
      %mul3A_579 = arith.constant 8 : i32
      %mul3A_580 = arith.muli %while3A_577, %mul3A_579 : i32
      %add3A_581 = arith.constant 4 : i32
      %add3A_582 = arith.addi %mul3A_580, %add3A_581 : i32
      %dma_start3A = arith.constant 4 : i32
      %dma_start3A_583 = arith.constant 0 : i32
      %dma_start3A_584 = tpu.memref_slice %arg7[%dma_start3A_583] : memref<100000xf32, #tpu.memory_space<vmem>> -> memref<99968xf32, #tpu.memory_space<vmem>>
      %dma_start3A_585 = arith.constant 0 : i32
      %dma_start3A_586 = tpu.memref_slice %arg3[%while3A_577, %dma_start3A, %dma_start3A_585] : memref<52x8x100000xf32, #tpu.memory_space<hbm>> -> memref<1x1x99968xf32, #tpu.memory_space<hbm>>
      %dma_start3A_587 = tpu.memref_squeeze %dma_start3A_586 : memref<1x1x99968xf32, #tpu.memory_space<hbm>> -> memref<99968xf32, #tpu.memory_space<hbm>>
      %dma_start3A_588 = arith.constant 0 : i32
      %dma_start3A_589 = tpu.memref_slice %arg7[%dma_start3A_588] : memref<100000xf32, #tpu.memory_space<vmem>> -> memref<99968xf32, #tpu.memory_space<vmem>>
      %dma_start3A_590 = arith.constant 0 : i32
      %dma_start3A_591 = tpu.memref_slice %arg3[%while3A_577, %dma_start3A, %dma_start3A_590] : memref<52x8x100000xf32, #tpu.memory_space<hbm>> -> memref<1x1x99968xf32, #tpu.memory_space<hbm>>
      %dma_start3A_592 = tpu.memref_squeeze %dma_start3A_591 : memref<1x1x99968xf32, #tpu.memory_space<hbm>> -> memref<99968xf32, #tpu.memory_space<hbm>>
      tpu.enqueue_dma source(%dma_start3A_592 : memref<99968xf32, #tpu.memory_space<hbm>>) target(%dma_start3A_589 : memref<99968xf32, #tpu.memory_space<vmem>>) target_semaphore(%arg9 : memref<!tpu.dma_semaphore, #tpu.memory_space<semaphore_mem>>)
      %mul3A_593 = arith.constant 32 : i32
      %mul3A_594 = arith.muli %add3A_582, %mul3A_593 : i32
      "tpu.region"() ({
        %run_scoped3A = tpu.sem_alloc : memref<!tpu.dma_semaphore, #tpu.memory_space<semaphore_mem>>
        %dma_start3A_655 = arith.constant 99968 : i32
        %dma_start3A_656 = tpu.memref_slice %arg7[%dma_start3A_655] : memref<100000xf32, #tpu.memory_space<vmem>> -> memref<32xf32, #tpu.memory_space<vmem>>
        %dma_start3A_657 = tpu.memref_slice %arg4[%mul3A_594] : memref<13312xf32, #tpu.memory_space<hbm>> -> memref<32xf32, #tpu.memory_space<hbm>>
        %dma_start3A_658 = arith.constant 99968 : i32
        %dma_start3A_659 = tpu.memref_slice %arg7[%dma_start3A_658] : memref<100000xf32, #tpu.memory_space<vmem>> -> memref<32xf32, #tpu.memory_space<vmem>>
        %dma_start3A_660 = tpu.memref_slice %arg4[%mul3A_594] : memref<13312xf32, #tpu.memory_space<hbm>> -> memref<32xf32, #tpu.memory_space<hbm>>
        tpu.enqueue_dma source(%dma_start3A_660 : memref<32xf32, #tpu.memory_space<hbm>>) target(%dma_start3A_659 : memref<32xf32, #tpu.memory_space<vmem>>) target_semaphore(%run_scoped3A : memref<!tpu.dma_semaphore, #tpu.memory_space<semaphore_mem>>)
        %dma_wait3A_661 = arith.constant 99968 : i32
        %dma_wait3A_662 = tpu.memref_slice %arg7[%dma_wait3A_661] : memref<100000xf32, #tpu.memory_space<vmem>> -> memref<32xf32, #tpu.memory_space<vmem>>
        %dma_wait3A_663 = tpu.memref_slice %arg4[%mul3A_594] : memref<13312xf32, #tpu.memory_space<hbm>> -> memref<32xf32, #tpu.memory_space<hbm>>
        %dma_wait3A_664 = arith.constant 99968 : i32
        %dma_wait3A_665 = tpu.memref_slice %arg7[%dma_wait3A_664] : memref<100000xf32, #tpu.memory_space<vmem>> -> memref<32xf32, #tpu.memory_space<vmem>>
        %dma_wait3A_666 = tpu.memref_slice %arg4[%mul3A_594] : memref<13312xf32, #tpu.memory_space<hbm>> -> memref<32xf32, #tpu.memory_space<hbm>>
        tpu.wait_dma2 semaphore(%run_scoped3A : memref<!tpu.dma_semaphore, #tpu.memory_space<semaphore_mem>>) src(%dma_wait3A_666 : memref<32xf32, #tpu.memory_space<hbm>>) dst(%dma_wait3A_665 : memref<32xf32, #tpu.memory_space<vmem>>)
        tpu.yield
      }) : () -> ()
      %rem3A_595 = arith.constant 2 : i32
      %rem3A_596 = arith.remsi %while3A_578, %rem3A_595 : i32
      %mul3A_597 = arith.constant 4096 : i32
      %mul3A_598 = arith.muli %rem3A_596, %mul3A_597 : i32
      %jit3A_599 = arith.constant 16 : i32
      %div3A_600 = arith.divsi %add3A_582, %jit3A_599 : i32
      %sign3A_601 = arith.constant 0 : i32
      %sign3A_602 = arith.cmpi sgt, %add3A_582, %sign3A_601 : i32
      %sign3A_603 = arith.extui %sign3A_602 : i1 to i32
      %sign3A_604 = arith.constant 0 : i32
      %sign3A_605 = arith.cmpi slt, %add3A_582, %sign3A_604 : i32
      %sign3A_606 = arith.extui %sign3A_605 : i1 to i32
      %sign3A_607 = arith.subi %sign3A_603, %sign3A_606 : i32
      %sign3A_608 = arith.constant 0 : i32
      %sign3A_609 = arith.cmpi sgt, %jit3A_599, %sign3A_608 : i32
      %sign3A_610 = arith.extui %sign3A_609 : i1 to i32
      %sign3A_611 = arith.constant 0 : i32
      %sign3A_612 = arith.cmpi slt, %jit3A_599, %sign3A_611 : i32
      %sign3A_613 = arith.extui %sign3A_612 : i1 to i32
      %sign3A_614 = arith.subi %sign3A_610, %sign3A_613 : i32
      %ne3A_615 = arith.cmpi ne, %sign3A_607, %sign3A_614 : i32
      %rem3A_616 = arith.remsi %add3A_582, %jit3A_599 : i32
      %ne3A_617 = arith.constant 0 : i32
      %ne3A_618 = arith.cmpi ne, %rem3A_616, %ne3A_617 : i32
      %and3A_619 = arith.andi %ne3A_615, %ne3A_618 : i1
      %sub3A_620 = arith.constant 1 : i32
      %sub3A_621 = arith.subi %div3A_600, %sub3A_620 : i32
      %select_n3A_622 = arith.select %and3A_619, %sub3A_621, %div3A_600 : i32
      %sub3A_623 = arith.subi %select_n3A_622, %select_n3A : i32
      %mul3A_624 = arith.constant 4096 : i32
      %mul3A_625 = arith.muli %sub3A_623, %mul3A_624 : i32
      %dma_wait3A_626 = arith.constant 4 : i32
      %dma_wait3A_627 = arith.constant 0 : i32
      %dma_wait3A_628 = tpu.memref_slice %arg7[%dma_wait3A_627] : memref<100000xf32, #tpu.memory_space<vmem>> -> memref<99968xf32, #tpu.memory_space<vmem>>
      %dma_wait3A_629 = arith.constant 0 : i32
      %dma_wait3A_630 = tpu.memref_slice %arg3[%while3A_577, %dma_wait3A_626, %dma_wait3A_629] : memref<52x8x100000xf32, #tpu.memory_space<hbm>> -> memref<1x1x99968xf32, #tpu.memory_space<hbm>>
      %dma_wait3A_631 = tpu.memref_squeeze %dma_wait3A_630 : memref<1x1x99968xf32, #tpu.memory_space<hbm>> -> memref<99968xf32, #tpu.memory_space<hbm>>
      %dma_wait3A_632 = arith.constant 0 : i32
      %dma_wait3A_633 = tpu.memref_slice %arg7[%dma_wait3A_632] : memref<100000xf32, #tpu.memory_space<vmem>> -> memref<99968xf32, #tpu.memory_space<vmem>>
      %dma_wait3A_634 = arith.constant 0 : i32
      %dma_wait3A_635 = tpu.memref_slice %arg3[%while3A_577, %dma_wait3A_626, %dma_wait3A_634] : memref<52x8x100000xf32, #tpu.memory_space<hbm>> -> memref<1x1x99968xf32, #tpu.memory_space<hbm>>
      %dma_wait3A_636 = tpu.memref_squeeze %dma_wait3A_635 : memref<1x1x99968xf32, #tpu.memory_space<hbm>> -> memref<99968xf32, #tpu.memory_space<hbm>>
      tpu.wait_dma2 semaphore(%arg9 : memref<!tpu.dma_semaphore, #tpu.memory_space<semaphore_mem>>) src(%dma_wait3A_636 : memref<99968xf32, #tpu.memory_space<hbm>>) dst(%dma_wait3A_633 : memref<99968xf32, #tpu.memory_space<vmem>>)
      %gt3A = arith.constant 0 : i32
      %gt3A_637 = arith.cmpi sgt, %while3A_578, %gt3A : i32
      %convert_element_type3A = arith.extui %gt3A_637 : i1 to i32
      %cond3A = arith.constant 0 : i32
      %cond3A_638 = arith.cmpi ne, %convert_element_type3A, %cond3A : i32
      scf.if %cond3A_638 {
        %dma_wait3A_655 = arith.constant 4 : i32
        %dma_wait3A_656 = arith.constant 0 : i32
        %dma_wait3A_657 = tpu.memref_slice %arg8[%dma_wait3A_656] : memref<8192xf32, #tpu.memory_space<vmem>> -> memref<4096xf32, #tpu.memory_space<vmem>>
        %dma_wait3A_658 = arith.constant 0 : i32
        %dma_wait3A_659 = tpu.memref_slice %arg5[%while3A_577, %dma_wait3A_655, %dma_wait3A_658] : memref<52x8x4096xf32, #tpu.memory_space<hbm>> -> memref<1x1x4096xf32, #tpu.memory_space<hbm>>
        %dma_wait3A_660 = tpu.memref_squeeze %dma_wait3A_659 : memref<1x1x4096xf32, #tpu.memory_space<hbm>> -> memref<4096xf32, #tpu.memory_space<hbm>>
        %dma_wait3A_661 = arith.constant 0 : i32
        %dma_wait3A_662 = tpu.memref_slice %arg5[%while3A_577, %dma_wait3A_655, %dma_wait3A_661] : memref<52x8x4096xf32, #tpu.memory_space<hbm>> -> memref<1x1x4096xf32, #tpu.memory_space<hbm>>
        %dma_wait3A_663 = tpu.memref_squeeze %dma_wait3A_662 : memref<1x1x4096xf32, #tpu.memory_space<hbm>> -> memref<4096xf32, #tpu.memory_space<hbm>>
        %dma_wait3A_664 = arith.constant 0 : i32
        %dma_wait3A_665 = tpu.memref_slice %arg8[%dma_wait3A_664] : memref<8192xf32, #tpu.memory_space<vmem>> -> memref<4096xf32, #tpu.memory_space<vmem>>
        tpu.wait_dma2 semaphore(%arg10 : memref<!tpu.dma_semaphore, #tpu.memory_space<semaphore_mem>>) src(%dma_wait3A_665 : memref<4096xf32, #tpu.memory_space<vmem>>) dst(%dma_wait3A_663 : memref<4096xf32, #tpu.memory_space<hbm>>)
      } else {
      }
      %scan3A = arith.constant 0 : i32
      %scan3A_639 = arith.constant 0 : i32
      %scan3A_640 = arith.constant 256 : i32
      %scan3A_641 = arith.addi %scan3A_639, %scan3A_640 : i32
      %scan3A_642 = arith.constant 8 : i32
      scf.for %scan3A_655 = %scan3A_639 to %scan3A_641 step %scan3A_642  : i32 {
        %mul3A_656 = arith.constant 16 : i32
        %mul3A_657 = arith.muli %scan3A_655, %mul3A_656 : i32
        %add3A_658 = arith.addi %mul3A_625, %mul3A_657 : i32
        %get3A = arith.index_cast %add3A_658 : i32 to index
        %get3A_659 = tpu.vector_load %arg6[%get3A] {strides = array<i32>} : memref<8192xi32, #tpu.memory_space<vmem>>, vector<16xi32>,
        %gather3A = tpu.vector_load_idx %arg7[%get3A_659] : memref<100000xf32, #tpu.memory_space<vmem>>[vector<16xi32>], vector<16xf32>,
        %mul3A_660 = arith.constant 16 : i32
        %mul3A_661 = arith.muli %scan3A_655, %mul3A_660 : i32
        %add3A_662 = arith.addi %mul3A_598, %mul3A_661 : i32
        %swap3A = arith.index_cast %add3A_662 : i32 to index
        %swap3A_663 = tpu.vector_load %arg8[%swap3A] {strides = array<i32>} : memref<8192xf32, #tpu.memory_space<vmem>>, vector<16xf32>,
        tpu.vector_store %arg8[%swap3A], %gather3A {strides = array<i32>} : memref<8192xf32, #tpu.memory_space<vmem>>, vector<16xf32>,
        %scan3A_664 = arith.constant 1 : i32
        %scan3A_665 = arith.addi %scan3A_655, %scan3A_664 : i32
        %mul3A_666 = arith.constant 16 : i32
        %mul3A_667 = arith.muli %scan3A_665, %mul3A_666 : i32
        %add3A_668 = arith.addi %mul3A_625, %mul3A_667 : i32
        %get3A_669 = arith.index_cast %add3A_668 : i32 to index
        %get3A_670 = tpu.vector_load %arg6[%get3A_669] {strides = array<i32>} : memref<8192xi32, #tpu.memory_space<vmem>>, vector<16xi32>,
        %gather3A_671 = tpu.vector_load_idx %arg7[%get3A_670] : memref<100000xf32, #tpu.memory_space<vmem>>[vector<16xi32>], vector<16xf32>,
        %mul3A_672 = arith.constant 16 : i32
        %mul3A_673 = arith.muli %scan3A_665, %mul3A_672 : i32
        %add3A_674 = arith.addi %mul3A_598, %mul3A_673 : i32
        %swap3A_675 = arith.index_cast %add3A_674 : i32 to index
        %swap3A_676 = tpu.vector_load %arg8[%swap3A_675] {strides = array<i32>} : memref<8192xf32, #tpu.memory_space<vmem>>, vector<16xf32>,
        tpu.vector_store %arg8[%swap3A_675], %gather3A_671 {strides = array<i32>} : memref<8192xf32, #tpu.memory_space<vmem>>, vector<16xf32>,
        %scan3A_677 = arith.constant 2 : i32
        %scan3A_678 = arith.addi %scan3A_655, %scan3A_677 : i32
        %mul3A_679 = arith.constant 16 : i32
        %mul3A_680 = arith.muli %scan3A_678, %mul3A_679 : i32
        %add3A_681 = arith.addi %mul3A_625, %mul3A_680 : i32
        %get3A_682 = arith.index_cast %add3A_681 : i32 to index
        %get3A_683 = tpu.vector_load %arg6[%get3A_682] {strides = array<i32>} : memref<8192xi32, #tpu.memory_space<vmem>>, vector<16xi32>,
        %gather3A_684 = tpu.vector_load_idx %arg7[%get3A_683] : memref<100000xf32, #tpu.memory_space<vmem>>[vector<16xi32>], vector<16xf32>,
        %mul3A_685 = arith.constant 16 : i32
        %mul3A_686 = arith.muli %scan3A_678, %mul3A_685 : i32
        %add3A_687 = arith.addi %mul3A_598, %mul3A_686 : i32
        %swap3A_688 = arith.index_cast %add3A_687 : i32 to index
        %swap3A_689 = tpu.vector_load %arg8[%swap3A_688] {strides = array<i32>} : memref<8192xf32, #tpu.memory_space<vmem>>, vector<16xf32>,
        tpu.vector_store %arg8[%swap3A_688], %gather3A_684 {strides = array<i32>} : memref<8192xf32, #tpu.memory_space<vmem>>, vector<16xf32>,
        %scan3A_690 = arith.constant 3 : i32
        %scan3A_691 = arith.addi %scan3A_655, %scan3A_690 : i32
        %mul3A_692 = arith.constant 16 : i32
        %mul3A_693 = arith.muli %scan3A_691, %mul3A_692 : i32
        %add3A_694 = arith.addi %mul3A_625, %mul3A_693 : i32
        %get3A_695 = arith.index_cast %add3A_694 : i32 to index
        %get3A_696 = tpu.vector_load %arg6[%get3A_695] {strides = array<i32>} : memref<8192xi32, #tpu.memory_space<vmem>>, vector<16xi32>,
        %gather3A_697 = tpu.vector_load_idx %arg7[%get3A_696] : memref<100000xf32, #tpu.memory_space<vmem>>[vector<16xi32>], vector<16xf32>,
        %mul3A_698 = arith.constant 16 : i32
        %mul3A_699 = arith.muli %scan3A_691, %mul3A_698 : i32
        %add3A_700 = arith.addi %mul3A_598, %mul3A_699 : i32
        %swap3A_701 = arith.index_cast %add3A_700 : i32 to index
        %swap3A_702 = tpu.vector_load %arg8[%swap3A_701] {strides = array<i32>} : memref<8192xf32, #tpu.memory_space<vmem>>, vector<16xf32>,
        tpu.vector_store %arg8[%swap3A_701], %gather3A_697 {strides = array<i32>} : memref<8192xf32, #tpu.memory_space<vmem>>, vector<16xf32>,
        %scan3A_703 = arith.constant 4 : i32
        %scan3A_704 = arith.addi %scan3A_655, %scan3A_703 : i32
        %mul3A_705 = arith.constant 16 : i32
        %mul3A_706 = arith.muli %scan3A_704, %mul3A_705 : i32
        %add3A_707 = arith.addi %mul3A_625, %mul3A_706 : i32
        %get3A_708 = arith.index_cast %add3A_707 : i32 to index
        %get3A_709 = tpu.vector_load %arg6[%get3A_708] {strides = array<i32>} : memref<8192xi32, #tpu.memory_space<vmem>>, vector<16xi32>,
        %gather3A_710 = tpu.vector_load_idx %arg7[%get3A_709] : memref<100000xf32, #tpu.memory_space<vmem>>[vector<16xi32>], vector<16xf32>,
        %mul3A_711 = arith.constant 16 : i32
        %mul3A_712 = arith.muli %scan3A_704, %mul3A_711 : i32
        %add3A_713 = arith.addi %mul3A_598, %mul3A_712 : i32
        %swap3A_714 = arith.index_cast %add3A_713 : i32 to index
        %swap3A_715 = tpu.vector_load %arg8[%swap3A_714] {strides = array<i32>} : memref<8192xf32, #tpu.memory_space<vmem>>, vector<16xf32>,
        tpu.vector_store %arg8[%swap3A_714], %gather3A_710 {strides = array<i32>} : memref<8192xf32, #tpu.memory_space<vmem>>, vector<16xf32>,
        %scan3A_716 = arith.constant 5 : i32
        %scan3A_717 = arith.addi %scan3A_655, %scan3A_716 : i32
        %mul3A_718 = arith.constant 16 : i32
        %mul3A_719 = arith.muli %scan3A_717, %mul3A_718 : i32
        %add3A_720 = arith.addi %mul3A_625, %mul3A_719 : i32
        %get3A_721 = arith.index_cast %add3A_720 : i32 to index
        %get3A_722 = tpu.vector_load %arg6[%get3A_721] {strides = array<i32>} : memref<8192xi32, #tpu.memory_space<vmem>>, vector<16xi32>,
        %gather3A_723 = tpu.vector_load_idx %arg7[%get3A_722] : memref<100000xf32, #tpu.memory_space<vmem>>[vector<16xi32>], vector<16xf32>,
        %mul3A_724 = arith.constant 16 : i32
        %mul3A_725 = arith.muli %scan3A_717, %mul3A_724 : i32
        %add3A_726 = arith.addi %mul3A_598, %mul3A_725 : i32
        %swap3A_727 = arith.index_cast %add3A_726 : i32 to index
        %swap3A_728 = tpu.vector_load %arg8[%swap3A_727] {strides = array<i32>} : memref<8192xf32, #tpu.memory_space<vmem>>, vector<16xf32>,
        tpu.vector_store %arg8[%swap3A_727], %gather3A_723 {strides = array<i32>} : memref<8192xf32, #tpu.memory_space<vmem>>, vector<16xf32>,
        %scan3A_729 = arith.constant 6 : i32
        %scan3A_730 = arith.addi %scan3A_655, %scan3A_729 : i32
        %mul3A_731 = arith.constant 16 : i32
        %mul3A_732 = arith.muli %scan3A_730, %mul3A_731 : i32
        %add3A_733 = arith.addi %mul3A_625, %mul3A_732 : i32
        %get3A_734 = arith.index_cast %add3A_733 : i32 to index
        %get3A_735 = tpu.vector_load %arg6[%get3A_734] {strides = array<i32>} : memref<8192xi32, #tpu.memory_space<vmem>>, vector<16xi32>,
        %gather3A_736 = tpu.vector_load_idx %arg7[%get3A_735] : memref<100000xf32, #tpu.memory_space<vmem>>[vector<16xi32>], vector<16xf32>,
        %mul3A_737 = arith.constant 16 : i32
        %mul3A_738 = arith.muli %scan3A_730, %mul3A_737 : i32
        %add3A_739 = arith.addi %mul3A_598, %mul3A_738 : i32
        %swap3A_740 = arith.index_cast %add3A_739 : i32 to index
        %swap3A_741 = tpu.vector_load %arg8[%swap3A_740] {strides = array<i32>} : memref<8192xf32, #tpu.memory_space<vmem>>, vector<16xf32>,
        tpu.vector_store %arg8[%swap3A_740], %gather3A_736 {strides = array<i32>} : memref<8192xf32, #tpu.memory_space<vmem>>, vector<16xf32>,
        %scan3A_742 = arith.constant 7 : i32
        %scan3A_743 = arith.addi %scan3A_655, %scan3A_742 : i32
        %mul3A_744 = arith.constant 16 : i32
        %mul3A_745 = arith.muli %scan3A_743, %mul3A_744 : i32
        %add3A_746 = arith.addi %mul3A_625, %mul3A_745 : i32
        %get3A_747 = arith.index_cast %add3A_746 : i32 to index
        %get3A_748 = tpu.vector_load %arg6[%get3A_747] {strides = array<i32>} : memref<8192xi32, #tpu.memory_space<vmem>>, vector<16xi32>,
        %gather3A_749 = tpu.vector_load_idx %arg7[%get3A_748] : memref<100000xf32, #tpu.memory_space<vmem>>[vector<16xi32>], vector<16xf32>,
        %mul3A_750 = arith.constant 16 : i32
        %mul3A_751 = arith.muli %scan3A_743, %mul3A_750 : i32
        %add3A_752 = arith.addi %mul3A_598, %mul3A_751 : i32
        %swap3A_753 = arith.index_cast %add3A_752 : i32 to index
        %swap3A_754 = tpu.vector_load %arg8[%swap3A_753] {strides = array<i32>} : memref<8192xf32, #tpu.memory_space<vmem>>, vector<16xf32>,
        tpu.vector_store %arg8[%swap3A_753], %gather3A_749 {strides = array<i32>} : memref<8192xf32, #tpu.memory_space<vmem>>, vector<16xf32>,
      }
      %scan3A_643 = arith.constant 256 : i32
      %dma_start3A_644 = arith.constant 4 : i32
      %dma_start3A_645 = tpu.memref_slice %arg8[%mul3A_598] : memref<8192xf32, #tpu.memory_space<vmem>> -> memref<4096xf32, #tpu.memory_space<vmem>>
      %dma_start3A_646 = arith.constant 0 : i32
      %dma_start3A_647 = tpu.memref_slice %arg5[%while3A_577, %dma_start3A_644, %dma_start3A_646] : memref<52x8x4096xf32, #tpu.memory_space<hbm>> -> memref<1x1x4096xf32, #tpu.memory_space<hbm>>
      %dma_start3A_648 = tpu.memref_squeeze %dma_start3A_647 : memref<1x1x4096xf32, #tpu.memory_space<hbm>> -> memref<4096xf32, #tpu.memory_space<hbm>>
      %dma_start3A_649 = arith.constant 0 : i32
      %dma_start3A_650 = tpu.memref_slice %arg5[%while3A_577, %dma_start3A_644, %dma_start3A_649] : memref<52x8x4096xf32, #tpu.memory_space<hbm>> -> memref<1x1x4096xf32, #tpu.memory_space<hbm>>
      %dma_start3A_651 = tpu.memref_squeeze %dma_start3A_650 : memref<1x1x4096xf32, #tpu.memory_space<hbm>> -> memref<4096xf32, #tpu.memory_space<hbm>>
      %dma_start3A_652 = tpu.memref_slice %arg8[%mul3A_598] : memref<8192xf32, #tpu.memory_space<vmem>> -> memref<4096xf32, #tpu.memory_space<vmem>>
      tpu.enqueue_dma source(%dma_start3A_652 : memref<4096xf32, #tpu.memory_space<vmem>>) target(%dma_start3A_651 : memref<4096xf32, #tpu.memory_space<hbm>>) target_semaphore(%arg10 : memref<!tpu.dma_semaphore, #tpu.memory_space<semaphore_mem>>)
      %add3A_653 = arith.constant 1 : i32
      %add3A_654 = arith.addi %while3A_578, %add3A_653 : i32
      scf.yield %add3A_654 : i32
    }
    %add3A_362 = arith.constant 7 : i32
    %add3A_363 = arith.addi %mul3A_2, %add3A_362 : i32
    %sub3A_364 = arith.constant 5 : i32
    %sub3A_365 = arith.subi %add3A_363, %sub3A_364 : i32
    %jit3A_366 = arith.constant 8 : i32
    %div3A_367 = arith.divsi %sub3A_365, %jit3A_366 : i32
    %sign3A_368 = arith.constant 0 : i32
    %sign3A_369 = arith.cmpi sgt, %sub3A_365, %sign3A_368 : i32
    %sign3A_370 = arith.extui %sign3A_369 : i1 to i32
    %sign3A_371 = arith.constant 0 : i32
    %sign3A_372 = arith.cmpi slt, %sub3A_365, %sign3A_371 : i32
    %sign3A_373 = arith.extui %sign3A_372 : i1 to i32
    %sign3A_374 = arith.subi %sign3A_370, %sign3A_373 : i32
    %sign3A_375 = arith.constant 0 : i32
    %sign3A_376 = arith.cmpi sgt, %jit3A_366, %sign3A_375 : i32
    %sign3A_377 = arith.extui %sign3A_376 : i1 to i32
    %sign3A_378 = arith.constant 0 : i32
    %sign3A_379 = arith.cmpi slt, %jit3A_366, %sign3A_378 : i32
    %sign3A_380 = arith.extui %sign3A_379 : i1 to i32
    %sign3A_381 = arith.subi %sign3A_377, %sign3A_380 : i32
    %ne3A_382 = arith.cmpi ne, %sign3A_374, %sign3A_381 : i32
    %rem3A_383 = arith.remsi %sub3A_365, %jit3A_366 : i32
    %ne3A_384 = arith.constant 0 : i32
    %ne3A_385 = arith.cmpi ne, %rem3A_383, %ne3A_384 : i32
    %and3A_386 = arith.andi %ne3A_382, %ne3A_385 : i1
    %sub3A_387 = arith.constant 1 : i32
    %sub3A_388 = arith.subi %div3A_367, %sub3A_387 : i32
    %select_n3A_389 = arith.select %and3A_386, %sub3A_388, %div3A_367 : i32
    %add3A_390 = arith.constant 13 : i32
    %add3A_391 = arith.addi %mul3A_2, %add3A_390 : i32
    %add3A_392 = arith.constant 7 : i32
    %add3A_393 = arith.addi %add3A_391, %add3A_392 : i32
    %sub3A_394 = arith.constant 5 : i32
    %sub3A_395 = arith.subi %add3A_393, %sub3A_394 : i32
    %jit3A_396 = arith.constant 8 : i32
    %div3A_397 = arith.divsi %sub3A_395, %jit3A_396 : i32
    %sign3A_398 = arith.constant 0 : i32
    %sign3A_399 = arith.cmpi sgt, %sub3A_395, %sign3A_398 : i32
    %sign3A_400 = arith.extui %sign3A_399 : i1 to i32
    %sign3A_401 = arith.constant 0 : i32
    %sign3A_402 = arith.cmpi slt, %sub3A_395, %sign3A_401 : i32
    %sign3A_403 = arith.extui %sign3A_402 : i1 to i32
    %sign3A_404 = arith.subi %sign3A_400, %sign3A_403 : i32
    %sign3A_405 = arith.constant 0 : i32
    %sign3A_406 = arith.cmpi sgt, %jit3A_396, %sign3A_405 : i32
    %sign3A_407 = arith.extui %sign3A_406 : i1 to i32
    %sign3A_408 = arith.constant 0 : i32
    %sign3A_409 = arith.cmpi slt, %jit3A_396, %sign3A_408 : i32
    %sign3A_410 = arith.extui %sign3A_409 : i1 to i32
    %sign3A_411 = arith.subi %sign3A_407, %sign3A_410 : i32
    %ne3A_412 = arith.cmpi ne, %sign3A_404, %sign3A_411 : i32
    %rem3A_413 = arith.remsi %sub3A_395, %jit3A_396 : i32
    %ne3A_414 = arith.constant 0 : i32
    %ne3A_415 = arith.cmpi ne, %rem3A_413, %ne3A_414 : i32
    %and3A_416 = arith.andi %ne3A_412, %ne3A_415 : i1
    %sub3A_417 = arith.constant 1 : i32
    %sub3A_418 = arith.subi %div3A_397, %sub3A_417 : i32
    %select_n3A_419 = arith.select %and3A_416, %sub3A_418, %div3A_397 : i32
    %while3A_420 = arith.subi %select_n3A_419, %select_n3A_389 : i32
    %while3A_421 = arith.addi %select_n3A_389, %while3A_420 : i32
    %while3A_422 = arith.constant 1 : i32
    %while3A_423 = arith.divsi %while3A_420, %while3A_422 : i32
    %while3A_424 = arith.muli %while3A_423, %while3A_422 : i32
    %while3A_425 = arith.addi %select_n3A_389, %while3A_424 : i32
    %while3A_426 = arith.constant 1 : i32
    %while3A_427 = scf.for %while3A_577 = %select_n3A_389 to %while3A_425 step %while3A_426 iter_args(%while3A_578 = %while3A_361) -> (i32)  : i32 {
      %mul3A_579 = arith.constant 8 : i32
      %mul3A_580 = arith.muli %while3A_577, %mul3A_579 : i32
      %add3A_581 = arith.constant 5 : i32
      %add3A_582 = arith.addi %mul3A_580, %add3A_581 : i32
      %dma_start3A = arith.constant 5 : i32
      %dma_start3A_583 = arith.constant 0 : i32
      %dma_start3A_584 = tpu.memref_slice %arg7[%dma_start3A_583] : memref<100000xf32, #tpu.memory_space<vmem>> -> memref<99968xf32, #tpu.memory_space<vmem>>
      %dma_start3A_585 = arith.constant 0 : i32
      %dma_start3A_586 = tpu.memref_slice %arg3[%while3A_577, %dma_start3A, %dma_start3A_585] : memref<52x8x100000xf32, #tpu.memory_space<hbm>> -> memref<1x1x99968xf32, #tpu.memory_space<hbm>>
      %dma_start3A_587 = tpu.memref_squeeze %dma_start3A_586 : memref<1x1x99968xf32, #tpu.memory_space<hbm>> -> memref<99968xf32, #tpu.memory_space<hbm>>
      %dma_start3A_588 = arith.constant 0 : i32
      %dma_start3A_589 = tpu.memref_slice %arg7[%dma_start3A_588] : memref<100000xf32, #tpu.memory_space<vmem>> -> memref<99968xf32, #tpu.memory_space<vmem>>
      %dma_start3A_590 = arith.constant 0 : i32
      %dma_start3A_591 = tpu.memref_slice %arg3[%while3A_577, %dma_start3A, %dma_start3A_590] : memref<52x8x100000xf32, #tpu.memory_space<hbm>> -> memref<1x1x99968xf32, #tpu.memory_space<hbm>>
      %dma_start3A_592 = tpu.memref_squeeze %dma_start3A_591 : memref<1x1x99968xf32, #tpu.memory_space<hbm>> -> memref<99968xf32, #tpu.memory_space<hbm>>
      tpu.enqueue_dma source(%dma_start3A_592 : memref<99968xf32, #tpu.memory_space<hbm>>) target(%dma_start3A_589 : memref<99968xf32, #tpu.memory_space<vmem>>) target_semaphore(%arg9 : memref<!tpu.dma_semaphore, #tpu.memory_space<semaphore_mem>>)
      %mul3A_593 = arith.constant 32 : i32
      %mul3A_594 = arith.muli %add3A_582, %mul3A_593 : i32
      "tpu.region"() ({
        %run_scoped3A = tpu.sem_alloc : memref<!tpu.dma_semaphore, #tpu.memory_space<semaphore_mem>>
        %dma_start3A_655 = arith.constant 99968 : i32
        %dma_start3A_656 = tpu.memref_slice %arg7[%dma_start3A_655] : memref<100000xf32, #tpu.memory_space<vmem>> -> memref<32xf32, #tpu.memory_space<vmem>>
        %dma_start3A_657 = tpu.memref_slice %arg4[%mul3A_594] : memref<13312xf32, #tpu.memory_space<hbm>> -> memref<32xf32, #tpu.memory_space<hbm>>
        %dma_start3A_658 = arith.constant 99968 : i32
        %dma_start3A_659 = tpu.memref_slice %arg7[%dma_start3A_658] : memref<100000xf32, #tpu.memory_space<vmem>> -> memref<32xf32, #tpu.memory_space<vmem>>
        %dma_start3A_660 = tpu.memref_slice %arg4[%mul3A_594] : memref<13312xf32, #tpu.memory_space<hbm>> -> memref<32xf32, #tpu.memory_space<hbm>>
        tpu.enqueue_dma source(%dma_start3A_660 : memref<32xf32, #tpu.memory_space<hbm>>) target(%dma_start3A_659 : memref<32xf32, #tpu.memory_space<vmem>>) target_semaphore(%run_scoped3A : memref<!tpu.dma_semaphore, #tpu.memory_space<semaphore_mem>>)
        %dma_wait3A_661 = arith.constant 99968 : i32
        %dma_wait3A_662 = tpu.memref_slice %arg7[%dma_wait3A_661] : memref<100000xf32, #tpu.memory_space<vmem>> -> memref<32xf32, #tpu.memory_space<vmem>>
        %dma_wait3A_663 = tpu.memref_slice %arg4[%mul3A_594] : memref<13312xf32, #tpu.memory_space<hbm>> -> memref<32xf32, #tpu.memory_space<hbm>>
        %dma_wait3A_664 = arith.constant 99968 : i32
        %dma_wait3A_665 = tpu.memref_slice %arg7[%dma_wait3A_664] : memref<100000xf32, #tpu.memory_space<vmem>> -> memref<32xf32, #tpu.memory_space<vmem>>
        %dma_wait3A_666 = tpu.memref_slice %arg4[%mul3A_594] : memref<13312xf32, #tpu.memory_space<hbm>> -> memref<32xf32, #tpu.memory_space<hbm>>
        tpu.wait_dma2 semaphore(%run_scoped3A : memref<!tpu.dma_semaphore, #tpu.memory_space<semaphore_mem>>) src(%dma_wait3A_666 : memref<32xf32, #tpu.memory_space<hbm>>) dst(%dma_wait3A_665 : memref<32xf32, #tpu.memory_space<vmem>>)
        tpu.yield
      }) : () -> ()
      %rem3A_595 = arith.constant 2 : i32
      %rem3A_596 = arith.remsi %while3A_578, %rem3A_595 : i32
      %mul3A_597 = arith.constant 4096 : i32
      %mul3A_598 = arith.muli %rem3A_596, %mul3A_597 : i32
      %jit3A_599 = arith.constant 16 : i32
      %div3A_600 = arith.divsi %add3A_582, %jit3A_599 : i32
      %sign3A_601 = arith.constant 0 : i32
      %sign3A_602 = arith.cmpi sgt, %add3A_582, %sign3A_601 : i32
      %sign3A_603 = arith.extui %sign3A_602 : i1 to i32
      %sign3A_604 = arith.constant 0 : i32
      %sign3A_605 = arith.cmpi slt, %add3A_582, %sign3A_604 : i32
      %sign3A_606 = arith.extui %sign3A_605 : i1 to i32
      %sign3A_607 = arith.subi %sign3A_603, %sign3A_606 : i32
      %sign3A_608 = arith.constant 0 : i32
      %sign3A_609 = arith.cmpi sgt, %jit3A_599, %sign3A_608 : i32
      %sign3A_610 = arith.extui %sign3A_609 : i1 to i32
      %sign3A_611 = arith.constant 0 : i32
      %sign3A_612 = arith.cmpi slt, %jit3A_599, %sign3A_611 : i32
      %sign3A_613 = arith.extui %sign3A_612 : i1 to i32
      %sign3A_614 = arith.subi %sign3A_610, %sign3A_613 : i32
      %ne3A_615 = arith.cmpi ne, %sign3A_607, %sign3A_614 : i32
      %rem3A_616 = arith.remsi %add3A_582, %jit3A_599 : i32
      %ne3A_617 = arith.constant 0 : i32
      %ne3A_618 = arith.cmpi ne, %rem3A_616, %ne3A_617 : i32
      %and3A_619 = arith.andi %ne3A_615, %ne3A_618 : i1
      %sub3A_620 = arith.constant 1 : i32
      %sub3A_621 = arith.subi %div3A_600, %sub3A_620 : i32
      %select_n3A_622 = arith.select %and3A_619, %sub3A_621, %div3A_600 : i32
      %sub3A_623 = arith.subi %select_n3A_622, %select_n3A : i32
      %mul3A_624 = arith.constant 4096 : i32
      %mul3A_625 = arith.muli %sub3A_623, %mul3A_624 : i32
      %dma_wait3A_626 = arith.constant 5 : i32
      %dma_wait3A_627 = arith.constant 0 : i32
      %dma_wait3A_628 = tpu.memref_slice %arg7[%dma_wait3A_627] : memref<100000xf32, #tpu.memory_space<vmem>> -> memref<99968xf32, #tpu.memory_space<vmem>>
      %dma_wait3A_629 = arith.constant 0 : i32
      %dma_wait3A_630 = tpu.memref_slice %arg3[%while3A_577, %dma_wait3A_626, %dma_wait3A_629] : memref<52x8x100000xf32, #tpu.memory_space<hbm>> -> memref<1x1x99968xf32, #tpu.memory_space<hbm>>
      %dma_wait3A_631 = tpu.memref_squeeze %dma_wait3A_630 : memref<1x1x99968xf32, #tpu.memory_space<hbm>> -> memref<99968xf32, #tpu.memory_space<hbm>>
      %dma_wait3A_632 = arith.constant 0 : i32
      %dma_wait3A_633 = tpu.memref_slice %arg7[%dma_wait3A_632] : memref<100000xf32, #tpu.memory_space<vmem>> -> memref<99968xf32, #tpu.memory_space<vmem>>
      %dma_wait3A_634 = arith.constant 0 : i32
      %dma_wait3A_635 = tpu.memref_slice %arg3[%while3A_577, %dma_wait3A_626, %dma_wait3A_634] : memref<52x8x100000xf32, #tpu.memory_space<hbm>> -> memref<1x1x99968xf32, #tpu.memory_space<hbm>>
      %dma_wait3A_636 = tpu.memref_squeeze %dma_wait3A_635 : memref<1x1x99968xf32, #tpu.memory_space<hbm>> -> memref<99968xf32, #tpu.memory_space<hbm>>
      tpu.wait_dma2 semaphore(%arg9 : memref<!tpu.dma_semaphore, #tpu.memory_space<semaphore_mem>>) src(%dma_wait3A_636 : memref<99968xf32, #tpu.memory_space<hbm>>) dst(%dma_wait3A_633 : memref<99968xf32, #tpu.memory_space<vmem>>)
      %gt3A = arith.constant 0 : i32
      %gt3A_637 = arith.cmpi sgt, %while3A_578, %gt3A : i32
      %convert_element_type3A = arith.extui %gt3A_637 : i1 to i32
      %cond3A = arith.constant 0 : i32
      %cond3A_638 = arith.cmpi ne, %convert_element_type3A, %cond3A : i32
      scf.if %cond3A_638 {
        %dma_wait3A_655 = arith.constant 5 : i32
        %dma_wait3A_656 = arith.constant 0 : i32
        %dma_wait3A_657 = tpu.memref_slice %arg8[%dma_wait3A_656] : memref<8192xf32, #tpu.memory_space<vmem>> -> memref<4096xf32, #tpu.memory_space<vmem>>
        %dma_wait3A_658 = arith.constant 0 : i32
        %dma_wait3A_659 = tpu.memref_slice %arg5[%while3A_577, %dma_wait3A_655, %dma_wait3A_658] : memref<52x8x4096xf32, #tpu.memory_space<hbm>> -> memref<1x1x4096xf32, #tpu.memory_space<hbm>>
        %dma_wait3A_660 = tpu.memref_squeeze %dma_wait3A_659 : memref<1x1x4096xf32, #tpu.memory_space<hbm>> -> memref<4096xf32, #tpu.memory_space<hbm>>
        %dma_wait3A_661 = arith.constant 0 : i32
        %dma_wait3A_662 = tpu.memref_slice %arg5[%while3A_577, %dma_wait3A_655, %dma_wait3A_661] : memref<52x8x4096xf32, #tpu.memory_space<hbm>> -> memref<1x1x4096xf32, #tpu.memory_space<hbm>>
        %dma_wait3A_663 = tpu.memref_squeeze %dma_wait3A_662 : memref<1x1x4096xf32, #tpu.memory_space<hbm>> -> memref<4096xf32, #tpu.memory_space<hbm>>
        %dma_wait3A_664 = arith.constant 0 : i32
        %dma_wait3A_665 = tpu.memref_slice %arg8[%dma_wait3A_664] : memref<8192xf32, #tpu.memory_space<vmem>> -> memref<4096xf32, #tpu.memory_space<vmem>>
        tpu.wait_dma2 semaphore(%arg10 : memref<!tpu.dma_semaphore, #tpu.memory_space<semaphore_mem>>) src(%dma_wait3A_665 : memref<4096xf32, #tpu.memory_space<vmem>>) dst(%dma_wait3A_663 : memref<4096xf32, #tpu.memory_space<hbm>>)
      } else {
      }
      %scan3A = arith.constant 0 : i32
      %scan3A_639 = arith.constant 0 : i32
      %scan3A_640 = arith.constant 256 : i32
      %scan3A_641 = arith.addi %scan3A_639, %scan3A_640 : i32
      %scan3A_642 = arith.constant 8 : i32
      scf.for %scan3A_655 = %scan3A_639 to %scan3A_641 step %scan3A_642  : i32 {
        %mul3A_656 = arith.constant 16 : i32
        %mul3A_657 = arith.muli %scan3A_655, %mul3A_656 : i32
        %add3A_658 = arith.addi %mul3A_625, %mul3A_657 : i32
        %get3A = arith.index_cast %add3A_658 : i32 to index
        %get3A_659 = tpu.vector_load %arg6[%get3A] {strides = array<i32>} : memref<8192xi32, #tpu.memory_space<vmem>>, vector<16xi32>,
        %gather3A = tpu.vector_load_idx %arg7[%get3A_659] : memref<100000xf32, #tpu.memory_space<vmem>>[vector<16xi32>], vector<16xf32>,
        %mul3A_660 = arith.constant 16 : i32
        %mul3A_661 = arith.muli %scan3A_655, %mul3A_660 : i32
        %add3A_662 = arith.addi %mul3A_598, %mul3A_661 : i32
        %swap3A = arith.index_cast %add3A_662 : i32 to index
        %swap3A_663 = tpu.vector_load %arg8[%swap3A] {strides = array<i32>} : memref<8192xf32, #tpu.memory_space<vmem>>, vector<16xf32>,
        tpu.vector_store %arg8[%swap3A], %gather3A {strides = array<i32>} : memref<8192xf32, #tpu.memory_space<vmem>>, vector<16xf32>,
        %scan3A_664 = arith.constant 1 : i32
        %scan3A_665 = arith.addi %scan3A_655, %scan3A_664 : i32
        %mul3A_666 = arith.constant 16 : i32
        %mul3A_667 = arith.muli %scan3A_665, %mul3A_666 : i32
        %add3A_668 = arith.addi %mul3A_625, %mul3A_667 : i32
        %get3A_669 = arith.index_cast %add3A_668 : i32 to index
        %get3A_670 = tpu.vector_load %arg6[%get3A_669] {strides = array<i32>} : memref<8192xi32, #tpu.memory_space<vmem>>, vector<16xi32>,
        %gather3A_671 = tpu.vector_load_idx %arg7[%get3A_670] : memref<100000xf32, #tpu.memory_space<vmem>>[vector<16xi32>], vector<16xf32>,
        %mul3A_672 = arith.constant 16 : i32
        %mul3A_673 = arith.muli %scan3A_665, %mul3A_672 : i32
        %add3A_674 = arith.addi %mul3A_598, %mul3A_673 : i32
        %swap3A_675 = arith.index_cast %add3A_674 : i32 to index
        %swap3A_676 = tpu.vector_load %arg8[%swap3A_675] {strides = array<i32>} : memref<8192xf32, #tpu.memory_space<vmem>>, vector<16xf32>,
        tpu.vector_store %arg8[%swap3A_675], %gather3A_671 {strides = array<i32>} : memref<8192xf32, #tpu.memory_space<vmem>>, vector<16xf32>,
        %scan3A_677 = arith.constant 2 : i32
        %scan3A_678 = arith.addi %scan3A_655, %scan3A_677 : i32
        %mul3A_679 = arith.constant 16 : i32
        %mul3A_680 = arith.muli %scan3A_678, %mul3A_679 : i32
        %add3A_681 = arith.addi %mul3A_625, %mul3A_680 : i32
        %get3A_682 = arith.index_cast %add3A_681 : i32 to index
        %get3A_683 = tpu.vector_load %arg6[%get3A_682] {strides = array<i32>} : memref<8192xi32, #tpu.memory_space<vmem>>, vector<16xi32>,
        %gather3A_684 = tpu.vector_load_idx %arg7[%get3A_683] : memref<100000xf32, #tpu.memory_space<vmem>>[vector<16xi32>], vector<16xf32>,
        %mul3A_685 = arith.constant 16 : i32
        %mul3A_686 = arith.muli %scan3A_678, %mul3A_685 : i32
        %add3A_687 = arith.addi %mul3A_598, %mul3A_686 : i32
        %swap3A_688 = arith.index_cast %add3A_687 : i32 to index
        %swap3A_689 = tpu.vector_load %arg8[%swap3A_688] {strides = array<i32>} : memref<8192xf32, #tpu.memory_space<vmem>>, vector<16xf32>,
        tpu.vector_store %arg8[%swap3A_688], %gather3A_684 {strides = array<i32>} : memref<8192xf32, #tpu.memory_space<vmem>>, vector<16xf32>,
        %scan3A_690 = arith.constant 3 : i32
        %scan3A_691 = arith.addi %scan3A_655, %scan3A_690 : i32
        %mul3A_692 = arith.constant 16 : i32
        %mul3A_693 = arith.muli %scan3A_691, %mul3A_692 : i32
        %add3A_694 = arith.addi %mul3A_625, %mul3A_693 : i32
        %get3A_695 = arith.index_cast %add3A_694 : i32 to index
        %get3A_696 = tpu.vector_load %arg6[%get3A_695] {strides = array<i32>} : memref<8192xi32, #tpu.memory_space<vmem>>, vector<16xi32>,
        %gather3A_697 = tpu.vector_load_idx %arg7[%get3A_696] : memref<100000xf32, #tpu.memory_space<vmem>>[vector<16xi32>], vector<16xf32>,
        %mul3A_698 = arith.constant 16 : i32
        %mul3A_699 = arith.muli %scan3A_691, %mul3A_698 : i32
        %add3A_700 = arith.addi %mul3A_598, %mul3A_699 : i32
        %swap3A_701 = arith.index_cast %add3A_700 : i32 to index
        %swap3A_702 = tpu.vector_load %arg8[%swap3A_701] {strides = array<i32>} : memref<8192xf32, #tpu.memory_space<vmem>>, vector<16xf32>,
        tpu.vector_store %arg8[%swap3A_701], %gather3A_697 {strides = array<i32>} : memref<8192xf32, #tpu.memory_space<vmem>>, vector<16xf32>,
        %scan3A_703 = arith.constant 4 : i32
        %scan3A_704 = arith.addi %scan3A_655, %scan3A_703 : i32
        %mul3A_705 = arith.constant 16 : i32
        %mul3A_706 = arith.muli %scan3A_704, %mul3A_705 : i32
        %add3A_707 = arith.addi %mul3A_625, %mul3A_706 : i32
        %get3A_708 = arith.index_cast %add3A_707 : i32 to index
        %get3A_709 = tpu.vector_load %arg6[%get3A_708] {strides = array<i32>} : memref<8192xi32, #tpu.memory_space<vmem>>, vector<16xi32>,
        %gather3A_710 = tpu.vector_load_idx %arg7[%get3A_709] : memref<100000xf32, #tpu.memory_space<vmem>>[vector<16xi32>], vector<16xf32>,
        %mul3A_711 = arith.constant 16 : i32
        %mul3A_712 = arith.muli %scan3A_704, %mul3A_711 : i32
        %add3A_713 = arith.addi %mul3A_598, %mul3A_712 : i32
        %swap3A_714 = arith.index_cast %add3A_713 : i32 to index
        %swap3A_715 = tpu.vector_load %arg8[%swap3A_714] {strides = array<i32>} : memref<8192xf32, #tpu.memory_space<vmem>>, vector<16xf32>,
        tpu.vector_store %arg8[%swap3A_714], %gather3A_710 {strides = array<i32>} : memref<8192xf32, #tpu.memory_space<vmem>>, vector<16xf32>,
        %scan3A_716 = arith.constant 5 : i32
        %scan3A_717 = arith.addi %scan3A_655, %scan3A_716 : i32
        %mul3A_718 = arith.constant 16 : i32
        %mul3A_719 = arith.muli %scan3A_717, %mul3A_718 : i32
        %add3A_720 = arith.addi %mul3A_625, %mul3A_719 : i32
        %get3A_721 = arith.index_cast %add3A_720 : i32 to index
        %get3A_722 = tpu.vector_load %arg6[%get3A_721] {strides = array<i32>} : memref<8192xi32, #tpu.memory_space<vmem>>, vector<16xi32>,
        %gather3A_723 = tpu.vector_load_idx %arg7[%get3A_722] : memref<100000xf32, #tpu.memory_space<vmem>>[vector<16xi32>], vector<16xf32>,
        %mul3A_724 = arith.constant 16 : i32
        %mul3A_725 = arith.muli %scan3A_717, %mul3A_724 : i32
        %add3A_726 = arith.addi %mul3A_598, %mul3A_725 : i32
        %swap3A_727 = arith.index_cast %add3A_726 : i32 to index
        %swap3A_728 = tpu.vector_load %arg8[%swap3A_727] {strides = array<i32>} : memref<8192xf32, #tpu.memory_space<vmem>>, vector<16xf32>,
        tpu.vector_store %arg8[%swap3A_727], %gather3A_723 {strides = array<i32>} : memref<8192xf32, #tpu.memory_space<vmem>>, vector<16xf32>,
        %scan3A_729 = arith.constant 6 : i32
        %scan3A_730 = arith.addi %scan3A_655, %scan3A_729 : i32
        %mul3A_731 = arith.constant 16 : i32
        %mul3A_732 = arith.muli %scan3A_730, %mul3A_731 : i32
        %add3A_733 = arith.addi %mul3A_625, %mul3A_732 : i32
        %get3A_734 = arith.index_cast %add3A_733 : i32 to index
        %get3A_735 = tpu.vector_load %arg6[%get3A_734] {strides = array<i32>} : memref<8192xi32, #tpu.memory_space<vmem>>, vector<16xi32>,
        %gather3A_736 = tpu.vector_load_idx %arg7[%get3A_735] : memref<100000xf32, #tpu.memory_space<vmem>>[vector<16xi32>], vector<16xf32>,
        %mul3A_737 = arith.constant 16 : i32
        %mul3A_738 = arith.muli %scan3A_730, %mul3A_737 : i32
        %add3A_739 = arith.addi %mul3A_598, %mul3A_738 : i32
        %swap3A_740 = arith.index_cast %add3A_739 : i32 to index
        %swap3A_741 = tpu.vector_load %arg8[%swap3A_740] {strides = array<i32>} : memref<8192xf32, #tpu.memory_space<vmem>>, vector<16xf32>,
        tpu.vector_store %arg8[%swap3A_740], %gather3A_736 {strides = array<i32>} : memref<8192xf32, #tpu.memory_space<vmem>>, vector<16xf32>,
        %scan3A_742 = arith.constant 7 : i32
        %scan3A_743 = arith.addi %scan3A_655, %scan3A_742 : i32
        %mul3A_744 = arith.constant 16 : i32
        %mul3A_745 = arith.muli %scan3A_743, %mul3A_744 : i32
        %add3A_746 = arith.addi %mul3A_625, %mul3A_745 : i32
        %get3A_747 = arith.index_cast %add3A_746 : i32 to index
        %get3A_748 = tpu.vector_load %arg6[%get3A_747] {strides = array<i32>} : memref<8192xi32, #tpu.memory_space<vmem>>, vector<16xi32>,
        %gather3A_749 = tpu.vector_load_idx %arg7[%get3A_748] : memref<100000xf32, #tpu.memory_space<vmem>>[vector<16xi32>], vector<16xf32>,
        %mul3A_750 = arith.constant 16 : i32
        %mul3A_751 = arith.muli %scan3A_743, %mul3A_750 : i32
        %add3A_752 = arith.addi %mul3A_598, %mul3A_751 : i32
        %swap3A_753 = arith.index_cast %add3A_752 : i32 to index
        %swap3A_754 = tpu.vector_load %arg8[%swap3A_753] {strides = array<i32>} : memref<8192xf32, #tpu.memory_space<vmem>>, vector<16xf32>,
        tpu.vector_store %arg8[%swap3A_753], %gather3A_749 {strides = array<i32>} : memref<8192xf32, #tpu.memory_space<vmem>>, vector<16xf32>,
      }
      %scan3A_643 = arith.constant 256 : i32
      %dma_start3A_644 = arith.constant 5 : i32
      %dma_start3A_645 = tpu.memref_slice %arg8[%mul3A_598] : memref<8192xf32, #tpu.memory_space<vmem>> -> memref<4096xf32, #tpu.memory_space<vmem>>
      %dma_start3A_646 = arith.constant 0 : i32
      %dma_start3A_647 = tpu.memref_slice %arg5[%while3A_577, %dma_start3A_644, %dma_start3A_646] : memref<52x8x4096xf32, #tpu.memory_space<hbm>> -> memref<1x1x4096xf32, #tpu.memory_space<hbm>>
      %dma_start3A_648 = tpu.memref_squeeze %dma_start3A_647 : memref<1x1x4096xf32, #tpu.memory_space<hbm>> -> memref<4096xf32, #tpu.memory_space<hbm>>
      %dma_start3A_649 = arith.constant 0 : i32
      %dma_start3A_650 = tpu.memref_slice %arg5[%while3A_577, %dma_start3A_644, %dma_start3A_649] : memref<52x8x4096xf32, #tpu.memory_space<hbm>> -> memref<1x1x4096xf32, #tpu.memory_space<hbm>>
      %dma_start3A_651 = tpu.memref_squeeze %dma_start3A_650 : memref<1x1x4096xf32, #tpu.memory_space<hbm>> -> memref<4096xf32, #tpu.memory_space<hbm>>
      %dma_start3A_652 = tpu.memref_slice %arg8[%mul3A_598] : memref<8192xf32, #tpu.memory_space<vmem>> -> memref<4096xf32, #tpu.memory_space<vmem>>
      tpu.enqueue_dma source(%dma_start3A_652 : memref<4096xf32, #tpu.memory_space<vmem>>) target(%dma_start3A_651 : memref<4096xf32, #tpu.memory_space<hbm>>) target_semaphore(%arg10 : memref<!tpu.dma_semaphore, #tpu.memory_space<semaphore_mem>>)
      %add3A_653 = arith.constant 1 : i32
      %add3A_654 = arith.addi %while3A_578, %add3A_653 : i32
      scf.yield %add3A_654 : i32
    }
    %while3A_428 = arith.constant 1 : i32
    %while3A_429 = scf.for %while3A_577 = %while3A_425 to %while3A_421 step %while3A_428 iter_args(%while3A_578 = %while3A_427) -> (i32)  : i32 {
      %mul3A_579 = arith.constant 8 : i32
      %mul3A_580 = arith.muli %while3A_577, %mul3A_579 : i32
      %add3A_581 = arith.constant 5 : i32
      %add3A_582 = arith.addi %mul3A_580, %add3A_581 : i32
      %dma_start3A = arith.constant 5 : i32
      %dma_start3A_583 = arith.constant 0 : i32
      %dma_start3A_584 = tpu.memref_slice %arg7[%dma_start3A_583] : memref<100000xf32, #tpu.memory_space<vmem>> -> memref<99968xf32, #tpu.memory_space<vmem>>
      %dma_start3A_585 = arith.constant 0 : i32
      %dma_start3A_586 = tpu.memref_slice %arg3[%while3A_577, %dma_start3A, %dma_start3A_585] : memref<52x8x100000xf32, #tpu.memory_space<hbm>> -> memref<1x1x99968xf32, #tpu.memory_space<hbm>>
      %dma_start3A_587 = tpu.memref_squeeze %dma_start3A_586 : memref<1x1x99968xf32, #tpu.memory_space<hbm>> -> memref<99968xf32, #tpu.memory_space<hbm>>
      %dma_start3A_588 = arith.constant 0 : i32
      %dma_start3A_589 = tpu.memref_slice %arg7[%dma_start3A_588] : memref<100000xf32, #tpu.memory_space<vmem>> -> memref<99968xf32, #tpu.memory_space<vmem>>
      %dma_start3A_590 = arith.constant 0 : i32
      %dma_start3A_591 = tpu.memref_slice %arg3[%while3A_577, %dma_start3A, %dma_start3A_590] : memref<52x8x100000xf32, #tpu.memory_space<hbm>> -> memref<1x1x99968xf32, #tpu.memory_space<hbm>>
      %dma_start3A_592 = tpu.memref_squeeze %dma_start3A_591 : memref<1x1x99968xf32, #tpu.memory_space<hbm>> -> memref<99968xf32, #tpu.memory_space<hbm>>
      tpu.enqueue_dma source(%dma_start3A_592 : memref<99968xf32, #tpu.memory_space<hbm>>) target(%dma_start3A_589 : memref<99968xf32, #tpu.memory_space<vmem>>) target_semaphore(%arg9 : memref<!tpu.dma_semaphore, #tpu.memory_space<semaphore_mem>>)
      %mul3A_593 = arith.constant 32 : i32
      %mul3A_594 = arith.muli %add3A_582, %mul3A_593 : i32
      "tpu.region"() ({
        %run_scoped3A = tpu.sem_alloc : memref<!tpu.dma_semaphore, #tpu.memory_space<semaphore_mem>>
        %dma_start3A_655 = arith.constant 99968 : i32
        %dma_start3A_656 = tpu.memref_slice %arg7[%dma_start3A_655] : memref<100000xf32, #tpu.memory_space<vmem>> -> memref<32xf32, #tpu.memory_space<vmem>>
        %dma_start3A_657 = tpu.memref_slice %arg4[%mul3A_594] : memref<13312xf32, #tpu.memory_space<hbm>> -> memref<32xf32, #tpu.memory_space<hbm>>
        %dma_start3A_658 = arith.constant 99968 : i32
        %dma_start3A_659 = tpu.memref_slice %arg7[%dma_start3A_658] : memref<100000xf32, #tpu.memory_space<vmem>> -> memref<32xf32, #tpu.memory_space<vmem>>
        %dma_start3A_660 = tpu.memref_slice %arg4[%mul3A_594] : memref<13312xf32, #tpu.memory_space<hbm>> -> memref<32xf32, #tpu.memory_space<hbm>>
        tpu.enqueue_dma source(%dma_start3A_660 : memref<32xf32, #tpu.memory_space<hbm>>) target(%dma_start3A_659 : memref<32xf32, #tpu.memory_space<vmem>>) target_semaphore(%run_scoped3A : memref<!tpu.dma_semaphore, #tpu.memory_space<semaphore_mem>>)
        %dma_wait3A_661 = arith.constant 99968 : i32
        %dma_wait3A_662 = tpu.memref_slice %arg7[%dma_wait3A_661] : memref<100000xf32, #tpu.memory_space<vmem>> -> memref<32xf32, #tpu.memory_space<vmem>>
        %dma_wait3A_663 = tpu.memref_slice %arg4[%mul3A_594] : memref<13312xf32, #tpu.memory_space<hbm>> -> memref<32xf32, #tpu.memory_space<hbm>>
        %dma_wait3A_664 = arith.constant 99968 : i32
        %dma_wait3A_665 = tpu.memref_slice %arg7[%dma_wait3A_664] : memref<100000xf32, #tpu.memory_space<vmem>> -> memref<32xf32, #tpu.memory_space<vmem>>
        %dma_wait3A_666 = tpu.memref_slice %arg4[%mul3A_594] : memref<13312xf32, #tpu.memory_space<hbm>> -> memref<32xf32, #tpu.memory_space<hbm>>
        tpu.wait_dma2 semaphore(%run_scoped3A : memref<!tpu.dma_semaphore, #tpu.memory_space<semaphore_mem>>) src(%dma_wait3A_666 : memref<32xf32, #tpu.memory_space<hbm>>) dst(%dma_wait3A_665 : memref<32xf32, #tpu.memory_space<vmem>>)
        tpu.yield
      }) : () -> ()
      %rem3A_595 = arith.constant 2 : i32
      %rem3A_596 = arith.remsi %while3A_578, %rem3A_595 : i32
      %mul3A_597 = arith.constant 4096 : i32
      %mul3A_598 = arith.muli %rem3A_596, %mul3A_597 : i32
      %jit3A_599 = arith.constant 16 : i32
      %div3A_600 = arith.divsi %add3A_582, %jit3A_599 : i32
      %sign3A_601 = arith.constant 0 : i32
      %sign3A_602 = arith.cmpi sgt, %add3A_582, %sign3A_601 : i32
      %sign3A_603 = arith.extui %sign3A_602 : i1 to i32
      %sign3A_604 = arith.constant 0 : i32
      %sign3A_605 = arith.cmpi slt, %add3A_582, %sign3A_604 : i32
      %sign3A_606 = arith.extui %sign3A_605 : i1 to i32
      %sign3A_607 = arith.subi %sign3A_603, %sign3A_606 : i32
      %sign3A_608 = arith.constant 0 : i32
      %sign3A_609 = arith.cmpi sgt, %jit3A_599, %sign3A_608 : i32
      %sign3A_610 = arith.extui %sign3A_609 : i1 to i32
      %sign3A_611 = arith.constant 0 : i32
      %sign3A_612 = arith.cmpi slt, %jit3A_599, %sign3A_611 : i32
      %sign3A_613 = arith.extui %sign3A_612 : i1 to i32
      %sign3A_614 = arith.subi %sign3A_610, %sign3A_613 : i32
      %ne3A_615 = arith.cmpi ne, %sign3A_607, %sign3A_614 : i32
      %rem3A_616 = arith.remsi %add3A_582, %jit3A_599 : i32
      %ne3A_617 = arith.constant 0 : i32
      %ne3A_618 = arith.cmpi ne, %rem3A_616, %ne3A_617 : i32
      %and3A_619 = arith.andi %ne3A_615, %ne3A_618 : i1
      %sub3A_620 = arith.constant 1 : i32
      %sub3A_621 = arith.subi %div3A_600, %sub3A_620 : i32
      %select_n3A_622 = arith.select %and3A_619, %sub3A_621, %div3A_600 : i32
      %sub3A_623 = arith.subi %select_n3A_622, %select_n3A : i32
      %mul3A_624 = arith.constant 4096 : i32
      %mul3A_625 = arith.muli %sub3A_623, %mul3A_624 : i32
      %dma_wait3A_626 = arith.constant 5 : i32
      %dma_wait3A_627 = arith.constant 0 : i32
      %dma_wait3A_628 = tpu.memref_slice %arg7[%dma_wait3A_627] : memref<100000xf32, #tpu.memory_space<vmem>> -> memref<99968xf32, #tpu.memory_space<vmem>>
      %dma_wait3A_629 = arith.constant 0 : i32
      %dma_wait3A_630 = tpu.memref_slice %arg3[%while3A_577, %dma_wait3A_626, %dma_wait3A_629] : memref<52x8x100000xf32, #tpu.memory_space<hbm>> -> memref<1x1x99968xf32, #tpu.memory_space<hbm>>
      %dma_wait3A_631 = tpu.memref_squeeze %dma_wait3A_630 : memref<1x1x99968xf32, #tpu.memory_space<hbm>> -> memref<99968xf32, #tpu.memory_space<hbm>>
      %dma_wait3A_632 = arith.constant 0 : i32
      %dma_wait3A_633 = tpu.memref_slice %arg7[%dma_wait3A_632] : memref<100000xf32, #tpu.memory_space<vmem>> -> memref<99968xf32, #tpu.memory_space<vmem>>
      %dma_wait3A_634 = arith.constant 0 : i32
      %dma_wait3A_635 = tpu.memref_slice %arg3[%while3A_577, %dma_wait3A_626, %dma_wait3A_634] : memref<52x8x100000xf32, #tpu.memory_space<hbm>> -> memref<1x1x99968xf32, #tpu.memory_space<hbm>>
      %dma_wait3A_636 = tpu.memref_squeeze %dma_wait3A_635 : memref<1x1x99968xf32, #tpu.memory_space<hbm>> -> memref<99968xf32, #tpu.memory_space<hbm>>
      tpu.wait_dma2 semaphore(%arg9 : memref<!tpu.dma_semaphore, #tpu.memory_space<semaphore_mem>>) src(%dma_wait3A_636 : memref<99968xf32, #tpu.memory_space<hbm>>) dst(%dma_wait3A_633 : memref<99968xf32, #tpu.memory_space<vmem>>)
      %gt3A = arith.constant 0 : i32
      %gt3A_637 = arith.cmpi sgt, %while3A_578, %gt3A : i32
      %convert_element_type3A = arith.extui %gt3A_637 : i1 to i32
      %cond3A = arith.constant 0 : i32
      %cond3A_638 = arith.cmpi ne, %convert_element_type3A, %cond3A : i32
      scf.if %cond3A_638 {
        %dma_wait3A_655 = arith.constant 5 : i32
        %dma_wait3A_656 = arith.constant 0 : i32
        %dma_wait3A_657 = tpu.memref_slice %arg8[%dma_wait3A_656] : memref<8192xf32, #tpu.memory_space<vmem>> -> memref<4096xf32, #tpu.memory_space<vmem>>
        %dma_wait3A_658 = arith.constant 0 : i32
        %dma_wait3A_659 = tpu.memref_slice %arg5[%while3A_577, %dma_wait3A_655, %dma_wait3A_658] : memref<52x8x4096xf32, #tpu.memory_space<hbm>> -> memref<1x1x4096xf32, #tpu.memory_space<hbm>>
        %dma_wait3A_660 = tpu.memref_squeeze %dma_wait3A_659 : memref<1x1x4096xf32, #tpu.memory_space<hbm>> -> memref<4096xf32, #tpu.memory_space<hbm>>
        %dma_wait3A_661 = arith.constant 0 : i32
        %dma_wait3A_662 = tpu.memref_slice %arg5[%while3A_577, %dma_wait3A_655, %dma_wait3A_661] : memref<52x8x4096xf32, #tpu.memory_space<hbm>> -> memref<1x1x4096xf32, #tpu.memory_space<hbm>>
        %dma_wait3A_663 = tpu.memref_squeeze %dma_wait3A_662 : memref<1x1x4096xf32, #tpu.memory_space<hbm>> -> memref<4096xf32, #tpu.memory_space<hbm>>
        %dma_wait3A_664 = arith.constant 0 : i32
        %dma_wait3A_665 = tpu.memref_slice %arg8[%dma_wait3A_664] : memref<8192xf32, #tpu.memory_space<vmem>> -> memref<4096xf32, #tpu.memory_space<vmem>>
        tpu.wait_dma2 semaphore(%arg10 : memref<!tpu.dma_semaphore, #tpu.memory_space<semaphore_mem>>) src(%dma_wait3A_665 : memref<4096xf32, #tpu.memory_space<vmem>>) dst(%dma_wait3A_663 : memref<4096xf32, #tpu.memory_space<hbm>>)
      } else {
      }
      %scan3A = arith.constant 0 : i32
      %scan3A_639 = arith.constant 0 : i32
      %scan3A_640 = arith.constant 256 : i32
      %scan3A_641 = arith.addi %scan3A_639, %scan3A_640 : i32
      %scan3A_642 = arith.constant 8 : i32
      scf.for %scan3A_655 = %scan3A_639 to %scan3A_641 step %scan3A_642  : i32 {
        %mul3A_656 = arith.constant 16 : i32
        %mul3A_657 = arith.muli %scan3A_655, %mul3A_656 : i32
        %add3A_658 = arith.addi %mul3A_625, %mul3A_657 : i32
        %get3A = arith.index_cast %add3A_658 : i32 to index
        %get3A_659 = tpu.vector_load %arg6[%get3A] {strides = array<i32>} : memref<8192xi32, #tpu.memory_space<vmem>>, vector<16xi32>,
        %gather3A = tpu.vector_load_idx %arg7[%get3A_659] : memref<100000xf32, #tpu.memory_space<vmem>>[vector<16xi32>], vector<16xf32>,
        %mul3A_660 = arith.constant 16 : i32
        %mul3A_661 = arith.muli %scan3A_655, %mul3A_660 : i32
        %add3A_662 = arith.addi %mul3A_598, %mul3A_661 : i32
        %swap3A = arith.index_cast %add3A_662 : i32 to index
        %swap3A_663 = tpu.vector_load %arg8[%swap3A] {strides = array<i32>} : memref<8192xf32, #tpu.memory_space<vmem>>, vector<16xf32>,
        tpu.vector_store %arg8[%swap3A], %gather3A {strides = array<i32>} : memref<8192xf32, #tpu.memory_space<vmem>>, vector<16xf32>,
        %scan3A_664 = arith.constant 1 : i32
        %scan3A_665 = arith.addi %scan3A_655, %scan3A_664 : i32
        %mul3A_666 = arith.constant 16 : i32
        %mul3A_667 = arith.muli %scan3A_665, %mul3A_666 : i32
        %add3A_668 = arith.addi %mul3A_625, %mul3A_667 : i32
        %get3A_669 = arith.index_cast %add3A_668 : i32 to index
        %get3A_670 = tpu.vector_load %arg6[%get3A_669] {strides = array<i32>} : memref<8192xi32, #tpu.memory_space<vmem>>, vector<16xi32>,
        %gather3A_671 = tpu.vector_load_idx %arg7[%get3A_670] : memref<100000xf32, #tpu.memory_space<vmem>>[vector<16xi32>], vector<16xf32>,
        %mul3A_672 = arith.constant 16 : i32
        %mul3A_673 = arith.muli %scan3A_665, %mul3A_672 : i32
        %add3A_674 = arith.addi %mul3A_598, %mul3A_673 : i32
        %swap3A_675 = arith.index_cast %add3A_674 : i32 to index
        %swap3A_676 = tpu.vector_load %arg8[%swap3A_675] {strides = array<i32>} : memref<8192xf32, #tpu.memory_space<vmem>>, vector<16xf32>,
        tpu.vector_store %arg8[%swap3A_675], %gather3A_671 {strides = array<i32>} : memref<8192xf32, #tpu.memory_space<vmem>>, vector<16xf32>,
        %scan3A_677 = arith.constant 2 : i32
        %scan3A_678 = arith.addi %scan3A_655, %scan3A_677 : i32
        %mul3A_679 = arith.constant 16 : i32
        %mul3A_680 = arith.muli %scan3A_678, %mul3A_679 : i32
        %add3A_681 = arith.addi %mul3A_625, %mul3A_680 : i32
        %get3A_682 = arith.index_cast %add3A_681 : i32 to index
        %get3A_683 = tpu.vector_load %arg6[%get3A_682] {strides = array<i32>} : memref<8192xi32, #tpu.memory_space<vmem>>, vector<16xi32>,
        %gather3A_684 = tpu.vector_load_idx %arg7[%get3A_683] : memref<100000xf32, #tpu.memory_space<vmem>>[vector<16xi32>], vector<16xf32>,
        %mul3A_685 = arith.constant 16 : i32
        %mul3A_686 = arith.muli %scan3A_678, %mul3A_685 : i32
        %add3A_687 = arith.addi %mul3A_598, %mul3A_686 : i32
        %swap3A_688 = arith.index_cast %add3A_687 : i32 to index
        %swap3A_689 = tpu.vector_load %arg8[%swap3A_688] {strides = array<i32>} : memref<8192xf32, #tpu.memory_space<vmem>>, vector<16xf32>,
        tpu.vector_store %arg8[%swap3A_688], %gather3A_684 {strides = array<i32>} : memref<8192xf32, #tpu.memory_space<vmem>>, vector<16xf32>,
        %scan3A_690 = arith.constant 3 : i32
        %scan3A_691 = arith.addi %scan3A_655, %scan3A_690 : i32
        %mul3A_692 = arith.constant 16 : i32
        %mul3A_693 = arith.muli %scan3A_691, %mul3A_692 : i32
        %add3A_694 = arith.addi %mul3A_625, %mul3A_693 : i32
        %get3A_695 = arith.index_cast %add3A_694 : i32 to index
        %get3A_696 = tpu.vector_load %arg6[%get3A_695] {strides = array<i32>} : memref<8192xi32, #tpu.memory_space<vmem>>, vector<16xi32>,
        %gather3A_697 = tpu.vector_load_idx %arg7[%get3A_696] : memref<100000xf32, #tpu.memory_space<vmem>>[vector<16xi32>], vector<16xf32>,
        %mul3A_698 = arith.constant 16 : i32
        %mul3A_699 = arith.muli %scan3A_691, %mul3A_698 : i32
        %add3A_700 = arith.addi %mul3A_598, %mul3A_699 : i32
        %swap3A_701 = arith.index_cast %add3A_700 : i32 to index
        %swap3A_702 = tpu.vector_load %arg8[%swap3A_701] {strides = array<i32>} : memref<8192xf32, #tpu.memory_space<vmem>>, vector<16xf32>,
        tpu.vector_store %arg8[%swap3A_701], %gather3A_697 {strides = array<i32>} : memref<8192xf32, #tpu.memory_space<vmem>>, vector<16xf32>,
        %scan3A_703 = arith.constant 4 : i32
        %scan3A_704 = arith.addi %scan3A_655, %scan3A_703 : i32
        %mul3A_705 = arith.constant 16 : i32
        %mul3A_706 = arith.muli %scan3A_704, %mul3A_705 : i32
        %add3A_707 = arith.addi %mul3A_625, %mul3A_706 : i32
        %get3A_708 = arith.index_cast %add3A_707 : i32 to index
        %get3A_709 = tpu.vector_load %arg6[%get3A_708] {strides = array<i32>} : memref<8192xi32, #tpu.memory_space<vmem>>, vector<16xi32>,
        %gather3A_710 = tpu.vector_load_idx %arg7[%get3A_709] : memref<100000xf32, #tpu.memory_space<vmem>>[vector<16xi32>], vector<16xf32>,
        %mul3A_711 = arith.constant 16 : i32
        %mul3A_712 = arith.muli %scan3A_704, %mul3A_711 : i32
        %add3A_713 = arith.addi %mul3A_598, %mul3A_712 : i32
        %swap3A_714 = arith.index_cast %add3A_713 : i32 to index
        %swap3A_715 = tpu.vector_load %arg8[%swap3A_714] {strides = array<i32>} : memref<8192xf32, #tpu.memory_space<vmem>>, vector<16xf32>,
        tpu.vector_store %arg8[%swap3A_714], %gather3A_710 {strides = array<i32>} : memref<8192xf32, #tpu.memory_space<vmem>>, vector<16xf32>,
        %scan3A_716 = arith.constant 5 : i32
        %scan3A_717 = arith.addi %scan3A_655, %scan3A_716 : i32
        %mul3A_718 = arith.constant 16 : i32
        %mul3A_719 = arith.muli %scan3A_717, %mul3A_718 : i32
        %add3A_720 = arith.addi %mul3A_625, %mul3A_719 : i32
        %get3A_721 = arith.index_cast %add3A_720 : i32 to index
        %get3A_722 = tpu.vector_load %arg6[%get3A_721] {strides = array<i32>} : memref<8192xi32, #tpu.memory_space<vmem>>, vector<16xi32>,
        %gather3A_723 = tpu.vector_load_idx %arg7[%get3A_722] : memref<100000xf32, #tpu.memory_space<vmem>>[vector<16xi32>], vector<16xf32>,
        %mul3A_724 = arith.constant 16 : i32
        %mul3A_725 = arith.muli %scan3A_717, %mul3A_724 : i32
        %add3A_726 = arith.addi %mul3A_598, %mul3A_725 : i32
        %swap3A_727 = arith.index_cast %add3A_726 : i32 to index
        %swap3A_728 = tpu.vector_load %arg8[%swap3A_727] {strides = array<i32>} : memref<8192xf32, #tpu.memory_space<vmem>>, vector<16xf32>,
        tpu.vector_store %arg8[%swap3A_727], %gather3A_723 {strides = array<i32>} : memref<8192xf32, #tpu.memory_space<vmem>>, vector<16xf32>,
        %scan3A_729 = arith.constant 6 : i32
        %scan3A_730 = arith.addi %scan3A_655, %scan3A_729 : i32
        %mul3A_731 = arith.constant 16 : i32
        %mul3A_732 = arith.muli %scan3A_730, %mul3A_731 : i32
        %add3A_733 = arith.addi %mul3A_625, %mul3A_732 : i32
        %get3A_734 = arith.index_cast %add3A_733 : i32 to index
        %get3A_735 = tpu.vector_load %arg6[%get3A_734] {strides = array<i32>} : memref<8192xi32, #tpu.memory_space<vmem>>, vector<16xi32>,
        %gather3A_736 = tpu.vector_load_idx %arg7[%get3A_735] : memref<100000xf32, #tpu.memory_space<vmem>>[vector<16xi32>], vector<16xf32>,
        %mul3A_737 = arith.constant 16 : i32
        %mul3A_738 = arith.muli %scan3A_730, %mul3A_737 : i32
        %add3A_739 = arith.addi %mul3A_598, %mul3A_738 : i32
        %swap3A_740 = arith.index_cast %add3A_739 : i32 to index
        %swap3A_741 = tpu.vector_load %arg8[%swap3A_740] {strides = array<i32>} : memref<8192xf32, #tpu.memory_space<vmem>>, vector<16xf32>,
        tpu.vector_store %arg8[%swap3A_740], %gather3A_736 {strides = array<i32>} : memref<8192xf32, #tpu.memory_space<vmem>>, vector<16xf32>,
        %scan3A_742 = arith.constant 7 : i32
        %scan3A_743 = arith.addi %scan3A_655, %scan3A_742 : i32
        %mul3A_744 = arith.constant 16 : i32
        %mul3A_745 = arith.muli %scan3A_743, %mul3A_744 : i32
        %add3A_746 = arith.addi %mul3A_625, %mul3A_745 : i32
        %get3A_747 = arith.index_cast %add3A_746 : i32 to index
        %get3A_748 = tpu.vector_load %arg6[%get3A_747] {strides = array<i32>} : memref<8192xi32, #tpu.memory_space<vmem>>, vector<16xi32>,
        %gather3A_749 = tpu.vector_load_idx %arg7[%get3A_748] : memref<100000xf32, #tpu.memory_space<vmem>>[vector<16xi32>], vector<16xf32>,
        %mul3A_750 = arith.constant 16 : i32
        %mul3A_751 = arith.muli %scan3A_743, %mul3A_750 : i32
        %add3A_752 = arith.addi %mul3A_598, %mul3A_751 : i32
        %swap3A_753 = arith.index_cast %add3A_752 : i32 to index
        %swap3A_754 = tpu.vector_load %arg8[%swap3A_753] {strides = array<i32>} : memref<8192xf32, #tpu.memory_space<vmem>>, vector<16xf32>,
        tpu.vector_store %arg8[%swap3A_753], %gather3A_749 {strides = array<i32>} : memref<8192xf32, #tpu.memory_space<vmem>>, vector<16xf32>,
      }
      %scan3A_643 = arith.constant 256 : i32
      %dma_start3A_644 = arith.constant 5 : i32
      %dma_start3A_645 = tpu.memref_slice %arg8[%mul3A_598] : memref<8192xf32, #tpu.memory_space<vmem>> -> memref<4096xf32, #tpu.memory_space<vmem>>
      %dma_start3A_646 = arith.constant 0 : i32
      %dma_start3A_647 = tpu.memref_slice %arg5[%while3A_577, %dma_start3A_644, %dma_start3A_646] : memref<52x8x4096xf32, #tpu.memory_space<hbm>> -> memref<1x1x4096xf32, #tpu.memory_space<hbm>>
      %dma_start3A_648 = tpu.memref_squeeze %dma_start3A_647 : memref<1x1x4096xf32, #tpu.memory_space<hbm>> -> memref<4096xf32, #tpu.memory_space<hbm>>
      %dma_start3A_649 = arith.constant 0 : i32
      %dma_start3A_650 = tpu.memref_slice %arg5[%while3A_577, %dma_start3A_644, %dma_start3A_649] : memref<52x8x4096xf32, #tpu.memory_space<hbm>> -> memref<1x1x4096xf32, #tpu.memory_space<hbm>>
      %dma_start3A_651 = tpu.memref_squeeze %dma_start3A_650 : memref<1x1x4096xf32, #tpu.memory_space<hbm>> -> memref<4096xf32, #tpu.memory_space<hbm>>
      %dma_start3A_652 = tpu.memref_slice %arg8[%mul3A_598] : memref<8192xf32, #tpu.memory_space<vmem>> -> memref<4096xf32, #tpu.memory_space<vmem>>
      tpu.enqueue_dma source(%dma_start3A_652 : memref<4096xf32, #tpu.memory_space<vmem>>) target(%dma_start3A_651 : memref<4096xf32, #tpu.memory_space<hbm>>) target_semaphore(%arg10 : memref<!tpu.dma_semaphore, #tpu.memory_space<semaphore_mem>>)
      %add3A_653 = arith.constant 1 : i32
      %add3A_654 = arith.addi %while3A_578, %add3A_653 : i32
      scf.yield %add3A_654 : i32
    }
    %add3A_430 = arith.constant 7 : i32
    %add3A_431 = arith.addi %mul3A_2, %add3A_430 : i32
    %sub3A_432 = arith.constant 6 : i32
    %sub3A_433 = arith.subi %add3A_431, %sub3A_432 : i32
    %jit3A_434 = arith.constant 8 : i32
    %div3A_435 = arith.divsi %sub3A_433, %jit3A_434 : i32
    %sign3A_436 = arith.constant 0 : i32
    %sign3A_437 = arith.cmpi sgt, %sub3A_433, %sign3A_436 : i32
    %sign3A_438 = arith.extui %sign3A_437 : i1 to i32
    %sign3A_439 = arith.constant 0 : i32
    %sign3A_440 = arith.cmpi slt, %sub3A_433, %sign3A_439 : i32
    %sign3A_441 = arith.extui %sign3A_440 : i1 to i32
    %sign3A_442 = arith.subi %sign3A_438, %sign3A_441 : i32
    %sign3A_443 = arith.constant 0 : i32
    %sign3A_444 = arith.cmpi sgt, %jit3A_434, %sign3A_443 : i32
    %sign3A_445 = arith.extui %sign3A_444 : i1 to i32
    %sign3A_446 = arith.constant 0 : i32
    %sign3A_447 = arith.cmpi slt, %jit3A_434, %sign3A_446 : i32
    %sign3A_448 = arith.extui %sign3A_447 : i1 to i32
    %sign3A_449 = arith.subi %sign3A_445, %sign3A_448 : i32
    %ne3A_450 = arith.cmpi ne, %sign3A_442, %sign3A_449 : i32
    %rem3A_451 = arith.remsi %sub3A_433, %jit3A_434 : i32
    %ne3A_452 = arith.constant 0 : i32
    %ne3A_453 = arith.cmpi ne, %rem3A_451, %ne3A_452 : i32
    %and3A_454 = arith.andi %ne3A_450, %ne3A_453 : i1
    %sub3A_455 = arith.constant 1 : i32
    %sub3A_456 = arith.subi %div3A_435, %sub3A_455 : i32
    %select_n3A_457 = arith.select %and3A_454, %sub3A_456, %div3A_435 : i32
    %add3A_458 = arith.constant 13 : i32
    %add3A_459 = arith.addi %mul3A_2, %add3A_458 : i32
    %add3A_460 = arith.constant 7 : i32
    %add3A_461 = arith.addi %add3A_459, %add3A_460 : i32
    %sub3A_462 = arith.constant 6 : i32
    %sub3A_463 = arith.subi %add3A_461, %sub3A_462 : i32
    %jit3A_464 = arith.constant 8 : i32
    %div3A_465 = arith.divsi %sub3A_463, %jit3A_464 : i32
    %sign3A_466 = arith.constant 0 : i32
    %sign3A_467 = arith.cmpi sgt, %sub3A_463, %sign3A_466 : i32
    %sign3A_468 = arith.extui %sign3A_467 : i1 to i32
    %sign3A_469 = arith.constant 0 : i32
    %sign3A_470 = arith.cmpi slt, %sub3A_463, %sign3A_469 : i32
    %sign3A_471 = arith.extui %sign3A_470 : i1 to i32
    %sign3A_472 = arith.subi %sign3A_468, %sign3A_471 : i32
    %sign3A_473 = arith.constant 0 : i32
    %sign3A_474 = arith.cmpi sgt, %jit3A_464, %sign3A_473 : i32
    %sign3A_475 = arith.extui %sign3A_474 : i1 to i32
    %sign3A_476 = arith.constant 0 : i32
    %sign3A_477 = arith.cmpi slt, %jit3A_464, %sign3A_476 : i32
    %sign3A_478 = arith.extui %sign3A_477 : i1 to i32
    %sign3A_479 = arith.subi %sign3A_475, %sign3A_478 : i32
    %ne3A_480 = arith.cmpi ne, %sign3A_472, %sign3A_479 : i32
    %rem3A_481 = arith.remsi %sub3A_463, %jit3A_464 : i32
    %ne3A_482 = arith.constant 0 : i32
    %ne3A_483 = arith.cmpi ne, %rem3A_481, %ne3A_482 : i32
    %and3A_484 = arith.andi %ne3A_480, %ne3A_483 : i1
    %sub3A_485 = arith.constant 1 : i32
    %sub3A_486 = arith.subi %div3A_465, %sub3A_485 : i32
    %select_n3A_487 = arith.select %and3A_484, %sub3A_486, %div3A_465 : i32
    %while3A_488 = arith.subi %select_n3A_487, %select_n3A_457 : i32
    %while3A_489 = arith.addi %select_n3A_457, %while3A_488 : i32
    %while3A_490 = arith.constant 1 : i32
    %while3A_491 = arith.divsi %while3A_488, %while3A_490 : i32
    %while3A_492 = arith.muli %while3A_491, %while3A_490 : i32
    %while3A_493 = arith.addi %select_n3A_457, %while3A_492 : i32
    %while3A_494 = arith.constant 1 : i32
    %while3A_495 = scf.for %while3A_577 = %select_n3A_457 to %while3A_493 step %while3A_494 iter_args(%while3A_578 = %while3A_429) -> (i32)  : i32 {
      %mul3A_579 = arith.constant 8 : i32
      %mul3A_580 = arith.muli %while3A_577, %mul3A_579 : i32
      %add3A_581 = arith.constant 6 : i32
      %add3A_582 = arith.addi %mul3A_580, %add3A_581 : i32
      %dma_start3A = arith.constant 6 : i32
      %dma_start3A_583 = arith.constant 0 : i32
      %dma_start3A_584 = tpu.memref_slice %arg7[%dma_start3A_583] : memref<100000xf32, #tpu.memory_space<vmem>> -> memref<99968xf32, #tpu.memory_space<vmem>>
      %dma_start3A_585 = arith.constant 0 : i32
      %dma_start3A_586 = tpu.memref_slice %arg3[%while3A_577, %dma_start3A, %dma_start3A_585] : memref<52x8x100000xf32, #tpu.memory_space<hbm>> -> memref<1x1x99968xf32, #tpu.memory_space<hbm>>
      %dma_start3A_587 = tpu.memref_squeeze %dma_start3A_586 : memref<1x1x99968xf32, #tpu.memory_space<hbm>> -> memref<99968xf32, #tpu.memory_space<hbm>>
      %dma_start3A_588 = arith.constant 0 : i32
      %dma_start3A_589 = tpu.memref_slice %arg7[%dma_start3A_588] : memref<100000xf32, #tpu.memory_space<vmem>> -> memref<99968xf32, #tpu.memory_space<vmem>>
      %dma_start3A_590 = arith.constant 0 : i32
      %dma_start3A_591 = tpu.memref_slice %arg3[%while3A_577, %dma_start3A, %dma_start3A_590] : memref<52x8x100000xf32, #tpu.memory_space<hbm>> -> memref<1x1x99968xf32, #tpu.memory_space<hbm>>
      %dma_start3A_592 = tpu.memref_squeeze %dma_start3A_591 : memref<1x1x99968xf32, #tpu.memory_space<hbm>> -> memref<99968xf32, #tpu.memory_space<hbm>>
      tpu.enqueue_dma source(%dma_start3A_592 : memref<99968xf32, #tpu.memory_space<hbm>>) target(%dma_start3A_589 : memref<99968xf32, #tpu.memory_space<vmem>>) target_semaphore(%arg9 : memref<!tpu.dma_semaphore, #tpu.memory_space<semaphore_mem>>)
      %mul3A_593 = arith.constant 32 : i32
      %mul3A_594 = arith.muli %add3A_582, %mul3A_593 : i32
      "tpu.region"() ({
        %run_scoped3A = tpu.sem_alloc : memref<!tpu.dma_semaphore, #tpu.memory_space<semaphore_mem>>
        %dma_start3A_655 = arith.constant 99968 : i32
        %dma_start3A_656 = tpu.memref_slice %arg7[%dma_start3A_655] : memref<100000xf32, #tpu.memory_space<vmem>> -> memref<32xf32, #tpu.memory_space<vmem>>
        %dma_start3A_657 = tpu.memref_slice %arg4[%mul3A_594] : memref<13312xf32, #tpu.memory_space<hbm>> -> memref<32xf32, #tpu.memory_space<hbm>>
        %dma_start3A_658 = arith.constant 99968 : i32
        %dma_start3A_659 = tpu.memref_slice %arg7[%dma_start3A_658] : memref<100000xf32, #tpu.memory_space<vmem>> -> memref<32xf32, #tpu.memory_space<vmem>>
        %dma_start3A_660 = tpu.memref_slice %arg4[%mul3A_594] : memref<13312xf32, #tpu.memory_space<hbm>> -> memref<32xf32, #tpu.memory_space<hbm>>
        tpu.enqueue_dma source(%dma_start3A_660 : memref<32xf32, #tpu.memory_space<hbm>>) target(%dma_start3A_659 : memref<32xf32, #tpu.memory_space<vmem>>) target_semaphore(%run_scoped3A : memref<!tpu.dma_semaphore, #tpu.memory_space<semaphore_mem>>)
        %dma_wait3A_661 = arith.constant 99968 : i32
        %dma_wait3A_662 = tpu.memref_slice %arg7[%dma_wait3A_661] : memref<100000xf32, #tpu.memory_space<vmem>> -> memref<32xf32, #tpu.memory_space<vmem>>
        %dma_wait3A_663 = tpu.memref_slice %arg4[%mul3A_594] : memref<13312xf32, #tpu.memory_space<hbm>> -> memref<32xf32, #tpu.memory_space<hbm>>
        %dma_wait3A_664 = arith.constant 99968 : i32
        %dma_wait3A_665 = tpu.memref_slice %arg7[%dma_wait3A_664] : memref<100000xf32, #tpu.memory_space<vmem>> -> memref<32xf32, #tpu.memory_space<vmem>>
        %dma_wait3A_666 = tpu.memref_slice %arg4[%mul3A_594] : memref<13312xf32, #tpu.memory_space<hbm>> -> memref<32xf32, #tpu.memory_space<hbm>>
        tpu.wait_dma2 semaphore(%run_scoped3A : memref<!tpu.dma_semaphore, #tpu.memory_space<semaphore_mem>>) src(%dma_wait3A_666 : memref<32xf32, #tpu.memory_space<hbm>>) dst(%dma_wait3A_665 : memref<32xf32, #tpu.memory_space<vmem>>)
        tpu.yield
      }) : () -> ()
      %rem3A_595 = arith.constant 2 : i32
      %rem3A_596 = arith.remsi %while3A_578, %rem3A_595 : i32
      %mul3A_597 = arith.constant 4096 : i32
      %mul3A_598 = arith.muli %rem3A_596, %mul3A_597 : i32
      %jit3A_599 = arith.constant 16 : i32
      %div3A_600 = arith.divsi %add3A_582, %jit3A_599 : i32
      %sign3A_601 = arith.constant 0 : i32
      %sign3A_602 = arith.cmpi sgt, %add3A_582, %sign3A_601 : i32
      %sign3A_603 = arith.extui %sign3A_602 : i1 to i32
      %sign3A_604 = arith.constant 0 : i32
      %sign3A_605 = arith.cmpi slt, %add3A_582, %sign3A_604 : i32
      %sign3A_606 = arith.extui %sign3A_605 : i1 to i32
      %sign3A_607 = arith.subi %sign3A_603, %sign3A_606 : i32
      %sign3A_608 = arith.constant 0 : i32
      %sign3A_609 = arith.cmpi sgt, %jit3A_599, %sign3A_608 : i32
      %sign3A_610 = arith.extui %sign3A_609 : i1 to i32
      %sign3A_611 = arith.constant 0 : i32
      %sign3A_612 = arith.cmpi slt, %jit3A_599, %sign3A_611 : i32
      %sign3A_613 = arith.extui %sign3A_612 : i1 to i32
      %sign3A_614 = arith.subi %sign3A_610, %sign3A_613 : i32
      %ne3A_615 = arith.cmpi ne, %sign3A_607, %sign3A_614 : i32
      %rem3A_616 = arith.remsi %add3A_582, %jit3A_599 : i32
      %ne3A_617 = arith.constant 0 : i32
      %ne3A_618 = arith.cmpi ne, %rem3A_616, %ne3A_617 : i32
      %and3A_619 = arith.andi %ne3A_615, %ne3A_618 : i1
      %sub3A_620 = arith.constant 1 : i32
      %sub3A_621 = arith.subi %div3A_600, %sub3A_620 : i32
      %select_n3A_622 = arith.select %and3A_619, %sub3A_621, %div3A_600 : i32
      %sub3A_623 = arith.subi %select_n3A_622, %select_n3A : i32
      %mul3A_624 = arith.constant 4096 : i32
      %mul3A_625 = arith.muli %sub3A_623, %mul3A_624 : i32
      %dma_wait3A_626 = arith.constant 6 : i32
      %dma_wait3A_627 = arith.constant 0 : i32
      %dma_wait3A_628 = tpu.memref_slice %arg7[%dma_wait3A_627] : memref<100000xf32, #tpu.memory_space<vmem>> -> memref<99968xf32, #tpu.memory_space<vmem>>
      %dma_wait3A_629 = arith.constant 0 : i32
      %dma_wait3A_630 = tpu.memref_slice %arg3[%while3A_577, %dma_wait3A_626, %dma_wait3A_629] : memref<52x8x100000xf32, #tpu.memory_space<hbm>> -> memref<1x1x99968xf32, #tpu.memory_space<hbm>>
      %dma_wait3A_631 = tpu.memref_squeeze %dma_wait3A_630 : memref<1x1x99968xf32, #tpu.memory_space<hbm>> -> memref<99968xf32, #tpu.memory_space<hbm>>
      %dma_wait3A_632 = arith.constant 0 : i32
      %dma_wait3A_633 = tpu.memref_slice %arg7[%dma_wait3A_632] : memref<100000xf32, #tpu.memory_space<vmem>> -> memref<99968xf32, #tpu.memory_space<vmem>>
      %dma_wait3A_634 = arith.constant 0 : i32
      %dma_wait3A_635 = tpu.memref_slice %arg3[%while3A_577, %dma_wait3A_626, %dma_wait3A_634] : memref<52x8x100000xf32, #tpu.memory_space<hbm>> -> memref<1x1x99968xf32, #tpu.memory_space<hbm>>
      %dma_wait3A_636 = tpu.memref_squeeze %dma_wait3A_635 : memref<1x1x99968xf32, #tpu.memory_space<hbm>> -> memref<99968xf32, #tpu.memory_space<hbm>>
      tpu.wait_dma2 semaphore(%arg9 : memref<!tpu.dma_semaphore, #tpu.memory_space<semaphore_mem>>) src(%dma_wait3A_636 : memref<99968xf32, #tpu.memory_space<hbm>>) dst(%dma_wait3A_633 : memref<99968xf32, #tpu.memory_space<vmem>>)
      %gt3A = arith.constant 0 : i32
      %gt3A_637 = arith.cmpi sgt, %while3A_578, %gt3A : i32
      %convert_element_type3A = arith.extui %gt3A_637 : i1 to i32
      %cond3A = arith.constant 0 : i32
      %cond3A_638 = arith.cmpi ne, %convert_element_type3A, %cond3A : i32
      scf.if %cond3A_638 {
        %dma_wait3A_655 = arith.constant 6 : i32
        %dma_wait3A_656 = arith.constant 0 : i32
        %dma_wait3A_657 = tpu.memref_slice %arg8[%dma_wait3A_656] : memref<8192xf32, #tpu.memory_space<vmem>> -> memref<4096xf32, #tpu.memory_space<vmem>>
        %dma_wait3A_658 = arith.constant 0 : i32
        %dma_wait3A_659 = tpu.memref_slice %arg5[%while3A_577, %dma_wait3A_655, %dma_wait3A_658] : memref<52x8x4096xf32, #tpu.memory_space<hbm>> -> memref<1x1x4096xf32, #tpu.memory_space<hbm>>
        %dma_wait3A_660 = tpu.memref_squeeze %dma_wait3A_659 : memref<1x1x4096xf32, #tpu.memory_space<hbm>> -> memref<4096xf32, #tpu.memory_space<hbm>>
        %dma_wait3A_661 = arith.constant 0 : i32
        %dma_wait3A_662 = tpu.memref_slice %arg5[%while3A_577, %dma_wait3A_655, %dma_wait3A_661] : memref<52x8x4096xf32, #tpu.memory_space<hbm>> -> memref<1x1x4096xf32, #tpu.memory_space<hbm>>
        %dma_wait3A_663 = tpu.memref_squeeze %dma_wait3A_662 : memref<1x1x4096xf32, #tpu.memory_space<hbm>> -> memref<4096xf32, #tpu.memory_space<hbm>>
        %dma_wait3A_664 = arith.constant 0 : i32
        %dma_wait3A_665 = tpu.memref_slice %arg8[%dma_wait3A_664] : memref<8192xf32, #tpu.memory_space<vmem>> -> memref<4096xf32, #tpu.memory_space<vmem>>
        tpu.wait_dma2 semaphore(%arg10 : memref<!tpu.dma_semaphore, #tpu.memory_space<semaphore_mem>>) src(%dma_wait3A_665 : memref<4096xf32, #tpu.memory_space<vmem>>) dst(%dma_wait3A_663 : memref<4096xf32, #tpu.memory_space<hbm>>)
      } else {
      }
      %scan3A = arith.constant 0 : i32
      %scan3A_639 = arith.constant 0 : i32
      %scan3A_640 = arith.constant 256 : i32
      %scan3A_641 = arith.addi %scan3A_639, %scan3A_640 : i32
      %scan3A_642 = arith.constant 8 : i32
      scf.for %scan3A_655 = %scan3A_639 to %scan3A_641 step %scan3A_642  : i32 {
        %mul3A_656 = arith.constant 16 : i32
        %mul3A_657 = arith.muli %scan3A_655, %mul3A_656 : i32
        %add3A_658 = arith.addi %mul3A_625, %mul3A_657 : i32
        %get3A = arith.index_cast %add3A_658 : i32 to index
        %get3A_659 = tpu.vector_load %arg6[%get3A] {strides = array<i32>} : memref<8192xi32, #tpu.memory_space<vmem>>, vector<16xi32>,
        %gather3A = tpu.vector_load_idx %arg7[%get3A_659] : memref<100000xf32, #tpu.memory_space<vmem>>[vector<16xi32>], vector<16xf32>,
        %mul3A_660 = arith.constant 16 : i32
        %mul3A_661 = arith.muli %scan3A_655, %mul3A_660 : i32
        %add3A_662 = arith.addi %mul3A_598, %mul3A_661 : i32
        %swap3A = arith.index_cast %add3A_662 : i32 to index
        %swap3A_663 = tpu.vector_load %arg8[%swap3A] {strides = array<i32>} : memref<8192xf32, #tpu.memory_space<vmem>>, vector<16xf32>,
        tpu.vector_store %arg8[%swap3A], %gather3A {strides = array<i32>} : memref<8192xf32, #tpu.memory_space<vmem>>, vector<16xf32>,
        %scan3A_664 = arith.constant 1 : i32
        %scan3A_665 = arith.addi %scan3A_655, %scan3A_664 : i32
        %mul3A_666 = arith.constant 16 : i32
        %mul3A_667 = arith.muli %scan3A_665, %mul3A_666 : i32
        %add3A_668 = arith.addi %mul3A_625, %mul3A_667 : i32
        %get3A_669 = arith.index_cast %add3A_668 : i32 to index
        %get3A_670 = tpu.vector_load %arg6[%get3A_669] {strides = array<i32>} : memref<8192xi32, #tpu.memory_space<vmem>>, vector<16xi32>,
        %gather3A_671 = tpu.vector_load_idx %arg7[%get3A_670] : memref<100000xf32, #tpu.memory_space<vmem>>[vector<16xi32>], vector<16xf32>,
        %mul3A_672 = arith.constant 16 : i32
        %mul3A_673 = arith.muli %scan3A_665, %mul3A_672 : i32
        %add3A_674 = arith.addi %mul3A_598, %mul3A_673 : i32
        %swap3A_675 = arith.index_cast %add3A_674 : i32 to index
        %swap3A_676 = tpu.vector_load %arg8[%swap3A_675] {strides = array<i32>} : memref<8192xf32, #tpu.memory_space<vmem>>, vector<16xf32>,
        tpu.vector_store %arg8[%swap3A_675], %gather3A_671 {strides = array<i32>} : memref<8192xf32, #tpu.memory_space<vmem>>, vector<16xf32>,
        %scan3A_677 = arith.constant 2 : i32
        %scan3A_678 = arith.addi %scan3A_655, %scan3A_677 : i32
        %mul3A_679 = arith.constant 16 : i32
        %mul3A_680 = arith.muli %scan3A_678, %mul3A_679 : i32
        %add3A_681 = arith.addi %mul3A_625, %mul3A_680 : i32
        %get3A_682 = arith.index_cast %add3A_681 : i32 to index
        %get3A_683 = tpu.vector_load %arg6[%get3A_682] {strides = array<i32>} : memref<8192xi32, #tpu.memory_space<vmem>>, vector<16xi32>,
        %gather3A_684 = tpu.vector_load_idx %arg7[%get3A_683] : memref<100000xf32, #tpu.memory_space<vmem>>[vector<16xi32>], vector<16xf32>,
        %mul3A_685 = arith.constant 16 : i32
        %mul3A_686 = arith.muli %scan3A_678, %mul3A_685 : i32
        %add3A_687 = arith.addi %mul3A_598, %mul3A_686 : i32
        %swap3A_688 = arith.index_cast %add3A_687 : i32 to index
        %swap3A_689 = tpu.vector_load %arg8[%swap3A_688] {strides = array<i32>} : memref<8192xf32, #tpu.memory_space<vmem>>, vector<16xf32>,
        tpu.vector_store %arg8[%swap3A_688], %gather3A_684 {strides = array<i32>} : memref<8192xf32, #tpu.memory_space<vmem>>, vector<16xf32>,
        %scan3A_690 = arith.constant 3 : i32
        %scan3A_691 = arith.addi %scan3A_655, %scan3A_690 : i32
        %mul3A_692 = arith.constant 16 : i32
        %mul3A_693 = arith.muli %scan3A_691, %mul3A_692 : i32
        %add3A_694 = arith.addi %mul3A_625, %mul3A_693 : i32
        %get3A_695 = arith.index_cast %add3A_694 : i32 to index
        %get3A_696 = tpu.vector_load %arg6[%get3A_695] {strides = array<i32>} : memref<8192xi32, #tpu.memory_space<vmem>>, vector<16xi32>,
        %gather3A_697 = tpu.vector_load_idx %arg7[%get3A_696] : memref<100000xf32, #tpu.memory_space<vmem>>[vector<16xi32>], vector<16xf32>,
        %mul3A_698 = arith.constant 16 : i32
        %mul3A_699 = arith.muli %scan3A_691, %mul3A_698 : i32
        %add3A_700 = arith.addi %mul3A_598, %mul3A_699 : i32
        %swap3A_701 = arith.index_cast %add3A_700 : i32 to index
        %swap3A_702 = tpu.vector_load %arg8[%swap3A_701] {strides = array<i32>} : memref<8192xf32, #tpu.memory_space<vmem>>, vector<16xf32>,
        tpu.vector_store %arg8[%swap3A_701], %gather3A_697 {strides = array<i32>} : memref<8192xf32, #tpu.memory_space<vmem>>, vector<16xf32>,
        %scan3A_703 = arith.constant 4 : i32
        %scan3A_704 = arith.addi %scan3A_655, %scan3A_703 : i32
        %mul3A_705 = arith.constant 16 : i32
        %mul3A_706 = arith.muli %scan3A_704, %mul3A_705 : i32
        %add3A_707 = arith.addi %mul3A_625, %mul3A_706 : i32
        %get3A_708 = arith.index_cast %add3A_707 : i32 to index
        %get3A_709 = tpu.vector_load %arg6[%get3A_708] {strides = array<i32>} : memref<8192xi32, #tpu.memory_space<vmem>>, vector<16xi32>,
        %gather3A_710 = tpu.vector_load_idx %arg7[%get3A_709] : memref<100000xf32, #tpu.memory_space<vmem>>[vector<16xi32>], vector<16xf32>,
        %mul3A_711 = arith.constant 16 : i32
        %mul3A_712 = arith.muli %scan3A_704, %mul3A_711 : i32
        %add3A_713 = arith.addi %mul3A_598, %mul3A_712 : i32
        %swap3A_714 = arith.index_cast %add3A_713 : i32 to index
        %swap3A_715 = tpu.vector_load %arg8[%swap3A_714] {strides = array<i32>} : memref<8192xf32, #tpu.memory_space<vmem>>, vector<16xf32>,
        tpu.vector_store %arg8[%swap3A_714], %gather3A_710 {strides = array<i32>} : memref<8192xf32, #tpu.memory_space<vmem>>, vector<16xf32>,
        %scan3A_716 = arith.constant 5 : i32
        %scan3A_717 = arith.addi %scan3A_655, %scan3A_716 : i32
        %mul3A_718 = arith.constant 16 : i32
        %mul3A_719 = arith.muli %scan3A_717, %mul3A_718 : i32
        %add3A_720 = arith.addi %mul3A_625, %mul3A_719 : i32
        %get3A_721 = arith.index_cast %add3A_720 : i32 to index
        %get3A_722 = tpu.vector_load %arg6[%get3A_721] {strides = array<i32>} : memref<8192xi32, #tpu.memory_space<vmem>>, vector<16xi32>,
        %gather3A_723 = tpu.vector_load_idx %arg7[%get3A_722] : memref<100000xf32, #tpu.memory_space<vmem>>[vector<16xi32>], vector<16xf32>,
        %mul3A_724 = arith.constant 16 : i32
        %mul3A_725 = arith.muli %scan3A_717, %mul3A_724 : i32
        %add3A_726 = arith.addi %mul3A_598, %mul3A_725 : i32
        %swap3A_727 = arith.index_cast %add3A_726 : i32 to index
        %swap3A_728 = tpu.vector_load %arg8[%swap3A_727] {strides = array<i32>} : memref<8192xf32, #tpu.memory_space<vmem>>, vector<16xf32>,
        tpu.vector_store %arg8[%swap3A_727], %gather3A_723 {strides = array<i32>} : memref<8192xf32, #tpu.memory_space<vmem>>, vector<16xf32>,
        %scan3A_729 = arith.constant 6 : i32
        %scan3A_730 = arith.addi %scan3A_655, %scan3A_729 : i32
        %mul3A_731 = arith.constant 16 : i32
        %mul3A_732 = arith.muli %scan3A_730, %mul3A_731 : i32
        %add3A_733 = arith.addi %mul3A_625, %mul3A_732 : i32
        %get3A_734 = arith.index_cast %add3A_733 : i32 to index
        %get3A_735 = tpu.vector_load %arg6[%get3A_734] {strides = array<i32>} : memref<8192xi32, #tpu.memory_space<vmem>>, vector<16xi32>,
        %gather3A_736 = tpu.vector_load_idx %arg7[%get3A_735] : memref<100000xf32, #tpu.memory_space<vmem>>[vector<16xi32>], vector<16xf32>,
        %mul3A_737 = arith.constant 16 : i32
        %mul3A_738 = arith.muli %scan3A_730, %mul3A_737 : i32
        %add3A_739 = arith.addi %mul3A_598, %mul3A_738 : i32
        %swap3A_740 = arith.index_cast %add3A_739 : i32 to index
        %swap3A_741 = tpu.vector_load %arg8[%swap3A_740] {strides = array<i32>} : memref<8192xf32, #tpu.memory_space<vmem>>, vector<16xf32>,
        tpu.vector_store %arg8[%swap3A_740], %gather3A_736 {strides = array<i32>} : memref<8192xf32, #tpu.memory_space<vmem>>, vector<16xf32>,
        %scan3A_742 = arith.constant 7 : i32
        %scan3A_743 = arith.addi %scan3A_655, %scan3A_742 : i32
        %mul3A_744 = arith.constant 16 : i32
        %mul3A_745 = arith.muli %scan3A_743, %mul3A_744 : i32
        %add3A_746 = arith.addi %mul3A_625, %mul3A_745 : i32
        %get3A_747 = arith.index_cast %add3A_746 : i32 to index
        %get3A_748 = tpu.vector_load %arg6[%get3A_747] {strides = array<i32>} : memref<8192xi32, #tpu.memory_space<vmem>>, vector<16xi32>,
        %gather3A_749 = tpu.vector_load_idx %arg7[%get3A_748] : memref<100000xf32, #tpu.memory_space<vmem>>[vector<16xi32>], vector<16xf32>,
        %mul3A_750 = arith.constant 16 : i32
        %mul3A_751 = arith.muli %scan3A_743, %mul3A_750 : i32
        %add3A_752 = arith.addi %mul3A_598, %mul3A_751 : i32
        %swap3A_753 = arith.index_cast %add3A_752 : i32 to index
        %swap3A_754 = tpu.vector_load %arg8[%swap3A_753] {strides = array<i32>} : memref<8192xf32, #tpu.memory_space<vmem>>, vector<16xf32>,
        tpu.vector_store %arg8[%swap3A_753], %gather3A_749 {strides = array<i32>} : memref<8192xf32, #tpu.memory_space<vmem>>, vector<16xf32>,
      }
      %scan3A_643 = arith.constant 256 : i32
      %dma_start3A_644 = arith.constant 6 : i32
      %dma_start3A_645 = tpu.memref_slice %arg8[%mul3A_598] : memref<8192xf32, #tpu.memory_space<vmem>> -> memref<4096xf32, #tpu.memory_space<vmem>>
      %dma_start3A_646 = arith.constant 0 : i32
      %dma_start3A_647 = tpu.memref_slice %arg5[%while3A_577, %dma_start3A_644, %dma_start3A_646] : memref<52x8x4096xf32, #tpu.memory_space<hbm>> -> memref<1x1x4096xf32, #tpu.memory_space<hbm>>
      %dma_start3A_648 = tpu.memref_squeeze %dma_start3A_647 : memref<1x1x4096xf32, #tpu.memory_space<hbm>> -> memref<4096xf32, #tpu.memory_space<hbm>>
      %dma_start3A_649 = arith.constant 0 : i32
      %dma_start3A_650 = tpu.memref_slice %arg5[%while3A_577, %dma_start3A_644, %dma_start3A_649] : memref<52x8x4096xf32, #tpu.memory_space<hbm>> -> memref<1x1x4096xf32, #tpu.memory_space<hbm>>
      %dma_start3A_651 = tpu.memref_squeeze %dma_start3A_650 : memref<1x1x4096xf32, #tpu.memory_space<hbm>> -> memref<4096xf32, #tpu.memory_space<hbm>>
      %dma_start3A_652 = tpu.memref_slice %arg8[%mul3A_598] : memref<8192xf32, #tpu.memory_space<vmem>> -> memref<4096xf32, #tpu.memory_space<vmem>>
      tpu.enqueue_dma source(%dma_start3A_652 : memref<4096xf32, #tpu.memory_space<vmem>>) target(%dma_start3A_651 : memref<4096xf32, #tpu.memory_space<hbm>>) target_semaphore(%arg10 : memref<!tpu.dma_semaphore, #tpu.memory_space<semaphore_mem>>)
      %add3A_653 = arith.constant 1 : i32
      %add3A_654 = arith.addi %while3A_578, %add3A_653 : i32
      scf.yield %add3A_654 : i32
    }
    %while3A_496 = arith.constant 1 : i32
    %while3A_497 = scf.for %while3A_577 = %while3A_493 to %while3A_489 step %while3A_496 iter_args(%while3A_578 = %while3A_495) -> (i32)  : i32 {
      %mul3A_579 = arith.constant 8 : i32
      %mul3A_580 = arith.muli %while3A_577, %mul3A_579 : i32
      %add3A_581 = arith.constant 6 : i32
      %add3A_582 = arith.addi %mul3A_580, %add3A_581 : i32
      %dma_start3A = arith.constant 6 : i32
      %dma_start3A_583 = arith.constant 0 : i32
      %dma_start3A_584 = tpu.memref_slice %arg7[%dma_start3A_583] : memref<100000xf32, #tpu.memory_space<vmem>> -> memref<99968xf32, #tpu.memory_space<vmem>>
      %dma_start3A_585 = arith.constant 0 : i32
      %dma_start3A_586 = tpu.memref_slice %arg3[%while3A_577, %dma_start3A, %dma_start3A_585] : memref<52x8x100000xf32, #tpu.memory_space<hbm>> -> memref<1x1x99968xf32, #tpu.memory_space<hbm>>
      %dma_start3A_587 = tpu.memref_squeeze %dma_start3A_586 : memref<1x1x99968xf32, #tpu.memory_space<hbm>> -> memref<99968xf32, #tpu.memory_space<hbm>>
      %dma_start3A_588 = arith.constant 0 : i32
      %dma_start3A_589 = tpu.memref_slice %arg7[%dma_start3A_588] : memref<100000xf32, #tpu.memory_space<vmem>> -> memref<99968xf32, #tpu.memory_space<vmem>>
      %dma_start3A_590 = arith.constant 0 : i32
      %dma_start3A_591 = tpu.memref_slice %arg3[%while3A_577, %dma_start3A, %dma_start3A_590] : memref<52x8x100000xf32, #tpu.memory_space<hbm>> -> memref<1x1x99968xf32, #tpu.memory_space<hbm>>
      %dma_start3A_592 = tpu.memref_squeeze %dma_start3A_591 : memref<1x1x99968xf32, #tpu.memory_space<hbm>> -> memref<99968xf32, #tpu.memory_space<hbm>>
      tpu.enqueue_dma source(%dma_start3A_592 : memref<99968xf32, #tpu.memory_space<hbm>>) target(%dma_start3A_589 : memref<99968xf32, #tpu.memory_space<vmem>>) target_semaphore(%arg9 : memref<!tpu.dma_semaphore, #tpu.memory_space<semaphore_mem>>)
      %mul3A_593 = arith.constant 32 : i32
      %mul3A_594 = arith.muli %add3A_582, %mul3A_593 : i32
      "tpu.region"() ({
        %run_scoped3A = tpu.sem_alloc : memref<!tpu.dma_semaphore, #tpu.memory_space<semaphore_mem>>
        %dma_start3A_655 = arith.constant 99968 : i32
        %dma_start3A_656 = tpu.memref_slice %arg7[%dma_start3A_655] : memref<100000xf32, #tpu.memory_space<vmem>> -> memref<32xf32, #tpu.memory_space<vmem>>
        %dma_start3A_657 = tpu.memref_slice %arg4[%mul3A_594] : memref<13312xf32, #tpu.memory_space<hbm>> -> memref<32xf32, #tpu.memory_space<hbm>>
        %dma_start3A_658 = arith.constant 99968 : i32
        %dma_start3A_659 = tpu.memref_slice %arg7[%dma_start3A_658] : memref<100000xf32, #tpu.memory_space<vmem>> -> memref<32xf32, #tpu.memory_space<vmem>>
        %dma_start3A_660 = tpu.memref_slice %arg4[%mul3A_594] : memref<13312xf32, #tpu.memory_space<hbm>> -> memref<32xf32, #tpu.memory_space<hbm>>
        tpu.enqueue_dma source(%dma_start3A_660 : memref<32xf32, #tpu.memory_space<hbm>>) target(%dma_start3A_659 : memref<32xf32, #tpu.memory_space<vmem>>) target_semaphore(%run_scoped3A : memref<!tpu.dma_semaphore, #tpu.memory_space<semaphore_mem>>)
        %dma_wait3A_661 = arith.constant 99968 : i32
        %dma_wait3A_662 = tpu.memref_slice %arg7[%dma_wait3A_661] : memref<100000xf32, #tpu.memory_space<vmem>> -> memref<32xf32, #tpu.memory_space<vmem>>
        %dma_wait3A_663 = tpu.memref_slice %arg4[%mul3A_594] : memref<13312xf32, #tpu.memory_space<hbm>> -> memref<32xf32, #tpu.memory_space<hbm>>
        %dma_wait3A_664 = arith.constant 99968 : i32
        %dma_wait3A_665 = tpu.memref_slice %arg7[%dma_wait3A_664] : memref<100000xf32, #tpu.memory_space<vmem>> -> memref<32xf32, #tpu.memory_space<vmem>>
        %dma_wait3A_666 = tpu.memref_slice %arg4[%mul3A_594] : memref<13312xf32, #tpu.memory_space<hbm>> -> memref<32xf32, #tpu.memory_space<hbm>>
        tpu.wait_dma2 semaphore(%run_scoped3A : memref<!tpu.dma_semaphore, #tpu.memory_space<semaphore_mem>>) src(%dma_wait3A_666 : memref<32xf32, #tpu.memory_space<hbm>>) dst(%dma_wait3A_665 : memref<32xf32, #tpu.memory_space<vmem>>)
        tpu.yield
      }) : () -> ()
      %rem3A_595 = arith.constant 2 : i32
      %rem3A_596 = arith.remsi %while3A_578, %rem3A_595 : i32
      %mul3A_597 = arith.constant 4096 : i32
      %mul3A_598 = arith.muli %rem3A_596, %mul3A_597 : i32
      %jit3A_599 = arith.constant 16 : i32
      %div3A_600 = arith.divsi %add3A_582, %jit3A_599 : i32
      %sign3A_601 = arith.constant 0 : i32
      %sign3A_602 = arith.cmpi sgt, %add3A_582, %sign3A_601 : i32
      %sign3A_603 = arith.extui %sign3A_602 : i1 to i32
      %sign3A_604 = arith.constant 0 : i32
      %sign3A_605 = arith.cmpi slt, %add3A_582, %sign3A_604 : i32
      %sign3A_606 = arith.extui %sign3A_605 : i1 to i32
      %sign3A_607 = arith.subi %sign3A_603, %sign3A_606 : i32
      %sign3A_608 = arith.constant 0 : i32
      %sign3A_609 = arith.cmpi sgt, %jit3A_599, %sign3A_608 : i32
      %sign3A_610 = arith.extui %sign3A_609 : i1 to i32
      %sign3A_611 = arith.constant 0 : i32
      %sign3A_612 = arith.cmpi slt, %jit3A_599, %sign3A_611 : i32
      %sign3A_613 = arith.extui %sign3A_612 : i1 to i32
      %sign3A_614 = arith.subi %sign3A_610, %sign3A_613 : i32
      %ne3A_615 = arith.cmpi ne, %sign3A_607, %sign3A_614 : i32
      %rem3A_616 = arith.remsi %add3A_582, %jit3A_599 : i32
      %ne3A_617 = arith.constant 0 : i32
      %ne3A_618 = arith.cmpi ne, %rem3A_616, %ne3A_617 : i32
      %and3A_619 = arith.andi %ne3A_615, %ne3A_618 : i1
      %sub3A_620 = arith.constant 1 : i32
      %sub3A_621 = arith.subi %div3A_600, %sub3A_620 : i32
      %select_n3A_622 = arith.select %and3A_619, %sub3A_621, %div3A_600 : i32
      %sub3A_623 = arith.subi %select_n3A_622, %select_n3A : i32
      %mul3A_624 = arith.constant 4096 : i32
      %mul3A_625 = arith.muli %sub3A_623, %mul3A_624 : i32
      %dma_wait3A_626 = arith.constant 6 : i32
      %dma_wait3A_627 = arith.constant 0 : i32
      %dma_wait3A_628 = tpu.memref_slice %arg7[%dma_wait3A_627] : memref<100000xf32, #tpu.memory_space<vmem>> -> memref<99968xf32, #tpu.memory_space<vmem>>
      %dma_wait3A_629 = arith.constant 0 : i32
      %dma_wait3A_630 = tpu.memref_slice %arg3[%while3A_577, %dma_wait3A_626, %dma_wait3A_629] : memref<52x8x100000xf32, #tpu.memory_space<hbm>> -> memref<1x1x99968xf32, #tpu.memory_space<hbm>>
      %dma_wait3A_631 = tpu.memref_squeeze %dma_wait3A_630 : memref<1x1x99968xf32, #tpu.memory_space<hbm>> -> memref<99968xf32, #tpu.memory_space<hbm>>
      %dma_wait3A_632 = arith.constant 0 : i32
      %dma_wait3A_633 = tpu.memref_slice %arg7[%dma_wait3A_632] : memref<100000xf32, #tpu.memory_space<vmem>> -> memref<99968xf32, #tpu.memory_space<vmem>>
      %dma_wait3A_634 = arith.constant 0 : i32
      %dma_wait3A_635 = tpu.memref_slice %arg3[%while3A_577, %dma_wait3A_626, %dma_wait3A_634] : memref<52x8x100000xf32, #tpu.memory_space<hbm>> -> memref<1x1x99968xf32, #tpu.memory_space<hbm>>
      %dma_wait3A_636 = tpu.memref_squeeze %dma_wait3A_635 : memref<1x1x99968xf32, #tpu.memory_space<hbm>> -> memref<99968xf32, #tpu.memory_space<hbm>>
      tpu.wait_dma2 semaphore(%arg9 : memref<!tpu.dma_semaphore, #tpu.memory_space<semaphore_mem>>) src(%dma_wait3A_636 : memref<99968xf32, #tpu.memory_space<hbm>>) dst(%dma_wait3A_633 : memref<99968xf32, #tpu.memory_space<vmem>>)
      %gt3A = arith.constant 0 : i32
      %gt3A_637 = arith.cmpi sgt, %while3A_578, %gt3A : i32
      %convert_element_type3A = arith.extui %gt3A_637 : i1 to i32
      %cond3A = arith.constant 0 : i32
      %cond3A_638 = arith.cmpi ne, %convert_element_type3A, %cond3A : i32
      scf.if %cond3A_638 {
        %dma_wait3A_655 = arith.constant 6 : i32
        %dma_wait3A_656 = arith.constant 0 : i32
        %dma_wait3A_657 = tpu.memref_slice %arg8[%dma_wait3A_656] : memref<8192xf32, #tpu.memory_space<vmem>> -> memref<4096xf32, #tpu.memory_space<vmem>>
        %dma_wait3A_658 = arith.constant 0 : i32
        %dma_wait3A_659 = tpu.memref_slice %arg5[%while3A_577, %dma_wait3A_655, %dma_wait3A_658] : memref<52x8x4096xf32, #tpu.memory_space<hbm>> -> memref<1x1x4096xf32, #tpu.memory_space<hbm>>
        %dma_wait3A_660 = tpu.memref_squeeze %dma_wait3A_659 : memref<1x1x4096xf32, #tpu.memory_space<hbm>> -> memref<4096xf32, #tpu.memory_space<hbm>>
        %dma_wait3A_661 = arith.constant 0 : i32
        %dma_wait3A_662 = tpu.memref_slice %arg5[%while3A_577, %dma_wait3A_655, %dma_wait3A_661] : memref<52x8x4096xf32, #tpu.memory_space<hbm>> -> memref<1x1x4096xf32, #tpu.memory_space<hbm>>
        %dma_wait3A_663 = tpu.memref_squeeze %dma_wait3A_662 : memref<1x1x4096xf32, #tpu.memory_space<hbm>> -> memref<4096xf32, #tpu.memory_space<hbm>>
        %dma_wait3A_664 = arith.constant 0 : i32
        %dma_wait3A_665 = tpu.memref_slice %arg8[%dma_wait3A_664] : memref<8192xf32, #tpu.memory_space<vmem>> -> memref<4096xf32, #tpu.memory_space<vmem>>
        tpu.wait_dma2 semaphore(%arg10 : memref<!tpu.dma_semaphore, #tpu.memory_space<semaphore_mem>>) src(%dma_wait3A_665 : memref<4096xf32, #tpu.memory_space<vmem>>) dst(%dma_wait3A_663 : memref<4096xf32, #tpu.memory_space<hbm>>)
      } else {
      }
      %scan3A = arith.constant 0 : i32
      %scan3A_639 = arith.constant 0 : i32
      %scan3A_640 = arith.constant 256 : i32
      %scan3A_641 = arith.addi %scan3A_639, %scan3A_640 : i32
      %scan3A_642 = arith.constant 8 : i32
      scf.for %scan3A_655 = %scan3A_639 to %scan3A_641 step %scan3A_642  : i32 {
        %mul3A_656 = arith.constant 16 : i32
        %mul3A_657 = arith.muli %scan3A_655, %mul3A_656 : i32
        %add3A_658 = arith.addi %mul3A_625, %mul3A_657 : i32
        %get3A = arith.index_cast %add3A_658 : i32 to index
        %get3A_659 = tpu.vector_load %arg6[%get3A] {strides = array<i32>} : memref<8192xi32, #tpu.memory_space<vmem>>, vector<16xi32>,
        %gather3A = tpu.vector_load_idx %arg7[%get3A_659] : memref<100000xf32, #tpu.memory_space<vmem>>[vector<16xi32>], vector<16xf32>,
        %mul3A_660 = arith.constant 16 : i32
        %mul3A_661 = arith.muli %scan3A_655, %mul3A_660 : i32
        %add3A_662 = arith.addi %mul3A_598, %mul3A_661 : i32
        %swap3A = arith.index_cast %add3A_662 : i32 to index
        %swap3A_663 = tpu.vector_load %arg8[%swap3A] {strides = array<i32>} : memref<8192xf32, #tpu.memory_space<vmem>>, vector<16xf32>,
        tpu.vector_store %arg8[%swap3A], %gather3A {strides = array<i32>} : memref<8192xf32, #tpu.memory_space<vmem>>, vector<16xf32>,
        %scan3A_664 = arith.constant 1 : i32
        %scan3A_665 = arith.addi %scan3A_655, %scan3A_664 : i32
        %mul3A_666 = arith.constant 16 : i32
        %mul3A_667 = arith.muli %scan3A_665, %mul3A_666 : i32
        %add3A_668 = arith.addi %mul3A_625, %mul3A_667 : i32
        %get3A_669 = arith.index_cast %add3A_668 : i32 to index
        %get3A_670 = tpu.vector_load %arg6[%get3A_669] {strides = array<i32>} : memref<8192xi32, #tpu.memory_space<vmem>>, vector<16xi32>,
        %gather3A_671 = tpu.vector_load_idx %arg7[%get3A_670] : memref<100000xf32, #tpu.memory_space<vmem>>[vector<16xi32>], vector<16xf32>,
        %mul3A_672 = arith.constant 16 : i32
        %mul3A_673 = arith.muli %scan3A_665, %mul3A_672 : i32
        %add3A_674 = arith.addi %mul3A_598, %mul3A_673 : i32
        %swap3A_675 = arith.index_cast %add3A_674 : i32 to index
        %swap3A_676 = tpu.vector_load %arg8[%swap3A_675] {strides = array<i32>} : memref<8192xf32, #tpu.memory_space<vmem>>, vector<16xf32>,
        tpu.vector_store %arg8[%swap3A_675], %gather3A_671 {strides = array<i32>} : memref<8192xf32, #tpu.memory_space<vmem>>, vector<16xf32>,
        %scan3A_677 = arith.constant 2 : i32
        %scan3A_678 = arith.addi %scan3A_655, %scan3A_677 : i32
        %mul3A_679 = arith.constant 16 : i32
        %mul3A_680 = arith.muli %scan3A_678, %mul3A_679 : i32
        %add3A_681 = arith.addi %mul3A_625, %mul3A_680 : i32
        %get3A_682 = arith.index_cast %add3A_681 : i32 to index
        %get3A_683 = tpu.vector_load %arg6[%get3A_682] {strides = array<i32>} : memref<8192xi32, #tpu.memory_space<vmem>>, vector<16xi32>,
        %gather3A_684 = tpu.vector_load_idx %arg7[%get3A_683] : memref<100000xf32, #tpu.memory_space<vmem>>[vector<16xi32>], vector<16xf32>,
        %mul3A_685 = arith.constant 16 : i32
        %mul3A_686 = arith.muli %scan3A_678, %mul3A_685 : i32
        %add3A_687 = arith.addi %mul3A_598, %mul3A_686 : i32
        %swap3A_688 = arith.index_cast %add3A_687 : i32 to index
        %swap3A_689 = tpu.vector_load %arg8[%swap3A_688] {strides = array<i32>} : memref<8192xf32, #tpu.memory_space<vmem>>, vector<16xf32>,
        tpu.vector_store %arg8[%swap3A_688], %gather3A_684 {strides = array<i32>} : memref<8192xf32, #tpu.memory_space<vmem>>, vector<16xf32>,
        %scan3A_690 = arith.constant 3 : i32
        %scan3A_691 = arith.addi %scan3A_655, %scan3A_690 : i32
        %mul3A_692 = arith.constant 16 : i32
        %mul3A_693 = arith.muli %scan3A_691, %mul3A_692 : i32
        %add3A_694 = arith.addi %mul3A_625, %mul3A_693 : i32
        %get3A_695 = arith.index_cast %add3A_694 : i32 to index
        %get3A_696 = tpu.vector_load %arg6[%get3A_695] {strides = array<i32>} : memref<8192xi32, #tpu.memory_space<vmem>>, vector<16xi32>,
        %gather3A_697 = tpu.vector_load_idx %arg7[%get3A_696] : memref<100000xf32, #tpu.memory_space<vmem>>[vector<16xi32>], vector<16xf32>,
        %mul3A_698 = arith.constant 16 : i32
        %mul3A_699 = arith.muli %scan3A_691, %mul3A_698 : i32
        %add3A_700 = arith.addi %mul3A_598, %mul3A_699 : i32
        %swap3A_701 = arith.index_cast %add3A_700 : i32 to index
        %swap3A_702 = tpu.vector_load %arg8[%swap3A_701] {strides = array<i32>} : memref<8192xf32, #tpu.memory_space<vmem>>, vector<16xf32>,
        tpu.vector_store %arg8[%swap3A_701], %gather3A_697 {strides = array<i32>} : memref<8192xf32, #tpu.memory_space<vmem>>, vector<16xf32>,
        %scan3A_703 = arith.constant 4 : i32
        %scan3A_704 = arith.addi %scan3A_655, %scan3A_703 : i32
        %mul3A_705 = arith.constant 16 : i32
        %mul3A_706 = arith.muli %scan3A_704, %mul3A_705 : i32
        %add3A_707 = arith.addi %mul3A_625, %mul3A_706 : i32
        %get3A_708 = arith.index_cast %add3A_707 : i32 to index
        %get3A_709 = tpu.vector_load %arg6[%get3A_708] {strides = array<i32>} : memref<8192xi32, #tpu.memory_space<vmem>>, vector<16xi32>,
        %gather3A_710 = tpu.vector_load_idx %arg7[%get3A_709] : memref<100000xf32, #tpu.memory_space<vmem>>[vector<16xi32>], vector<16xf32>,
        %mul3A_711 = arith.constant 16 : i32
        %mul3A_712 = arith.muli %scan3A_704, %mul3A_711 : i32
        %add3A_713 = arith.addi %mul3A_598, %mul3A_712 : i32
        %swap3A_714 = arith.index_cast %add3A_713 : i32 to index
        %swap3A_715 = tpu.vector_load %arg8[%swap3A_714] {strides = array<i32>} : memref<8192xf32, #tpu.memory_space<vmem>>, vector<16xf32>,
        tpu.vector_store %arg8[%swap3A_714], %gather3A_710 {strides = array<i32>} : memref<8192xf32, #tpu.memory_space<vmem>>, vector<16xf32>,
        %scan3A_716 = arith.constant 5 : i32
        %scan3A_717 = arith.addi %scan3A_655, %scan3A_716 : i32
        %mul3A_718 = arith.constant 16 : i32
        %mul3A_719 = arith.muli %scan3A_717, %mul3A_718 : i32
        %add3A_720 = arith.addi %mul3A_625, %mul3A_719 : i32
        %get3A_721 = arith.index_cast %add3A_720 : i32 to index
        %get3A_722 = tpu.vector_load %arg6[%get3A_721] {strides = array<i32>} : memref<8192xi32, #tpu.memory_space<vmem>>, vector<16xi32>,
        %gather3A_723 = tpu.vector_load_idx %arg7[%get3A_722] : memref<100000xf32, #tpu.memory_space<vmem>>[vector<16xi32>], vector<16xf32>,
        %mul3A_724 = arith.constant 16 : i32
        %mul3A_725 = arith.muli %scan3A_717, %mul3A_724 : i32
        %add3A_726 = arith.addi %mul3A_598, %mul3A_725 : i32
        %swap3A_727 = arith.index_cast %add3A_726 : i32 to index
        %swap3A_728 = tpu.vector_load %arg8[%swap3A_727] {strides = array<i32>} : memref<8192xf32, #tpu.memory_space<vmem>>, vector<16xf32>,
        tpu.vector_store %arg8[%swap3A_727], %gather3A_723 {strides = array<i32>} : memref<8192xf32, #tpu.memory_space<vmem>>, vector<16xf32>,
        %scan3A_729 = arith.constant 6 : i32
        %scan3A_730 = arith.addi %scan3A_655, %scan3A_729 : i32
        %mul3A_731 = arith.constant 16 : i32
        %mul3A_732 = arith.muli %scan3A_730, %mul3A_731 : i32
        %add3A_733 = arith.addi %mul3A_625, %mul3A_732 : i32
        %get3A_734 = arith.index_cast %add3A_733 : i32 to index
        %get3A_735 = tpu.vector_load %arg6[%get3A_734] {strides = array<i32>} : memref<8192xi32, #tpu.memory_space<vmem>>, vector<16xi32>,
        %gather3A_736 = tpu.vector_load_idx %arg7[%get3A_735] : memref<100000xf32, #tpu.memory_space<vmem>>[vector<16xi32>], vector<16xf32>,
        %mul3A_737 = arith.constant 16 : i32
        %mul3A_738 = arith.muli %scan3A_730, %mul3A_737 : i32
        %add3A_739 = arith.addi %mul3A_598, %mul3A_738 : i32
        %swap3A_740 = arith.index_cast %add3A_739 : i32 to index
        %swap3A_741 = tpu.vector_load %arg8[%swap3A_740] {strides = array<i32>} : memref<8192xf32, #tpu.memory_space<vmem>>, vector<16xf32>,
        tpu.vector_store %arg8[%swap3A_740], %gather3A_736 {strides = array<i32>} : memref<8192xf32, #tpu.memory_space<vmem>>, vector<16xf32>,
        %scan3A_742 = arith.constant 7 : i32
        %scan3A_743 = arith.addi %scan3A_655, %scan3A_742 : i32
        %mul3A_744 = arith.constant 16 : i32
        %mul3A_745 = arith.muli %scan3A_743, %mul3A_744 : i32
        %add3A_746 = arith.addi %mul3A_625, %mul3A_745 : i32
        %get3A_747 = arith.index_cast %add3A_746 : i32 to index
        %get3A_748 = tpu.vector_load %arg6[%get3A_747] {strides = array<i32>} : memref<8192xi32, #tpu.memory_space<vmem>>, vector<16xi32>,
        %gather3A_749 = tpu.vector_load_idx %arg7[%get3A_748] : memref<100000xf32, #tpu.memory_space<vmem>>[vector<16xi32>], vector<16xf32>,
        %mul3A_750 = arith.constant 16 : i32
        %mul3A_751 = arith.muli %scan3A_743, %mul3A_750 : i32
        %add3A_752 = arith.addi %mul3A_598, %mul3A_751 : i32
        %swap3A_753 = arith.index_cast %add3A_752 : i32 to index
        %swap3A_754 = tpu.vector_load %arg8[%swap3A_753] {strides = array<i32>} : memref<8192xf32, #tpu.memory_space<vmem>>, vector<16xf32>,
        tpu.vector_store %arg8[%swap3A_753], %gather3A_749 {strides = array<i32>} : memref<8192xf32, #tpu.memory_space<vmem>>, vector<16xf32>,
      }
      %scan3A_643 = arith.constant 256 : i32
      %dma_start3A_644 = arith.constant 6 : i32
      %dma_start3A_645 = tpu.memref_slice %arg8[%mul3A_598] : memref<8192xf32, #tpu.memory_space<vmem>> -> memref<4096xf32, #tpu.memory_space<vmem>>
      %dma_start3A_646 = arith.constant 0 : i32
      %dma_start3A_647 = tpu.memref_slice %arg5[%while3A_577, %dma_start3A_644, %dma_start3A_646] : memref<52x8x4096xf32, #tpu.memory_space<hbm>> -> memref<1x1x4096xf32, #tpu.memory_space<hbm>>
      %dma_start3A_648 = tpu.memref_squeeze %dma_start3A_647 : memref<1x1x4096xf32, #tpu.memory_space<hbm>> -> memref<4096xf32, #tpu.memory_space<hbm>>
      %dma_start3A_649 = arith.constant 0 : i32
      %dma_start3A_650 = tpu.memref_slice %arg5[%while3A_577, %dma_start3A_644, %dma_start3A_649] : memref<52x8x4096xf32, #tpu.memory_space<hbm>> -> memref<1x1x4096xf32, #tpu.memory_space<hbm>>
      %dma_start3A_651 = tpu.memref_squeeze %dma_start3A_650 : memref<1x1x4096xf32, #tpu.memory_space<hbm>> -> memref<4096xf32, #tpu.memory_space<hbm>>
      %dma_start3A_652 = tpu.memref_slice %arg8[%mul3A_598] : memref<8192xf32, #tpu.memory_space<vmem>> -> memref<4096xf32, #tpu.memory_space<vmem>>
      tpu.enqueue_dma source(%dma_start3A_652 : memref<4096xf32, #tpu.memory_space<vmem>>) target(%dma_start3A_651 : memref<4096xf32, #tpu.memory_space<hbm>>) target_semaphore(%arg10 : memref<!tpu.dma_semaphore, #tpu.memory_space<semaphore_mem>>)
      %add3A_653 = arith.constant 1 : i32
      %add3A_654 = arith.addi %while3A_578, %add3A_653 : i32
      scf.yield %add3A_654 : i32
    }
    %add3A_498 = arith.constant 7 : i32
    %add3A_499 = arith.addi %mul3A_2, %add3A_498 : i32
    %sub3A_500 = arith.constant 7 : i32
    %sub3A_501 = arith.subi %add3A_499, %sub3A_500 : i32
    %jit3A_502 = arith.constant 8 : i32
    %div3A_503 = arith.divsi %sub3A_501, %jit3A_502 : i32
    %sign3A_504 = arith.constant 0 : i32
    %sign3A_505 = arith.cmpi sgt, %sub3A_501, %sign3A_504 : i32
    %sign3A_506 = arith.extui %sign3A_505 : i1 to i32
    %sign3A_507 = arith.constant 0 : i32
    %sign3A_508 = arith.cmpi slt, %sub3A_501, %sign3A_507 : i32
    %sign3A_509 = arith.extui %sign3A_508 : i1 to i32
    %sign3A_510 = arith.subi %sign3A_506, %sign3A_509 : i32
    %sign3A_511 = arith.constant 0 : i32
    %sign3A_512 = arith.cmpi sgt, %jit3A_502, %sign3A_511 : i32
    %sign3A_513 = arith.extui %sign3A_512 : i1 to i32
    %sign3A_514 = arith.constant 0 : i32
    %sign3A_515 = arith.cmpi slt, %jit3A_502, %sign3A_514 : i32
    %sign3A_516 = arith.extui %sign3A_515 : i1 to i32
    %sign3A_517 = arith.subi %sign3A_513, %sign3A_516 : i32
    %ne3A_518 = arith.cmpi ne, %sign3A_510, %sign3A_517 : i32
    %rem3A_519 = arith.remsi %sub3A_501, %jit3A_502 : i32
    %ne3A_520 = arith.constant 0 : i32
    %ne3A_521 = arith.cmpi ne, %rem3A_519, %ne3A_520 : i32
    %and3A_522 = arith.andi %ne3A_518, %ne3A_521 : i1
    %sub3A_523 = arith.constant 1 : i32
    %sub3A_524 = arith.subi %div3A_503, %sub3A_523 : i32
    %select_n3A_525 = arith.select %and3A_522, %sub3A_524, %div3A_503 : i32
    %add3A_526 = arith.constant 13 : i32
    %add3A_527 = arith.addi %mul3A_2, %add3A_526 : i32
    %add3A_528 = arith.constant 7 : i32
    %add3A_529 = arith.addi %add3A_527, %add3A_528 : i32
    %sub3A_530 = arith.constant 7 : i32
    %sub3A_531 = arith.subi %add3A_529, %sub3A_530 : i32
    %jit3A_532 = arith.constant 8 : i32
    %div3A_533 = arith.divsi %sub3A_531, %jit3A_532 : i32
    %sign3A_534 = arith.constant 0 : i32
    %sign3A_535 = arith.cmpi sgt, %sub3A_531, %sign3A_534 : i32
    %sign3A_536 = arith.extui %sign3A_535 : i1 to i32
    %sign3A_537 = arith.constant 0 : i32
    %sign3A_538 = arith.cmpi slt, %sub3A_531, %sign3A_537 : i32
    %sign3A_539 = arith.extui %sign3A_538 : i1 to i32
    %sign3A_540 = arith.subi %sign3A_536, %sign3A_539 : i32
    %sign3A_541 = arith.constant 0 : i32
    %sign3A_542 = arith.cmpi sgt, %jit3A_532, %sign3A_541 : i32
    %sign3A_543 = arith.extui %sign3A_542 : i1 to i32
    %sign3A_544 = arith.constant 0 : i32
    %sign3A_545 = arith.cmpi slt, %jit3A_532, %sign3A_544 : i32
    %sign3A_546 = arith.extui %sign3A_545 : i1 to i32
    %sign3A_547 = arith.subi %sign3A_543, %sign3A_546 : i32
    %ne3A_548 = arith.cmpi ne, %sign3A_540, %sign3A_547 : i32
    %rem3A_549 = arith.remsi %sub3A_531, %jit3A_532 : i32
    %ne3A_550 = arith.constant 0 : i32
    %ne3A_551 = arith.cmpi ne, %rem3A_549, %ne3A_550 : i32
    %and3A_552 = arith.andi %ne3A_548, %ne3A_551 : i1
    %sub3A_553 = arith.constant 1 : i32
    %sub3A_554 = arith.subi %div3A_533, %sub3A_553 : i32
    %select_n3A_555 = arith.select %and3A_552, %sub3A_554, %div3A_533 : i32
    %while3A_556 = arith.subi %select_n3A_555, %select_n3A_525 : i32
    %while3A_557 = arith.addi %select_n3A_525, %while3A_556 : i32
    %while3A_558 = arith.constant 1 : i32
    %while3A_559 = arith.divsi %while3A_556, %while3A_558 : i32
    %while3A_560 = arith.muli %while3A_559, %while3A_558 : i32
    %while3A_561 = arith.addi %select_n3A_525, %while3A_560 : i32
    %while3A_562 = arith.constant 1 : i32
    %while3A_563 = scf.for %while3A_577 = %select_n3A_525 to %while3A_561 step %while3A_562 iter_args(%while3A_578 = %while3A_497) -> (i32)  : i32 {
      %mul3A_579 = arith.constant 8 : i32
      %mul3A_580 = arith.muli %while3A_577, %mul3A_579 : i32
      %add3A_581 = arith.constant 7 : i32
      %add3A_582 = arith.addi %mul3A_580, %add3A_581 : i32
      %dma_start3A = arith.constant 7 : i32
      %dma_start3A_583 = arith.constant 0 : i32
      %dma_start3A_584 = tpu.memref_slice %arg7[%dma_start3A_583] : memref<100000xf32, #tpu.memory_space<vmem>> -> memref<99968xf32, #tpu.memory_space<vmem>>
      %dma_start3A_585 = arith.constant 0 : i32
      %dma_start3A_586 = tpu.memref_slice %arg3[%while3A_577, %dma_start3A, %dma_start3A_585] : memref<52x8x100000xf32, #tpu.memory_space<hbm>> -> memref<1x1x99968xf32, #tpu.memory_space<hbm>>
      %dma_start3A_587 = tpu.memref_squeeze %dma_start3A_586 : memref<1x1x99968xf32, #tpu.memory_space<hbm>> -> memref<99968xf32, #tpu.memory_space<hbm>>
      %dma_start3A_588 = arith.constant 0 : i32
      %dma_start3A_589 = tpu.memref_slice %arg7[%dma_start3A_588] : memref<100000xf32, #tpu.memory_space<vmem>> -> memref<99968xf32, #tpu.memory_space<vmem>>
      %dma_start3A_590 = arith.constant 0 : i32
      %dma_start3A_591 = tpu.memref_slice %arg3[%while3A_577, %dma_start3A, %dma_start3A_590] : memref<52x8x100000xf32, #tpu.memory_space<hbm>> -> memref<1x1x99968xf32, #tpu.memory_space<hbm>>
      %dma_start3A_592 = tpu.memref_squeeze %dma_start3A_591 : memref<1x1x99968xf32, #tpu.memory_space<hbm>> -> memref<99968xf32, #tpu.memory_space<hbm>>
      tpu.enqueue_dma source(%dma_start3A_592 : memref<99968xf32, #tpu.memory_space<hbm>>) target(%dma_start3A_589 : memref<99968xf32, #tpu.memory_space<vmem>>) target_semaphore(%arg9 : memref<!tpu.dma_semaphore, #tpu.memory_space<semaphore_mem>>)
      %mul3A_593 = arith.constant 32 : i32
      %mul3A_594 = arith.muli %add3A_582, %mul3A_593 : i32
      "tpu.region"() ({
        %run_scoped3A = tpu.sem_alloc : memref<!tpu.dma_semaphore, #tpu.memory_space<semaphore_mem>>
        %dma_start3A_655 = arith.constant 99968 : i32
        %dma_start3A_656 = tpu.memref_slice %arg7[%dma_start3A_655] : memref<100000xf32, #tpu.memory_space<vmem>> -> memref<32xf32, #tpu.memory_space<vmem>>
        %dma_start3A_657 = tpu.memref_slice %arg4[%mul3A_594] : memref<13312xf32, #tpu.memory_space<hbm>> -> memref<32xf32, #tpu.memory_space<hbm>>
        %dma_start3A_658 = arith.constant 99968 : i32
        %dma_start3A_659 = tpu.memref_slice %arg7[%dma_start3A_658] : memref<100000xf32, #tpu.memory_space<vmem>> -> memref<32xf32, #tpu.memory_space<vmem>>
        %dma_start3A_660 = tpu.memref_slice %arg4[%mul3A_594] : memref<13312xf32, #tpu.memory_space<hbm>> -> memref<32xf32, #tpu.memory_space<hbm>>
        tpu.enqueue_dma source(%dma_start3A_660 : memref<32xf32, #tpu.memory_space<hbm>>) target(%dma_start3A_659 : memref<32xf32, #tpu.memory_space<vmem>>) target_semaphore(%run_scoped3A : memref<!tpu.dma_semaphore, #tpu.memory_space<semaphore_mem>>)
        %dma_wait3A_661 = arith.constant 99968 : i32
        %dma_wait3A_662 = tpu.memref_slice %arg7[%dma_wait3A_661] : memref<100000xf32, #tpu.memory_space<vmem>> -> memref<32xf32, #tpu.memory_space<vmem>>
        %dma_wait3A_663 = tpu.memref_slice %arg4[%mul3A_594] : memref<13312xf32, #tpu.memory_space<hbm>> -> memref<32xf32, #tpu.memory_space<hbm>>
        %dma_wait3A_664 = arith.constant 99968 : i32
        %dma_wait3A_665 = tpu.memref_slice %arg7[%dma_wait3A_664] : memref<100000xf32, #tpu.memory_space<vmem>> -> memref<32xf32, #tpu.memory_space<vmem>>
        %dma_wait3A_666 = tpu.memref_slice %arg4[%mul3A_594] : memref<13312xf32, #tpu.memory_space<hbm>> -> memref<32xf32, #tpu.memory_space<hbm>>
        tpu.wait_dma2 semaphore(%run_scoped3A : memref<!tpu.dma_semaphore, #tpu.memory_space<semaphore_mem>>) src(%dma_wait3A_666 : memref<32xf32, #tpu.memory_space<hbm>>) dst(%dma_wait3A_665 : memref<32xf32, #tpu.memory_space<vmem>>)
        tpu.yield
      }) : () -> ()
      %rem3A_595 = arith.constant 2 : i32
      %rem3A_596 = arith.remsi %while3A_578, %rem3A_595 : i32
      %mul3A_597 = arith.constant 4096 : i32
      %mul3A_598 = arith.muli %rem3A_596, %mul3A_597 : i32
      %jit3A_599 = arith.constant 16 : i32
      %div3A_600 = arith.divsi %add3A_582, %jit3A_599 : i32
      %sign3A_601 = arith.constant 0 : i32
      %sign3A_602 = arith.cmpi sgt, %add3A_582, %sign3A_601 : i32
      %sign3A_603 = arith.extui %sign3A_602 : i1 to i32
      %sign3A_604 = arith.constant 0 : i32
      %sign3A_605 = arith.cmpi slt, %add3A_582, %sign3A_604 : i32
      %sign3A_606 = arith.extui %sign3A_605 : i1 to i32
      %sign3A_607 = arith.subi %sign3A_603, %sign3A_606 : i32
      %sign3A_608 = arith.constant 0 : i32
      %sign3A_609 = arith.cmpi sgt, %jit3A_599, %sign3A_608 : i32
      %sign3A_610 = arith.extui %sign3A_609 : i1 to i32
      %sign3A_611 = arith.constant 0 : i32
      %sign3A_612 = arith.cmpi slt, %jit3A_599, %sign3A_611 : i32
      %sign3A_613 = arith.extui %sign3A_612 : i1 to i32
      %sign3A_614 = arith.subi %sign3A_610, %sign3A_613 : i32
      %ne3A_615 = arith.cmpi ne, %sign3A_607, %sign3A_614 : i32
      %rem3A_616 = arith.remsi %add3A_582, %jit3A_599 : i32
      %ne3A_617 = arith.constant 0 : i32
      %ne3A_618 = arith.cmpi ne, %rem3A_616, %ne3A_617 : i32
      %and3A_619 = arith.andi %ne3A_615, %ne3A_618 : i1
      %sub3A_620 = arith.constant 1 : i32
      %sub3A_621 = arith.subi %div3A_600, %sub3A_620 : i32
      %select_n3A_622 = arith.select %and3A_619, %sub3A_621, %div3A_600 : i32
      %sub3A_623 = arith.subi %select_n3A_622, %select_n3A : i32
      %mul3A_624 = arith.constant 4096 : i32
      %mul3A_625 = arith.muli %sub3A_623, %mul3A_624 : i32
      %dma_wait3A_626 = arith.constant 7 : i32
      %dma_wait3A_627 = arith.constant 0 : i32
      %dma_wait3A_628 = tpu.memref_slice %arg7[%dma_wait3A_627] : memref<100000xf32, #tpu.memory_space<vmem>> -> memref<99968xf32, #tpu.memory_space<vmem>>
      %dma_wait3A_629 = arith.constant 0 : i32
      %dma_wait3A_630 = tpu.memref_slice %arg3[%while3A_577, %dma_wait3A_626, %dma_wait3A_629] : memref<52x8x100000xf32, #tpu.memory_space<hbm>> -> memref<1x1x99968xf32, #tpu.memory_space<hbm>>
      %dma_wait3A_631 = tpu.memref_squeeze %dma_wait3A_630 : memref<1x1x99968xf32, #tpu.memory_space<hbm>> -> memref<99968xf32, #tpu.memory_space<hbm>>
      %dma_wait3A_632 = arith.constant 0 : i32
      %dma_wait3A_633 = tpu.memref_slice %arg7[%dma_wait3A_632] : memref<100000xf32, #tpu.memory_space<vmem>> -> memref<99968xf32, #tpu.memory_space<vmem>>
      %dma_wait3A_634 = arith.constant 0 : i32
      %dma_wait3A_635 = tpu.memref_slice %arg3[%while3A_577, %dma_wait3A_626, %dma_wait3A_634] : memref<52x8x100000xf32, #tpu.memory_space<hbm>> -> memref<1x1x99968xf32, #tpu.memory_space<hbm>>
      %dma_wait3A_636 = tpu.memref_squeeze %dma_wait3A_635 : memref<1x1x99968xf32, #tpu.memory_space<hbm>> -> memref<99968xf32, #tpu.memory_space<hbm>>
      tpu.wait_dma2 semaphore(%arg9 : memref<!tpu.dma_semaphore, #tpu.memory_space<semaphore_mem>>) src(%dma_wait3A_636 : memref<99968xf32, #tpu.memory_space<hbm>>) dst(%dma_wait3A_633 : memref<99968xf32, #tpu.memory_space<vmem>>)
      %gt3A = arith.constant 0 : i32
      %gt3A_637 = arith.cmpi sgt, %while3A_578, %gt3A : i32
      %convert_element_type3A = arith.extui %gt3A_637 : i1 to i32
      %cond3A = arith.constant 0 : i32
      %cond3A_638 = arith.cmpi ne, %convert_element_type3A, %cond3A : i32
      scf.if %cond3A_638 {
        %dma_wait3A_655 = arith.constant 7 : i32
        %dma_wait3A_656 = arith.constant 0 : i32
        %dma_wait3A_657 = tpu.memref_slice %arg8[%dma_wait3A_656] : memref<8192xf32, #tpu.memory_space<vmem>> -> memref<4096xf32, #tpu.memory_space<vmem>>
        %dma_wait3A_658 = arith.constant 0 : i32
        %dma_wait3A_659 = tpu.memref_slice %arg5[%while3A_577, %dma_wait3A_655, %dma_wait3A_658] : memref<52x8x4096xf32, #tpu.memory_space<hbm>> -> memref<1x1x4096xf32, #tpu.memory_space<hbm>>
        %dma_wait3A_660 = tpu.memref_squeeze %dma_wait3A_659 : memref<1x1x4096xf32, #tpu.memory_space<hbm>> -> memref<4096xf32, #tpu.memory_space<hbm>>
        %dma_wait3A_661 = arith.constant 0 : i32
        %dma_wait3A_662 = tpu.memref_slice %arg5[%while3A_577, %dma_wait3A_655, %dma_wait3A_661] : memref<52x8x4096xf32, #tpu.memory_space<hbm>> -> memref<1x1x4096xf32, #tpu.memory_space<hbm>>
        %dma_wait3A_663 = tpu.memref_squeeze %dma_wait3A_662 : memref<1x1x4096xf32, #tpu.memory_space<hbm>> -> memref<4096xf32, #tpu.memory_space<hbm>>
        %dma_wait3A_664 = arith.constant 0 : i32
        %dma_wait3A_665 = tpu.memref_slice %arg8[%dma_wait3A_664] : memref<8192xf32, #tpu.memory_space<vmem>> -> memref<4096xf32, #tpu.memory_space<vmem>>
        tpu.wait_dma2 semaphore(%arg10 : memref<!tpu.dma_semaphore, #tpu.memory_space<semaphore_mem>>) src(%dma_wait3A_665 : memref<4096xf32, #tpu.memory_space<vmem>>) dst(%dma_wait3A_663 : memref<4096xf32, #tpu.memory_space<hbm>>)
      } else {
      }
      %scan3A = arith.constant 0 : i32
      %scan3A_639 = arith.constant 0 : i32
      %scan3A_640 = arith.constant 256 : i32
      %scan3A_641 = arith.addi %scan3A_639, %scan3A_640 : i32
      %scan3A_642 = arith.constant 8 : i32
      scf.for %scan3A_655 = %scan3A_639 to %scan3A_641 step %scan3A_642  : i32 {
        %mul3A_656 = arith.constant 16 : i32
        %mul3A_657 = arith.muli %scan3A_655, %mul3A_656 : i32
        %add3A_658 = arith.addi %mul3A_625, %mul3A_657 : i32
        %get3A = arith.index_cast %add3A_658 : i32 to index
        %get3A_659 = tpu.vector_load %arg6[%get3A] {strides = array<i32>} : memref<8192xi32, #tpu.memory_space<vmem>>, vector<16xi32>,
        %gather3A = tpu.vector_load_idx %arg7[%get3A_659] : memref<100000xf32, #tpu.memory_space<vmem>>[vector<16xi32>], vector<16xf32>,
        %mul3A_660 = arith.constant 16 : i32
        %mul3A_661 = arith.muli %scan3A_655, %mul3A_660 : i32
        %add3A_662 = arith.addi %mul3A_598, %mul3A_661 : i32
        %swap3A = arith.index_cast %add3A_662 : i32 to index
        %swap3A_663 = tpu.vector_load %arg8[%swap3A] {strides = array<i32>} : memref<8192xf32, #tpu.memory_space<vmem>>, vector<16xf32>,
        tpu.vector_store %arg8[%swap3A], %gather3A {strides = array<i32>} : memref<8192xf32, #tpu.memory_space<vmem>>, vector<16xf32>,
        %scan3A_664 = arith.constant 1 : i32
        %scan3A_665 = arith.addi %scan3A_655, %scan3A_664 : i32
        %mul3A_666 = arith.constant 16 : i32
        %mul3A_667 = arith.muli %scan3A_665, %mul3A_666 : i32
        %add3A_668 = arith.addi %mul3A_625, %mul3A_667 : i32
        %get3A_669 = arith.index_cast %add3A_668 : i32 to index
        %get3A_670 = tpu.vector_load %arg6[%get3A_669] {strides = array<i32>} : memref<8192xi32, #tpu.memory_space<vmem>>, vector<16xi32>,
        %gather3A_671 = tpu.vector_load_idx %arg7[%get3A_670] : memref<100000xf32, #tpu.memory_space<vmem>>[vector<16xi32>], vector<16xf32>,
        %mul3A_672 = arith.constant 16 : i32
        %mul3A_673 = arith.muli %scan3A_665, %mul3A_672 : i32
        %add3A_674 = arith.addi %mul3A_598, %mul3A_673 : i32
        %swap3A_675 = arith.index_cast %add3A_674 : i32 to index
        %swap3A_676 = tpu.vector_load %arg8[%swap3A_675] {strides = array<i32>} : memref<8192xf32, #tpu.memory_space<vmem>>, vector<16xf32>,
        tpu.vector_store %arg8[%swap3A_675], %gather3A_671 {strides = array<i32>} : memref<8192xf32, #tpu.memory_space<vmem>>, vector<16xf32>,
        %scan3A_677 = arith.constant 2 : i32
        %scan3A_678 = arith.addi %scan3A_655, %scan3A_677 : i32
        %mul3A_679 = arith.constant 16 : i32
        %mul3A_680 = arith.muli %scan3A_678, %mul3A_679 : i32
        %add3A_681 = arith.addi %mul3A_625, %mul3A_680 : i32
        %get3A_682 = arith.index_cast %add3A_681 : i32 to index
        %get3A_683 = tpu.vector_load %arg6[%get3A_682] {strides = array<i32>} : memref<8192xi32, #tpu.memory_space<vmem>>, vector<16xi32>,
        %gather3A_684 = tpu.vector_load_idx %arg7[%get3A_683] : memref<100000xf32, #tpu.memory_space<vmem>>[vector<16xi32>], vector<16xf32>,
        %mul3A_685 = arith.constant 16 : i32
        %mul3A_686 = arith.muli %scan3A_678, %mul3A_685 : i32
        %add3A_687 = arith.addi %mul3A_598, %mul3A_686 : i32
        %swap3A_688 = arith.index_cast %add3A_687 : i32 to index
        %swap3A_689 = tpu.vector_load %arg8[%swap3A_688] {strides = array<i32>} : memref<8192xf32, #tpu.memory_space<vmem>>, vector<16xf32>,
        tpu.vector_store %arg8[%swap3A_688], %gather3A_684 {strides = array<i32>} : memref<8192xf32, #tpu.memory_space<vmem>>, vector<16xf32>,
        %scan3A_690 = arith.constant 3 : i32
        %scan3A_691 = arith.addi %scan3A_655, %scan3A_690 : i32
        %mul3A_692 = arith.constant 16 : i32
        %mul3A_693 = arith.muli %scan3A_691, %mul3A_692 : i32
        %add3A_694 = arith.addi %mul3A_625, %mul3A_693 : i32
        %get3A_695 = arith.index_cast %add3A_694 : i32 to index
        %get3A_696 = tpu.vector_load %arg6[%get3A_695] {strides = array<i32>} : memref<8192xi32, #tpu.memory_space<vmem>>, vector<16xi32>,
        %gather3A_697 = tpu.vector_load_idx %arg7[%get3A_696] : memref<100000xf32, #tpu.memory_space<vmem>>[vector<16xi32>], vector<16xf32>,
        %mul3A_698 = arith.constant 16 : i32
        %mul3A_699 = arith.muli %scan3A_691, %mul3A_698 : i32
        %add3A_700 = arith.addi %mul3A_598, %mul3A_699 : i32
        %swap3A_701 = arith.index_cast %add3A_700 : i32 to index
        %swap3A_702 = tpu.vector_load %arg8[%swap3A_701] {strides = array<i32>} : memref<8192xf32, #tpu.memory_space<vmem>>, vector<16xf32>,
        tpu.vector_store %arg8[%swap3A_701], %gather3A_697 {strides = array<i32>} : memref<8192xf32, #tpu.memory_space<vmem>>, vector<16xf32>,
        %scan3A_703 = arith.constant 4 : i32
        %scan3A_704 = arith.addi %scan3A_655, %scan3A_703 : i32
        %mul3A_705 = arith.constant 16 : i32
        %mul3A_706 = arith.muli %scan3A_704, %mul3A_705 : i32
        %add3A_707 = arith.addi %mul3A_625, %mul3A_706 : i32
        %get3A_708 = arith.index_cast %add3A_707 : i32 to index
        %get3A_709 = tpu.vector_load %arg6[%get3A_708] {strides = array<i32>} : memref<8192xi32, #tpu.memory_space<vmem>>, vector<16xi32>,
        %gather3A_710 = tpu.vector_load_idx %arg7[%get3A_709] : memref<100000xf32, #tpu.memory_space<vmem>>[vector<16xi32>], vector<16xf32>,
        %mul3A_711 = arith.constant 16 : i32
        %mul3A_712 = arith.muli %scan3A_704, %mul3A_711 : i32
        %add3A_713 = arith.addi %mul3A_598, %mul3A_712 : i32
        %swap3A_714 = arith.index_cast %add3A_713 : i32 to index
        %swap3A_715 = tpu.vector_load %arg8[%swap3A_714] {strides = array<i32>} : memref<8192xf32, #tpu.memory_space<vmem>>, vector<16xf32>,
        tpu.vector_store %arg8[%swap3A_714], %gather3A_710 {strides = array<i32>} : memref<8192xf32, #tpu.memory_space<vmem>>, vector<16xf32>,
        %scan3A_716 = arith.constant 5 : i32
        %scan3A_717 = arith.addi %scan3A_655, %scan3A_716 : i32
        %mul3A_718 = arith.constant 16 : i32
        %mul3A_719 = arith.muli %scan3A_717, %mul3A_718 : i32
        %add3A_720 = arith.addi %mul3A_625, %mul3A_719 : i32
        %get3A_721 = arith.index_cast %add3A_720 : i32 to index
        %get3A_722 = tpu.vector_load %arg6[%get3A_721] {strides = array<i32>} : memref<8192xi32, #tpu.memory_space<vmem>>, vector<16xi32>,
        %gather3A_723 = tpu.vector_load_idx %arg7[%get3A_722] : memref<100000xf32, #tpu.memory_space<vmem>>[vector<16xi32>], vector<16xf32>,
        %mul3A_724 = arith.constant 16 : i32
        %mul3A_725 = arith.muli %scan3A_717, %mul3A_724 : i32
        %add3A_726 = arith.addi %mul3A_598, %mul3A_725 : i32
        %swap3A_727 = arith.index_cast %add3A_726 : i32 to index
        %swap3A_728 = tpu.vector_load %arg8[%swap3A_727] {strides = array<i32>} : memref<8192xf32, #tpu.memory_space<vmem>>, vector<16xf32>,
        tpu.vector_store %arg8[%swap3A_727], %gather3A_723 {strides = array<i32>} : memref<8192xf32, #tpu.memory_space<vmem>>, vector<16xf32>,
        %scan3A_729 = arith.constant 6 : i32
        %scan3A_730 = arith.addi %scan3A_655, %scan3A_729 : i32
        %mul3A_731 = arith.constant 16 : i32
        %mul3A_732 = arith.muli %scan3A_730, %mul3A_731 : i32
        %add3A_733 = arith.addi %mul3A_625, %mul3A_732 : i32
        %get3A_734 = arith.index_cast %add3A_733 : i32 to index
        %get3A_735 = tpu.vector_load %arg6[%get3A_734] {strides = array<i32>} : memref<8192xi32, #tpu.memory_space<vmem>>, vector<16xi32>,
        %gather3A_736 = tpu.vector_load_idx %arg7[%get3A_735] : memref<100000xf32, #tpu.memory_space<vmem>>[vector<16xi32>], vector<16xf32>,
        %mul3A_737 = arith.constant 16 : i32
        %mul3A_738 = arith.muli %scan3A_730, %mul3A_737 : i32
        %add3A_739 = arith.addi %mul3A_598, %mul3A_738 : i32
        %swap3A_740 = arith.index_cast %add3A_739 : i32 to index
        %swap3A_741 = tpu.vector_load %arg8[%swap3A_740] {strides = array<i32>} : memref<8192xf32, #tpu.memory_space<vmem>>, vector<16xf32>,
        tpu.vector_store %arg8[%swap3A_740], %gather3A_736 {strides = array<i32>} : memref<8192xf32, #tpu.memory_space<vmem>>, vector<16xf32>,
        %scan3A_742 = arith.constant 7 : i32
        %scan3A_743 = arith.addi %scan3A_655, %scan3A_742 : i32
        %mul3A_744 = arith.constant 16 : i32
        %mul3A_745 = arith.muli %scan3A_743, %mul3A_744 : i32
        %add3A_746 = arith.addi %mul3A_625, %mul3A_745 : i32
        %get3A_747 = arith.index_cast %add3A_746 : i32 to index
        %get3A_748 = tpu.vector_load %arg6[%get3A_747] {strides = array<i32>} : memref<8192xi32, #tpu.memory_space<vmem>>, vector<16xi32>,
        %gather3A_749 = tpu.vector_load_idx %arg7[%get3A_748] : memref<100000xf32, #tpu.memory_space<vmem>>[vector<16xi32>], vector<16xf32>,
        %mul3A_750 = arith.constant 16 : i32
        %mul3A_751 = arith.muli %scan3A_743, %mul3A_750 : i32
        %add3A_752 = arith.addi %mul3A_598, %mul3A_751 : i32
        %swap3A_753 = arith.index_cast %add3A_752 : i32 to index
        %swap3A_754 = tpu.vector_load %arg8[%swap3A_753] {strides = array<i32>} : memref<8192xf32, #tpu.memory_space<vmem>>, vector<16xf32>,
        tpu.vector_store %arg8[%swap3A_753], %gather3A_749 {strides = array<i32>} : memref<8192xf32, #tpu.memory_space<vmem>>, vector<16xf32>,
      }
      %scan3A_643 = arith.constant 256 : i32
      %dma_start3A_644 = arith.constant 7 : i32
      %dma_start3A_645 = tpu.memref_slice %arg8[%mul3A_598] : memref<8192xf32, #tpu.memory_space<vmem>> -> memref<4096xf32, #tpu.memory_space<vmem>>
      %dma_start3A_646 = arith.constant 0 : i32
      %dma_start3A_647 = tpu.memref_slice %arg5[%while3A_577, %dma_start3A_644, %dma_start3A_646] : memref<52x8x4096xf32, #tpu.memory_space<hbm>> -> memref<1x1x4096xf32, #tpu.memory_space<hbm>>
      %dma_start3A_648 = tpu.memref_squeeze %dma_start3A_647 : memref<1x1x4096xf32, #tpu.memory_space<hbm>> -> memref<4096xf32, #tpu.memory_space<hbm>>
      %dma_start3A_649 = arith.constant 0 : i32
      %dma_start3A_650 = tpu.memref_slice %arg5[%while3A_577, %dma_start3A_644, %dma_start3A_649] : memref<52x8x4096xf32, #tpu.memory_space<hbm>> -> memref<1x1x4096xf32, #tpu.memory_space<hbm>>
      %dma_start3A_651 = tpu.memref_squeeze %dma_start3A_650 : memref<1x1x4096xf32, #tpu.memory_space<hbm>> -> memref<4096xf32, #tpu.memory_space<hbm>>
      %dma_start3A_652 = tpu.memref_slice %arg8[%mul3A_598] : memref<8192xf32, #tpu.memory_space<vmem>> -> memref<4096xf32, #tpu.memory_space<vmem>>
      tpu.enqueue_dma source(%dma_start3A_652 : memref<4096xf32, #tpu.memory_space<vmem>>) target(%dma_start3A_651 : memref<4096xf32, #tpu.memory_space<hbm>>) target_semaphore(%arg10 : memref<!tpu.dma_semaphore, #tpu.memory_space<semaphore_mem>>)
      %add3A_653 = arith.constant 1 : i32
      %add3A_654 = arith.addi %while3A_578, %add3A_653 : i32
      scf.yield %add3A_654 : i32
    }
    %while3A_564 = arith.constant 1 : i32
    %while3A_565 = scf.for %while3A_577 = %while3A_561 to %while3A_557 step %while3A_564 iter_args(%while3A_578 = %while3A_563) -> (i32)  : i32 {
      %mul3A_579 = arith.constant 8 : i32
      %mul3A_580 = arith.muli %while3A_577, %mul3A_579 : i32
      %add3A_581 = arith.constant 7 : i32
      %add3A_582 = arith.addi %mul3A_580, %add3A_581 : i32
      %dma_start3A = arith.constant 7 : i32
      %dma_start3A_583 = arith.constant 0 : i32
      %dma_start3A_584 = tpu.memref_slice %arg7[%dma_start3A_583] : memref<100000xf32, #tpu.memory_space<vmem>> -> memref<99968xf32, #tpu.memory_space<vmem>>
      %dma_start3A_585 = arith.constant 0 : i32
      %dma_start3A_586 = tpu.memref_slice %arg3[%while3A_577, %dma_start3A, %dma_start3A_585] : memref<52x8x100000xf32, #tpu.memory_space<hbm>> -> memref<1x1x99968xf32, #tpu.memory_space<hbm>>
      %dma_start3A_587 = tpu.memref_squeeze %dma_start3A_586 : memref<1x1x99968xf32, #tpu.memory_space<hbm>> -> memref<99968xf32, #tpu.memory_space<hbm>>
      %dma_start3A_588 = arith.constant 0 : i32
      %dma_start3A_589 = tpu.memref_slice %arg7[%dma_start3A_588] : memref<100000xf32, #tpu.memory_space<vmem>> -> memref<99968xf32, #tpu.memory_space<vmem>>
      %dma_start3A_590 = arith.constant 0 : i32
      %dma_start3A_591 = tpu.memref_slice %arg3[%while3A_577, %dma_start3A, %dma_start3A_590] : memref<52x8x100000xf32, #tpu.memory_space<hbm>> -> memref<1x1x99968xf32, #tpu.memory_space<hbm>>
      %dma_start3A_592 = tpu.memref_squeeze %dma_start3A_591 : memref<1x1x99968xf32, #tpu.memory_space<hbm>> -> memref<99968xf32, #tpu.memory_space<hbm>>
      tpu.enqueue_dma source(%dma_start3A_592 : memref<99968xf32, #tpu.memory_space<hbm>>) target(%dma_start3A_589 : memref<99968xf32, #tpu.memory_space<vmem>>) target_semaphore(%arg9 : memref<!tpu.dma_semaphore, #tpu.memory_space<semaphore_mem>>)
      %mul3A_593 = arith.constant 32 : i32
      %mul3A_594 = arith.muli %add3A_582, %mul3A_593 : i32
      "tpu.region"() ({
        %run_scoped3A = tpu.sem_alloc : memref<!tpu.dma_semaphore, #tpu.memory_space<semaphore_mem>>
        %dma_start3A_655 = arith.constant 99968 : i32
        %dma_start3A_656 = tpu.memref_slice %arg7[%dma_start3A_655] : memref<100000xf32, #tpu.memory_space<vmem>> -> memref<32xf32, #tpu.memory_space<vmem>>
        %dma_start3A_657 = tpu.memref_slice %arg4[%mul3A_594] : memref<13312xf32, #tpu.memory_space<hbm>> -> memref<32xf32, #tpu.memory_space<hbm>>
        %dma_start3A_658 = arith.constant 99968 : i32
        %dma_start3A_659 = tpu.memref_slice %arg7[%dma_start3A_658] : memref<100000xf32, #tpu.memory_space<vmem>> -> memref<32xf32, #tpu.memory_space<vmem>>
        %dma_start3A_660 = tpu.memref_slice %arg4[%mul3A_594] : memref<13312xf32, #tpu.memory_space<hbm>> -> memref<32xf32, #tpu.memory_space<hbm>>
        tpu.enqueue_dma source(%dma_start3A_660 : memref<32xf32, #tpu.memory_space<hbm>>) target(%dma_start3A_659 : memref<32xf32, #tpu.memory_space<vmem>>) target_semaphore(%run_scoped3A : memref<!tpu.dma_semaphore, #tpu.memory_space<semaphore_mem>>)
        %dma_wait3A_661 = arith.constant 99968 : i32
        %dma_wait3A_662 = tpu.memref_slice %arg7[%dma_wait3A_661] : memref<100000xf32, #tpu.memory_space<vmem>> -> memref<32xf32, #tpu.memory_space<vmem>>
        %dma_wait3A_663 = tpu.memref_slice %arg4[%mul3A_594] : memref<13312xf32, #tpu.memory_space<hbm>> -> memref<32xf32, #tpu.memory_space<hbm>>
        %dma_wait3A_664 = arith.constant 99968 : i32
        %dma_wait3A_665 = tpu.memref_slice %arg7[%dma_wait3A_664] : memref<100000xf32, #tpu.memory_space<vmem>> -> memref<32xf32, #tpu.memory_space<vmem>>
        %dma_wait3A_666 = tpu.memref_slice %arg4[%mul3A_594] : memref<13312xf32, #tpu.memory_space<hbm>> -> memref<32xf32, #tpu.memory_space<hbm>>
        tpu.wait_dma2 semaphore(%run_scoped3A : memref<!tpu.dma_semaphore, #tpu.memory_space<semaphore_mem>>) src(%dma_wait3A_666 : memref<32xf32, #tpu.memory_space<hbm>>) dst(%dma_wait3A_665 : memref<32xf32, #tpu.memory_space<vmem>>)
        tpu.yield
      }) : () -> ()
      %rem3A_595 = arith.constant 2 : i32
      %rem3A_596 = arith.remsi %while3A_578, %rem3A_595 : i32
      %mul3A_597 = arith.constant 4096 : i32
      %mul3A_598 = arith.muli %rem3A_596, %mul3A_597 : i32
      %jit3A_599 = arith.constant 16 : i32
      %div3A_600 = arith.divsi %add3A_582, %jit3A_599 : i32
      %sign3A_601 = arith.constant 0 : i32
      %sign3A_602 = arith.cmpi sgt, %add3A_582, %sign3A_601 : i32
      %sign3A_603 = arith.extui %sign3A_602 : i1 to i32
      %sign3A_604 = arith.constant 0 : i32
      %sign3A_605 = arith.cmpi slt, %add3A_582, %sign3A_604 : i32
      %sign3A_606 = arith.extui %sign3A_605 : i1 to i32
      %sign3A_607 = arith.subi %sign3A_603, %sign3A_606 : i32
      %sign3A_608 = arith.constant 0 : i32
      %sign3A_609 = arith.cmpi sgt, %jit3A_599, %sign3A_608 : i32
      %sign3A_610 = arith.extui %sign3A_609 : i1 to i32
      %sign3A_611 = arith.constant 0 : i32
      %sign3A_612 = arith.cmpi slt, %jit3A_599, %sign3A_611 : i32
      %sign3A_613 = arith.extui %sign3A_612 : i1 to i32
      %sign3A_614 = arith.subi %sign3A_610, %sign3A_613 : i32
      %ne3A_615 = arith.cmpi ne, %sign3A_607, %sign3A_614 : i32
      %rem3A_616 = arith.remsi %add3A_582, %jit3A_599 : i32
      %ne3A_617 = arith.constant 0 : i32
      %ne3A_618 = arith.cmpi ne, %rem3A_616, %ne3A_617 : i32
      %and3A_619 = arith.andi %ne3A_615, %ne3A_618 : i1
      %sub3A_620 = arith.constant 1 : i32
      %sub3A_621 = arith.subi %div3A_600, %sub3A_620 : i32
      %select_n3A_622 = arith.select %and3A_619, %sub3A_621, %div3A_600 : i32
      %sub3A_623 = arith.subi %select_n3A_622, %select_n3A : i32
      %mul3A_624 = arith.constant 4096 : i32
      %mul3A_625 = arith.muli %sub3A_623, %mul3A_624 : i32
      %dma_wait3A_626 = arith.constant 7 : i32
      %dma_wait3A_627 = arith.constant 0 : i32
      %dma_wait3A_628 = tpu.memref_slice %arg7[%dma_wait3A_627] : memref<100000xf32, #tpu.memory_space<vmem>> -> memref<99968xf32, #tpu.memory_space<vmem>>
      %dma_wait3A_629 = arith.constant 0 : i32
      %dma_wait3A_630 = tpu.memref_slice %arg3[%while3A_577, %dma_wait3A_626, %dma_wait3A_629] : memref<52x8x100000xf32, #tpu.memory_space<hbm>> -> memref<1x1x99968xf32, #tpu.memory_space<hbm>>
      %dma_wait3A_631 = tpu.memref_squeeze %dma_wait3A_630 : memref<1x1x99968xf32, #tpu.memory_space<hbm>> -> memref<99968xf32, #tpu.memory_space<hbm>>
      %dma_wait3A_632 = arith.constant 0 : i32
      %dma_wait3A_633 = tpu.memref_slice %arg7[%dma_wait3A_632] : memref<100000xf32, #tpu.memory_space<vmem>> -> memref<99968xf32, #tpu.memory_space<vmem>>
      %dma_wait3A_634 = arith.constant 0 : i32
      %dma_wait3A_635 = tpu.memref_slice %arg3[%while3A_577, %dma_wait3A_626, %dma_wait3A_634] : memref<52x8x100000xf32, #tpu.memory_space<hbm>> -> memref<1x1x99968xf32, #tpu.memory_space<hbm>>
      %dma_wait3A_636 = tpu.memref_squeeze %dma_wait3A_635 : memref<1x1x99968xf32, #tpu.memory_space<hbm>> -> memref<99968xf32, #tpu.memory_space<hbm>>
      tpu.wait_dma2 semaphore(%arg9 : memref<!tpu.dma_semaphore, #tpu.memory_space<semaphore_mem>>) src(%dma_wait3A_636 : memref<99968xf32, #tpu.memory_space<hbm>>) dst(%dma_wait3A_633 : memref<99968xf32, #tpu.memory_space<vmem>>)
      %gt3A = arith.constant 0 : i32
      %gt3A_637 = arith.cmpi sgt, %while3A_578, %gt3A : i32
      %convert_element_type3A = arith.extui %gt3A_637 : i1 to i32
      %cond3A = arith.constant 0 : i32
      %cond3A_638 = arith.cmpi ne, %convert_element_type3A, %cond3A : i32
      scf.if %cond3A_638 {
        %dma_wait3A_655 = arith.constant 7 : i32
        %dma_wait3A_656 = arith.constant 0 : i32
        %dma_wait3A_657 = tpu.memref_slice %arg8[%dma_wait3A_656] : memref<8192xf32, #tpu.memory_space<vmem>> -> memref<4096xf32, #tpu.memory_space<vmem>>
        %dma_wait3A_658 = arith.constant 0 : i32
        %dma_wait3A_659 = tpu.memref_slice %arg5[%while3A_577, %dma_wait3A_655, %dma_wait3A_658] : memref<52x8x4096xf32, #tpu.memory_space<hbm>> -> memref<1x1x4096xf32, #tpu.memory_space<hbm>>
        %dma_wait3A_660 = tpu.memref_squeeze %dma_wait3A_659 : memref<1x1x4096xf32, #tpu.memory_space<hbm>> -> memref<4096xf32, #tpu.memory_space<hbm>>
        %dma_wait3A_661 = arith.constant 0 : i32
        %dma_wait3A_662 = tpu.memref_slice %arg5[%while3A_577, %dma_wait3A_655, %dma_wait3A_661] : memref<52x8x4096xf32, #tpu.memory_space<hbm>> -> memref<1x1x4096xf32, #tpu.memory_space<hbm>>
        %dma_wait3A_663 = tpu.memref_squeeze %dma_wait3A_662 : memref<1x1x4096xf32, #tpu.memory_space<hbm>> -> memref<4096xf32, #tpu.memory_space<hbm>>
        %dma_wait3A_664 = arith.constant 0 : i32
        %dma_wait3A_665 = tpu.memref_slice %arg8[%dma_wait3A_664] : memref<8192xf32, #tpu.memory_space<vmem>> -> memref<4096xf32, #tpu.memory_space<vmem>>
        tpu.wait_dma2 semaphore(%arg10 : memref<!tpu.dma_semaphore, #tpu.memory_space<semaphore_mem>>) src(%dma_wait3A_665 : memref<4096xf32, #tpu.memory_space<vmem>>) dst(%dma_wait3A_663 : memref<4096xf32, #tpu.memory_space<hbm>>)
      } else {
      }
      %scan3A = arith.constant 0 : i32
      %scan3A_639 = arith.constant 0 : i32
      %scan3A_640 = arith.constant 256 : i32
      %scan3A_641 = arith.addi %scan3A_639, %scan3A_640 : i32
      %scan3A_642 = arith.constant 8 : i32
      scf.for %scan3A_655 = %scan3A_639 to %scan3A_641 step %scan3A_642  : i32 {
        %mul3A_656 = arith.constant 16 : i32
        %mul3A_657 = arith.muli %scan3A_655, %mul3A_656 : i32
        %add3A_658 = arith.addi %mul3A_625, %mul3A_657 : i32
        %get3A = arith.index_cast %add3A_658 : i32 to index
        %get3A_659 = tpu.vector_load %arg6[%get3A] {strides = array<i32>} : memref<8192xi32, #tpu.memory_space<vmem>>, vector<16xi32>,
        %gather3A = tpu.vector_load_idx %arg7[%get3A_659] : memref<100000xf32, #tpu.memory_space<vmem>>[vector<16xi32>], vector<16xf32>,
        %mul3A_660 = arith.constant 16 : i32
        %mul3A_661 = arith.muli %scan3A_655, %mul3A_660 : i32
        %add3A_662 = arith.addi %mul3A_598, %mul3A_661 : i32
        %swap3A = arith.index_cast %add3A_662 : i32 to index
        %swap3A_663 = tpu.vector_load %arg8[%swap3A] {strides = array<i32>} : memref<8192xf32, #tpu.memory_space<vmem>>, vector<16xf32>,
        tpu.vector_store %arg8[%swap3A], %gather3A {strides = array<i32>} : memref<8192xf32, #tpu.memory_space<vmem>>, vector<16xf32>,
        %scan3A_664 = arith.constant 1 : i32
        %scan3A_665 = arith.addi %scan3A_655, %scan3A_664 : i32
        %mul3A_666 = arith.constant 16 : i32
        %mul3A_667 = arith.muli %scan3A_665, %mul3A_666 : i32
        %add3A_668 = arith.addi %mul3A_625, %mul3A_667 : i32
        %get3A_669 = arith.index_cast %add3A_668 : i32 to index
        %get3A_670 = tpu.vector_load %arg6[%get3A_669] {strides = array<i32>} : memref<8192xi32, #tpu.memory_space<vmem>>, vector<16xi32>,
        %gather3A_671 = tpu.vector_load_idx %arg7[%get3A_670] : memref<100000xf32, #tpu.memory_space<vmem>>[vector<16xi32>], vector<16xf32>,
        %mul3A_672 = arith.constant 16 : i32
        %mul3A_673 = arith.muli %scan3A_665, %mul3A_672 : i32
        %add3A_674 = arith.addi %mul3A_598, %mul3A_673 : i32
        %swap3A_675 = arith.index_cast %add3A_674 : i32 to index
        %swap3A_676 = tpu.vector_load %arg8[%swap3A_675] {strides = array<i32>} : memref<8192xf32, #tpu.memory_space<vmem>>, vector<16xf32>,
        tpu.vector_store %arg8[%swap3A_675], %gather3A_671 {strides = array<i32>} : memref<8192xf32, #tpu.memory_space<vmem>>, vector<16xf32>,
        %scan3A_677 = arith.constant 2 : i32
        %scan3A_678 = arith.addi %scan3A_655, %scan3A_677 : i32
        %mul3A_679 = arith.constant 16 : i32
        %mul3A_680 = arith.muli %scan3A_678, %mul3A_679 : i32
        %add3A_681 = arith.addi %mul3A_625, %mul3A_680 : i32
        %get3A_682 = arith.index_cast %add3A_681 : i32 to index
        %get3A_683 = tpu.vector_load %arg6[%get3A_682] {strides = array<i32>} : memref<8192xi32, #tpu.memory_space<vmem>>, vector<16xi32>,
        %gather3A_684 = tpu.vector_load_idx %arg7[%get3A_683] : memref<100000xf32, #tpu.memory_space<vmem>>[vector<16xi32>], vector<16xf32>,
        %mul3A_685 = arith.constant 16 : i32
        %mul3A_686 = arith.muli %scan3A_678, %mul3A_685 : i32
        %add3A_687 = arith.addi %mul3A_598, %mul3A_686 : i32
        %swap3A_688 = arith.index_cast %add3A_687 : i32 to index
        %swap3A_689 = tpu.vector_load %arg8[%swap3A_688] {strides = array<i32>} : memref<8192xf32, #tpu.memory_space<vmem>>, vector<16xf32>,
        tpu.vector_store %arg8[%swap3A_688], %gather3A_684 {strides = array<i32>} : memref<8192xf32, #tpu.memory_space<vmem>>, vector<16xf32>,
        %scan3A_690 = arith.constant 3 : i32
        %scan3A_691 = arith.addi %scan3A_655, %scan3A_690 : i32
        %mul3A_692 = arith.constant 16 : i32
        %mul3A_693 = arith.muli %scan3A_691, %mul3A_692 : i32
        %add3A_694 = arith.addi %mul3A_625, %mul3A_693 : i32
        %get3A_695 = arith.index_cast %add3A_694 : i32 to index
        %get3A_696 = tpu.vector_load %arg6[%get3A_695] {strides = array<i32>} : memref<8192xi32, #tpu.memory_space<vmem>>, vector<16xi32>,
        %gather3A_697 = tpu.vector_load_idx %arg7[%get3A_696] : memref<100000xf32, #tpu.memory_space<vmem>>[vector<16xi32>], vector<16xf32>,
        %mul3A_698 = arith.constant 16 : i32
        %mul3A_699 = arith.muli %scan3A_691, %mul3A_698 : i32
        %add3A_700 = arith.addi %mul3A_598, %mul3A_699 : i32
        %swap3A_701 = arith.index_cast %add3A_700 : i32 to index
        %swap3A_702 = tpu.vector_load %arg8[%swap3A_701] {strides = array<i32>} : memref<8192xf32, #tpu.memory_space<vmem>>, vector<16xf32>,
        tpu.vector_store %arg8[%swap3A_701], %gather3A_697 {strides = array<i32>} : memref<8192xf32, #tpu.memory_space<vmem>>, vector<16xf32>,
        %scan3A_703 = arith.constant 4 : i32
        %scan3A_704 = arith.addi %scan3A_655, %scan3A_703 : i32
        %mul3A_705 = arith.constant 16 : i32
        %mul3A_706 = arith.muli %scan3A_704, %mul3A_705 : i32
        %add3A_707 = arith.addi %mul3A_625, %mul3A_706 : i32
        %get3A_708 = arith.index_cast %add3A_707 : i32 to index
        %get3A_709 = tpu.vector_load %arg6[%get3A_708] {strides = array<i32>} : memref<8192xi32, #tpu.memory_space<vmem>>, vector<16xi32>,
        %gather3A_710 = tpu.vector_load_idx %arg7[%get3A_709] : memref<100000xf32, #tpu.memory_space<vmem>>[vector<16xi32>], vector<16xf32>,
        %mul3A_711 = arith.constant 16 : i32
        %mul3A_712 = arith.muli %scan3A_704, %mul3A_711 : i32
        %add3A_713 = arith.addi %mul3A_598, %mul3A_712 : i32
        %swap3A_714 = arith.index_cast %add3A_713 : i32 to index
        %swap3A_715 = tpu.vector_load %arg8[%swap3A_714] {strides = array<i32>} : memref<8192xf32, #tpu.memory_space<vmem>>, vector<16xf32>,
        tpu.vector_store %arg8[%swap3A_714], %gather3A_710 {strides = array<i32>} : memref<8192xf32, #tpu.memory_space<vmem>>, vector<16xf32>,
        %scan3A_716 = arith.constant 5 : i32
        %scan3A_717 = arith.addi %scan3A_655, %scan3A_716 : i32
        %mul3A_718 = arith.constant 16 : i32
        %mul3A_719 = arith.muli %scan3A_717, %mul3A_718 : i32
        %add3A_720 = arith.addi %mul3A_625, %mul3A_719 : i32
        %get3A_721 = arith.index_cast %add3A_720 : i32 to index
        %get3A_722 = tpu.vector_load %arg6[%get3A_721] {strides = array<i32>} : memref<8192xi32, #tpu.memory_space<vmem>>, vector<16xi32>,
        %gather3A_723 = tpu.vector_load_idx %arg7[%get3A_722] : memref<100000xf32, #tpu.memory_space<vmem>>[vector<16xi32>], vector<16xf32>,
        %mul3A_724 = arith.constant 16 : i32
        %mul3A_725 = arith.muli %scan3A_717, %mul3A_724 : i32
        %add3A_726 = arith.addi %mul3A_598, %mul3A_725 : i32
        %swap3A_727 = arith.index_cast %add3A_726 : i32 to index
        %swap3A_728 = tpu.vector_load %arg8[%swap3A_727] {strides = array<i32>} : memref<8192xf32, #tpu.memory_space<vmem>>, vector<16xf32>,
        tpu.vector_store %arg8[%swap3A_727], %gather3A_723 {strides = array<i32>} : memref<8192xf32, #tpu.memory_space<vmem>>, vector<16xf32>,
        %scan3A_729 = arith.constant 6 : i32
        %scan3A_730 = arith.addi %scan3A_655, %scan3A_729 : i32
        %mul3A_731 = arith.constant 16 : i32
        %mul3A_732 = arith.muli %scan3A_730, %mul3A_731 : i32
        %add3A_733 = arith.addi %mul3A_625, %mul3A_732 : i32
        %get3A_734 = arith.index_cast %add3A_733 : i32 to index
        %get3A_735 = tpu.vector_load %arg6[%get3A_734] {strides = array<i32>} : memref<8192xi32, #tpu.memory_space<vmem>>, vector<16xi32>,
        %gather3A_736 = tpu.vector_load_idx %arg7[%get3A_735] : memref<100000xf32, #tpu.memory_space<vmem>>[vector<16xi32>], vector<16xf32>,
        %mul3A_737 = arith.constant 16 : i32
        %mul3A_738 = arith.muli %scan3A_730, %mul3A_737 : i32
        %add3A_739 = arith.addi %mul3A_598, %mul3A_738 : i32
        %swap3A_740 = arith.index_cast %add3A_739 : i32 to index
        %swap3A_741 = tpu.vector_load %arg8[%swap3A_740] {strides = array<i32>} : memref<8192xf32, #tpu.memory_space<vmem>>, vector<16xf32>,
        tpu.vector_store %arg8[%swap3A_740], %gather3A_736 {strides = array<i32>} : memref<8192xf32, #tpu.memory_space<vmem>>, vector<16xf32>,
        %scan3A_742 = arith.constant 7 : i32
        %scan3A_743 = arith.addi %scan3A_655, %scan3A_742 : i32
        %mul3A_744 = arith.constant 16 : i32
        %mul3A_745 = arith.muli %scan3A_743, %mul3A_744 : i32
        %add3A_746 = arith.addi %mul3A_625, %mul3A_745 : i32
        %get3A_747 = arith.index_cast %add3A_746 : i32 to index
        %get3A_748 = tpu.vector_load %arg6[%get3A_747] {strides = array<i32>} : memref<8192xi32, #tpu.memory_space<vmem>>, vector<16xi32>,
        %gather3A_749 = tpu.vector_load_idx %arg7[%get3A_748] : memref<100000xf32, #tpu.memory_space<vmem>>[vector<16xi32>], vector<16xf32>,
        %mul3A_750 = arith.constant 16 : i32
        %mul3A_751 = arith.muli %scan3A_743, %mul3A_750 : i32
        %add3A_752 = arith.addi %mul3A_598, %mul3A_751 : i32
        %swap3A_753 = arith.index_cast %add3A_752 : i32 to index
        %swap3A_754 = tpu.vector_load %arg8[%swap3A_753] {strides = array<i32>} : memref<8192xf32, #tpu.memory_space<vmem>>, vector<16xf32>,
        tpu.vector_store %arg8[%swap3A_753], %gather3A_749 {strides = array<i32>} : memref<8192xf32, #tpu.memory_space<vmem>>, vector<16xf32>,
      }
      %scan3A_643 = arith.constant 256 : i32
      %dma_start3A_644 = arith.constant 7 : i32
      %dma_start3A_645 = tpu.memref_slice %arg8[%mul3A_598] : memref<8192xf32, #tpu.memory_space<vmem>> -> memref<4096xf32, #tpu.memory_space<vmem>>
      %dma_start3A_646 = arith.constant 0 : i32
      %dma_start3A_647 = tpu.memref_slice %arg5[%while3A_577, %dma_start3A_644, %dma_start3A_646] : memref<52x8x4096xf32, #tpu.memory_space<hbm>> -> memref<1x1x4096xf32, #tpu.memory_space<hbm>>
      %dma_start3A_648 = tpu.memref_squeeze %dma_start3A_647 : memref<1x1x4096xf32, #tpu.memory_space<hbm>> -> memref<4096xf32, #tpu.memory_space<hbm>>
      %dma_start3A_649 = arith.constant 0 : i32
      %dma_start3A_650 = tpu.memref_slice %arg5[%while3A_577, %dma_start3A_644, %dma_start3A_649] : memref<52x8x4096xf32, #tpu.memory_space<hbm>> -> memref<1x1x4096xf32, #tpu.memory_space<hbm>>
      %dma_start3A_651 = tpu.memref_squeeze %dma_start3A_650 : memref<1x1x4096xf32, #tpu.memory_space<hbm>> -> memref<4096xf32, #tpu.memory_space<hbm>>
      %dma_start3A_652 = tpu.memref_slice %arg8[%mul3A_598] : memref<8192xf32, #tpu.memory_space<vmem>> -> memref<4096xf32, #tpu.memory_space<vmem>>
      tpu.enqueue_dma source(%dma_start3A_652 : memref<4096xf32, #tpu.memory_space<vmem>>) target(%dma_start3A_651 : memref<4096xf32, #tpu.memory_space<hbm>>) target_semaphore(%arg10 : memref<!tpu.dma_semaphore, #tpu.memory_space<semaphore_mem>>)
      %add3A_653 = arith.constant 1 : i32
      %add3A_654 = arith.addi %while3A_578, %add3A_653 : i32
      scf.yield %add3A_654 : i32
    }
    %dma_wait3A = arith.constant 0 : i32
    %dma_wait3A_566 = arith.constant 0 : i32
    %dma_wait3A_567 = arith.constant 0 : i32
    %dma_wait3A_568 = tpu.memref_slice %arg8[%dma_wait3A_567] : memref<8192xf32, #tpu.memory_space<vmem>> -> memref<4096xf32, #tpu.memory_space<vmem>>
    %dma_wait3A_569 = arith.constant 0 : i32
    %dma_wait3A_570 = tpu.memref_slice %arg5[%dma_wait3A, %dma_wait3A_566, %dma_wait3A_569] : memref<52x8x4096xf32, #tpu.memory_space<hbm>> -> memref<1x1x4096xf32, #tpu.memory_space<hbm>>
    %dma_wait3A_571 = tpu.memref_squeeze %dma_wait3A_570 : memref<1x1x4096xf32, #tpu.memory_space<hbm>> -> memref<4096xf32, #tpu.memory_space<hbm>>
    %dma_wait3A_572 = arith.constant 0 : i32
    %dma_wait3A_573 = tpu.memref_slice %arg5[%dma_wait3A, %dma_wait3A_566, %dma_wait3A_572] : memref<52x8x4096xf32, #tpu.memory_space<hbm>> -> memref<1x1x4096xf32, #tpu.memory_space<hbm>>
    %dma_wait3A_574 = tpu.memref_squeeze %dma_wait3A_573 : memref<1x1x4096xf32, #tpu.memory_space<hbm>> -> memref<4096xf32, #tpu.memory_space<hbm>>
    %dma_wait3A_575 = arith.constant 0 : i32
    %dma_wait3A_576 = tpu.memref_slice %arg8[%dma_wait3A_575] : memref<8192xf32, #tpu.memory_space<vmem>> -> memref<4096xf32, #tpu.memory_space<vmem>>
    tpu.wait_dma2 semaphore(%arg10 : memref<!tpu.dma_semaphore, #tpu.memory_space<semaphore_mem>>) src(%dma_wait3A_576 : memref<4096xf32, #tpu.memory_space<vmem>>) dst(%dma_wait3A_574 : memref<4096xf32, #tpu.memory_space<hbm>>)
    return
  }
}

</mosaic_0001>

<sc_bundles>
// kernel: _embed_t.3.cloned.1.call-start
scs
__scs_entry_jumppad:
0x0: {  	(pc) =	sbr.rel $0x88, $3  }
0x1: {  	(tag) =	ssettag $0x0;
	lr =	simm.s32 $0x1  }
0x2: {  	[smem:$0x3F9E] =	sst lr;
	_ =	strace $0xD0000000  }
0x3: {  	_ = 	snop  }
0x4: {  	_ = 	snop  }
0x5: {  	_ = 	snop  }
0x6: {  	_ = 	snop  }
0x7: {  	_ = 	snop  }
__scs_overlays_trampoline_lowered:
0x8: {  	[smem:$0x3FAD] =	sst s0  }
0x9: {  	[smem:$0x3FAE] =	sst s1  }
0xa: {  	[smem:$0x3FAF] =	sst s2  }
0xb: {  	[smem:$0x3FB0] =	sst s3  }
0xc: {  	[smem:$0x3FB1] =	sst s4  }
0xd: {  	[smem:$0x3FB2] =	sst s5  }
0xe: {  	[smem:$0x3FB3] =	sst s6  }
0xf: {  	[smem:$0x3FB4] =	sst s7  }
0x10: {  	[smem:$0x3FB5] =	sst s8  }
0x11: {  	[smem:$0x3FB6] =	sst s9;
	s0 =	simm.s32 @!p0 $0x0  }
0x12: {  	s1 =	sld [smem:$0x3F9C];
	s0 =	simm.s32 @p0 $0x1  }
0x13: {  	[smem:$0x3FB7] =	sst s0;
	s0 =	simm.s32 @!p1 $0x0  }
0x14: {  	s2 =	sld [smem:$0x3F9B];
	s0 =	simm.s32 @p1 $0x1  }
0x15: {  	[smem:$0x3FB8] =	sst s0;
	s0 =	simm.s32 @!p2 $0x0  }
0x16: {  	s3 =	sld [smem:$0x3FDB];
	s0 =	simm.s32 @p2 $0x1  }
0x17: {  	s4 =	simm.s32 $0x1BF5;
	[smem:$0x3FBA] =	sst s0  }
0x18: {  	s0 =	sld [smem:$0x3F9D];
	_ =	swait.ge [sflag:s4], $0x0  }
0x19: {  	s7 =	sld [smem:$0x3F9E]  }
0x1a: {  	s8 =	sadd.s32 $0xFFFFE003, lr  }
0x1b: {  	s9 =	sadd.s32 $0xFFFFFEF7, lr;
	s5 =	simm.s32 $0xFFFFFFFF;
	p2 =	slt.u32 s8, $0xFFFFF086  }
0x1c: {  	p1 =	slt.u32 s9, $0xF7A;
	s5 =	simm.s32 @!p2 $0x0  }
0x1d: {  	s5 =	simm.s32 @p1 $0x1;
	p0 =	seq.s32 s7, s2  }
0x1e: {  	s7 =	smul.u32 @!p0 $0xF7A, s2;
	p2 =	seq.s32 @!p0 s5, $0x0  }
0x1f: {  	s9 =	smul.u32 $0xF7A, s1;
	s8 =	simm.s32 @!p0 $0x1BF5;
	p2 =	por !p2, p0  }
0x20: {  	[sflag:s8] =	ssyncset.s32 @!p0 $0xFFFFF086;
	s6 =	sadd.s32 @!p0 s3, s7;
	s7 =	simm.s32 @!p0 $0x108  }
0x21: {  	s3 =	sadd.s32 s3, s9;
	s6 =	sadd.s32 @!p0 $0x88, s6;
	s7 =	simm.s32 @p2 $0x1082  }
0x22: {  	[simem:s7], [sflag:s8] =	dma.local @!p0 [hbm:s6], $0xF7A  }
0x23: {  	s9 =	sor.u32 $0xD0000000, s2;
	s6 =	simm.s32 $0x108;
	_ =	swait.ge @!p0 [sflag:s8], $0x0  }
0x24: {  	s3 =	sadd.s32 $0x88, s3;
	s6 =	simm.s32 @!p1 $0x1082;
	[sflag:s4] =	ssyncset.s32 $0xFFFFF086  }
0x25: {  	[simem:s6], [sflag:s4] =	dma.local [hbm:s3], $0xF7A  }
0x26: {  	[smem:$0x3F9E] =	sst s1;
	(tag) =	ssettag s2;
	_ =	strace s9  }
0x27: {  	s1 =	sld [smem:$0x3FAE]  }
0x28: {  	s2 =	sld [smem:$0x3FAF]  }
0x29: {  	s4 =	sld [smem:$0x3FB1]  }
0x2a: {  	p0 =	seq.s32 s5, $0x0;
	s5 =	sld [smem:$0x3FB2]  }
0x2b: {  	s6 =	sld [smem:$0x3FB3]  }
0x2c: {  	s7 =	sld [smem:$0x3FB4]  }
0x2d: {  	s3 =	simm.s32 $0x108;
	s8 =	sld [smem:$0x3FB5]  }
0x2e: {  	s3 =	simm.s32 @!p0 $0x1082;
	s9 =	sld [smem:$0x3FB6]  }
0x2f: {  	lr =	sadd.s32 s0, s3;
	s0 =	sld [smem:$0x3FAD]  }
0x30: {  	s3 =	sld [smem:$0x3FB0]  }
0x31: {  	[smem:$0x3FB9] =	sst s10  }
0x32: {  	s10 =	sld [smem:$0x3FB7];
	_ =	sdelay $0x3  }
0x33: {  	p0 =	seq.s32 s10, $0x1;
	s10 =	sld [smem:$0x3FB9];
	_ =	sdelay $0x3  }
0x34: {  	[smem:$0x3FB9] =	sst s10  }
0x35: {  	s10 =	sld [smem:$0x3FB8];
	_ =	sdelay $0x3  }
0x36: {  	p1 =	seq.s32 s10, $0x1;
	s10 =	sld [smem:$0x3FB9];
	_ =	sdelay $0x3  }
0x37: {  	[smem:$0x3FB9] =	sst s10  }
0x38: {  	s10 =	sld [smem:$0x3FBA]  }
0x39: {  	_ = 	snop;
	(pc) =	sbr.ind lr, $3  }
0x3a: {  	_ = 	snop  }
0x3b: {  	_ = 	snop  }
0x3c: {  	p2 =	seq.s32 s10, $0x1;
	s10 =	sld [smem:$0x3FB9]  }
0x3d: {  	_ =	shalt  }
0x3e: {  	_ =	shalt  }
0x3f: {  	_ =	shalt  }
0x40: {  	_ =	shalt  }
0x41: {  	_ =	shalt  }
0x42: {  	_ =	shalt  }
0x43: {  	_ =	shalt  }
0x44: {  	_ =	shalt  }
0x45: {  	_ =	shalt  }
0x46: {  	_ =	shalt  }
0x47: {  	_ =	shalt  }
0x48: {  	_ =	shalt  }
0x49: {  	_ =	shalt  }
0x4a: {  	_ =	shalt  }
0x4b: {  	_ =	shalt  }
0x4c: {  	_ =	shalt  }
0x4d: {  	_ =	shalt  }
0x4e: {  	_ =	shalt  }
0x4f: {  	_ =	shalt  }
0x50: {  	_ =	shalt  }
0x51: {  	_ =	shalt  }
0x52: {  	_ =	shalt  }
0x53: {  	_ =	shalt  }
0x54: {  	_ =	shalt  }
0x55: {  	_ =	shalt  }
0x56: {  	_ =	shalt  }
0x57: {  	_ =	shalt  }
0x58: {  	_ =	shalt  }
0x59: {  	_ =	shalt  }
0x5a: {  	_ =	shalt  }
0x5b: {  	_ =	shalt  }
0x5c: {  	_ =	shalt  }
0x5d: {  	_ =	shalt  }
0x5e: {  	_ =	shalt  }
0x5f: {  	_ =	shalt  }
0x60: {  	_ =	shalt  }
0x61: {  	_ =	shalt  }
0x62: {  	_ =	shalt  }
0x63: {  	_ =	shalt  }
0x64: {  	_ =	shalt  }
0x65: {  	_ =	shalt  }
0x66: {  	_ =	shalt  }
0x67: {  	_ =	shalt  }
0x68: {  	_ =	shalt  }
0x69: {  	_ =	shalt  }
0x6a: {  	_ =	shalt  }
0x6b: {  	_ =	shalt  }
0x6c: {  	_ =	shalt  }
0x6d: {  	_ =	shalt  }
0x6e: {  	_ =	shalt  }
0x6f: {  	_ =	shalt  }
0x70: {  	_ =	shalt  }
0x71: {  	_ =	shalt  }
0x72: {  	_ =	shalt  }
0x73: {  	_ =	shalt  }
0x74: {  	_ =	shalt  }
0x75: {  	_ =	shalt  }
0x76: {  	_ =	shalt  }
0x77: {  	_ =	shalt  }
0x78: {  	_ =	shalt  }
0x79: {  	_ =	shalt  }
0x7a: {  	_ =	shalt  }
0x7b: {  	_ =	shalt  }
0x7c: {  	_ =	shalt  }
0x7d: {  	_ =	shalt  }
0x7e: {  	_ =	shalt  }
0x7f: {  	_ =	shalt  }
0x80: {  	_ =	shalt  }
0x81: {  	_ =	shalt  }
0x82: {  	_ =	shalt  }
0x83: {  	_ =	shalt  }
0x84: {  	_ =	shalt  }
0x85: {  	_ =	shalt  }
0x86: {  	_ =	shalt  }
0x87: {  	_ =	shalt  }
.Lfunc_end0:
.L_simem_size_0:
called_computation_lowered:
.L_overlay_start_0:
0x88: {  	s2 =	sld [smem:$0x3FD9]  }
0x89: {  	s3 =	sld [smem:$0x3FFE];
	_ =	sdelay $0x1  }
0x8a: {  	s1 =	srdreg.scid  }
0x8b: {  	s0 =	sand.u32 $0x1, s1  }
0x8c: {  	s18 =	sshll.u32 s0, $0xA;
	s2 =	sadd.s32 s3, s2  }
0x8d: {  	s2 =	sadd.s32 s2, s18  }
0x8e: {  	[smem:$0x3FC5] =	sst s2  }
0x8f: {  	_ = 	snop  }
0x90: {  	s2 =	sld [smem:$0x3FC9]  }
0x91: {  	s19 =	sld [smem:$0x3FC8]  }
0x92: {  	s4 =	sld [smem:$0x3FC7]  }
0x93: {  	s5 =	sld [smem:$0x3FD0];
	(tm) =	ssettm $0x1  }
0x94: {  	s6 =	sld [smem:$0x3FFB];
	_ =	sdelay $0x3  }
0x95: {  	_ =	strace s6  }
0x96: {  	s6 =	sld [smem:$0x3FFC];
	_ =	sdelay $0x3  }
0x97: {  	_ =	strace s6  }
0x98: {  	s6 =	sld [smem:$0x3FFD];
	_ =	sdelay $0x3  }
0x99: {  	_ =	strace s6  }
0x9a: {  	_ =	strace $0x8FFFFFFF  }
0x9b: {  	s20 =	sld [smem:$0x3FDB];
	_ =	sdelay $0x1  }
0x9c: {  	s7 =	simm.s32 $_scs_section_size  }
0x9d: {  	s8 =	simm.s32 $_size__tile_overlayer_lowered;
	s9 =	simm.s32 $_tile_overlayer_lowered  }
0x9e: {  	s23 =	simm.s32 $0x1BFF;
	s22 =	sshll.u32 s9, $0x1;
	s6 =	sadd.s32 s7, s20  }
0x9f: {  	s10 =	simm.s32 $0x0;
	s21 =	sshll.u32 s8, $0x1;
	s8 =	sadd.s32 s22, s6  }
0xa0: {  	[timem:s10], [sflag:s23] =	dma.local [hbm:s8], s21  }
0xa1: {  	_ =	swait.ge [sflag:s23], s21  }
0xa2: {  	s7 =	ssub.s32 $0x0, s21;
	[sflag:s23] =	ssyncset.done $0x0  }
0xa3: {  	[sflag:s23] =	ssyncadd.s32 s7;
	_ =	sdelay $0x1  }
0xa4: {  	s24 =	simm.s32 $0x1B8B  }
0xa5: {  	_ =	swait.ge [sflag:s24], $0x1  }
0xa6: {  	[sflag:s24] =	ssyncset.done $0x0  }
0xa7: {  	s25 =	simm.s32 $0x1B8E;
	[sflag:s24] =	ssyncadd.s32 $0xFFFFFFFF  }
0xa8: {  	s26 =	simm.s32 $execute0_lowered;
	[smem:$0x3FD2] =	sst s25  }
0xa9: {  	s7 =	sshll.u32 s26, $0x1;
	_ =	strace $0x80000046;
	[dreg:$0x1] =	wrdreg $0xFFFFFFFF  }
0xaa: {  	s28 =	simm.s32 $_size_execute0_lowered;
	s6 =	sadd.s32 s6, s7;
	[dreg:$0x0] =	wrdreg $0x0  }
0xab: {  	s7 =	sshll.u32 s28, $0x1;
	[dreg:$0x2] =	wrdreg s6  }
0xac: {  	[dreg:$0x3] =	wrdreg s7  }
0xad: {  	[dreg:$0x4] =	wrdreg $0xC0  }
0xae: {  	_ =	task [dreg:s10], $0x5FFFF  }
0xaf: {  	[dreg:$0x1] =	wrdreg $0xFFFFFFFF  }
0xb0: {  	[dreg:$0x0] =	wrdreg $0x60  }
0xb1: {  	[dreg:$0x2] =	wrdreg s2  }
0xb2: {  	[dreg:$0x3] =	wrdreg s19  }
0xb3: {  	[dreg:$0x4] =	wrdreg s4  }
0xb4: {  	[dreg:$0x5] =	wrdreg s5  }
0xb5: {  	[dreg:$0x6] =	wrdreg $0x9  }
0xb6: {  	_ =	task.clear_ibuf [dreg:s10], $0x7FFFF;
	_ =	strace $0x90000046  }
0xb7: {  	s29 =	simm.s32 $0x9;
	_ =	strace $0x80000048  }
0xb8: {  	_ =	swait.ge [sflag:s29], $0x1  }
0xb9: {  	[sflag:s29] =	ssyncadd.s32 $0xFFFFFFFF  }
0xba: {  	_ =	strace $0x90000048  }
0xbb: {  	_ =	sfence  }
0xbc: {  	s30 =	sld [smem:$0x0];
	_ =	sdelay $0x2  }
0xbd: {  	s31 =	sshll.u32 s1, $0xD;
	s1 =	sshrl.u32 s1, $0x2  }
0xbe: {  	s3 =	sand.u32 $0x4000, s31;
	s1 =	sadd.s32 s1, s30  }
0xbf: {  	s0 =	sor.u32 s3, s0;
	s1 =	sshll.u32 s1, $0x11  }
0xc0: {  	s0 =	sor.u32 s1, s0  }
0xc1: {  	s0 =	sadd.s32 $0x8F2B, s0  }
0xc2: {  	[sflag:s0] =	ssyncadd.remote.s32 $0x1  }
0xc3: {  	_ =	sfence.sel $0xFFFF  }
0xc4: {  	[dreg:$0x0] =	wrdreg $0xFFFFFFFF;
	(pc) =	sbr.abs _section_cstart, $3  }
0xc5: {  	[dreg:$0x1] =	wrdreg $0xFFFFFFFF  }
0xc6: {  	_ =	task.clear_ibuf [dreg:s10], $0x2FFFF;
	_ =	strace $0x9FFFFFFF  }
0xc7: {  	(tm) =	ssettm $0x7FFFFFFF  }
tec
execute0_lowered:
.L_overlay_start_1:
0x0: {  	(tag) =	ssettag $0x1  }
0x1: {  	s0 =	rddreg [dreg:$0x0]  }
0x2: {  	s11 =	rddreg [dreg:$0x1]  }
0x3: {  	s1 =	srdreg.scid;
	s13 =	rddreg [dreg:$0x2]  }
0x4: {  	s9 =	stileid.u32;
	s15 =	rddreg [dreg:$0x3]  }
0x5: {  	s5 =	simm.s32 $0x0;
	s1 =	sand.u32 $0x1, s1;
	s2 =	sshll.u32 s9, $0x1  }
0x6: {  	[smem:$0x7FF] =	sst s5;
	s23 =	smul.u32 $0x1A, s9;
	s2 =	sor.u32 s1, s2  }
0x7: {  	s9 =	simm.s32 $0x80;
	s4 =	ssub.s32 $0x2, s1;
	s2 =	smul.u32 $0xD, s2  }
0x8: {  	_ =	strace $0x80000047;
	s1 =	smul.u32 $0xD, s1;
	s6 =	sshrl.u32 s4, $0x1  }
0x9: {  	s4 =	ssub.s32 s4, s6;
	s3 =	sshrl.u32 s2, $0x4;
	s7 =	sshll.u32 s2, $0x5  }
0xa: {  	s8 =	sand.u32 $0x70, s2;
	s12 =	sadd.s32 $0x7, s2;
	s14 =	sadd.s32 $0x14, s2  }
0xb: {  	s16 =	sadd.s32 $0x6, s2;
	s17 =	sadd.s32 $0x13, s2;
	s18 =	sadd.s32 $0x5, s2  }
0xc: {  	s19 =	sadd.s32 $0x12, s2;
	s20 =	sadd.s32 $0x4, s2;
	s21 =	sadd.s32 $0x11, s2  }
0xd: {  	s22 =	sadd.s32 $0x3, s2;
	s24 =	sshrl.u32 s2, $0x3;
	s26 =	sadd.s32 $0x2, s2  }
0xe: {  	s28 =	sadd.s32 $0xF, s2;
	s30 =	sand.u32 $0x3000, s7;
	s8 =	sadd.s32 s0, s8  }
0xf: {  	s29 =	sadd.s32 $0x1, s2;
	[dreg:$0x10] =	wrdreg s24;
	s6 =	sadd.s32 s30, s8  }
0x10: {  	s3 =	smin.u32 s3, $0x18;
	s8 =	sshrl.u32 s16, $0x3;
	[dreg:$0x5] =	wrdreg s6  }
0x11: {  	s3 =	sadd.s32 $0x1, s3;
	s16 =	sshrl.u32 s20, $0x3;
	[dreg:$0x9] =	wrdreg s8  }
0x12: {  	s20 =	sshrl.u32 s26, $0x3;
	s30 =	sadd.s32 $0xE, s2;
	[dreg:$0xd] =	wrdreg s16  }
0x13: {  	s2 =	sadd.s32 $0xD, s2;
	s26 =	sadd.s32 $0x4, s13;
	[dreg:$0x12] =	wrdreg s20  }
0x14: {  	s10 =	sshll.u32 s3, $0x4;
	s6 =	sshrl.u32 s12, $0x3;
	[dreg:$0x18] =	wrdreg s26  }
0x15: {  	s3 =	sshll.u32 s3, $0x9;
	s12 =	sshrl.u32 s18, $0x3;
	[dreg:$0x7] =	wrdreg s6  }
0x16: {  	s18 =	sshrl.u32 s22, $0x3;
	s22 =	sshrl.u32 s30, $0x3;
	[dreg:$0xb] =	wrdreg s12  }
0x17: {  	s30 =	sadd.s32 $0x8, s13;
	s26 =	simm.s32 $0x0;
	[dreg:$0xf] =	wrdreg s18  }
0x18: {  	s7 =	sand.u32 $0x70, s10;
	s3 =	sand.u32 $0x7000, s3;
	[dreg:$0x15] =	wrdreg s22  }
0x19: {  	s10 =	sshrl.u32 s17, $0x3;
	s17 =	sshrl.u32 s21, $0x3;
	[dreg:$0x1b] =	wrdreg s30  }
0x1a: {  	s21 =	sshrl.u32 s28, $0x3;
	s28 =	sadd.s32 $0x10, s15;
	[dreg:$0xa] =	wrdreg s10  }
0x1b: {  	s0 =	sadd.s32 s0, s7;
	s7 =	sshrl.u32 s14, $0x3;
	[dreg:$0xe] =	wrdreg s17  }
0x1c: {  	s14 =	sshrl.u32 s19, $0x3;
	s19 =	sadd.s32 $0x2, s24;
	[dreg:$0x13] =	wrdreg s21  }
0x1d: {  	p3 =	sge.u32 s16, s17;
	p5 =	sge.u32 s20, s21;
	[dreg:$0x19] =	wrdreg s28  }
0x1e: {  	s16 =	sadd.s32 $0x10, s13;
	s21 =	sadd.s32 $0x50, s11;
	s17 =	sadd.s32 $0x14, s13  }
0x1f: {  	s20 =	simm.s32 $0x1A680;
	s0 =	sadd.s32 s3, s0;
	[dreg:$0x8] =	wrdreg s7  }
0x20: {  	s3 =	sshrl.u32 s29, $0x3;
	p0 =	sge.u32 s6, s7;
	[dreg:$0xc] =	wrdreg s14  }
0x21: {  	[dreg:$0x11] =	wrdreg s19;
	p4 =	sge.u32 s18, s19;
	s29 =	sadd.s32 $0x20, s11  }
0x22: {  	s19 =	sadd.s32 $0x40, s15;
	s6 =	sadd.s32 $0x50, s15;
	s7 =	sadd.s32 $0x60, s11  }
0x23: {  	s18 =	simm.s32 $0x2000;
	[dreg:$0x6] =	wrdreg s0;
	s0 =	sadd.s32 s1, s23  }
0x24: {  	s1 =	sshrl.u32 s2, $0x3;
	s23 =	smax.u32 s4, $0x1;
	[dreg:$0x14] =	wrdreg s3  }
0x25: {  	p6 =	sge.u32 s3, s22;
	[dreg:$0x1a] =	wrdreg s29;
	s0 =	sshll.u32 s0, $0xA  }
0x26: {  	s2 =	sadd.s32 $0x20, s15;
	s3 =	sadd.s32 $0x1C, s13;
	s0 =	sand.u32 $0xFC000, s0  }
0x27: {  	s4 =	sadd.s32 $0x70, s15;
	[dreg:$0x16] =	wrdreg s23;
	s0 =	ssub.s32 $0x100, s0  }
0x28: {  	s31 =	smov.u32 s1;
	s25 =	sshra.s32 s0, $0x2;
	s0 =	simm.s32 @!p0 $0x0  }
0x29: {  	s0 =	simm.s32 @p0 $0x1;
	p0 =	sge.u32 s8, s10;
	s10 =	sadd.s32 $0xC, s13  }
0x2a: {  	s8 =	sadd.s32 $0x18, s13;
	[smem:$0x7FB] =	sst s0;
	s0 =	simm.s32 @!p0 $0x0  }
0x2b: {  	s13 =	simm.s32 $0x3;
	s0 =	simm.s32 @p0 $0x1;
	p0 =	sge.u32 s12, s14  }
.Ltmp0:
0x2c: {  	[smem:$0x7FC] =	sst s0;
	s0 =	simm.s32 @!p0 $0x0;
	(pc) =	sbr.rel .LBB2_1-.Ltmp0, $4  }
0x2d: {  	s12 =	sadd.s32 $0x30, s15;
	s14 =	sadd.s32 $0x40, s11;
	s0 =	simm.s32 @p0 $0x1  }
0x2e: {  	p0 =	sge.u32 s24, s1;
	s24 =	sadd.s32 $0x10, s11;
	[smem:$0x7FD] =	sst s0  }
0x2f: {  	s1 =	sadd.s32 $0x70, s11;
	[dreg:$0x17] =	wrdreg s24;
	s0 =	sadd.s32 $0x30, s11  }
0x30: {  	s24 =	sadd.s32 $0x60, s15;
	s11 =	simm.s32 $0x400;
	s15 =	simm.s32 $0x1  }
.LBB2_40:
0x31: {  	s23 =	simm.s32 $0x2  }
0x32: {  	_ =	swait.ge [sflag:s23], $0x1000  }
0x33: {  	s26 =	rddreg [dreg:$0x1c]  }
0x34: {  	s22 =	rddreg [dreg:$0x16];
	s26 =	sadd.s32 $0x1, s26  }
0x35: {  	p1 =	sne.s32 s26, s22  }
.Ltmp1:
0x36: {  	_ = 	snop;
	(pc) =	sbr.rel @!p1 .LBB2_41-.Ltmp1, $3  }
0x37: {  	_ =	sdelay $0x1  }
0x38: {  	[sflag:s23] =	ssyncset.done $0x0  }
0x39: {  	[sflag:s23] =	ssyncadd.s32 $0xFFFFF000  }
.LBB2_1:
0x3a: {  	[dreg:$0x1c] =	wrdreg s26  }
0x3b: {  	s22 =	rddreg [dreg:$0x5]  }
0x3c: {  	[tilespmem:s5], [sflag:$0x3] =	stream.strided.gather [hbm4b:s22+s9], $0x1000, s11, s9, $0x38;
	[tilespmem:$0x1C700] =	vst v63  }
0x3d: {  	_ =	swait.ge [sflag:s13], $0x1000  }
0x3e: {  	[sflag:s13] =	ssyncset.done $0x0  }
0x3f: {  	s23 =	simm.s32 $0x1000;
	s29 =	rddreg [dreg:$0x6];
	[sflag:s13] =	ssyncadd.s32 $0xFFFFF000  }
0x40: {  	[tilespmem:s23], [sflag:$0x3] =	stream.strided.gather [hbm4b:s29+s9], $0x1000, s11, s9, $0x38;
	[tilespmem:$0x1C700] =	vst v63  }
0x41: {  	_ =	swait.ge [sflag:s13], $0x1000  }
0x42: {  	s30 =	sld [smem:$0x7FB];
	_ =	sdelay $0x2  }
0x43: {  	p2 =	seq.s32 s30, $0x1  }
.Ltmp2:
0x44: {  	_ = 	snop;
	(pc) =	sbr.rel @p2 .LBB2_5-.Ltmp2, $3  }
0x45: {  	_ =	sdelay $0x1  }
0x46: {  	p1 =	por $0x0, $0x0;
	[sflag:s13] =	ssyncset.done $0x0  }
0x47: {  	s22 =	simm.s32 $0x0;
	s23 =	rddreg [dreg:$0x7];
	[sflag:s13] =	ssyncadd.s32 $0xFFFFF000  }
.LBB2_2:
0x48: {  	s26 =	smul.u32 $0x18700, s23  }
0x49: {  	s28 =	rddreg [dreg:$0x1]  }
0x4a: {  	s26 =	sadd.s32 s28, s26  }
0x4b: {  	[tilespmem:s18], [sflag:$0x1] =	stream.strided.gather [hbm4b:s26+s9], $0x18680, s11, s9, $0x38;
	[tilespmem:$0x1C700] =	vst v63  }
0x4c: {  	s28 =	rddreg [dreg:$0x2];
	s26 =	sshll.u32 s23, $0x5  }
0x4d: {  	s26 =	sadd.s32 s28, s26  }
0x4e: {  	[tilespmem:s20], [sflag:$0x3] =	stream.linear.gather [hbm4b:s26+s5], $0x20, $0x38;
	[tilespmem:$0x1C700] =	vst v63  }
0x4f: {  	_ =	swait.ge [sflag:s13], $0x20  }
0x50: {  	[sflag:s13] =	ssyncset.done $0x0  }
0x51: {  	p2 =	seq.s32 s22, $0x0;
	[sflag:s13] =	ssyncadd.s32 $0xFFFFFFE0  }
0x52: {  	s30 =	sshll.u32 s22, $0xC;
	s29 =	simm.s32 @!p2 $0x2;
	_ =	swait.ge [sflag:s15], $0x18680  }
0x53: {  	s30 =	sand.u32 $0x1000, s30;
	s26 =	simm.s32 $0x1;
	[sflag:s15] =	ssyncset.done $0x0  }
0x54: {  	s28 =	sshll.u32 s23, $0xB;
	s26 =	simm.s32 @!p1 $0x0;
	[sflag:s15] =	ssyncadd.s32 $0xFFFE7980  }
0x55: {  	s28 =	sand.u32 $0x3FFFF000, s28;
	s26 =	sshll.u32 s26, $0xC;
	_ =	swait.ge @!p2 [sflag:s29], $0x1000  }
0x56: {  	s28 =	sadd.s32 s28, s25;
	s26 =	sor.u32 $0x1A740, s26;
	[sflag:s29] =	ssyncset.done @!p2 $0x0  }
0x57: {  	[sflag:s29] =	ssyncadd.s32 @!p2 $0xFFFFF000;
	s29 =	sadd.s32 $0x1A700, s30;
	s30 =	simm.s32 $0xFFFFFFF8  }
.LBB2_3:
0x58: {  	v0 =	vld [tilespmem:s28+$0xFFFFFFC0];
	_ =	sdelay $0x7  }
0x59: {  	v0 =	vld.idx.msk [tilespmem:v0+s18+$0x0], $0xffff;
	_ =	sdelay $0x4  }
0x5a: {  	[tilespmem:s26+$0xFFFFFFC0] =	vst v0  }
0x5b: {  	v0 =	vld [tilespmem:s28+$0xFFFFFFD0];
	_ =	sdelay $0x7  }
0x5c: {  	v0 =	vld.idx.msk [tilespmem:v0+s18+$0x0], $0xffff;
	_ =	sdelay $0x4  }
0x5d: {  	[tilespmem:s26+$0xFFFFFFD0] =	vst v0  }
0x5e: {  	v0 =	vld [tilespmem:s28+$0xFFFFFFE0];
	_ =	sdelay $0x7  }
0x5f: {  	v0 =	vld.idx.msk [tilespmem:v0+s18+$0x0], $0xffff;
	_ =	sdelay $0x4  }
0x60: {  	[tilespmem:s26+$0xFFFFFFE0] =	vst v0  }
0x61: {  	v0 =	vld [tilespmem:s28+$0xFFFFFFF0];
	_ =	sdelay $0x7  }
0x62: {  	v0 =	vld.idx.msk [tilespmem:v0+s18+$0x0], $0xffff;
	_ =	sdelay $0x4  }
0x63: {  	[tilespmem:s26+$0xFFFFFFF0] =	vst v0  }
0x64: {  	v0 =	vld [tilespmem:s28+$0x0];
	_ =	sdelay $0x7  }
0x65: {  	v0 =	vld.idx.msk [tilespmem:v0+s18+$0x0], $0xffff;
	_ =	sdelay $0x4  }
0x66: {  	[tilespmem:s26+$0x0] =	vst v0  }
0x67: {  	v0 =	vld [tilespmem:s28+$0x10];
	_ =	sdelay $0x7  }
0x68: {  	v0 =	vld.idx.msk [tilespmem:v0+s18+$0x0], $0xffff;
	_ =	sdelay $0x4  }
0x69: {  	[tilespmem:s26+$0x10] =	vst v0  }
0x6a: {  	v0 =	vld [tilespmem:s28+$0x20];
	_ =	sdelay $0x7  }
0x6b: {  	v0 =	vld.idx.msk [tilespmem:v0+s18+$0x0], $0xffff;
	_ =	sdelay $0x4  }
0x6c: {  	[tilespmem:s26+$0x20] =	vst v0  }
0x6d: {  	v0 =	vld [tilespmem:s28+$0x30];
	_ =	sdelay $0x6  }
0x6e: {  	s30 =	sadd.s32 $0x8, s30  }
0x6f: {  	p2 =	slt.u32 s30, $0xF8;
	v0 =	vld.idx.msk [tilespmem:v0+s18+$0x0], $0xffff  }
.Ltmp3:
0x70: {  	_ = 	snop;
	(pc) =	sbr.rel @p2 .LBB2_3-.Ltmp3, $2  }
0x71: {  	_ =	sdelay $0x2  }
0x72: {  	s28 =	sadd.s32 $0x80, s28;
	[tilespmem:s26+$0x30] =	vst v0;
	s26 =	sadd.s32 $0x80, s26  }
0x73: {  	s26 =	sshll.u32 s23, $0xC;
	s23 =	sadd.s32 $0x1, s23;
	s30 =	rddreg [dreg:$0x8]  }
0x74: {  	p2 =	slt.u32 s23, s30  }
.Ltmp4:
0x75: {  	_ = 	snop;
	(pc) =	sbr.rel @p2 .LBB2_2-.Ltmp4, $4  }
0x76: {  	_ = 	snop  }
0x77: {  	s28 =	rddreg [dreg:$0x3]  }
0x78: {  	s22 =	sadd.s32 $0x1, s22;
	p1 =	por !p1, !p1;
	s26 =	sadd.s32 s28, s26  }
0x79: {  	[hbm4b:s26+s9] =	stream.strided.scatter [tilespmem:s29], [sflag:$0x2], $0x1000, s11, s9, $0x38;
	[tilespmem:$0x1C700] =	vst v63  }
.LBB2_5:
0x7a: {  	s23 =	sld [smem:$0x7FC];
	_ =	sdelay $0x2  }
0x7b: {  	p1 =	seq.s32 s23, $0x1  }
.Ltmp5:
0x7c: {  	_ = 	snop;
	(pc) =	sbr.rel @p1 .LBB2_10-.Ltmp5, $1  }
0x7d: {  	_ =	sdelay $0x3  }
0x7e: {  	s23 =	sand.u32 $0x1, s22  }
0x7f: {  	p1 =	seq.s32 s23, $0x1;
	s23 =	rddreg [dreg:$0x9]  }
.LBB2_7:
0x80: {  	s26 =	smul.u32 $0x18700, s23  }
0x81: {  	s28 =	rddreg [dreg:$0x17]  }
0x82: {  	s26 =	sadd.s32 s26, s28  }
0x83: {  	[tilespmem:s18], [sflag:$0x1] =	stream.strided.gather [hbm4b:s26+s9], $0x18680, s11, s9, $0x38;
	[tilespmem:$0x1C700] =	vst v63  }
0x84: {  	s28 =	rddreg [dreg:$0x18];
	s26 =	sshll.u32 s23, $0x5  }
0x85: {  	s26 =	sadd.s32 s26, s28  }
0x86: {  	[tilespmem:s20], [sflag:$0x3] =	stream.linear.gather [hbm4b:s26+s5], $0x20, $0x38;
	[tilespmem:$0x1C700] =	vst v63  }
0x87: {  	_ =	swait.ge [sflag:s13], $0x20  }
0x88: {  	[sflag:s13] =	ssyncset.done $0x0  }
0x89: {  	p2 =	seq.s32 s22, $0x0;
	[sflag:s13] =	ssyncadd.s32 $0xFFFFFFE0  }
0x8a: {  	s30 =	sshll.u32 s22, $0xC;
	s29 =	simm.s32 @!p2 $0x2;
	_ =	swait.ge [sflag:s15], $0x18680  }
0x8b: {  	s30 =	sand.u32 $0x1000, s30;
	s26 =	simm.s32 $0x1;
	[sflag:s15] =	ssyncset.done $0x0  }
0x8c: {  	s28 =	sshll.u32 s23, $0xB;
	s26 =	simm.s32 @!p1 $0x0;
	[sflag:s15] =	ssyncadd.s32 $0xFFFE7980  }
0x8d: {  	s28 =	sand.u32 $0x3FFFF000, s28;
	s26 =	sshll.u32 s26, $0xC;
	_ =	swait.ge @!p2 [sflag:s29], $0x1000  }
0x8e: {  	s28 =	sadd.s32 s28, s25;
	s26 =	sor.u32 $0x1A740, s26;
	[sflag:s29] =	ssyncset.done @!p2 $0x0  }
0x8f: {  	[sflag:s29] =	ssyncadd.s32 @!p2 $0xFFFFF000;
	s29 =	sadd.s32 $0x1A700, s30;
	s30 =	simm.s32 $0xFFFFFFF8  }
.LBB2_8:
0x90: {  	v0 =	vld [tilespmem:s28+$0xFFFFFFC0];
	_ =	sdelay $0x7  }
0x91: {  	v0 =	vld.idx.msk [tilespmem:v0+s18+$0x0], $0xffff;
	_ =	sdelay $0x4  }
0x92: {  	[tilespmem:s26+$0xFFFFFFC0] =	vst v0  }
0x93: {  	v0 =	vld [tilespmem:s28+$0xFFFFFFD0];
	_ =	sdelay $0x7  }
0x94: {  	v0 =	vld.idx.msk [tilespmem:v0+s18+$0x0], $0xffff;
	_ =	sdelay $0x4  }
0x95: {  	[tilespmem:s26+$0xFFFFFFD0] =	vst v0  }
0x96: {  	v0 =	vld [tilespmem:s28+$0xFFFFFFE0];
	_ =	sdelay $0x7  }
0x97: {  	v0 =	vld.idx.msk [tilespmem:v0+s18+$0x0], $0xffff;
	_ =	sdelay $0x4  }
0x98: {  	[tilespmem:s26+$0xFFFFFFE0] =	vst v0  }
0x99: {  	v0 =	vld [tilespmem:s28+$0xFFFFFFF0];
	_ =	sdelay $0x7  }
0x9a: {  	v0 =	vld.idx.msk [tilespmem:v0+s18+$0x0], $0xffff;
	_ =	sdelay $0x4  }
0x9b: {  	[tilespmem:s26+$0xFFFFFFF0] =	vst v0  }
0x9c: {  	v0 =	vld [tilespmem:s28+$0x0];
	_ =	sdelay $0x7  }
0x9d: {  	v0 =	vld.idx.msk [tilespmem:v0+s18+$0x0], $0xffff;
	_ =	sdelay $0x4  }
0x9e: {  	[tilespmem:s26+$0x0] =	vst v0  }
0x9f: {  	v0 =	vld [tilespmem:s28+$0x10];
	_ =	sdelay $0x7  }
0xa0: {  	v0 =	vld.idx.msk [tilespmem:v0+s18+$0x0], $0xffff;
	_ =	sdelay $0x4  }
0xa1: {  	[tilespmem:s26+$0x10] =	vst v0  }
0xa2: {  	v0 =	vld [tilespmem:s28+$0x20];
	_ =	sdelay $0x7  }
0xa3: {  	v0 =	vld.idx.msk [tilespmem:v0+s18+$0x0], $0xffff;
	_ =	sdelay $0x4  }
0xa4: {  	[tilespmem:s26+$0x20] =	vst v0  }
0xa5: {  	v0 =	vld [tilespmem:s28+$0x30];
	_ =	sdelay $0x6  }
0xa6: {  	s30 =	sadd.s32 $0x8, s30  }
0xa7: {  	p2 =	slt.u32 s30, $0xF8;
	v0 =	vld.idx.msk [tilespmem:v0+s18+$0x0], $0xffff  }
.Ltmp6:
0xa8: {  	_ = 	snop;
	(pc) =	sbr.rel @p2 .LBB2_8-.Ltmp6, $2  }
0xa9: {  	_ =	sdelay $0x2  }
0xaa: {  	s28 =	sadd.s32 $0x80, s28;
	[tilespmem:s26+$0x30] =	vst v0;
	s26 =	sadd.s32 $0x80, s26  }
0xab: {  	s26 =	sshll.u32 s23, $0xC;
	s23 =	sadd.s32 $0x1, s23;
	s30 =	rddreg [dreg:$0xa]  }
0xac: {  	p2 =	slt.u32 s23, s30  }
.Ltmp7:
0xad: {  	_ = 	snop;
	(pc) =	sbr.rel @p2 .LBB2_7-.Ltmp7, $4  }
0xae: {  	_ = 	snop  }
0xaf: {  	s28 =	rddreg [dreg:$0x19]  }
0xb0: {  	s22 =	sadd.s32 $0x1, s22;
	p1 =	por !p1, !p1;
	s26 =	sadd.s32 s26, s28  }
0xb1: {  	[hbm4b:s26+s9] =	stream.strided.scatter [tilespmem:s29], [sflag:$0x2], $0x1000, s11, s9, $0x38;
	[tilespmem:$0x1C700] =	vst v63  }
.LBB2_10:
0xb2: {  	s23 =	sld [smem:$0x7FD];
	_ =	sdelay $0x2  }
0xb3: {  	p1 =	seq.s32 s23, $0x1  }
.Ltmp8:
0xb4: {  	_ = 	snop;
	(pc) =	sbr.rel @p1 .LBB2_15-.Ltmp8, $1  }
0xb5: {  	_ =	sdelay $0x3  }
0xb6: {  	s23 =	sand.u32 $0x1, s22  }
0xb7: {  	p1 =	seq.s32 s23, $0x1;
	s23 =	rddreg [dreg:$0xb]  }
.LBB2_12:
0xb8: {  	s26 =	smul.u32 $0x18700, s23  }
0xb9: {  	s28 =	rddreg [dreg:$0x1a]  }
0xba: {  	s26 =	sadd.s32 s26, s28  }
0xbb: {  	[tilespmem:s18], [sflag:$0x1] =	stream.strided.gather [hbm4b:s26+s9], $0x18680, s11, s9, $0x38;
	[tilespmem:$0x1C700] =	vst v63  }
0xbc: {  	s28 =	rddreg [dreg:$0x1b];
	s26 =	sshll.u32 s23, $0x5  }
0xbd: {  	s26 =	sadd.s32 s26, s28  }
0xbe: {  	[tilespmem:s20], [sflag:$0x3] =	stream.linear.gather [hbm4b:s26+s5], $0x20, $0x38;
	[tilespmem:$0x1C700] =	vst v63  }
0xbf: {  	_ =	swait.ge [sflag:s13], $0x20  }
0xc0: {  	[sflag:s13] =	ssyncset.done $0x0  }
0xc1: {  	p2 =	seq.s32 s22, $0x0;
	[sflag:s13] =	ssyncadd.s32 $0xFFFFFFE0  }
0xc2: {  	s30 =	sshll.u32 s22, $0xC;
	s29 =	simm.s32 @!p2 $0x2;
	_ =	swait.ge [sflag:s15], $0x18680  }
0xc3: {  	s30 =	sand.u32 $0x1000, s30;
	s26 =	simm.s32 $0x1;
	[sflag:s15] =	ssyncset.done $0x0  }
0xc4: {  	s28 =	sshll.u32 s23, $0xB;
	s26 =	simm.s32 @!p1 $0x0;
	[sflag:s15] =	ssyncadd.s32 $0xFFFE7980  }
0xc5: {  	s28 =	sand.u32 $0x3FFFF000, s28;
	s26 =	sshll.u32 s26, $0xC;
	_ =	swait.ge @!p2 [sflag:s29], $0x1000  }
0xc6: {  	s28 =	sadd.s32 s28, s25;
	s26 =	sor.u32 $0x1A740, s26;
	[sflag:s29] =	ssyncset.done @!p2 $0x0  }
0xc7: {  	[sflag:s29] =	ssyncadd.s32 @!p2 $0xFFFFF000;
	s29 =	sadd.s32 $0x1A700, s30;
	s30 =	simm.s32 $0xFFFFFFF8  }
.LBB2_13:
0xc8: {  	v0 =	vld [tilespmem:s28+$0xFFFFFFC0];
	_ =	sdelay $0x7  }
0xc9: {  	v0 =	vld.idx.msk [tilespmem:v0+s18+$0x0], $0xffff;
	_ =	sdelay $0x4  }
0xca: {  	[tilespmem:s26+$0xFFFFFFC0] =	vst v0  }
0xcb: {  	v0 =	vld [tilespmem:s28+$0xFFFFFFD0];
	_ =	sdelay $0x7  }
0xcc: {  	v0 =	vld.idx.msk [tilespmem:v0+s18+$0x0], $0xffff;
	_ =	sdelay $0x4  }
0xcd: {  	[tilespmem:s26+$0xFFFFFFD0] =	vst v0  }
0xce: {  	v0 =	vld [tilespmem:s28+$0xFFFFFFE0];
	_ =	sdelay $0x7  }
0xcf: {  	v0 =	vld.idx.msk [tilespmem:v0+s18+$0x0], $0xffff;
	_ =	sdelay $0x4  }
0xd0: {  	[tilespmem:s26+$0xFFFFFFE0] =	vst v0  }
0xd1: {  	v0 =	vld [tilespmem:s28+$0xFFFFFFF0];
	_ =	sdelay $0x7  }
0xd2: {  	v0 =	vld.idx.msk [tilespmem:v0+s18+$0x0], $0xffff;
	_ =	sdelay $0x4  }
0xd3: {  	[tilespmem:s26+$0xFFFFFFF0] =	vst v0  }
0xd4: {  	v0 =	vld [tilespmem:s28+$0x0];
	_ =	sdelay $0x7  }
0xd5: {  	v0 =	vld.idx.msk [tilespmem:v0+s18+$0x0], $0xffff;
	_ =	sdelay $0x4  }
0xd6: {  	[tilespmem:s26+$0x0] =	vst v0  }
0xd7: {  	v0 =	vld [tilespmem:s28+$0x10];
	_ =	sdelay $0x7  }
0xd8: {  	v0 =	vld.idx.msk [tilespmem:v0+s18+$0x0], $0xffff;
	_ =	sdelay $0x4  }
0xd9: {  	[tilespmem:s26+$0x10] =	vst v0  }
0xda: {  	v0 =	vld [tilespmem:s28+$0x20];
	_ =	sdelay $0x7  }
0xdb: {  	v0 =	vld.idx.msk [tilespmem:v0+s18+$0x0], $0xffff;
	_ =	sdelay $0x4  }
0xdc: {  	[tilespmem:s26+$0x20] =	vst v0  }
0xdd: {  	v0 =	vld [tilespmem:s28+$0x30];
	_ =	sdelay $0x6  }
0xde: {  	s30 =	sadd.s32 $0x8, s30  }
0xdf: {  	p2 =	slt.u32 s30, $0xF8;
	v0 =	vld.idx.msk [tilespmem:v0+s18+$0x0], $0xffff  }
.Ltmp9:
0xe0: {  	_ = 	snop;
	(pc) =	sbr.rel @p2 .LBB2_13-.Ltmp9, $2  }
0xe1: {  	_ =	sdelay $0x2  }
0xe2: {  	s28 =	sadd.s32 $0x80, s28;
	[tilespmem:s26+$0x30] =	vst v0;
	s26 =	sadd.s32 $0x80, s26  }
0xe3: {  	s26 =	sshll.u32 s23, $0xC;
	s23 =	sadd.s32 $0x1, s23;
	s30 =	rddreg [dreg:$0xc]  }
0xe4: {  	p2 =	slt.u32 s23, s30  }
.Ltmp10:
0xe5: {  	_ = 	snop;
	(pc) =	sbr.rel @p2 .LBB2_12-.Ltmp10, $3  }
0xe6: {  	_ =	sdelay $0x1  }
0xe7: {  	s22 =	sadd.s32 $0x1, s22;
	p1 =	por !p1, !p1;
	s26 =	sadd.s32 s26, s2  }
0xe8: {  	[hbm4b:s26+s9] =	stream.strided.scatter [tilespmem:s29], [sflag:$0x2], $0x1000, s11, s9, $0x38;
	[tilespmem:$0x1C700] =	vst v63  }
.LBB2_15:
.Ltmp11:
0xe9: {  	(pc) =	sbr.rel @p3 .LBB2_20-.Ltmp11, $1  }
0xea: {  	_ =	sdelay $0x3  }
0xeb: {  	s23 =	sand.u32 $0x1, s22  }
0xec: {  	p1 =	seq.s32 s23, $0x1;
	s23 =	rddreg [dreg:$0xd]  }
.LBB2_17:
0xed: {  	s26 =	smul.u32 $0x18700, s23;
	_ =	sdelay $0x1  }
0xee: {  	s26 =	sadd.s32 s26, s0  }
0xef: {  	[tilespmem:s18], [sflag:$0x1] =	stream.strided.gather [hbm4b:s26+s9], $0x18680, s11, s9, $0x38;
	[tilespmem:$0x1C700] =	vst v63  }
0xf0: {  	s26 =	sshll.u32 s23, $0x5  }
0xf1: {  	s26 =	sadd.s32 s26, s10  }
0xf2: {  	[tilespmem:s20], [sflag:$0x3] =	stream.linear.gather [hbm4b:s26+s5], $0x20, $0x38;
	[tilespmem:$0x1C700] =	vst v63  }
0xf3: {  	_ =	swait.ge [sflag:s13], $0x20  }
0xf4: {  	[sflag:s13] =	ssyncset.done $0x0  }
0xf5: {  	p2 =	seq.s32 s22, $0x0;
	[sflag:s13] =	ssyncadd.s32 $0xFFFFFFE0  }
0xf6: {  	s28 =	sshll.u32 s23, $0xB;
	s30 =	sshll.u32 s22, $0xC;
	_ =	swait.ge [sflag:s15], $0x18680  }
0xf7: {  	s29 =	simm.s32 @!p2 $0x2;
	s26 =	simm.s32 $0x1;
	[sflag:s15] =	ssyncset.done $0x0  }
0xf8: {  	s28 =	sand.u32 $0x3FFFF000, s28;
	s26 =	simm.s32 @!p1 $0x0;
	[sflag:s15] =	ssyncadd.s32 $0xFFFE7980  }
0xf9: {  	s30 =	sand.u32 $0x1000, s30;
	s26 =	sshll.u32 s26, $0xC;
	_ =	swait.ge @!p2 [sflag:s29], $0x1000  }
0xfa: {  	s28 =	sadd.s32 s28, s25;
	s26 =	sor.u32 $0x1A740, s26;
	[sflag:s29] =	ssyncset.done @!p2 $0x0  }
0xfb: {  	[sflag:s29] =	ssyncadd.s32 @!p2 $0xFFFFF000;
	s29 =	sadd.s32 $0x1A700, s30;
	s30 =	simm.s32 $0xFFFFFFF8  }
.LBB2_18:
0xfc: {  	v0 =	vld [tilespmem:s28+$0xFFFFFFC0];
	_ =	sdelay $0x7  }
0xfd: {  	v0 =	vld.idx.msk [tilespmem:v0+s18+$0x0], $0xffff;
	_ =	sdelay $0x4  }
0xfe: {  	[tilespmem:s26+$0xFFFFFFC0] =	vst v0  }
0xff: {  	v0 =	vld [tilespmem:s28+$0xFFFFFFD0];
	_ =	sdelay $0x7  }
0x100: {  	v0 =	vld.idx.msk [tilespmem:v0+s18+$0x0], $0xffff;
	_ =	sdelay $0x4  }
0x101: {  	[tilespmem:s26+$0xFFFFFFD0] =	vst v0  }
0x102: {  	v0 =	vld [tilespmem:s28+$0xFFFFFFE0];
	_ =	sdelay $0x7  }
0x103: {  	v0 =	vld.idx.msk [tilespmem:v0+s18+$0x0], $0xffff;
	_ =	sdelay $0x4  }
0x104: {  	[tilespmem:s26+$0xFFFFFFE0] =	vst v0  }
0x105: {  	v0 =	vld [tilespmem:s28+$0xFFFFFFF0];
	_ =	sdelay $0x7  }
0x106: {  	v0 =	vld.idx.msk [tilespmem:v0+s18+$0x0], $0xffff;
	_ =	sdelay $0x4  }
0x107: {  	[tilespmem:s26+$0xFFFFFFF0] =	vst v0  }
0x108: {  	v0 =	vld [tilespmem:s28+$0x0];
	_ =	sdelay $0x7  }
0x109: {  	v0 =	vld.idx.msk [tilespmem:v0+s18+$0x0], $0xffff;
	_ =	sdelay $0x4  }
0x10a: {  	[tilespmem:s26+$0x0] =	vst v0  }
0x10b: {  	v0 =	vld [tilespmem:s28+$0x10];
	_ =	sdelay $0x7  }
0x10c: {  	v0 =	vld.idx.msk [tilespmem:v0+s18+$0x0], $0xffff;
	_ =	sdelay $0x4  }
0x10d: {  	[tilespmem:s26+$0x10] =	vst v0  }
0x10e: {  	v0 =	vld [tilespmem:s28+$0x20];
	_ =	sdelay $0x7  }
0x10f: {  	v0 =	vld.idx.msk [tilespmem:v0+s18+$0x0], $0xffff;
	_ =	sdelay $0x4  }
0x110: {  	[tilespmem:s26+$0x20] =	vst v0  }
0x111: {  	v0 =	vld [tilespmem:s28+$0x30];
	_ =	sdelay $0x6  }
0x112: {  	s30 =	sadd.s32 $0x8, s30  }
0x113: {  	p2 =	slt.u32 s30, $0xF8;
	v0 =	vld.idx.msk [tilespmem:v0+s18+$0x0], $0xffff  }
.Ltmp12:
0x114: {  	_ = 	snop;
	(pc) =	sbr.rel @p2 .LBB2_18-.Ltmp12, $2  }
0x115: {  	_ =	sdelay $0x2  }
0x116: {  	s28 =	sadd.s32 $0x80, s28;
	[tilespmem:s26+$0x30] =	vst v0;
	s26 =	sadd.s32 $0x80, s26  }
0x117: {  	s26 =	sshll.u32 s23, $0xC;
	s23 =	sadd.s32 $0x1, s23;
	s30 =	rddreg [dreg:$0xe]  }
0x118: {  	p2 =	slt.u32 s23, s30  }
.Ltmp13:
0x119: {  	_ = 	snop;
	(pc) =	sbr.rel @p2 .LBB2_17-.Ltmp13, $3  }
0x11a: {  	_ =	sdelay $0x1  }
0x11b: {  	s22 =	sadd.s32 $0x1, s22;
	p1 =	por !p1, !p1;
	s26 =	sadd.s32 s26, s12  }
0x11c: {  	[hbm4b:s26+s9] =	stream.strided.scatter [tilespmem:s29], [sflag:$0x2], $0x1000, s11, s9, $0x38;
	[tilespmem:$0x1C700] =	vst v63  }
.LBB2_20:
.Ltmp14:
0x11d: {  	(pc) =	sbr.rel @p4 .LBB2_25-.Ltmp14, $1  }
0x11e: {  	_ =	sdelay $0x3  }
0x11f: {  	s23 =	sand.u32 $0x1, s22  }
0x120: {  	p1 =	seq.s32 s23, $0x1;
	s23 =	rddreg [dreg:$0xf]  }
.LBB2_22:
0x121: {  	s26 =	smul.u32 $0x18700, s23;
	_ =	sdelay $0x1  }
0x122: {  	s26 =	sadd.s32 s26, s14  }
0x123: {  	[tilespmem:s18], [sflag:$0x1] =	stream.strided.gather [hbm4b:s26+s9], $0x18680, s11, s9, $0x38;
	[tilespmem:$0x1C700] =	vst v63  }
0x124: {  	s26 =	sshll.u32 s23, $0x5  }
0x125: {  	s26 =	sadd.s32 s26, s16  }
0x126: {  	[tilespmem:s20], [sflag:$0x3] =	stream.linear.gather [hbm4b:s26+s5], $0x20, $0x38;
	[tilespmem:$0x1C700] =	vst v63  }
0x127: {  	_ =	swait.ge [sflag:s13], $0x20  }
0x128: {  	[sflag:s13] =	ssyncset.done $0x0  }
0x129: {  	p2 =	seq.s32 s22, $0x0;
	[sflag:s13] =	ssyncadd.s32 $0xFFFFFFE0  }
0x12a: {  	s28 =	sshll.u32 s23, $0xB;
	s30 =	sshll.u32 s22, $0xC;
	_ =	swait.ge [sflag:s15], $0x18680  }
0x12b: {  	s29 =	simm.s32 @!p2 $0x2;
	s26 =	simm.s32 $0x1;
	[sflag:s15] =	ssyncset.done $0x0  }
0x12c: {  	s28 =	sand.u32 $0x3FFFF000, s28;
	s26 =	simm.s32 @!p1 $0x0;
	[sflag:s15] =	ssyncadd.s32 $0xFFFE7980  }
0x12d: {  	s30 =	sand.u32 $0x1000, s30;
	s26 =	sshll.u32 s26, $0xC;
	_ =	swait.ge @!p2 [sflag:s29], $0x1000  }
0x12e: {  	s28 =	sadd.s32 s28, s25;
	s26 =	sor.u32 $0x1A740, s26;
	[sflag:s29] =	ssyncset.done @!p2 $0x0  }
0x12f: {  	[sflag:s29] =	ssyncadd.s32 @!p2 $0xFFFFF000;
	s29 =	sadd.s32 $0x1A700, s30;
	s30 =	simm.s32 $0xFFFFFFF8  }
.LBB2_23:
0x130: {  	v0 =	vld [tilespmem:s28+$0xFFFFFFC0];
	_ =	sdelay $0x7  }
0x131: {  	v0 =	vld.idx.msk [tilespmem:v0+s18+$0x0], $0xffff;
	_ =	sdelay $0x4  }
0x132: {  	[tilespmem:s26+$0xFFFFFFC0] =	vst v0  }
0x133: {  	v0 =	vld [tilespmem:s28+$0xFFFFFFD0];
	_ =	sdelay $0x7  }
0x134: {  	v0 =	vld.idx.msk [tilespmem:v0+s18+$0x0], $0xffff;
	_ =	sdelay $0x4  }
0x135: {  	[tilespmem:s26+$0xFFFFFFD0] =	vst v0  }
0x136: {  	v0 =	vld [tilespmem:s28+$0xFFFFFFE0];
	_ =	sdelay $0x7  }
0x137: {  	v0 =	vld.idx.msk [tilespmem:v0+s18+$0x0], $0xffff;
	_ =	sdelay $0x4  }
0x138: {  	[tilespmem:s26+$0xFFFFFFE0] =	vst v0  }
0x139: {  	v0 =	vld [tilespmem:s28+$0xFFFFFFF0];
	_ =	sdelay $0x7  }
0x13a: {  	v0 =	vld.idx.msk [tilespmem:v0+s18+$0x0], $0xffff;
	_ =	sdelay $0x4  }
0x13b: {  	[tilespmem:s26+$0xFFFFFFF0] =	vst v0  }
0x13c: {  	v0 =	vld [tilespmem:s28+$0x0];
	_ =	sdelay $0x7  }
0x13d: {  	v0 =	vld.idx.msk [tilespmem:v0+s18+$0x0], $0xffff;
	_ =	sdelay $0x4  }
0x13e: {  	[tilespmem:s26+$0x0] =	vst v0  }
0x13f: {  	v0 =	vld [tilespmem:s28+$0x10];
	_ =	sdelay $0x7  }
0x140: {  	v0 =	vld.idx.msk [tilespmem:v0+s18+$0x0], $0xffff;
	_ =	sdelay $0x4  }
0x141: {  	[tilespmem:s26+$0x10] =	vst v0  }
0x142: {  	v0 =	vld [tilespmem:s28+$0x20];
	_ =	sdelay $0x7  }
0x143: {  	v0 =	vld.idx.msk [tilespmem:v0+s18+$0x0], $0xffff;
	_ =	sdelay $0x4  }
0x144: {  	[tilespmem:s26+$0x20] =	vst v0  }
0x145: {  	v0 =	vld [tilespmem:s28+$0x30];
	_ =	sdelay $0x6  }
0x146: {  	s30 =	sadd.s32 $0x8, s30  }
0x147: {  	p2 =	slt.u32 s30, $0xF8;
	v0 =	vld.idx.msk [tilespmem:v0+s18+$0x0], $0xffff  }
.Ltmp15:
0x148: {  	_ = 	snop;
	(pc) =	sbr.rel @p2 .LBB2_23-.Ltmp15, $2  }
0x149: {  	_ =	sdelay $0x2  }
0x14a: {  	s28 =	sadd.s32 $0x80, s28;
	[tilespmem:s26+$0x30] =	vst v0;
	s26 =	sadd.s32 $0x80, s26  }
0x14b: {  	s26 =	sshll.u32 s23, $0xC;
	s23 =	sadd.s32 $0x1, s23;
	s30 =	rddreg [dreg:$0x11]  }
0x14c: {  	p2 =	slt.u32 s23, s30  }
.Ltmp16:
0x14d: {  	_ = 	snop;
	(pc) =	sbr.rel @p2 .LBB2_22-.Ltmp16, $3  }
0x14e: {  	_ =	sdelay $0x1  }
0x14f: {  	s22 =	sadd.s32 $0x1, s22;
	p1 =	por !p1, !p1;
	s26 =	sadd.s32 s26, s19  }
0x150: {  	[hbm4b:s26+s9] =	stream.strided.scatter [tilespmem:s29], [sflag:$0x2], $0x1000, s11, s9, $0x38;
	[tilespmem:$0x1C700] =	vst v63  }
.LBB2_25:
.Ltmp17:
0x151: {  	(pc) =	sbr.rel @p5 .LBB2_30-.Ltmp17, $1  }
0x152: {  	_ =	sdelay $0x3  }
0x153: {  	s23 =	sand.u32 $0x1, s22  }
0x154: {  	p1 =	seq.s32 s23, $0x1;
	s23 =	rddreg [dreg:$0x12]  }
.LBB2_27:
0x155: {  	s26 =	smul.u32 $0x18700, s23;
	_ =	sdelay $0x1  }
0x156: {  	s26 =	sadd.s32 s26, s21  }
0x157: {  	[tilespmem:s18], [sflag:$0x1] =	stream.strided.gather [hbm4b:s26+s9], $0x18680, s11, s9, $0x38;
	[tilespmem:$0x1C700] =	vst v63  }
0x158: {  	s26 =	sshll.u32 s23, $0x5  }
0x159: {  	s26 =	sadd.s32 s26, s17  }
0x15a: {  	[tilespmem:s20], [sflag:$0x3] =	stream.linear.gather [hbm4b:s26+s5], $0x20, $0x38;
	[tilespmem:$0x1C700] =	vst v63  }
0x15b: {  	_ =	swait.ge [sflag:s13], $0x20  }
0x15c: {  	[sflag:s13] =	ssyncset.done $0x0  }
0x15d: {  	p2 =	seq.s32 s22, $0x0;
	[sflag:s13] =	ssyncadd.s32 $0xFFFFFFE0  }
0x15e: {  	s28 =	sshll.u32 s23, $0xB;
	s30 =	sshll.u32 s22, $0xC;
	_ =	swait.ge [sflag:s15], $0x18680  }
0x15f: {  	s29 =	simm.s32 @!p2 $0x2;
	s26 =	simm.s32 $0x1;
	[sflag:s15] =	ssyncset.done $0x0  }
0x160: {  	s28 =	sand.u32 $0x3FFFF000, s28;
	s26 =	simm.s32 @!p1 $0x0;
	[sflag:s15] =	ssyncadd.s32 $0xFFFE7980  }
0x161: {  	s30 =	sand.u32 $0x1000, s30;
	s26 =	sshll.u32 s26, $0xC;
	_ =	swait.ge @!p2 [sflag:s29], $0x1000  }
0x162: {  	s28 =	sadd.s32 s28, s25;
	s26 =	sor.u32 $0x1A740, s26;
	[sflag:s29] =	ssyncset.done @!p2 $0x0  }
0x163: {  	[sflag:s29] =	ssyncadd.s32 @!p2 $0xFFFFF000;
	s29 =	sadd.s32 $0x1A700, s30;
	s30 =	simm.s32 $0xFFFFFFF8  }
.LBB2_28:
0x164: {  	v0 =	vld [tilespmem:s28+$0xFFFFFFC0];
	_ =	sdelay $0x7  }
0x165: {  	v0 =	vld.idx.msk [tilespmem:v0+s18+$0x0], $0xffff;
	_ =	sdelay $0x4  }
0x166: {  	[tilespmem:s26+$0xFFFFFFC0] =	vst v0  }
0x167: {  	v0 =	vld [tilespmem:s28+$0xFFFFFFD0];
	_ =	sdelay $0x7  }
0x168: {  	v0 =	vld.idx.msk [tilespmem:v0+s18+$0x0], $0xffff;
	_ =	sdelay $0x4  }
0x169: {  	[tilespmem:s26+$0xFFFFFFD0] =	vst v0  }
0x16a: {  	v0 =	vld [tilespmem:s28+$0xFFFFFFE0];
	_ =	sdelay $0x7  }
0x16b: {  	v0 =	vld.idx.msk [tilespmem:v0+s18+$0x0], $0xffff;
	_ =	sdelay $0x4  }
0x16c: {  	[tilespmem:s26+$0xFFFFFFE0] =	vst v0  }
0x16d: {  	v0 =	vld [tilespmem:s28+$0xFFFFFFF0];
	_ =	sdelay $0x7  }
0x16e: {  	v0 =	vld.idx.msk [tilespmem:v0+s18+$0x0], $0xffff;
	_ =	sdelay $0x4  }
0x16f: {  	[tilespmem:s26+$0xFFFFFFF0] =	vst v0  }
0x170: {  	v0 =	vld [tilespmem:s28+$0x0];
	_ =	sdelay $0x7  }
0x171: {  	v0 =	vld.idx.msk [tilespmem:v0+s18+$0x0], $0xffff;
	_ =	sdelay $0x4  }
0x172: {  	[tilespmem:s26+$0x0] =	vst v0  }
0x173: {  	v0 =	vld [tilespmem:s28+$0x10];
	_ =	sdelay $0x7  }
0x174: {  	v0 =	vld.idx.msk [tilespmem:v0+s18+$0x0], $0xffff;
	_ =	sdelay $0x4  }
0x175: {  	[tilespmem:s26+$0x10] =	vst v0  }
0x176: {  	v0 =	vld [tilespmem:s28+$0x20];
	_ =	sdelay $0x7  }
0x177: {  	v0 =	vld.idx.msk [tilespmem:v0+s18+$0x0], $0xffff;
	_ =	sdelay $0x4  }
0x178: {  	[tilespmem:s26+$0x20] =	vst v0  }
0x179: {  	v0 =	vld [tilespmem:s28+$0x30];
	_ =	sdelay $0x6  }
0x17a: {  	s30 =	sadd.s32 $0x8, s30  }
0x17b: {  	p2 =	slt.u32 s30, $0xF8;
	v0 =	vld.idx.msk [tilespmem:v0+s18+$0x0], $0xffff  }
.Ltmp18:
0x17c: {  	_ = 	snop;
	(pc) =	sbr.rel @p2 .LBB2_28-.Ltmp18, $2  }
0x17d: {  	_ =	sdelay $0x2  }
0x17e: {  	s28 =	sadd.s32 $0x80, s28;
	[tilespmem:s26+$0x30] =	vst v0;
	s26 =	sadd.s32 $0x80, s26  }
0x17f: {  	s26 =	sshll.u32 s23, $0xC;
	s23 =	sadd.s32 $0x1, s23;
	s30 =	rddreg [dreg:$0x13]  }
0x180: {  	p2 =	slt.u32 s23, s30  }
.Ltmp19:
0x181: {  	_ = 	snop;
	(pc) =	sbr.rel @p2 .LBB2_27-.Ltmp19, $3  }
0x182: {  	_ =	sdelay $0x1  }
0x183: {  	s22 =	sadd.s32 $0x1, s22;
	p1 =	por !p1, !p1;
	s26 =	sadd.s32 s26, s6  }
0x184: {  	[hbm4b:s26+s9] =	stream.strided.scatter [tilespmem:s29], [sflag:$0x2], $0x1000, s11, s9, $0x38;
	[tilespmem:$0x1C700] =	vst v63  }
.LBB2_30:
.Ltmp20:
0x185: {  	(pc) =	sbr.rel @p6 .LBB2_35-.Ltmp20, $1  }
0x186: {  	_ =	sdelay $0x3  }
0x187: {  	s23 =	sand.u32 $0x1, s22  }
0x188: {  	p1 =	seq.s32 s23, $0x1;
	s23 =	rddreg [dreg:$0x14]  }
.LBB2_32:
0x189: {  	s26 =	smul.u32 $0x18700, s23;
	_ =	sdelay $0x1  }
0x18a: {  	s26 =	sadd.s32 s26, s7  }
0x18b: {  	[tilespmem:s18], [sflag:$0x1] =	stream.strided.gather [hbm4b:s26+s9], $0x18680, s11, s9, $0x38;
	[tilespmem:$0x1C700] =	vst v63  }
0x18c: {  	s26 =	sshll.u32 s23, $0x5  }
0x18d: {  	s26 =	sadd.s32 s26, s8  }
0x18e: {  	[tilespmem:s20], [sflag:$0x3] =	stream.linear.gather [hbm4b:s26+s5], $0x20, $0x38;
	[tilespmem:$0x1C700] =	vst v63  }
0x18f: {  	_ =	swait.ge [sflag:s13], $0x20  }
0x190: {  	[sflag:s13] =	ssyncset.done $0x0  }
0x191: {  	p2 =	seq.s32 s22, $0x0;
	[sflag:s13] =	ssyncadd.s32 $0xFFFFFFE0  }
0x192: {  	s28 =	sshll.u32 s23, $0xB;
	s30 =	sshll.u32 s22, $0xC;
	_ =	swait.ge [sflag:s15], $0x18680  }
0x193: {  	s29 =	simm.s32 @!p2 $0x2;
	s26 =	simm.s32 $0x1;
	[sflag:s15] =	ssyncset.done $0x0  }
0x194: {  	s28 =	sand.u32 $0x3FFFF000, s28;
	s26 =	simm.s32 @!p1 $0x0;
	[sflag:s15] =	ssyncadd.s32 $0xFFFE7980  }
0x195: {  	s30 =	sand.u32 $0x1000, s30;
	s26 =	sshll.u32 s26, $0xC;
	_ =	swait.ge @!p2 [sflag:s29], $0x1000  }
0x196: {  	s28 =	sadd.s32 s28, s25;
	s26 =	sor.u32 $0x1A740, s26;
	[sflag:s29] =	ssyncset.done @!p2 $0x0  }
0x197: {  	[sflag:s29] =	ssyncadd.s32 @!p2 $0xFFFFF000;
	s29 =	sadd.s32 $0x1A700, s30;
	s30 =	simm.s32 $0xFFFFFFF8  }
.LBB2_33:
0x198: {  	v0 =	vld [tilespmem:s28+$0xFFFFFFC0];
	_ =	sdelay $0x7  }
0x199: {  	v0 =	vld.idx.msk [tilespmem:v0+s18+$0x0], $0xffff;
	_ =	sdelay $0x4  }
0x19a: {  	[tilespmem:s26+$0xFFFFFFC0] =	vst v0  }
0x19b: {  	v0 =	vld [tilespmem:s28+$0xFFFFFFD0];
	_ =	sdelay $0x7  }
0x19c: {  	v0 =	vld.idx.msk [tilespmem:v0+s18+$0x0], $0xffff;
	_ =	sdelay $0x4  }
0x19d: {  	[tilespmem:s26+$0xFFFFFFD0] =	vst v0  }
0x19e: {  	v0 =	vld [tilespmem:s28+$0xFFFFFFE0];
	_ =	sdelay $0x7  }
0x19f: {  	v0 =	vld.idx.msk [tilespmem:v0+s18+$0x0], $0xffff;
	_ =	sdelay $0x4  }
0x1a0: {  	[tilespmem:s26+$0xFFFFFFE0] =	vst v0  }
0x1a1: {  	v0 =	vld [tilespmem:s28+$0xFFFFFFF0];
	_ =	sdelay $0x7  }
0x1a2: {  	v0 =	vld.idx.msk [tilespmem:v0+s18+$0x0], $0xffff;
	_ =	sdelay $0x4  }
0x1a3: {  	[tilespmem:s26+$0xFFFFFFF0] =	vst v0  }
0x1a4: {  	v0 =	vld [tilespmem:s28+$0x0];
	_ =	sdelay $0x7  }
0x1a5: {  	v0 =	vld.idx.msk [tilespmem:v0+s18+$0x0], $0xffff;
	_ =	sdelay $0x4  }
0x1a6: {  	[tilespmem:s26+$0x0] =	vst v0  }
0x1a7: {  	v0 =	vld [tilespmem:s28+$0x10];
	_ =	sdelay $0x7  }
0x1a8: {  	v0 =	vld.idx.msk [tilespmem:v0+s18+$0x0], $0xffff;
	_ =	sdelay $0x4  }
0x1a9: {  	[tilespmem:s26+$0x10] =	vst v0  }
0x1aa: {  	v0 =	vld [tilespmem:s28+$0x20];
	_ =	sdelay $0x7  }
0x1ab: {  	v0 =	vld.idx.msk [tilespmem:v0+s18+$0x0], $0xffff;
	_ =	sdelay $0x4  }
0x1ac: {  	[tilespmem:s26+$0x20] =	vst v0  }
0x1ad: {  	v0 =	vld [tilespmem:s28+$0x30];
	_ =	sdelay $0x6  }
0x1ae: {  	s30 =	sadd.s32 $0x8, s30  }
0x1af: {  	p2 =	slt.u32 s30, $0xF8;
	v0 =	vld.idx.msk [tilespmem:v0+s18+$0x0], $0xffff  }
.Ltmp21:
0x1b0: {  	_ = 	snop;
	(pc) =	sbr.rel @p2 .LBB2_33-.Ltmp21, $2  }
0x1b1: {  	_ =	sdelay $0x2  }
0x1b2: {  	s28 =	sadd.s32 $0x80, s28;
	[tilespmem:s26+$0x30] =	vst v0;
	s26 =	sadd.s32 $0x80, s26  }
0x1b3: {  	s26 =	sshll.u32 s23, $0xC;
	s23 =	sadd.s32 $0x1, s23;
	s30 =	rddreg [dreg:$0x15]  }
0x1b4: {  	p2 =	slt.u32 s23, s30  }
.Ltmp22:
0x1b5: {  	_ = 	snop;
	(pc) =	sbr.rel @p2 .LBB2_32-.Ltmp22, $3  }
0x1b6: {  	_ =	sdelay $0x1  }
0x1b7: {  	s22 =	sadd.s32 $0x1, s22;
	p1 =	por !p1, !p1;
	s26 =	sadd.s32 s26, s24  }
0x1b8: {  	[hbm4b:s26+s9] =	stream.strided.scatter [tilespmem:s29], [sflag:$0x2], $0x1000, s11, s9, $0x38;
	[tilespmem:$0x1C700] =	vst v63  }
.LBB2_35:
.Ltmp23:
0x1b9: {  	(pc) =	sbr.rel @p0 .LBB2_40-.Ltmp23, $1  }
0x1ba: {  	_ =	sdelay $0x3  }
0x1bb: {  	s23 =	sand.u32 $0x1, s22  }
0x1bc: {  	p1 =	seq.s32 s23, $0x1;
	s23 =	rddreg [dreg:$0x10]  }
.LBB2_37:
0x1bd: {  	s26 =	smul.u32 $0x18700, s23;
	_ =	sdelay $0x1  }
0x1be: {  	s26 =	sadd.s32 s26, s1  }
0x1bf: {  	[tilespmem:s18], [sflag:$0x1] =	stream.strided.gather [hbm4b:s26+s9], $0x18680, s11, s9, $0x38;
	[tilespmem:$0x1C700] =	vst v63  }
0x1c0: {  	s26 =	sshll.u32 s23, $0x5  }
0x1c1: {  	s26 =	sadd.s32 s26, s3  }
0x1c2: {  	[tilespmem:s20], [sflag:$0x3] =	stream.linear.gather [hbm4b:s26+s5], $0x20, $0x38;
	[tilespmem:$0x1C700] =	vst v63  }
0x1c3: {  	_ =	swait.ge [sflag:s13], $0x20  }
0x1c4: {  	[sflag:s13] =	ssyncset.done $0x0  }
0x1c5: {  	p2 =	seq.s32 s22, $0x0;
	[sflag:s13] =	ssyncadd.s32 $0xFFFFFFE0  }
0x1c6: {  	s28 =	sshll.u32 s23, $0xB;
	s30 =	sshll.u32 s22, $0xC;
	_ =	swait.ge [sflag:s15], $0x18680  }
0x1c7: {  	s29 =	simm.s32 @!p2 $0x2;
	s26 =	simm.s32 $0x1;
	[sflag:s15] =	ssyncset.done $0x0  }
0x1c8: {  	s28 =	sand.u32 $0x3FFFF000, s28;
	s26 =	simm.s32 @!p1 $0x0;
	[sflag:s15] =	ssyncadd.s32 $0xFFFE7980  }
0x1c9: {  	s30 =	sand.u32 $0x1000, s30;
	s26 =	sshll.u32 s26, $0xC;
	_ =	swait.ge @!p2 [sflag:s29], $0x1000  }
0x1ca: {  	s28 =	sadd.s32 s28, s25;
	s26 =	sor.u32 $0x1A740, s26;
	[sflag:s29] =	ssyncset.done @!p2 $0x0  }
0x1cb: {  	[sflag:s29] =	ssyncadd.s32 @!p2 $0xFFFFF000;
	s29 =	sadd.s32 $0x1A700, s30;
	s30 =	simm.s32 $0xFFFFFFF8  }
.LBB2_38:
0x1cc: {  	v0 =	vld [tilespmem:s28+$0xFFFFFFC0];
	_ =	sdelay $0x7  }
0x1cd: {  	v0 =	vld.idx.msk [tilespmem:v0+s18+$0x0], $0xffff;
	_ =	sdelay $0x4  }
0x1ce: {  	[tilespmem:s26+$0xFFFFFFC0] =	vst v0  }
0x1cf: {  	v0 =	vld [tilespmem:s28+$0xFFFFFFD0];
	_ =	sdelay $0x7  }
0x1d0: {  	v0 =	vld.idx.msk [tilespmem:v0+s18+$0x0], $0xffff;
	_ =	sdelay $0x4  }
0x1d1: {  	[tilespmem:s26+$0xFFFFFFD0] =	vst v0  }
0x1d2: {  	v0 =	vld [tilespmem:s28+$0xFFFFFFE0];
	_ =	sdelay $0x7  }
0x1d3: {  	v0 =	vld.idx.msk [tilespmem:v0+s18+$0x0], $0xffff;
	_ =	sdelay $0x4  }
0x1d4: {  	[tilespmem:s26+$0xFFFFFFE0] =	vst v0  }
0x1d5: {  	v0 =	vld [tilespmem:s28+$0xFFFFFFF0];
	_ =	sdelay $0x7  }
0x1d6: {  	v0 =	vld.idx.msk [tilespmem:v0+s18+$0x0], $0xffff;
	_ =	sdelay $0x4  }
0x1d7: {  	[tilespmem:s26+$0xFFFFFFF0] =	vst v0  }
0x1d8: {  	v0 =	vld [tilespmem:s28+$0x0];
	_ =	sdelay $0x7  }
0x1d9: {  	v0 =	vld.idx.msk [tilespmem:v0+s18+$0x0], $0xffff;
	_ =	sdelay $0x4  }
0x1da: {  	[tilespmem:s26+$0x0] =	vst v0  }
0x1db: {  	v0 =	vld [tilespmem:s28+$0x10];
	_ =	sdelay $0x7  }
0x1dc: {  	v0 =	vld.idx.msk [tilespmem:v0+s18+$0x0], $0xffff;
	_ =	sdelay $0x4  }
0x1dd: {  	[tilespmem:s26+$0x10] =	vst v0  }
0x1de: {  	v0 =	vld [tilespmem:s28+$0x20];
	_ =	sdelay $0x7  }
0x1df: {  	v0 =	vld.idx.msk [tilespmem:v0+s18+$0x0], $0xffff;
	_ =	sdelay $0x4  }
0x1e0: {  	[tilespmem:s26+$0x20] =	vst v0  }
0x1e1: {  	v0 =	vld [tilespmem:s28+$0x30];
	_ =	sdelay $0x6  }
0x1e2: {  	s30 =	sadd.s32 $0x8, s30  }
0x1e3: {  	p2 =	slt.u32 s30, $0xF8;
	v0 =	vld.idx.msk [tilespmem:v0+s18+$0x0], $0xffff  }
.Ltmp24:
0x1e4: {  	_ = 	snop;
	(pc) =	sbr.rel @p2 .LBB2_38-.Ltmp24, $2  }
0x1e5: {  	_ =	sdelay $0x2  }
0x1e6: {  	s28 =	sadd.s32 $0x80, s28;
	[tilespmem:s26+$0x30] =	vst v0;
	s26 =	sadd.s32 $0x80, s26  }
0x1e7: {  	s26 =	sshll.u32 s23, $0xC;
	s23 =	sadd.s32 $0x1, s23  }
0x1e8: {  	p2 =	slt.u32 s23, s31  }
.Ltmp25:
0x1e9: {  	_ = 	snop;
	(pc) =	sbr.rel @p2 .LBB2_37-.Ltmp25, $4  }
.Ltmp26:
0x1ea: {  	_ = 	snop;
	(pc) =	sbr.rel @!p2 .LBB2_40-.Ltmp26, $4  }
0x1eb: {  	_ = 	snop  }
0x1ec: {  	s22 =	sadd.s32 $0x1, s22;
	p1 =	por !p1, !p1;
	s26 =	sadd.s32 s26, s4  }
0x1ed: {  	[hbm4b:s26+s9] =	stream.strided.scatter [tilespmem:s29], [sflag:$0x2], $0x1000, s11, s9, $0x38;
	[tilespmem:$0x1C700] =	vst v63  }
0x1ee: {  	_ = 	snop  }
.LBB2_41:
0x1ef: {  	_ =	sfence.sel $0x180000  }
0x1f0: {  	[bflag:$0x0] =	sbarrier.arrive $0xFFFF  }
0x1f1: {  	_ =	strace $0x90000047  }
0x1f2: {  	s0 =	stileid.u32;
	[bflag:$0x2] =	sbarrier.arrive $0xFFFF  }
0x1f3: {  	p0 =	sne.s32 s0, $0x0;
	s0 =	rddreg [dreg:$0x4]  }
0x1f4: {  	s0 =	sadd.s32 @!p0 $0x100000, s0  }
0x1f5: {  	[sflag:s0] =	ssyncadd.tile.s32 @!p0 $0x1;
	_ =	shalt  }
.Lfunc_end2:
_tile_overlayer_lowered:
.L_overlay_start_2:
0x1f6: {  	(tag) =	ssettag $0x2  }
0x1f7: {  	s0 =	rddreg [dreg:$0x0];
	s2 =	stileid.u32  }
0x1f8: {  	s1 =	rddreg [dreg:$0x1];
	p0 =	sne.s32 s2, $0x0  }
0x1f9: {  	s3 =	rddreg [dreg:$0x2];
	[bflag:$0x3] =	sbarrier.arrive $0xFFFF;
	s2 =	simm.s32 @!p0 $0x1C03  }
0x1fa: {  	[timem:s3], [sflag:s2] =	dma.local @!p0 [hbm:s0], s1  }
0x1fb: {  	s0 =	simm.s32 @!p0 $0x3  }
0x1fc: {  	_ =	swait.ge @!p0 [sflag:s0], s1  }
0x1fd: {  	s1 =	ssub.s32 @!p0 $0x0, s1;
	[sflag:s0] =	ssyncset.done @!p0 $0x0  }
0x1fe: {  	[sflag:s0] =	ssyncadd.s32 @!p0 s1  }
0x1ff: {  	[bflag:$0x3] =	sbarrier.arrive $0xFFFF  }
0x200: {  	_ =	shalt  }

</sc_bundles>
